<compile_context>
chip_gen: v7x
topology: tpu7x:2x2x1
jax: 0.10.2.dev20260603
libtpu: 0.0.44.dev20260713+nightly
codegen_flags: <defaults>
</compile_context>

<pallas_src>
import functools

import jax
import jax.numpy as jnp
from jax import lax
from jax.experimental import pallas as pl
from jax.experimental.pallas import tpu as pltpu
from jax.experimental.pallas import tpu_sc as plsc

SCALE = 8.0
NC = 2
NS = 16
NW = NC * NS
CR = 8
GBUFS = 4
SBUFS = 2
SP = 24
LP = 128
PAGE = SP * LP
VALID = 20 * LP


@functools.lru_cache(maxsize=None)
def _make_emb(R, S, V, D):
    rpw = R // NW
    nchunk = rpw // CR
    ngroup = nchunk // GBUFS
    mesh = plsc.VectorSubcoreMesh(core_axis_name="c", subcore_axis_name="s")

    @functools.partial(
        pl.kernel,
        mesh=mesh,
        compiler_params=pltpu.CompilerParams(use_tc_tiling_on_sc=False),
        out_type=jax.ShapeDtypeStruct((R * PAGE,), jnp.float32),
        scratch_types=[
            pltpu.VMEM((rpw, S), jnp.int32),
            pltpu.VMEM((GBUFS, CR, S, D), jnp.float32),
            pltpu.VMEM((SBUFS, CR * VALID), jnp.float32),
        ]
        + [pltpu.SemaphoreType.DMA for _ in range(GBUFS + SBUFS)],
    )
    def emb(idx_hbm, table_hbm, out_hbm, idx_v, gbuf_v, sbuf_v, *sems):
        gsems = sems[:GBUFS]
        ssems = sems[GBUFS:]
        wid = lax.axis_index("s") * NC + lax.axis_index("c")
        row0 = pl.multiple_of(wid * rpw, rpw)

        pltpu.sync_copy(idx_hbm.at[pl.ds(row0, rpw)], idx_v)

        def fire(c, b):
            for r in range(CR):
                pltpu.async_copy(table_hbm.at[idx_v.at[c * CR + r]],
                                 gbuf_v.at[b, r], gsems[b])

        def drain_gathers(b):
            pltpu.make_async_copy(
                out_hbm.at[pl.ds(0, CR * S * D)],
                sbuf_v.at[b, pl.ds(0, CR * S * D)], gsems[b]).wait()

        def drain_stores(b):
            pltpu.make_async_copy(
                out_hbm.at[pl.ds(0, CR * VALID)], sbuf_v.at[b],
                ssems[b]).wait()

        def scale(bg, bs):
            def scale_body(i, carry):
                r = i // (S // 4)
                s4 = (i % (S // 4)) * 4
                for u in range(4):
                    for j in range(D // 16):
                        dst = pl.multiple_of(
                            r * VALID + (s4 + u) * LP + j * 16, 16)
                        sbuf_v[bs, pl.ds(dst, 16)] = (
                            gbuf_v[bg, r, s4 + u, pl.ds(j * 16, 16)] * SCALE)
                return carry
            lax.fori_loop(0, CR * (S // 4), scale_body, 0)

        def store(c, b):
            for r in range(CR):
                off = pl.multiple_of((row0 + c * CR + r) * PAGE, 1024)
                pltpu.async_copy(sbuf_v.at[b, pl.ds(r * VALID, VALID)],
                                 out_hbm.at[pl.ds(off, VALID)], ssems[b])

        fire(0, 0)
        fire(1, 1)

        def group_body(co, carry):
            for k in range(GBUFS):
                c = co * GBUFS + k
                bg = k
                bs = k % SBUFS
                n = c + 2

                @pl.when(n < nchunk)
                def _prefetch():
                    fire(n, (k + 2) % GBUFS)

                drain_gathers(bg)

                @pl.when(c >= SBUFS)
                def _drain_prev_store():
                    drain_stores(bs)

                scale(bg, bs)
                store(c, bs)
            return carry

        lax.fori_loop(0, ngroup, group_body, 0)
        for b in range(SBUFS):
            drain_stores(b)

    return emb


def kernel(X, table):
    R, S = X.shape
    V, D = table.shape
    flat = _make_emb(R, S, V, D)(X.astype(jnp.int32), table)
    padded = flat.reshape(R, SP, LP)
    return lax.slice(padded, (0, 0, 0), (R, S, D))

# --- scband reference (transcript-rebuilt; emitter-appended) ---
"""Pipeline reference for scband-transformer-embeddings-15229954032108 (READ-ONLY COPY).

The authoritative reference and input builder live on the scoring server;
editing this copy changes nothing except your own understanding.
"""

import jax, jax.numpy as jnp
import numpy as np
import math

VOCAB = 1000000
EMBED_DIM = 64

def setup_inputs(seed: int = 0) -> dict:
    key = jax.random.key(seed)
    k1, k2 = jax.random.split(key)
    X = jax.random.randint(k1, (16384, 20), 0, VOCAB, dtype=jnp.int64)
    table = jax.random.normal(k2, (VOCAB, EMBED_DIM), dtype=jnp.float32)
    return {"X": X, "table": table}

def reference(X, table):
    # TransformerEmbeddings.forward: embedding lookup scaled by sqrt(embedding_dim)
    emb = jnp.take(table, X, axis=0)
    return emb * jnp.sqrt(jnp.asarray(EMBED_DIM, dtype=emb.dtype))

if __name__ == "__main__":
    import jax
    _d = setup_inputs()
    print(jax.jit(kernel)(*tuple(_d.values())))

</pallas_src>

<mosaic_0001>
#map = affine_map<(d0, d1) -> (0, 0)>
#map1 = affine_map<(d0, d1) -> (0)>
module attributes {stable_mosaic.version = 14 : i64} {
  func.func @emb(%arg0: i32, %arg1: i32, %arg2: memref<16384x20xi32, #tpu.memory_space<hbm>>, %arg3: memref<1000000x64xf32, #tpu.memory_space<hbm>>, %arg4: memref<50331648xf32, #tpu.memory_space<hbm>>, %arg5: memref<512x20xi32, #tpu.memory_space<vmem>>, %arg6: memref<4x8x20x64xf32, #tpu.memory_space<vmem>>, %arg7: memref<2x20480xf32, #tpu.memory_space<vmem>>, %arg8: memref<!tpu.dma_semaphore, #tpu.memory_space<semaphore_mem>>, %arg9: memref<!tpu.dma_semaphore, #tpu.memory_space<semaphore_mem>>, %arg10: memref<!tpu.dma_semaphore, #tpu.memory_space<semaphore_mem>>, %arg11: memref<!tpu.dma_semaphore, #tpu.memory_space<semaphore_mem>>, %arg12: memref<!tpu.dma_semaphore, #tpu.memory_space<semaphore_mem>>, %arg13: memref<!tpu.dma_semaphore, #tpu.memory_space<semaphore_mem>>) attributes {dimension_semantics = [#tpu.dimension_semantics<core_parallel>, #tpu.dimension_semantics<subcore_parallel>], iteration_bounds = array<i64: 2, 16>, scalar_prefetch = 0 : i64, scratch_operands = 9 : i64, tpu.core_type = #tpu.core_type<sc_vector_subcore>, window_params = [{transform_indices = #map}, {transform_indices = #map}, {transform_indices = #map1}]} {
    %mul3A = arith.constant 2 : i32
    %mul3A_0 = arith.muli %arg1, %mul3A : i32
    %add3A = arith.addi %mul3A_0, %arg0 : i32
    %mul3A_1 = arith.constant 512 : i32
    %mul3A_2 = arith.muli %add3A, %mul3A_1 : i32
    %multiple_of3A = tpu.assume_multiple %mul3A_2, 512 : i32
    "tpu.region"() ({
      %run_scoped3A = tpu.sem_alloc : memref<!tpu.dma_semaphore, #tpu.memory_space<semaphore_mem>>
      %dma_start3A_236 = arith.constant 0 : i32
      %dma_start3A_237 = tpu.memref_slice %arg2[%multiple_of3A, %dma_start3A_236] : memref<16384x20xi32, #tpu.memory_space<hbm>> -> memref<512x20xi32, #tpu.memory_space<hbm>>
      %dma_start3A_238 = arith.constant 0 : i32
      %dma_start3A_239 = tpu.memref_slice %arg2[%multiple_of3A, %dma_start3A_238] : memref<16384x20xi32, #tpu.memory_space<hbm>> -> memref<512x20xi32, #tpu.memory_space<hbm>>
      tpu.enqueue_dma source(%dma_start3A_239 : memref<512x20xi32, #tpu.memory_space<hbm>>) target(%arg5 : memref<512x20xi32, #tpu.memory_space<vmem>>) target_semaphore(%run_scoped3A : memref<!tpu.dma_semaphore, #tpu.memory_space<semaphore_mem>>)
      %dma_wait3A_240 = arith.constant 0 : i32
      %dma_wait3A_241 = tpu.memref_slice %arg2[%multiple_of3A, %dma_wait3A_240] : memref<16384x20xi32, #tpu.memory_space<hbm>> -> memref<512x20xi32, #tpu.memory_space<hbm>>
      %dma_wait3A_242 = arith.constant 0 : i32
      %dma_wait3A_243 = tpu.memref_slice %arg2[%multiple_of3A, %dma_wait3A_242] : memref<16384x20xi32, #tpu.memory_space<hbm>> -> memref<512x20xi32, #tpu.memory_space<hbm>>
      tpu.wait_dma2 semaphore(%run_scoped3A : memref<!tpu.dma_semaphore, #tpu.memory_space<semaphore_mem>>) src(%dma_wait3A_243 : memref<512x20xi32, #tpu.memory_space<hbm>>) dst(%arg5 : memref<512x20xi32, #tpu.memory_space<vmem>>)
      tpu.yield
    }) : () -> ()
    %dma_start3A = arith.constant 0 : i32
    %dma_start3A_3 = arith.constant 0 : i32
    %dma_start3A_4 = arith.constant 0 : i32
    %dma_start3A_5 = arith.constant 0 : i32
    %dma_start3A_6 = arith.constant 0 : i32
    %dma_start3A_7 = tpu.memref_slice %arg6[%dma_start3A_3, %dma_start3A_4, %dma_start3A_5, %dma_start3A_6] : memref<4x8x20x64xf32, #tpu.memory_space<vmem>> -> memref<1x1x20x64xf32, #tpu.memory_space<vmem>>
    %dma_start3A_8 = tpu.memref_squeeze %dma_start3A_7 : memref<1x1x20x64xf32, #tpu.memory_space<vmem>> -> memref<20x64xf32, #tpu.memory_space<vmem>>
    %dma_start3A_9 = arith.constant 0 : i32
    %dma_start3A_10 = tpu.memref_slice %arg5[%dma_start3A, %dma_start3A_9] : memref<512x20xi32, #tpu.memory_space<vmem>> -> memref<1x20xi32, #tpu.memory_space<vmem>>
    %dma_start3A_11 = tpu.memref_squeeze %dma_start3A_10 : memref<1x20xi32, #tpu.memory_space<vmem>> -> memref<20xi32, #tpu.memory_space<vmem>>
    %dma_start3A_12 = arith.constant 0 : i32
    %dma_start3A_13 = arith.constant 0 : i32
    %dma_start3A_14 = tpu.memref_slice %arg3[%dma_start3A_12, %dma_start3A_13] : memref<1000000x64xf32, #tpu.memory_space<hbm>> -> memref<1000000x64xf32, #tpu.memory_space<hbm>>
    tpu.enqueue_indirect_dma source(%dma_start3A_14 : memref<1000000x64xf32, #tpu.memory_space<hbm>>) target(%dma_start3A_8 : memref<20x64xf32, #tpu.memory_space<vmem>>) offsets(%dma_start3A_11 : memref<20xi32, #tpu.memory_space<vmem>>) semaphore(%arg8 : memref<!tpu.dma_semaphore, #tpu.memory_space<semaphore_mem>>)
    %dma_start3A_15 = arith.constant 1 : i32
    %dma_start3A_16 = arith.constant 0 : i32
    %dma_start3A_17 = arith.constant 1 : i32
    %dma_start3A_18 = arith.constant 0 : i32
    %dma_start3A_19 = arith.constant 0 : i32
    %dma_start3A_20 = tpu.memref_slice %arg6[%dma_start3A_16, %dma_start3A_17, %dma_start3A_18, %dma_start3A_19] : memref<4x8x20x64xf32, #tpu.memory_space<vmem>> -> memref<1x1x20x64xf32, #tpu.memory_space<vmem>>
    %dma_start3A_21 = tpu.memref_squeeze %dma_start3A_20 : memref<1x1x20x64xf32, #tpu.memory_space<vmem>> -> memref<20x64xf32, #tpu.memory_space<vmem>>
    %dma_start3A_22 = arith.constant 0 : i32
    %dma_start3A_23 = tpu.memref_slice %arg5[%dma_start3A_15, %dma_start3A_22] : memref<512x20xi32, #tpu.memory_space<vmem>> -> memref<1x20xi32, #tpu.memory_space<vmem>>
    %dma_start3A_24 = tpu.memref_squeeze %dma_start3A_23 : memref<1x20xi32, #tpu.memory_space<vmem>> -> memref<20xi32, #tpu.memory_space<vmem>>
    %dma_start3A_25 = arith.constant 0 : i32
    %dma_start3A_26 = arith.constant 0 : i32
    %dma_start3A_27 = tpu.memref_slice %arg3[%dma_start3A_25, %dma_start3A_26] : memref<1000000x64xf32, #tpu.memory_space<hbm>> -> memref<1000000x64xf32, #tpu.memory_space<hbm>>
    tpu.enqueue_indirect_dma source(%dma_start3A_27 : memref<1000000x64xf32, #tpu.memory_space<hbm>>) target(%dma_start3A_21 : memref<20x64xf32, #tpu.memory_space<vmem>>) offsets(%dma_start3A_24 : memref<20xi32, #tpu.memory_space<vmem>>) semaphore(%arg8 : memref<!tpu.dma_semaphore, #tpu.memory_space<semaphore_mem>>)
    %dma_start3A_28 = arith.constant 2 : i32
    %dma_start3A_29 = arith.constant 0 : i32
    %dma_start3A_30 = arith.constant 2 : i32
    %dma_start3A_31 = arith.constant 0 : i32
    %dma_start3A_32 = arith.constant 0 : i32
    %dma_start3A_33 = tpu.memref_slice %arg6[%dma_start3A_29, %dma_start3A_30, %dma_start3A_31, %dma_start3A_32] : memref<4x8x20x64xf32, #tpu.memory_space<vmem>> -> memref<1x1x20x64xf32, #tpu.memory_space<vmem>>
    %dma_start3A_34 = tpu.memref_squeeze %dma_start3A_33 : memref<1x1x20x64xf32, #tpu.memory_space<vmem>> -> memref<20x64xf32, #tpu.memory_space<vmem>>
    %dma_start3A_35 = arith.constant 0 : i32
    %dma_start3A_36 = tpu.memref_slice %arg5[%dma_start3A_28, %dma_start3A_35] : memref<512x20xi32, #tpu.memory_space<vmem>> -> memref<1x20xi32, #tpu.memory_space<vmem>>
    %dma_start3A_37 = tpu.memref_squeeze %dma_start3A_36 : memref<1x20xi32, #tpu.memory_space<vmem>> -> memref<20xi32, #tpu.memory_space<vmem>>
    %dma_start3A_38 = arith.constant 0 : i32
    %dma_start3A_39 = arith.constant 0 : i32
    %dma_start3A_40 = tpu.memref_slice %arg3[%dma_start3A_38, %dma_start3A_39] : memref<1000000x64xf32, #tpu.memory_space<hbm>> -> memref<1000000x64xf32, #tpu.memory_space<hbm>>
    tpu.enqueue_indirect_dma source(%dma_start3A_40 : memref<1000000x64xf32, #tpu.memory_space<hbm>>) target(%dma_start3A_34 : memref<20x64xf32, #tpu.memory_space<vmem>>) offsets(%dma_start3A_37 : memref<20xi32, #tpu.memory_space<vmem>>) semaphore(%arg8 : memref<!tpu.dma_semaphore, #tpu.memory_space<semaphore_mem>>)
    %dma_start3A_41 = arith.constant 3 : i32
    %dma_start3A_42 = arith.constant 0 : i32
    %dma_start3A_43 = arith.constant 3 : i32
    %dma_start3A_44 = arith.constant 0 : i32
    %dma_start3A_45 = arith.constant 0 : i32
    %dma_start3A_46 = tpu.memref_slice %arg6[%dma_start3A_42, %dma_start3A_43, %dma_start3A_44, %dma_start3A_45] : memref<4x8x20x64xf32, #tpu.memory_space<vmem>> -> memref<1x1x20x64xf32, #tpu.memory_space<vmem>>
    %dma_start3A_47 = tpu.memref_squeeze %dma_start3A_46 : memref<1x1x20x64xf32, #tpu.memory_space<vmem>> -> memref<20x64xf32, #tpu.memory_space<vmem>>
    %dma_start3A_48 = arith.constant 0 : i32
    %dma_start3A_49 = tpu.memref_slice %arg5[%dma_start3A_41, %dma_start3A_48] : memref<512x20xi32, #tpu.memory_space<vmem>> -> memref<1x20xi32, #tpu.memory_space<vmem>>
    %dma_start3A_50 = tpu.memref_squeeze %dma_start3A_49 : memref<1x20xi32, #tpu.memory_space<vmem>> -> memref<20xi32, #tpu.memory_space<vmem>>
    %dma_start3A_51 = arith.constant 0 : i32
    %dma_start3A_52 = arith.constant 0 : i32
    %dma_start3A_53 = tpu.memref_slice %arg3[%dma_start3A_51, %dma_start3A_52] : memref<1000000x64xf32, #tpu.memory_space<hbm>> -> memref<1000000x64xf32, #tpu.memory_space<hbm>>
    tpu.enqueue_indirect_dma source(%dma_start3A_53 : memref<1000000x64xf32, #tpu.memory_space<hbm>>) target(%dma_start3A_47 : memref<20x64xf32, #tpu.memory_space<vmem>>) offsets(%dma_start3A_50 : memref<20xi32, #tpu.memory_space<vmem>>) semaphore(%arg8 : memref<!tpu.dma_semaphore, #tpu.memory_space<semaphore_mem>>)
    %dma_start3A_54 = arith.constant 4 : i32
    %dma_start3A_55 = arith.constant 0 : i32
    %dma_start3A_56 = arith.constant 4 : i32
    %dma_start3A_57 = arith.constant 0 : i32
    %dma_start3A_58 = arith.constant 0 : i32
    %dma_start3A_59 = tpu.memref_slice %arg6[%dma_start3A_55, %dma_start3A_56, %dma_start3A_57, %dma_start3A_58] : memref<4x8x20x64xf32, #tpu.memory_space<vmem>> -> memref<1x1x20x64xf32, #tpu.memory_space<vmem>>
    %dma_start3A_60 = tpu.memref_squeeze %dma_start3A_59 : memref<1x1x20x64xf32, #tpu.memory_space<vmem>> -> memref<20x64xf32, #tpu.memory_space<vmem>>
    %dma_start3A_61 = arith.constant 0 : i32
    %dma_start3A_62 = tpu.memref_slice %arg5[%dma_start3A_54, %dma_start3A_61] : memref<512x20xi32, #tpu.memory_space<vmem>> -> memref<1x20xi32, #tpu.memory_space<vmem>>
    %dma_start3A_63 = tpu.memref_squeeze %dma_start3A_62 : memref<1x20xi32, #tpu.memory_space<vmem>> -> memref<20xi32, #tpu.memory_space<vmem>>
    %dma_start3A_64 = arith.constant 0 : i32
    %dma_start3A_65 = arith.constant 0 : i32
    %dma_start3A_66 = tpu.memref_slice %arg3[%dma_start3A_64, %dma_start3A_65] : memref<1000000x64xf32, #tpu.memory_space<hbm>> -> memref<1000000x64xf32, #tpu.memory_space<hbm>>
    tpu.enqueue_indirect_dma source(%dma_start3A_66 : memref<1000000x64xf32, #tpu.memory_space<hbm>>) target(%dma_start3A_60 : memref<20x64xf32, #tpu.memory_space<vmem>>) offsets(%dma_start3A_63 : memref<20xi32, #tpu.memory_space<vmem>>) semaphore(%arg8 : memref<!tpu.dma_semaphore, #tpu.memory_space<semaphore_mem>>)
    %dma_start3A_67 = arith.constant 5 : i32
    %dma_start3A_68 = arith.constant 0 : i32
    %dma_start3A_69 = arith.constant 5 : i32
    %dma_start3A_70 = arith.constant 0 : i32
    %dma_start3A_71 = arith.constant 0 : i32
    %dma_start3A_72 = tpu.memref_slice %arg6[%dma_start3A_68, %dma_start3A_69, %dma_start3A_70, %dma_start3A_71] : memref<4x8x20x64xf32, #tpu.memory_space<vmem>> -> memref<1x1x20x64xf32, #tpu.memory_space<vmem>>
    %dma_start3A_73 = tpu.memref_squeeze %dma_start3A_72 : memref<1x1x20x64xf32, #tpu.memory_space<vmem>> -> memref<20x64xf32, #tpu.memory_space<vmem>>
    %dma_start3A_74 = arith.constant 0 : i32
    %dma_start3A_75 = tpu.memref_slice %arg5[%dma_start3A_67, %dma_start3A_74] : memref<512x20xi32, #tpu.memory_space<vmem>> -> memref<1x20xi32, #tpu.memory_space<vmem>>
    %dma_start3A_76 = tpu.memref_squeeze %dma_start3A_75 : memref<1x20xi32, #tpu.memory_space<vmem>> -> memref<20xi32, #tpu.memory_space<vmem>>
    %dma_start3A_77 = arith.constant 0 : i32
    %dma_start3A_78 = arith.constant 0 : i32
    %dma_start3A_79 = tpu.memref_slice %arg3[%dma_start3A_77, %dma_start3A_78] : memref<1000000x64xf32, #tpu.memory_space<hbm>> -> memref<1000000x64xf32, #tpu.memory_space<hbm>>
    tpu.enqueue_indirect_dma source(%dma_start3A_79 : memref<1000000x64xf32, #tpu.memory_space<hbm>>) target(%dma_start3A_73 : memref<20x64xf32, #tpu.memory_space<vmem>>) offsets(%dma_start3A_76 : memref<20xi32, #tpu.memory_space<vmem>>) semaphore(%arg8 : memref<!tpu.dma_semaphore, #tpu.memory_space<semaphore_mem>>)
    %dma_start3A_80 = arith.constant 6 : i32
    %dma_start3A_81 = arith.constant 0 : i32
    %dma_start3A_82 = arith.constant 6 : i32
    %dma_start3A_83 = arith.constant 0 : i32
    %dma_start3A_84 = arith.constant 0 : i32
    %dma_start3A_85 = tpu.memref_slice %arg6[%dma_start3A_81, %dma_start3A_82, %dma_start3A_83, %dma_start3A_84] : memref<4x8x20x64xf32, #tpu.memory_space<vmem>> -> memref<1x1x20x64xf32, #tpu.memory_space<vmem>>
    %dma_start3A_86 = tpu.memref_squeeze %dma_start3A_85 : memref<1x1x20x64xf32, #tpu.memory_space<vmem>> -> memref<20x64xf32, #tpu.memory_space<vmem>>
    %dma_start3A_87 = arith.constant 0 : i32
    %dma_start3A_88 = tpu.memref_slice %arg5[%dma_start3A_80, %dma_start3A_87] : memref<512x20xi32, #tpu.memory_space<vmem>> -> memref<1x20xi32, #tpu.memory_space<vmem>>
    %dma_start3A_89 = tpu.memref_squeeze %dma_start3A_88 : memref<1x20xi32, #tpu.memory_space<vmem>> -> memref<20xi32, #tpu.memory_space<vmem>>
    %dma_start3A_90 = arith.constant 0 : i32
    %dma_start3A_91 = arith.constant 0 : i32
    %dma_start3A_92 = tpu.memref_slice %arg3[%dma_start3A_90, %dma_start3A_91] : memref<1000000x64xf32, #tpu.memory_space<hbm>> -> memref<1000000x64xf32, #tpu.memory_space<hbm>>
    tpu.enqueue_indirect_dma source(%dma_start3A_92 : memref<1000000x64xf32, #tpu.memory_space<hbm>>) target(%dma_start3A_86 : memref<20x64xf32, #tpu.memory_space<vmem>>) offsets(%dma_start3A_89 : memref<20xi32, #tpu.memory_space<vmem>>) semaphore(%arg8 : memref<!tpu.dma_semaphore, #tpu.memory_space<semaphore_mem>>)
    %dma_start3A_93 = arith.constant 7 : i32
    %dma_start3A_94 = arith.constant 0 : i32
    %dma_start3A_95 = arith.constant 7 : i32
    %dma_start3A_96 = arith.constant 0 : i32
    %dma_start3A_97 = arith.constant 0 : i32
    %dma_start3A_98 = tpu.memref_slice %arg6[%dma_start3A_94, %dma_start3A_95, %dma_start3A_96, %dma_start3A_97] : memref<4x8x20x64xf32, #tpu.memory_space<vmem>> -> memref<1x1x20x64xf32, #tpu.memory_space<vmem>>
    %dma_start3A_99 = tpu.memref_squeeze %dma_start3A_98 : memref<1x1x20x64xf32, #tpu.memory_space<vmem>> -> memref<20x64xf32, #tpu.memory_space<vmem>>
    %dma_start3A_100 = arith.constant 0 : i32
    %dma_start3A_101 = tpu.memref_slice %arg5[%dma_start3A_93, %dma_start3A_100] : memref<512x20xi32, #tpu.memory_space<vmem>> -> memref<1x20xi32, #tpu.memory_space<vmem>>
    %dma_start3A_102 = tpu.memref_squeeze %dma_start3A_101 : memref<1x20xi32, #tpu.memory_space<vmem>> -> memref<20xi32, #tpu.memory_space<vmem>>
    %dma_start3A_103 = arith.constant 0 : i32
    %dma_start3A_104 = arith.constant 0 : i32
    %dma_start3A_105 = tpu.memref_slice %arg3[%dma_start3A_103, %dma_start3A_104] : memref<1000000x64xf32, #tpu.memory_space<hbm>> -> memref<1000000x64xf32, #tpu.memory_space<hbm>>
    tpu.enqueue_indirect_dma source(%dma_start3A_105 : memref<1000000x64xf32, #tpu.memory_space<hbm>>) target(%dma_start3A_99 : memref<20x64xf32, #tpu.memory_space<vmem>>) offsets(%dma_start3A_102 : memref<20xi32, #tpu.memory_space<vmem>>) semaphore(%arg8 : memref<!tpu.dma_semaphore, #tpu.memory_space<semaphore_mem>>)
    %dma_start3A_106 = arith.constant 8 : i32
    %dma_start3A_107 = arith.constant 1 : i32
    %dma_start3A_108 = arith.constant 0 : i32
    %dma_start3A_109 = arith.constant 0 : i32
    %dma_start3A_110 = arith.constant 0 : i32
    %dma_start3A_111 = tpu.memref_slice %arg6[%dma_start3A_107, %dma_start3A_108, %dma_start3A_109, %dma_start3A_110] : memref<4x8x20x64xf32, #tpu.memory_space<vmem>> -> memref<1x1x20x64xf32, #tpu.memory_space<vmem>>
    %dma_start3A_112 = tpu.memref_squeeze %dma_start3A_111 : memref<1x1x20x64xf32, #tpu.memory_space<vmem>> -> memref<20x64xf32, #tpu.memory_space<vmem>>
    %dma_start3A_113 = arith.constant 0 : i32
    %dma_start3A_114 = tpu.memref_slice %arg5[%dma_start3A_106, %dma_start3A_113] : memref<512x20xi32, #tpu.memory_space<vmem>> -> memref<1x20xi32, #tpu.memory_space<vmem>>
    %dma_start3A_115 = tpu.memref_squeeze %dma_start3A_114 : memref<1x20xi32, #tpu.memory_space<vmem>> -> memref<20xi32, #tpu.memory_space<vmem>>
    %dma_start3A_116 = arith.constant 0 : i32
    %dma_start3A_117 = arith.constant 0 : i32
    %dma_start3A_118 = tpu.memref_slice %arg3[%dma_start3A_116, %dma_start3A_117] : memref<1000000x64xf32, #tpu.memory_space<hbm>> -> memref<1000000x64xf32, #tpu.memory_space<hbm>>
    tpu.enqueue_indirect_dma source(%dma_start3A_118 : memref<1000000x64xf32, #tpu.memory_space<hbm>>) target(%dma_start3A_112 : memref<20x64xf32, #tpu.memory_space<vmem>>) offsets(%dma_start3A_115 : memref<20xi32, #tpu.memory_space<vmem>>) semaphore(%arg9 : memref<!tpu.dma_semaphore, #tpu.memory_space<semaphore_mem>>)
    %dma_start3A_119 = arith.constant 9 : i32
    %dma_start3A_120 = arith.constant 1 : i32
    %dma_start3A_121 = arith.constant 1 : i32
    %dma_start3A_122 = arith.constant 0 : i32
    %dma_start3A_123 = arith.constant 0 : i32
    %dma_start3A_124 = tpu.memref_slice %arg6[%dma_start3A_120, %dma_start3A_121, %dma_start3A_122, %dma_start3A_123] : memref<4x8x20x64xf32, #tpu.memory_space<vmem>> -> memref<1x1x20x64xf32, #tpu.memory_space<vmem>>
    %dma_start3A_125 = tpu.memref_squeeze %dma_start3A_124 : memref<1x1x20x64xf32, #tpu.memory_space<vmem>> -> memref<20x64xf32, #tpu.memory_space<vmem>>
    %dma_start3A_126 = arith.constant 0 : i32
    %dma_start3A_127 = tpu.memref_slice %arg5[%dma_start3A_119, %dma_start3A_126] : memref<512x20xi32, #tpu.memory_space<vmem>> -> memref<1x20xi32, #tpu.memory_space<vmem>>
    %dma_start3A_128 = tpu.memref_squeeze %dma_start3A_127 : memref<1x20xi32, #tpu.memory_space<vmem>> -> memref<20xi32, #tpu.memory_space<vmem>>
    %dma_start3A_129 = arith.constant 0 : i32
    %dma_start3A_130 = arith.constant 0 : i32
    %dma_start3A_131 = tpu.memref_slice %arg3[%dma_start3A_129, %dma_start3A_130] : memref<1000000x64xf32, #tpu.memory_space<hbm>> -> memref<1000000x64xf32, #tpu.memory_space<hbm>>
    tpu.enqueue_indirect_dma source(%dma_start3A_131 : memref<1000000x64xf32, #tpu.memory_space<hbm>>) target(%dma_start3A_125 : memref<20x64xf32, #tpu.memory_space<vmem>>) offsets(%dma_start3A_128 : memref<20xi32, #tpu.memory_space<vmem>>) semaphore(%arg9 : memref<!tpu.dma_semaphore, #tpu.memory_space<semaphore_mem>>)
    %dma_start3A_132 = arith.constant 10 : i32
    %dma_start3A_133 = arith.constant 1 : i32
    %dma_start3A_134 = arith.constant 2 : i32
    %dma_start3A_135 = arith.constant 0 : i32
    %dma_start3A_136 = arith.constant 0 : i32
    %dma_start3A_137 = tpu.memref_slice %arg6[%dma_start3A_133, %dma_start3A_134, %dma_start3A_135, %dma_start3A_136] : memref<4x8x20x64xf32, #tpu.memory_space<vmem>> -> memref<1x1x20x64xf32, #tpu.memory_space<vmem>>
    %dma_start3A_138 = tpu.memref_squeeze %dma_start3A_137 : memref<1x1x20x64xf32, #tpu.memory_space<vmem>> -> memref<20x64xf32, #tpu.memory_space<vmem>>
    %dma_start3A_139 = arith.constant 0 : i32
    %dma_start3A_140 = tpu.memref_slice %arg5[%dma_start3A_132, %dma_start3A_139] : memref<512x20xi32, #tpu.memory_space<vmem>> -> memref<1x20xi32, #tpu.memory_space<vmem>>
    %dma_start3A_141 = tpu.memref_squeeze %dma_start3A_140 : memref<1x20xi32, #tpu.memory_space<vmem>> -> memref<20xi32, #tpu.memory_space<vmem>>
    %dma_start3A_142 = arith.constant 0 : i32
    %dma_start3A_143 = arith.constant 0 : i32
    %dma_start3A_144 = tpu.memref_slice %arg3[%dma_start3A_142, %dma_start3A_143] : memref<1000000x64xf32, #tpu.memory_space<hbm>> -> memref<1000000x64xf32, #tpu.memory_space<hbm>>
    tpu.enqueue_indirect_dma source(%dma_start3A_144 : memref<1000000x64xf32, #tpu.memory_space<hbm>>) target(%dma_start3A_138 : memref<20x64xf32, #tpu.memory_space<vmem>>) offsets(%dma_start3A_141 : memref<20xi32, #tpu.memory_space<vmem>>) semaphore(%arg9 : memref<!tpu.dma_semaphore, #tpu.memory_space<semaphore_mem>>)
    %dma_start3A_145 = arith.constant 11 : i32
    %dma_start3A_146 = arith.constant 1 : i32
    %dma_start3A_147 = arith.constant 3 : i32
    %dma_start3A_148 = arith.constant 0 : i32
    %dma_start3A_149 = arith.constant 0 : i32
    %dma_start3A_150 = tpu.memref_slice %arg6[%dma_start3A_146, %dma_start3A_147, %dma_start3A_148, %dma_start3A_149] : memref<4x8x20x64xf32, #tpu.memory_space<vmem>> -> memref<1x1x20x64xf32, #tpu.memory_space<vmem>>
    %dma_start3A_151 = tpu.memref_squeeze %dma_start3A_150 : memref<1x1x20x64xf32, #tpu.memory_space<vmem>> -> memref<20x64xf32, #tpu.memory_space<vmem>>
    %dma_start3A_152 = arith.constant 0 : i32
    %dma_start3A_153 = tpu.memref_slice %arg5[%dma_start3A_145, %dma_start3A_152] : memref<512x20xi32, #tpu.memory_space<vmem>> -> memref<1x20xi32, #tpu.memory_space<vmem>>
    %dma_start3A_154 = tpu.memref_squeeze %dma_start3A_153 : memref<1x20xi32, #tpu.memory_space<vmem>> -> memref<20xi32, #tpu.memory_space<vmem>>
    %dma_start3A_155 = arith.constant 0 : i32
    %dma_start3A_156 = arith.constant 0 : i32
    %dma_start3A_157 = tpu.memref_slice %arg3[%dma_start3A_155, %dma_start3A_156] : memref<1000000x64xf32, #tpu.memory_space<hbm>> -> memref<1000000x64xf32, #tpu.memory_space<hbm>>
    tpu.enqueue_indirect_dma source(%dma_start3A_157 : memref<1000000x64xf32, #tpu.memory_space<hbm>>) target(%dma_start3A_151 : memref<20x64xf32, #tpu.memory_space<vmem>>) offsets(%dma_start3A_154 : memref<20xi32, #tpu.memory_space<vmem>>) semaphore(%arg9 : memref<!tpu.dma_semaphore, #tpu.memory_space<semaphore_mem>>)
    %dma_start3A_158 = arith.constant 12 : i32
    %dma_start3A_159 = arith.constant 1 : i32
    %dma_start3A_160 = arith.constant 4 : i32
    %dma_start3A_161 = arith.constant 0 : i32
    %dma_start3A_162 = arith.constant 0 : i32
    %dma_start3A_163 = tpu.memref_slice %arg6[%dma_start3A_159, %dma_start3A_160, %dma_start3A_161, %dma_start3A_162] : memref<4x8x20x64xf32, #tpu.memory_space<vmem>> -> memref<1x1x20x64xf32, #tpu.memory_space<vmem>>
    %dma_start3A_164 = tpu.memref_squeeze %dma_start3A_163 : memref<1x1x20x64xf32, #tpu.memory_space<vmem>> -> memref<20x64xf32, #tpu.memory_space<vmem>>
    %dma_start3A_165 = arith.constant 0 : i32
    %dma_start3A_166 = tpu.memref_slice %arg5[%dma_start3A_158, %dma_start3A_165] : memref<512x20xi32, #tpu.memory_space<vmem>> -> memref<1x20xi32, #tpu.memory_space<vmem>>
    %dma_start3A_167 = tpu.memref_squeeze %dma_start3A_166 : memref<1x20xi32, #tpu.memory_space<vmem>> -> memref<20xi32, #tpu.memory_space<vmem>>
    %dma_start3A_168 = arith.constant 0 : i32
    %dma_start3A_169 = arith.constant 0 : i32
    %dma_start3A_170 = tpu.memref_slice %arg3[%dma_start3A_168, %dma_start3A_169] : memref<1000000x64xf32, #tpu.memory_space<hbm>> -> memref<1000000x64xf32, #tpu.memory_space<hbm>>
    tpu.enqueue_indirect_dma source(%dma_start3A_170 : memref<1000000x64xf32, #tpu.memory_space<hbm>>) target(%dma_start3A_164 : memref<20x64xf32, #tpu.memory_space<vmem>>) offsets(%dma_start3A_167 : memref<20xi32, #tpu.memory_space<vmem>>) semaphore(%arg9 : memref<!tpu.dma_semaphore, #tpu.memory_space<semaphore_mem>>)
    %dma_start3A_171 = arith.constant 13 : i32
    %dma_start3A_172 = arith.constant 1 : i32
    %dma_start3A_173 = arith.constant 5 : i32
    %dma_start3A_174 = arith.constant 0 : i32
    %dma_start3A_175 = arith.constant 0 : i32
    %dma_start3A_176 = tpu.memref_slice %arg6[%dma_start3A_172, %dma_start3A_173, %dma_start3A_174, %dma_start3A_175] : memref<4x8x20x64xf32, #tpu.memory_space<vmem>> -> memref<1x1x20x64xf32, #tpu.memory_space<vmem>>
    %dma_start3A_177 = tpu.memref_squeeze %dma_start3A_176 : memref<1x1x20x64xf32, #tpu.memory_space<vmem>> -> memref<20x64xf32, #tpu.memory_space<vmem>>
    %dma_start3A_178 = arith.constant 0 : i32
    %dma_start3A_179 = tpu.memref_slice %arg5[%dma_start3A_171, %dma_start3A_178] : memref<512x20xi32, #tpu.memory_space<vmem>> -> memref<1x20xi32, #tpu.memory_space<vmem>>
    %dma_start3A_180 = tpu.memref_squeeze %dma_start3A_179 : memref<1x20xi32, #tpu.memory_space<vmem>> -> memref<20xi32, #tpu.memory_space<vmem>>
    %dma_start3A_181 = arith.constant 0 : i32
    %dma_start3A_182 = arith.constant 0 : i32
    %dma_start3A_183 = tpu.memref_slice %arg3[%dma_start3A_181, %dma_start3A_182] : memref<1000000x64xf32, #tpu.memory_space<hbm>> -> memref<1000000x64xf32, #tpu.memory_space<hbm>>
    tpu.enqueue_indirect_dma source(%dma_start3A_183 : memref<1000000x64xf32, #tpu.memory_space<hbm>>) target(%dma_start3A_177 : memref<20x64xf32, #tpu.memory_space<vmem>>) offsets(%dma_start3A_180 : memref<20xi32, #tpu.memory_space<vmem>>) semaphore(%arg9 : memref<!tpu.dma_semaphore, #tpu.memory_space<semaphore_mem>>)
    %dma_start3A_184 = arith.constant 14 : i32
    %dma_start3A_185 = arith.constant 1 : i32
    %dma_start3A_186 = arith.constant 6 : i32
    %dma_start3A_187 = arith.constant 0 : i32
    %dma_start3A_188 = arith.constant 0 : i32
    %dma_start3A_189 = tpu.memref_slice %arg6[%dma_start3A_185, %dma_start3A_186, %dma_start3A_187, %dma_start3A_188] : memref<4x8x20x64xf32, #tpu.memory_space<vmem>> -> memref<1x1x20x64xf32, #tpu.memory_space<vmem>>
    %dma_start3A_190 = tpu.memref_squeeze %dma_start3A_189 : memref<1x1x20x64xf32, #tpu.memory_space<vmem>> -> memref<20x64xf32, #tpu.memory_space<vmem>>
    %dma_start3A_191 = arith.constant 0 : i32
    %dma_start3A_192 = tpu.memref_slice %arg5[%dma_start3A_184, %dma_start3A_191] : memref<512x20xi32, #tpu.memory_space<vmem>> -> memref<1x20xi32, #tpu.memory_space<vmem>>
    %dma_start3A_193 = tpu.memref_squeeze %dma_start3A_192 : memref<1x20xi32, #tpu.memory_space<vmem>> -> memref<20xi32, #tpu.memory_space<vmem>>
    %dma_start3A_194 = arith.constant 0 : i32
    %dma_start3A_195 = arith.constant 0 : i32
    %dma_start3A_196 = tpu.memref_slice %arg3[%dma_start3A_194, %dma_start3A_195] : memref<1000000x64xf32, #tpu.memory_space<hbm>> -> memref<1000000x64xf32, #tpu.memory_space<hbm>>
    tpu.enqueue_indirect_dma source(%dma_start3A_196 : memref<1000000x64xf32, #tpu.memory_space<hbm>>) target(%dma_start3A_190 : memref<20x64xf32, #tpu.memory_space<vmem>>) offsets(%dma_start3A_193 : memref<20xi32, #tpu.memory_space<vmem>>) semaphore(%arg9 : memref<!tpu.dma_semaphore, #tpu.memory_space<semaphore_mem>>)
    %dma_start3A_197 = arith.constant 15 : i32
    %dma_start3A_198 = arith.constant 1 : i32
    %dma_start3A_199 = arith.constant 7 : i32
    %dma_start3A_200 = arith.constant 0 : i32
    %dma_start3A_201 = arith.constant 0 : i32
    %dma_start3A_202 = tpu.memref_slice %arg6[%dma_start3A_198, %dma_start3A_199, %dma_start3A_200, %dma_start3A_201] : memref<4x8x20x64xf32, #tpu.memory_space<vmem>> -> memref<1x1x20x64xf32, #tpu.memory_space<vmem>>
    %dma_start3A_203 = tpu.memref_squeeze %dma_start3A_202 : memref<1x1x20x64xf32, #tpu.memory_space<vmem>> -> memref<20x64xf32, #tpu.memory_space<vmem>>
    %dma_start3A_204 = arith.constant 0 : i32
    %dma_start3A_205 = tpu.memref_slice %arg5[%dma_start3A_197, %dma_start3A_204] : memref<512x20xi32, #tpu.memory_space<vmem>> -> memref<1x20xi32, #tpu.memory_space<vmem>>
    %dma_start3A_206 = tpu.memref_squeeze %dma_start3A_205 : memref<1x20xi32, #tpu.memory_space<vmem>> -> memref<20xi32, #tpu.memory_space<vmem>>
    %dma_start3A_207 = arith.constant 0 : i32
    %dma_start3A_208 = arith.constant 0 : i32
    %dma_start3A_209 = tpu.memref_slice %arg3[%dma_start3A_207, %dma_start3A_208] : memref<1000000x64xf32, #tpu.memory_space<hbm>> -> memref<1000000x64xf32, #tpu.memory_space<hbm>>
    tpu.enqueue_indirect_dma source(%dma_start3A_209 : memref<1000000x64xf32, #tpu.memory_space<hbm>>) target(%dma_start3A_203 : memref<20x64xf32, #tpu.memory_space<vmem>>) offsets(%dma_start3A_206 : memref<20xi32, #tpu.memory_space<vmem>>) semaphore(%arg9 : memref<!tpu.dma_semaphore, #tpu.memory_space<semaphore_mem>>)
    %scan3A = arith.constant 0 : i32
    %scan3A_210 = arith.constant 0 : i32
    %scan3A_211 = arith.constant 16 : i32
    %scan3A_212 = arith.addi %scan3A_210, %scan3A_211 : i32
    %scan3A_213 = arith.constant 1 : i32
    scf.for %scan3A_236 = %scan3A_210 to %scan3A_212 step %scan3A_213  : i32 {
      %mul3A_237 = arith.constant 4 : i32
      %mul3A_238 = arith.muli %scan3A_236, %mul3A_237 : i32
      %add3A_239 = arith.constant 0 : i32
      %add3A_240 = arith.addi %mul3A_238, %add3A_239 : i32
      %add3A_241 = arith.constant 2 : i32
      %add3A_242 = arith.addi %add3A_240, %add3A_241 : i32
      %lt3A = arith.constant 64 : i32
      %lt3A_243 = arith.cmpi slt, %add3A_242, %lt3A : i32
      %convert_element_type3A = arith.extui %lt3A_243 : i1 to i32
      %cond3A = arith.constant 0 : i32
      %cond3A_244 = arith.cmpi ne, %convert_element_type3A, %cond3A : i32
      scf.if %cond3A_244 {
        %mul3A_909 = arith.constant 8 : i32
        %mul3A_910 = arith.muli %add3A_242, %mul3A_909 : i32
        %add3A_911 = arith.constant 0 : i32
        %add3A_912 = arith.addi %mul3A_910, %add3A_911 : i32
        %dma_start3A_913 = arith.constant 2 : i32
        %dma_start3A_914 = arith.constant 0 : i32
        %dma_start3A_915 = arith.constant 0 : i32
        %dma_start3A_916 = arith.constant 0 : i32
        %dma_start3A_917 = tpu.memref_slice %arg6[%dma_start3A_913, %dma_start3A_914, %dma_start3A_915, %dma_start3A_916] : memref<4x8x20x64xf32, #tpu.memory_space<vmem>> -> memref<1x1x20x64xf32, #tpu.memory_space<vmem>>
        %dma_start3A_918 = tpu.memref_squeeze %dma_start3A_917 : memref<1x1x20x64xf32, #tpu.memory_space<vmem>> -> memref<20x64xf32, #tpu.memory_space<vmem>>
        %dma_start3A_919 = arith.constant 0 : i32
        %dma_start3A_920 = tpu.memref_slice %arg5[%add3A_912, %dma_start3A_919] : memref<512x20xi32, #tpu.memory_space<vmem>> -> memref<1x20xi32, #tpu.memory_space<vmem>>
        %dma_start3A_921 = tpu.memref_squeeze %dma_start3A_920 : memref<1x20xi32, #tpu.memory_space<vmem>> -> memref<20xi32, #tpu.memory_space<vmem>>
        %dma_start3A_922 = arith.constant 0 : i32
        %dma_start3A_923 = arith.constant 0 : i32
        %dma_start3A_924 = tpu.memref_slice %arg3[%dma_start3A_922, %dma_start3A_923] : memref<1000000x64xf32, #tpu.memory_space<hbm>> -> memref<1000000x64xf32, #tpu.memory_space<hbm>>
        tpu.enqueue_indirect_dma source(%dma_start3A_924 : memref<1000000x64xf32, #tpu.memory_space<hbm>>) target(%dma_start3A_918 : memref<20x64xf32, #tpu.memory_space<vmem>>) offsets(%dma_start3A_921 : memref<20xi32, #tpu.memory_space<vmem>>) semaphore(%arg10 : memref<!tpu.dma_semaphore, #tpu.memory_space<semaphore_mem>>)
        %mul3A_925 = arith.constant 8 : i32
        %mul3A_926 = arith.muli %add3A_242, %mul3A_925 : i32
        %add3A_927 = arith.constant 1 : i32
        %add3A_928 = arith.addi %mul3A_926, %add3A_927 : i32
        %dma_start3A_929 = arith.constant 2 : i32
        %dma_start3A_930 = arith.constant 1 : i32
        %dma_start3A_931 = arith.constant 0 : i32
        %dma_start3A_932 = arith.constant 0 : i32
        %dma_start3A_933 = tpu.memref_slice %arg6[%dma_start3A_929, %dma_start3A_930, %dma_start3A_931, %dma_start3A_932] : memref<4x8x20x64xf32, #tpu.memory_space<vmem>> -> memref<1x1x20x64xf32, #tpu.memory_space<vmem>>
        %dma_start3A_934 = tpu.memref_squeeze %dma_start3A_933 : memref<1x1x20x64xf32, #tpu.memory_space<vmem>> -> memref<20x64xf32, #tpu.memory_space<vmem>>
        %dma_start3A_935 = arith.constant 0 : i32
        %dma_start3A_936 = tpu.memref_slice %arg5[%add3A_928, %dma_start3A_935] : memref<512x20xi32, #tpu.memory_space<vmem>> -> memref<1x20xi32, #tpu.memory_space<vmem>>
        %dma_start3A_937 = tpu.memref_squeeze %dma_start3A_936 : memref<1x20xi32, #tpu.memory_space<vmem>> -> memref<20xi32, #tpu.memory_space<vmem>>
        %dma_start3A_938 = arith.constant 0 : i32
        %dma_start3A_939 = arith.constant 0 : i32
        %dma_start3A_940 = tpu.memref_slice %arg3[%dma_start3A_938, %dma_start3A_939] : memref<1000000x64xf32, #tpu.memory_space<hbm>> -> memref<1000000x64xf32, #tpu.memory_space<hbm>>
        tpu.enqueue_indirect_dma source(%dma_start3A_940 : memref<1000000x64xf32, #tpu.memory_space<hbm>>) target(%dma_start3A_934 : memref<20x64xf32, #tpu.memory_space<vmem>>) offsets(%dma_start3A_937 : memref<20xi32, #tpu.memory_space<vmem>>) semaphore(%arg10 : memref<!tpu.dma_semaphore, #tpu.memory_space<semaphore_mem>>)
        %mul3A_941 = arith.constant 8 : i32
        %mul3A_942 = arith.muli %add3A_242, %mul3A_941 : i32
        %add3A_943 = arith.constant 2 : i32
        %add3A_944 = arith.addi %mul3A_942, %add3A_943 : i32
        %dma_start3A_945 = arith.constant 2 : i32
        %dma_start3A_946 = arith.constant 2 : i32
        %dma_start3A_947 = arith.constant 0 : i32
        %dma_start3A_948 = arith.constant 0 : i32
        %dma_start3A_949 = tpu.memref_slice %arg6[%dma_start3A_945, %dma_start3A_946, %dma_start3A_947, %dma_start3A_948] : memref<4x8x20x64xf32, #tpu.memory_space<vmem>> -> memref<1x1x20x64xf32, #tpu.memory_space<vmem>>
        %dma_start3A_950 = tpu.memref_squeeze %dma_start3A_949 : memref<1x1x20x64xf32, #tpu.memory_space<vmem>> -> memref<20x64xf32, #tpu.memory_space<vmem>>
        %dma_start3A_951 = arith.constant 0 : i32
        %dma_start3A_952 = tpu.memref_slice %arg5[%add3A_944, %dma_start3A_951] : memref<512x20xi32, #tpu.memory_space<vmem>> -> memref<1x20xi32, #tpu.memory_space<vmem>>
        %dma_start3A_953 = tpu.memref_squeeze %dma_start3A_952 : memref<1x20xi32, #tpu.memory_space<vmem>> -> memref<20xi32, #tpu.memory_space<vmem>>
        %dma_start3A_954 = arith.constant 0 : i32
        %dma_start3A_955 = arith.constant 0 : i32
        %dma_start3A_956 = tpu.memref_slice %arg3[%dma_start3A_954, %dma_start3A_955] : memref<1000000x64xf32, #tpu.memory_space<hbm>> -> memref<1000000x64xf32, #tpu.memory_space<hbm>>
        tpu.enqueue_indirect_dma source(%dma_start3A_956 : memref<1000000x64xf32, #tpu.memory_space<hbm>>) target(%dma_start3A_950 : memref<20x64xf32, #tpu.memory_space<vmem>>) offsets(%dma_start3A_953 : memref<20xi32, #tpu.memory_space<vmem>>) semaphore(%arg10 : memref<!tpu.dma_semaphore, #tpu.memory_space<semaphore_mem>>)
        %mul3A_957 = arith.constant 8 : i32
        %mul3A_958 = arith.muli %add3A_242, %mul3A_957 : i32
        %add3A_959 = arith.constant 3 : i32
        %add3A_960 = arith.addi %mul3A_958, %add3A_959 : i32
        %dma_start3A_961 = arith.constant 2 : i32
        %dma_start3A_962 = arith.constant 3 : i32
        %dma_start3A_963 = arith.constant 0 : i32
        %dma_start3A_964 = arith.constant 0 : i32
        %dma_start3A_965 = tpu.memref_slice %arg6[%dma_start3A_961, %dma_start3A_962, %dma_start3A_963, %dma_start3A_964] : memref<4x8x20x64xf32, #tpu.memory_space<vmem>> -> memref<1x1x20x64xf32, #tpu.memory_space<vmem>>
        %dma_start3A_966 = tpu.memref_squeeze %dma_start3A_965 : memref<1x1x20x64xf32, #tpu.memory_space<vmem>> -> memref<20x64xf32, #tpu.memory_space<vmem>>
        %dma_start3A_967 = arith.constant 0 : i32
        %dma_start3A_968 = tpu.memref_slice %arg5[%add3A_960, %dma_start3A_967] : memref<512x20xi32, #tpu.memory_space<vmem>> -> memref<1x20xi32, #tpu.memory_space<vmem>>
        %dma_start3A_969 = tpu.memref_squeeze %dma_start3A_968 : memref<1x20xi32, #tpu.memory_space<vmem>> -> memref<20xi32, #tpu.memory_space<vmem>>
        %dma_start3A_970 = arith.constant 0 : i32
        %dma_start3A_971 = arith.constant 0 : i32
        %dma_start3A_972 = tpu.memref_slice %arg3[%dma_start3A_970, %dma_start3A_971] : memref<1000000x64xf32, #tpu.memory_space<hbm>> -> memref<1000000x64xf32, #tpu.memory_space<hbm>>
        tpu.enqueue_indirect_dma source(%dma_start3A_972 : memref<1000000x64xf32, #tpu.memory_space<hbm>>) target(%dma_start3A_966 : memref<20x64xf32, #tpu.memory_space<vmem>>) offsets(%dma_start3A_969 : memref<20xi32, #tpu.memory_space<vmem>>) semaphore(%arg10 : memref<!tpu.dma_semaphore, #tpu.memory_space<semaphore_mem>>)
        %mul3A_973 = arith.constant 8 : i32
        %mul3A_974 = arith.muli %add3A_242, %mul3A_973 : i32
        %add3A_975 = arith.constant 4 : i32
        %add3A_976 = arith.addi %mul3A_974, %add3A_975 : i32
        %dma_start3A_977 = arith.constant 2 : i32
        %dma_start3A_978 = arith.constant 4 : i32
        %dma_start3A_979 = arith.constant 0 : i32
        %dma_start3A_980 = arith.constant 0 : i32
        %dma_start3A_981 = tpu.memref_slice %arg6[%dma_start3A_977, %dma_start3A_978, %dma_start3A_979, %dma_start3A_980] : memref<4x8x20x64xf32, #tpu.memory_space<vmem>> -> memref<1x1x20x64xf32, #tpu.memory_space<vmem>>
        %dma_start3A_982 = tpu.memref_squeeze %dma_start3A_981 : memref<1x1x20x64xf32, #tpu.memory_space<vmem>> -> memref<20x64xf32, #tpu.memory_space<vmem>>
        %dma_start3A_983 = arith.constant 0 : i32
        %dma_start3A_984 = tpu.memref_slice %arg5[%add3A_976, %dma_start3A_983] : memref<512x20xi32, #tpu.memory_space<vmem>> -> memref<1x20xi32, #tpu.memory_space<vmem>>
        %dma_start3A_985 = tpu.memref_squeeze %dma_start3A_984 : memref<1x20xi32, #tpu.memory_space<vmem>> -> memref<20xi32, #tpu.memory_space<vmem>>
        %dma_start3A_986 = arith.constant 0 : i32
        %dma_start3A_987 = arith.constant 0 : i32
        %dma_start3A_988 = tpu.memref_slice %arg3[%dma_start3A_986, %dma_start3A_987] : memref<1000000x64xf32, #tpu.memory_space<hbm>> -> memref<1000000x64xf32, #tpu.memory_space<hbm>>
        tpu.enqueue_indirect_dma source(%dma_start3A_988 : memref<1000000x64xf32, #tpu.memory_space<hbm>>) target(%dma_start3A_982 : memref<20x64xf32, #tpu.memory_space<vmem>>) offsets(%dma_start3A_985 : memref<20xi32, #tpu.memory_space<vmem>>) semaphore(%arg10 : memref<!tpu.dma_semaphore, #tpu.memory_space<semaphore_mem>>)
        %mul3A_989 = arith.constant 8 : i32
        %mul3A_990 = arith.muli %add3A_242, %mul3A_989 : i32
        %add3A_991 = arith.constant 5 : i32
        %add3A_992 = arith.addi %mul3A_990, %add3A_991 : i32
        %dma_start3A_993 = arith.constant 2 : i32
        %dma_start3A_994 = arith.constant 5 : i32
        %dma_start3A_995 = arith.constant 0 : i32
        %dma_start3A_996 = arith.constant 0 : i32
        %dma_start3A_997 = tpu.memref_slice %arg6[%dma_start3A_993, %dma_start3A_994, %dma_start3A_995, %dma_start3A_996] : memref<4x8x20x64xf32, #tpu.memory_space<vmem>> -> memref<1x1x20x64xf32, #tpu.memory_space<vmem>>
        %dma_start3A_998 = tpu.memref_squeeze %dma_start3A_997 : memref<1x1x20x64xf32, #tpu.memory_space<vmem>> -> memref<20x64xf32, #tpu.memory_space<vmem>>
        %dma_start3A_999 = arith.constant 0 : i32
        %dma_start3A_1000 = tpu.memref_slice %arg5[%add3A_992, %dma_start3A_999] : memref<512x20xi32, #tpu.memory_space<vmem>> -> memref<1x20xi32, #tpu.memory_space<vmem>>
        %dma_start3A_1001 = tpu.memref_squeeze %dma_start3A_1000 : memref<1x20xi32, #tpu.memory_space<vmem>> -> memref<20xi32, #tpu.memory_space<vmem>>
        %dma_start3A_1002 = arith.constant 0 : i32
        %dma_start3A_1003 = arith.constant 0 : i32
        %dma_start3A_1004 = tpu.memref_slice %arg3[%dma_start3A_1002, %dma_start3A_1003] : memref<1000000x64xf32, #tpu.memory_space<hbm>> -> memref<1000000x64xf32, #tpu.memory_space<hbm>>
        tpu.enqueue_indirect_dma source(%dma_start3A_1004 : memref<1000000x64xf32, #tpu.memory_space<hbm>>) target(%dma_start3A_998 : memref<20x64xf32, #tpu.memory_space<vmem>>) offsets(%dma_start3A_1001 : memref<20xi32, #tpu.memory_space<vmem>>) semaphore(%arg10 : memref<!tpu.dma_semaphore, #tpu.memory_space<semaphore_mem>>)
        %mul3A_1005 = arith.constant 8 : i32
        %mul3A_1006 = arith.muli %add3A_242, %mul3A_1005 : i32
        %add3A_1007 = arith.constant 6 : i32
        %add3A_1008 = arith.addi %mul3A_1006, %add3A_1007 : i32
        %dma_start3A_1009 = arith.constant 2 : i32
        %dma_start3A_1010 = arith.constant 6 : i32
        %dma_start3A_1011 = arith.constant 0 : i32
        %dma_start3A_1012 = arith.constant 0 : i32
        %dma_start3A_1013 = tpu.memref_slice %arg6[%dma_start3A_1009, %dma_start3A_1010, %dma_start3A_1011, %dma_start3A_1012] : memref<4x8x20x64xf32, #tpu.memory_space<vmem>> -> memref<1x1x20x64xf32, #tpu.memory_space<vmem>>
        %dma_start3A_1014 = tpu.memref_squeeze %dma_start3A_1013 : memref<1x1x20x64xf32, #tpu.memory_space<vmem>> -> memref<20x64xf32, #tpu.memory_space<vmem>>
        %dma_start3A_1015 = arith.constant 0 : i32
        %dma_start3A_1016 = tpu.memref_slice %arg5[%add3A_1008, %dma_start3A_1015] : memref<512x20xi32, #tpu.memory_space<vmem>> -> memref<1x20xi32, #tpu.memory_space<vmem>>
        %dma_start3A_1017 = tpu.memref_squeeze %dma_start3A_1016 : memref<1x20xi32, #tpu.memory_space<vmem>> -> memref<20xi32, #tpu.memory_space<vmem>>
        %dma_start3A_1018 = arith.constant 0 : i32
        %dma_start3A_1019 = arith.constant 0 : i32
        %dma_start3A_1020 = tpu.memref_slice %arg3[%dma_start3A_1018, %dma_start3A_1019] : memref<1000000x64xf32, #tpu.memory_space<hbm>> -> memref<1000000x64xf32, #tpu.memory_space<hbm>>
        tpu.enqueue_indirect_dma source(%dma_start3A_1020 : memref<1000000x64xf32, #tpu.memory_space<hbm>>) target(%dma_start3A_1014 : memref<20x64xf32, #tpu.memory_space<vmem>>) offsets(%dma_start3A_1017 : memref<20xi32, #tpu.memory_space<vmem>>) semaphore(%arg10 : memref<!tpu.dma_semaphore, #tpu.memory_space<semaphore_mem>>)
        %mul3A_1021 = arith.constant 8 : i32
        %mul3A_1022 = arith.muli %add3A_242, %mul3A_1021 : i32
        %add3A_1023 = arith.constant 7 : i32
        %add3A_1024 = arith.addi %mul3A_1022, %add3A_1023 : i32
        %dma_start3A_1025 = arith.constant 2 : i32
        %dma_start3A_1026 = arith.constant 7 : i32
        %dma_start3A_1027 = arith.constant 0 : i32
        %dma_start3A_1028 = arith.constant 0 : i32
        %dma_start3A_1029 = tpu.memref_slice %arg6[%dma_start3A_1025, %dma_start3A_1026, %dma_start3A_1027, %dma_start3A_1028] : memref<4x8x20x64xf32, #tpu.memory_space<vmem>> -> memref<1x1x20x64xf32, #tpu.memory_space<vmem>>
        %dma_start3A_1030 = tpu.memref_squeeze %dma_start3A_1029 : memref<1x1x20x64xf32, #tpu.memory_space<vmem>> -> memref<20x64xf32, #tpu.memory_space<vmem>>
        %dma_start3A_1031 = arith.constant 0 : i32
        %dma_start3A_1032 = tpu.memref_slice %arg5[%add3A_1024, %dma_start3A_1031] : memref<512x20xi32, #tpu.memory_space<vmem>> -> memref<1x20xi32, #tpu.memory_space<vmem>>
        %dma_start3A_1033 = tpu.memref_squeeze %dma_start3A_1032 : memref<1x20xi32, #tpu.memory_space<vmem>> -> memref<20xi32, #tpu.memory_space<vmem>>
        %dma_start3A_1034 = arith.constant 0 : i32
        %dma_start3A_1035 = arith.constant 0 : i32
        %dma_start3A_1036 = tpu.memref_slice %arg3[%dma_start3A_1034, %dma_start3A_1035] : memref<1000000x64xf32, #tpu.memory_space<hbm>> -> memref<1000000x64xf32, #tpu.memory_space<hbm>>
        tpu.enqueue_indirect_dma source(%dma_start3A_1036 : memref<1000000x64xf32, #tpu.memory_space<hbm>>) target(%dma_start3A_1030 : memref<20x64xf32, #tpu.memory_space<vmem>>) offsets(%dma_start3A_1033 : memref<20xi32, #tpu.memory_space<vmem>>) semaphore(%arg10 : memref<!tpu.dma_semaphore, #tpu.memory_space<semaphore_mem>>)
      } else {
      }
      %dma_wait3A_245 = arith.constant 0 : i32
      %dma_wait3A_246 = arith.constant 0 : i32
      %dma_wait3A_247 = tpu.memref_slice %arg7[%dma_wait3A_245, %dma_wait3A_246] : memref<2x20480xf32, #tpu.memory_space<vmem>> -> memref<1x10240xf32, #tpu.memory_space<vmem>>
      %dma_wait3A_248 = tpu.memref_squeeze %dma_wait3A_247 : memref<1x10240xf32, #tpu.memory_space<vmem>> -> memref<10240xf32, #tpu.memory_space<vmem>>
      %dma_wait3A_249 = arith.constant 0 : i32
      %dma_wait3A_250 = tpu.memref_slice %arg4[%dma_wait3A_249] : memref<50331648xf32, #tpu.memory_space<hbm>> -> memref<10240xf32, #tpu.memory_space<hbm>>
      %dma_wait3A_251 = arith.constant 0 : i32
      %dma_wait3A_252 = tpu.memref_slice %arg7[%dma_wait3A_245, %dma_wait3A_251] : memref<2x20480xf32, #tpu.memory_space<vmem>> -> memref<1x10240xf32, #tpu.memory_space<vmem>>
      %dma_wait3A_253 = tpu.memref_squeeze %dma_wait3A_252 : memref<1x10240xf32, #tpu.memory_space<vmem>> -> memref<10240xf32, #tpu.memory_space<vmem>>
      %dma_wait3A_254 = arith.constant 0 : i32
      %dma_wait3A_255 = tpu.memref_slice %arg4[%dma_wait3A_254] : memref<50331648xf32, #tpu.memory_space<hbm>> -> memref<10240xf32, #tpu.memory_space<hbm>>
      tpu.wait_dma2 semaphore(%arg8 : memref<!tpu.dma_semaphore, #tpu.memory_space<semaphore_mem>>) src(%dma_wait3A_255 : memref<10240xf32, #tpu.memory_space<hbm>>) dst(%dma_wait3A_253 : memref<10240xf32, #tpu.memory_space<vmem>>)
      %ge3A = arith.constant 2 : i32
      %ge3A_256 = arith.cmpi sge, %add3A_240, %ge3A : i32
      %convert_element_type3A_257 = arith.extui %ge3A_256 : i1 to i32
      %cond3A_258 = arith.constant 0 : i32
      %cond3A_259 = arith.cmpi ne, %convert_element_type3A_257, %cond3A_258 : i32
      scf.if %cond3A_259 {
        %dma_wait3A_909 = arith.constant 0 : i32
        %dma_wait3A_910 = arith.constant 0 : i32
        %dma_wait3A_911 = tpu.memref_slice %arg7[%dma_wait3A_909, %dma_wait3A_910] : memref<2x20480xf32, #tpu.memory_space<vmem>> -> memref<1x20480xf32, #tpu.memory_space<vmem>>
        %dma_wait3A_912 = tpu.memref_squeeze %dma_wait3A_911 : memref<1x20480xf32, #tpu.memory_space<vmem>> -> memref<20480xf32, #tpu.memory_space<vmem>>
        %dma_wait3A_913 = arith.constant 0 : i32
        %dma_wait3A_914 = tpu.memref_slice %arg4[%dma_wait3A_913] : memref<50331648xf32, #tpu.memory_space<hbm>> -> memref<20480xf32, #tpu.memory_space<hbm>>
        %dma_wait3A_915 = arith.constant 0 : i32
        %dma_wait3A_916 = tpu.memref_slice %arg7[%dma_wait3A_909, %dma_wait3A_915] : memref<2x20480xf32, #tpu.memory_space<vmem>> -> memref<1x20480xf32, #tpu.memory_space<vmem>>
        %dma_wait3A_917 = tpu.memref_squeeze %dma_wait3A_916 : memref<1x20480xf32, #tpu.memory_space<vmem>> -> memref<20480xf32, #tpu.memory_space<vmem>>
        %dma_wait3A_918 = arith.constant 0 : i32
        %dma_wait3A_919 = tpu.memref_slice %arg4[%dma_wait3A_918] : memref<50331648xf32, #tpu.memory_space<hbm>> -> memref<20480xf32, #tpu.memory_space<hbm>>
        tpu.wait_dma2 semaphore(%arg12 : memref<!tpu.dma_semaphore, #tpu.memory_space<semaphore_mem>>) src(%dma_wait3A_919 : memref<20480xf32, #tpu.memory_space<hbm>>) dst(%dma_wait3A_917 : memref<20480xf32, #tpu.memory_space<vmem>>)
      } else {
      }
      %scan3A_260 = arith.constant 0 : i32
      %scan3A_261 = arith.constant 0 : i32
      %scan3A_262 = arith.constant 40 : i32
      %scan3A_263 = arith.addi %scan3A_261, %scan3A_262 : i32
      %scan3A_264 = arith.constant 1 : i32
      scf.for %scan3A_909 = %scan3A_261 to %scan3A_263 step %scan3A_264  : i32 {
        %jit3A = arith.constant 5 : i32
        %div3A = arith.divsi %scan3A_909, %jit3A : i32
        %sign3A = arith.constant 0 : i32
        %sign3A_910 = arith.cmpi sgt, %scan3A_909, %sign3A : i32
        %sign3A_911 = arith.extui %sign3A_910 : i1 to i32
        %sign3A_912 = arith.constant 0 : i32
        %sign3A_913 = arith.cmpi slt, %scan3A_909, %sign3A_912 : i32
        %sign3A_914 = arith.extui %sign3A_913 : i1 to i32
        %sign3A_915 = arith.subi %sign3A_911, %sign3A_914 : i32
        %sign3A_916 = arith.constant 0 : i32
        %sign3A_917 = arith.cmpi sgt, %jit3A, %sign3A_916 : i32
        %sign3A_918 = arith.extui %sign3A_917 : i1 to i32
        %sign3A_919 = arith.constant 0 : i32
        %sign3A_920 = arith.cmpi slt, %jit3A, %sign3A_919 : i32
        %sign3A_921 = arith.extui %sign3A_920 : i1 to i32
        %sign3A_922 = arith.subi %sign3A_918, %sign3A_921 : i32
        %ne3A = arith.cmpi ne, %sign3A_915, %sign3A_922 : i32
        %rem3A = arith.remsi %scan3A_909, %jit3A : i32
        %ne3A_923 = arith.constant 0 : i32
        %ne3A_924 = arith.cmpi ne, %rem3A, %ne3A_923 : i32
        %and3A = arith.andi %ne3A, %ne3A_924 : i1
        %sub3A = arith.constant 1 : i32
        %sub3A_925 = arith.subi %div3A, %sub3A : i32
        %select_n3A = arith.select %and3A, %sub3A_925, %div3A : i32
        %jit3A_926 = arith.constant 5 : i32
        %eq3A = arith.constant 0 : i32
        %eq3A_927 = arith.cmpi eq, %jit3A_926, %eq3A : i32
        %jit3A_928 = arith.constant 1 : i32
        %select_n3A_929 = arith.select %eq3A_927, %jit3A_928, %jit3A_926 : i32
        %rem3A_930 = arith.remsi %scan3A_909, %select_n3A_929 : i32
        %ne3A_931 = arith.constant 0 : i32
        %ne3A_932 = arith.cmpi ne, %rem3A_930, %ne3A_931 : i32
        %lt3A_933 = arith.constant 0 : i32
        %lt3A_934 = arith.cmpi slt, %rem3A_930, %lt3A_933 : i32
        %lt3A_935 = arith.constant 0 : i32
        %lt3A_936 = arith.cmpi slt, %select_n3A_929, %lt3A_935 : i32
        %ne3A_937 = arith.xori %lt3A_934, %lt3A_936 : i1
        %and3A_938 = arith.andi %ne3A_937, %ne3A_932 : i1
        %add3A_939 = arith.addi %rem3A_930, %select_n3A_929 : i32
        %select_n3A_940 = arith.select %and3A_938, %add3A_939, %rem3A_930 : i32
        %mul3A_941 = arith.constant 4 : i32
        %mul3A_942 = arith.muli %select_n3A_940, %mul3A_941 : i32
        %mul3A_943 = arith.constant 2560 : i32
        %mul3A_944 = arith.muli %select_n3A, %mul3A_943 : i32
        %add3A_945 = arith.constant 0 : i32
        %add3A_946 = arith.addi %mul3A_942, %add3A_945 : i32
        %mul3A_947 = arith.constant 128 : i32
        %mul3A_948 = arith.muli %add3A_946, %mul3A_947 : i32
        %add3A_949 = arith.addi %mul3A_944, %mul3A_948 : i32
        %add3A_950 = arith.constant 0 : i32
        %add3A_951 = arith.addi %add3A_949, %add3A_950 : i32
        %multiple_of3A_952 = tpu.assume_multiple %add3A_951, 16 : i32
        %add3A_953 = arith.constant 0 : i32
        %add3A_954 = arith.addi %mul3A_942, %add3A_953 : i32
        %get3A = arith.constant 0 : i32
        %get3A_955 = arith.index_cast %get3A : i32 to index
        %get3A_956 = arith.index_cast %select_n3A : i32 to index
        %get3A_957 = arith.index_cast %add3A_954 : i32 to index
        %get3A_958 = arith.constant 0 : index
        %get3A_959 = tpu.vector_load %arg6[%get3A_955, %get3A_956, %get3A_957, %get3A_958] {strides = array<i32>} : memref<4x8x20x64xf32, #tpu.memory_space<vmem>>, vector<1x1x1x16xf32>,
        %get3A_960 = vector.shape_cast %get3A_959 : vector<1x1x1x16xf32> to vector<16xf32>
        %mul3A_961 = arith.constant 8.000000e+00 : f32
        %mul3A_962 = vector.broadcast %mul3A_961 : f32 to vector<16xf32>
        %mul3A_963 = arith.mulf %get3A_960, %mul3A_962 : vector<16xf32>
        %swap3A = arith.constant 0 : i32
        %swap3A_964 = arith.index_cast %swap3A : i32 to index
        %swap3A_965 = arith.index_cast %multiple_of3A_952 : i32 to index
        %swap3A_966 = tpu.vector_load %arg7[%swap3A_964, %swap3A_965] {strides = array<i32>} : memref<2x20480xf32, #tpu.memory_space<vmem>>, vector<1x16xf32>,
        %swap3A_967 = vector.shape_cast %swap3A_966 : vector<1x16xf32> to vector<16xf32>
        %swap3A_968 = vector.shape_cast %mul3A_963 : vector<16xf32> to vector<1x16xf32>
        tpu.vector_store %arg7[%swap3A_964, %swap3A_965], %swap3A_968 {strides = array<i32>} : memref<2x20480xf32, #tpu.memory_space<vmem>>, vector<1x16xf32>,
        %mul3A_969 = arith.constant 2560 : i32
        %mul3A_970 = arith.muli %select_n3A, %mul3A_969 : i32
        %add3A_971 = arith.constant 0 : i32
        %add3A_972 = arith.addi %mul3A_942, %add3A_971 : i32
        %mul3A_973 = arith.constant 128 : i32
        %mul3A_974 = arith.muli %add3A_972, %mul3A_973 : i32
        %add3A_975 = arith.addi %mul3A_970, %mul3A_974 : i32
        %add3A_976 = arith.constant 16 : i32
        %add3A_977 = arith.addi %add3A_975, %add3A_976 : i32
        %multiple_of3A_978 = tpu.assume_multiple %add3A_977, 16 : i32
        %add3A_979 = arith.constant 0 : i32
        %add3A_980 = arith.addi %mul3A_942, %add3A_979 : i32
        %get3A_981 = arith.constant 0 : i32
        %get3A_982 = arith.index_cast %get3A_981 : i32 to index
        %get3A_983 = arith.index_cast %select_n3A : i32 to index
        %get3A_984 = arith.index_cast %add3A_980 : i32 to index
        %get3A_985 = arith.constant 16 : index
        %get3A_986 = tpu.vector_load %arg6[%get3A_982, %get3A_983, %get3A_984, %get3A_985] {strides = array<i32>} : memref<4x8x20x64xf32, #tpu.memory_space<vmem>>, vector<1x1x1x16xf32>,
        %get3A_987 = vector.shape_cast %get3A_986 : vector<1x1x1x16xf32> to vector<16xf32>
        %mul3A_988 = arith.constant 8.000000e+00 : f32
        %mul3A_989 = vector.broadcast %mul3A_988 : f32 to vector<16xf32>
        %mul3A_990 = arith.mulf %get3A_987, %mul3A_989 : vector<16xf32>
        %swap3A_991 = arith.constant 0 : i32
        %swap3A_992 = arith.index_cast %swap3A_991 : i32 to index
        %swap3A_993 = arith.index_cast %multiple_of3A_978 : i32 to index
        %swap3A_994 = tpu.vector_load %arg7[%swap3A_992, %swap3A_993] {strides = array<i32>} : memref<2x20480xf32, #tpu.memory_space<vmem>>, vector<1x16xf32>,
        %swap3A_995 = vector.shape_cast %swap3A_994 : vector<1x16xf32> to vector<16xf32>
        %swap3A_996 = vector.shape_cast %mul3A_990 : vector<16xf32> to vector<1x16xf32>
        tpu.vector_store %arg7[%swap3A_992, %swap3A_993], %swap3A_996 {strides = array<i32>} : memref<2x20480xf32, #tpu.memory_space<vmem>>, vector<1x16xf32>,
        %mul3A_997 = arith.constant 2560 : i32
        %mul3A_998 = arith.muli %select_n3A, %mul3A_997 : i32
        %add3A_999 = arith.constant 0 : i32
        %add3A_1000 = arith.addi %mul3A_942, %add3A_999 : i32
        %mul3A_1001 = arith.constant 128 : i32
        %mul3A_1002 = arith.muli %add3A_1000, %mul3A_1001 : i32
        %add3A_1003 = arith.addi %mul3A_998, %mul3A_1002 : i32
        %add3A_1004 = arith.constant 32 : i32
        %add3A_1005 = arith.addi %add3A_1003, %add3A_1004 : i32
        %multiple_of3A_1006 = tpu.assume_multiple %add3A_1005, 16 : i32
        %add3A_1007 = arith.constant 0 : i32
        %add3A_1008 = arith.addi %mul3A_942, %add3A_1007 : i32
        %get3A_1009 = arith.constant 0 : i32
        %get3A_1010 = arith.index_cast %get3A_1009 : i32 to index
        %get3A_1011 = arith.index_cast %select_n3A : i32 to index
        %get3A_1012 = arith.index_cast %add3A_1008 : i32 to index
        %get3A_1013 = arith.constant 32 : index
        %get3A_1014 = tpu.vector_load %arg6[%get3A_1010, %get3A_1011, %get3A_1012, %get3A_1013] {strides = array<i32>} : memref<4x8x20x64xf32, #tpu.memory_space<vmem>>, vector<1x1x1x16xf32>,
        %get3A_1015 = vector.shape_cast %get3A_1014 : vector<1x1x1x16xf32> to vector<16xf32>
        %mul3A_1016 = arith.constant 8.000000e+00 : f32
        %mul3A_1017 = vector.broadcast %mul3A_1016 : f32 to vector<16xf32>
        %mul3A_1018 = arith.mulf %get3A_1015, %mul3A_1017 : vector<16xf32>
        %swap3A_1019 = arith.constant 0 : i32
        %swap3A_1020 = arith.index_cast %swap3A_1019 : i32 to index
        %swap3A_1021 = arith.index_cast %multiple_of3A_1006 : i32 to index
        %swap3A_1022 = tpu.vector_load %arg7[%swap3A_1020, %swap3A_1021] {strides = array<i32>} : memref<2x20480xf32, #tpu.memory_space<vmem>>, vector<1x16xf32>,
        %swap3A_1023 = vector.shape_cast %swap3A_1022 : vector<1x16xf32> to vector<16xf32>
        %swap3A_1024 = vector.shape_cast %mul3A_1018 : vector<16xf32> to vector<1x16xf32>
        tpu.vector_store %arg7[%swap3A_1020, %swap3A_1021], %swap3A_1024 {strides = array<i32>} : memref<2x20480xf32, #tpu.memory_space<vmem>>, vector<1x16xf32>,
        %mul3A_1025 = arith.constant 2560 : i32
        %mul3A_1026 = arith.muli %select_n3A, %mul3A_1025 : i32
        %add3A_1027 = arith.constant 0 : i32
        %add3A_1028 = arith.addi %mul3A_942, %add3A_1027 : i32
        %mul3A_1029 = arith.constant 128 : i32
        %mul3A_1030 = arith.muli %add3A_1028, %mul3A_1029 : i32
        %add3A_1031 = arith.addi %mul3A_1026, %mul3A_1030 : i32
        %add3A_1032 = arith.constant 48 : i32
        %add3A_1033 = arith.addi %add3A_1031, %add3A_1032 : i32
        %multiple_of3A_1034 = tpu.assume_multiple %add3A_1033, 16 : i32
        %add3A_1035 = arith.constant 0 : i32
        %add3A_1036 = arith.addi %mul3A_942, %add3A_1035 : i32
        %get3A_1037 = arith.constant 0 : i32
        %get3A_1038 = arith.index_cast %get3A_1037 : i32 to index
        %get3A_1039 = arith.index_cast %select_n3A : i32 to index
        %get3A_1040 = arith.index_cast %add3A_1036 : i32 to index
        %get3A_1041 = arith.constant 48 : index
        %get3A_1042 = tpu.vector_load %arg6[%get3A_1038, %get3A_1039, %get3A_1040, %get3A_1041] {strides = array<i32>} : memref<4x8x20x64xf32, #tpu.memory_space<vmem>>, vector<1x1x1x16xf32>,
        %get3A_1043 = vector.shape_cast %get3A_1042 : vector<1x1x1x16xf32> to vector<16xf32>
        %mul3A_1044 = arith.constant 8.000000e+00 : f32
        %mul3A_1045 = vector.broadcast %mul3A_1044 : f32 to vector<16xf32>
        %mul3A_1046 = arith.mulf %get3A_1043, %mul3A_1045 : vector<16xf32>
        %swap3A_1047 = arith.constant 0 : i32
        %swap3A_1048 = arith.index_cast %swap3A_1047 : i32 to index
        %swap3A_1049 = arith.index_cast %multiple_of3A_1034 : i32 to index
        %swap3A_1050 = tpu.vector_load %arg7[%swap3A_1048, %swap3A_1049] {strides = array<i32>} : memref<2x20480xf32, #tpu.memory_space<vmem>>, vector<1x16xf32>,
        %swap3A_1051 = vector.shape_cast %swap3A_1050 : vector<1x16xf32> to vector<16xf32>
        %swap3A_1052 = vector.shape_cast %mul3A_1046 : vector<16xf32> to vector<1x16xf32>
        tpu.vector_store %arg7[%swap3A_1048, %swap3A_1049], %swap3A_1052 {strides = array<i32>} : memref<2x20480xf32, #tpu.memory_space<vmem>>, vector<1x16xf32>,
        %mul3A_1053 = arith.constant 2560 : i32
        %mul3A_1054 = arith.muli %select_n3A, %mul3A_1053 : i32
        %add3A_1055 = arith.constant 1 : i32
        %add3A_1056 = arith.addi %mul3A_942, %add3A_1055 : i32
        %mul3A_1057 = arith.constant 128 : i32
        %mul3A_1058 = arith.muli %add3A_1056, %mul3A_1057 : i32
        %add3A_1059 = arith.addi %mul3A_1054, %mul3A_1058 : i32
        %add3A_1060 = arith.constant 0 : i32
        %add3A_1061 = arith.addi %add3A_1059, %add3A_1060 : i32
        %multiple_of3A_1062 = tpu.assume_multiple %add3A_1061, 16 : i32
        %add3A_1063 = arith.constant 1 : i32
        %add3A_1064 = arith.addi %mul3A_942, %add3A_1063 : i32
        %get3A_1065 = arith.constant 0 : i32
        %get3A_1066 = arith.index_cast %get3A_1065 : i32 to index
        %get3A_1067 = arith.index_cast %select_n3A : i32 to index
        %get3A_1068 = arith.index_cast %add3A_1064 : i32 to index
        %get3A_1069 = arith.constant 0 : index
        %get3A_1070 = tpu.vector_load %arg6[%get3A_1066, %get3A_1067, %get3A_1068, %get3A_1069] {strides = array<i32>} : memref<4x8x20x64xf32, #tpu.memory_space<vmem>>, vector<1x1x1x16xf32>,
        %get3A_1071 = vector.shape_cast %get3A_1070 : vector<1x1x1x16xf32> to vector<16xf32>
        %mul3A_1072 = arith.constant 8.000000e+00 : f32
        %mul3A_1073 = vector.broadcast %mul3A_1072 : f32 to vector<16xf32>
        %mul3A_1074 = arith.mulf %get3A_1071, %mul3A_1073 : vector<16xf32>
        %swap3A_1075 = arith.constant 0 : i32
        %swap3A_1076 = arith.index_cast %swap3A_1075 : i32 to index
        %swap3A_1077 = arith.index_cast %multiple_of3A_1062 : i32 to index
        %swap3A_1078 = tpu.vector_load %arg7[%swap3A_1076, %swap3A_1077] {strides = array<i32>} : memref<2x20480xf32, #tpu.memory_space<vmem>>, vector<1x16xf32>,
        %swap3A_1079 = vector.shape_cast %swap3A_1078 : vector<1x16xf32> to vector<16xf32>
        %swap3A_1080 = vector.shape_cast %mul3A_1074 : vector<16xf32> to vector<1x16xf32>
        tpu.vector_store %arg7[%swap3A_1076, %swap3A_1077], %swap3A_1080 {strides = array<i32>} : memref<2x20480xf32, #tpu.memory_space<vmem>>, vector<1x16xf32>,
        %mul3A_1081 = arith.constant 2560 : i32
        %mul3A_1082 = arith.muli %select_n3A, %mul3A_1081 : i32
        %add3A_1083 = arith.constant 1 : i32
        %add3A_1084 = arith.addi %mul3A_942, %add3A_1083 : i32
        %mul3A_1085 = arith.constant 128 : i32
        %mul3A_1086 = arith.muli %add3A_1084, %mul3A_1085 : i32
        %add3A_1087 = arith.addi %mul3A_1082, %mul3A_1086 : i32
        %add3A_1088 = arith.constant 16 : i32
        %add3A_1089 = arith.addi %add3A_1087, %add3A_1088 : i32
        %multiple_of3A_1090 = tpu.assume_multiple %add3A_1089, 16 : i32
        %add3A_1091 = arith.constant 1 : i32
        %add3A_1092 = arith.addi %mul3A_942, %add3A_1091 : i32
        %get3A_1093 = arith.constant 0 : i32
        %get3A_1094 = arith.index_cast %get3A_1093 : i32 to index
        %get3A_1095 = arith.index_cast %select_n3A : i32 to index
        %get3A_1096 = arith.index_cast %add3A_1092 : i32 to index
        %get3A_1097 = arith.constant 16 : index
        %get3A_1098 = tpu.vector_load %arg6[%get3A_1094, %get3A_1095, %get3A_1096, %get3A_1097] {strides = array<i32>} : memref<4x8x20x64xf32, #tpu.memory_space<vmem>>, vector<1x1x1x16xf32>,
        %get3A_1099 = vector.shape_cast %get3A_1098 : vector<1x1x1x16xf32> to vector<16xf32>
        %mul3A_1100 = arith.constant 8.000000e+00 : f32
        %mul3A_1101 = vector.broadcast %mul3A_1100 : f32 to vector<16xf32>
        %mul3A_1102 = arith.mulf %get3A_1099, %mul3A_1101 : vector<16xf32>
        %swap3A_1103 = arith.constant 0 : i32
        %swap3A_1104 = arith.index_cast %swap3A_1103 : i32 to index
        %swap3A_1105 = arith.index_cast %multiple_of3A_1090 : i32 to index
        %swap3A_1106 = tpu.vector_load %arg7[%swap3A_1104, %swap3A_1105] {strides = array<i32>} : memref<2x20480xf32, #tpu.memory_space<vmem>>, vector<1x16xf32>,
        %swap3A_1107 = vector.shape_cast %swap3A_1106 : vector<1x16xf32> to vector<16xf32>
        %swap3A_1108 = vector.shape_cast %mul3A_1102 : vector<16xf32> to vector<1x16xf32>
        tpu.vector_store %arg7[%swap3A_1104, %swap3A_1105], %swap3A_1108 {strides = array<i32>} : memref<2x20480xf32, #tpu.memory_space<vmem>>, vector<1x16xf32>,
        %mul3A_1109 = arith.constant 2560 : i32
        %mul3A_1110 = arith.muli %select_n3A, %mul3A_1109 : i32
        %add3A_1111 = arith.constant 1 : i32
        %add3A_1112 = arith.addi %mul3A_942, %add3A_1111 : i32
        %mul3A_1113 = arith.constant 128 : i32
        %mul3A_1114 = arith.muli %add3A_1112, %mul3A_1113 : i32
        %add3A_1115 = arith.addi %mul3A_1110, %mul3A_1114 : i32
        %add3A_1116 = arith.constant 32 : i32
        %add3A_1117 = arith.addi %add3A_1115, %add3A_1116 : i32
        %multiple_of3A_1118 = tpu.assume_multiple %add3A_1117, 16 : i32
        %add3A_1119 = arith.constant 1 : i32
        %add3A_1120 = arith.addi %mul3A_942, %add3A_1119 : i32
        %get3A_1121 = arith.constant 0 : i32
        %get3A_1122 = arith.index_cast %get3A_1121 : i32 to index
        %get3A_1123 = arith.index_cast %select_n3A : i32 to index
        %get3A_1124 = arith.index_cast %add3A_1120 : i32 to index
        %get3A_1125 = arith.constant 32 : index
        %get3A_1126 = tpu.vector_load %arg6[%get3A_1122, %get3A_1123, %get3A_1124, %get3A_1125] {strides = array<i32>} : memref<4x8x20x64xf32, #tpu.memory_space<vmem>>, vector<1x1x1x16xf32>,
        %get3A_1127 = vector.shape_cast %get3A_1126 : vector<1x1x1x16xf32> to vector<16xf32>
        %mul3A_1128 = arith.constant 8.000000e+00 : f32
        %mul3A_1129 = vector.broadcast %mul3A_1128 : f32 to vector<16xf32>
        %mul3A_1130 = arith.mulf %get3A_1127, %mul3A_1129 : vector<16xf32>
        %swap3A_1131 = arith.constant 0 : i32
        %swap3A_1132 = arith.index_cast %swap3A_1131 : i32 to index
        %swap3A_1133 = arith.index_cast %multiple_of3A_1118 : i32 to index
        %swap3A_1134 = tpu.vector_load %arg7[%swap3A_1132, %swap3A_1133] {strides = array<i32>} : memref<2x20480xf32, #tpu.memory_space<vmem>>, vector<1x16xf32>,
        %swap3A_1135 = vector.shape_cast %swap3A_1134 : vector<1x16xf32> to vector<16xf32>
        %swap3A_1136 = vector.shape_cast %mul3A_1130 : vector<16xf32> to vector<1x16xf32>
        tpu.vector_store %arg7[%swap3A_1132, %swap3A_1133], %swap3A_1136 {strides = array<i32>} : memref<2x20480xf32, #tpu.memory_space<vmem>>, vector<1x16xf32>,
        %mul3A_1137 = arith.constant 2560 : i32
        %mul3A_1138 = arith.muli %select_n3A, %mul3A_1137 : i32
        %add3A_1139 = arith.constant 1 : i32
        %add3A_1140 = arith.addi %mul3A_942, %add3A_1139 : i32
        %mul3A_1141 = arith.constant 128 : i32
        %mul3A_1142 = arith.muli %add3A_1140, %mul3A_1141 : i32
        %add3A_1143 = arith.addi %mul3A_1138, %mul3A_1142 : i32
        %add3A_1144 = arith.constant 48 : i32
        %add3A_1145 = arith.addi %add3A_1143, %add3A_1144 : i32
        %multiple_of3A_1146 = tpu.assume_multiple %add3A_1145, 16 : i32
        %add3A_1147 = arith.constant 1 : i32
        %add3A_1148 = arith.addi %mul3A_942, %add3A_1147 : i32
        %get3A_1149 = arith.constant 0 : i32
        %get3A_1150 = arith.index_cast %get3A_1149 : i32 to index
        %get3A_1151 = arith.index_cast %select_n3A : i32 to index
        %get3A_1152 = arith.index_cast %add3A_1148 : i32 to index
        %get3A_1153 = arith.constant 48 : index
        %get3A_1154 = tpu.vector_load %arg6[%get3A_1150, %get3A_1151, %get3A_1152, %get3A_1153] {strides = array<i32>} : memref<4x8x20x64xf32, #tpu.memory_space<vmem>>, vector<1x1x1x16xf32>,
        %get3A_1155 = vector.shape_cast %get3A_1154 : vector<1x1x1x16xf32> to vector<16xf32>
        %mul3A_1156 = arith.constant 8.000000e+00 : f32
        %mul3A_1157 = vector.broadcast %mul3A_1156 : f32 to vector<16xf32>
        %mul3A_1158 = arith.mulf %get3A_1155, %mul3A_1157 : vector<16xf32>
        %swap3A_1159 = arith.constant 0 : i32
        %swap3A_1160 = arith.index_cast %swap3A_1159 : i32 to index
        %swap3A_1161 = arith.index_cast %multiple_of3A_1146 : i32 to index
        %swap3A_1162 = tpu.vector_load %arg7[%swap3A_1160, %swap3A_1161] {strides = array<i32>} : memref<2x20480xf32, #tpu.memory_space<vmem>>, vector<1x16xf32>,
        %swap3A_1163 = vector.shape_cast %swap3A_1162 : vector<1x16xf32> to vector<16xf32>
        %swap3A_1164 = vector.shape_cast %mul3A_1158 : vector<16xf32> to vector<1x16xf32>
        tpu.vector_store %arg7[%swap3A_1160, %swap3A_1161], %swap3A_1164 {strides = array<i32>} : memref<2x20480xf32, #tpu.memory_space<vmem>>, vector<1x16xf32>,
        %mul3A_1165 = arith.constant 2560 : i32
        %mul3A_1166 = arith.muli %select_n3A, %mul3A_1165 : i32
        %add3A_1167 = arith.constant 2 : i32
        %add3A_1168 = arith.addi %mul3A_942, %add3A_1167 : i32
        %mul3A_1169 = arith.constant 128 : i32
        %mul3A_1170 = arith.muli %add3A_1168, %mul3A_1169 : i32
        %add3A_1171 = arith.addi %mul3A_1166, %mul3A_1170 : i32
        %add3A_1172 = arith.constant 0 : i32
        %add3A_1173 = arith.addi %add3A_1171, %add3A_1172 : i32
        %multiple_of3A_1174 = tpu.assume_multiple %add3A_1173, 16 : i32
        %add3A_1175 = arith.constant 2 : i32
        %add3A_1176 = arith.addi %mul3A_942, %add3A_1175 : i32
        %get3A_1177 = arith.constant 0 : i32
        %get3A_1178 = arith.index_cast %get3A_1177 : i32 to index
        %get3A_1179 = arith.index_cast %select_n3A : i32 to index
        %get3A_1180 = arith.index_cast %add3A_1176 : i32 to index
        %get3A_1181 = arith.constant 0 : index
        %get3A_1182 = tpu.vector_load %arg6[%get3A_1178, %get3A_1179, %get3A_1180, %get3A_1181] {strides = array<i32>} : memref<4x8x20x64xf32, #tpu.memory_space<vmem>>, vector<1x1x1x16xf32>,
        %get3A_1183 = vector.shape_cast %get3A_1182 : vector<1x1x1x16xf32> to vector<16xf32>
        %mul3A_1184 = arith.constant 8.000000e+00 : f32
        %mul3A_1185 = vector.broadcast %mul3A_1184 : f32 to vector<16xf32>
        %mul3A_1186 = arith.mulf %get3A_1183, %mul3A_1185 : vector<16xf32>
        %swap3A_1187 = arith.constant 0 : i32
        %swap3A_1188 = arith.index_cast %swap3A_1187 : i32 to index
        %swap3A_1189 = arith.index_cast %multiple_of3A_1174 : i32 to index
        %swap3A_1190 = tpu.vector_load %arg7[%swap3A_1188, %swap3A_1189] {strides = array<i32>} : memref<2x20480xf32, #tpu.memory_space<vmem>>, vector<1x16xf32>,
        %swap3A_1191 = vector.shape_cast %swap3A_1190 : vector<1x16xf32> to vector<16xf32>
        %swap3A_1192 = vector.shape_cast %mul3A_1186 : vector<16xf32> to vector<1x16xf32>
        tpu.vector_store %arg7[%swap3A_1188, %swap3A_1189], %swap3A_1192 {strides = array<i32>} : memref<2x20480xf32, #tpu.memory_space<vmem>>, vector<1x16xf32>,
        %mul3A_1193 = arith.constant 2560 : i32
        %mul3A_1194 = arith.muli %select_n3A, %mul3A_1193 : i32
        %add3A_1195 = arith.constant 2 : i32
        %add3A_1196 = arith.addi %mul3A_942, %add3A_1195 : i32
        %mul3A_1197 = arith.constant 128 : i32
        %mul3A_1198 = arith.muli %add3A_1196, %mul3A_1197 : i32
        %add3A_1199 = arith.addi %mul3A_1194, %mul3A_1198 : i32
        %add3A_1200 = arith.constant 16 : i32
        %add3A_1201 = arith.addi %add3A_1199, %add3A_1200 : i32
        %multiple_of3A_1202 = tpu.assume_multiple %add3A_1201, 16 : i32
        %add3A_1203 = arith.constant 2 : i32
        %add3A_1204 = arith.addi %mul3A_942, %add3A_1203 : i32
        %get3A_1205 = arith.constant 0 : i32
        %get3A_1206 = arith.index_cast %get3A_1205 : i32 to index
        %get3A_1207 = arith.index_cast %select_n3A : i32 to index
        %get3A_1208 = arith.index_cast %add3A_1204 : i32 to index
        %get3A_1209 = arith.constant 16 : index
        %get3A_1210 = tpu.vector_load %arg6[%get3A_1206, %get3A_1207, %get3A_1208, %get3A_1209] {strides = array<i32>} : memref<4x8x20x64xf32, #tpu.memory_space<vmem>>, vector<1x1x1x16xf32>,
        %get3A_1211 = vector.shape_cast %get3A_1210 : vector<1x1x1x16xf32> to vector<16xf32>
        %mul3A_1212 = arith.constant 8.000000e+00 : f32
        %mul3A_1213 = vector.broadcast %mul3A_1212 : f32 to vector<16xf32>
        %mul3A_1214 = arith.mulf %get3A_1211, %mul3A_1213 : vector<16xf32>
        %swap3A_1215 = arith.constant 0 : i32
        %swap3A_1216 = arith.index_cast %swap3A_1215 : i32 to index
        %swap3A_1217 = arith.index_cast %multiple_of3A_1202 : i32 to index
        %swap3A_1218 = tpu.vector_load %arg7[%swap3A_1216, %swap3A_1217] {strides = array<i32>} : memref<2x20480xf32, #tpu.memory_space<vmem>>, vector<1x16xf32>,
        %swap3A_1219 = vector.shape_cast %swap3A_1218 : vector<1x16xf32> to vector<16xf32>
        %swap3A_1220 = vector.shape_cast %mul3A_1214 : vector<16xf32> to vector<1x16xf32>
        tpu.vector_store %arg7[%swap3A_1216, %swap3A_1217], %swap3A_1220 {strides = array<i32>} : memref<2x20480xf32, #tpu.memory_space<vmem>>, vector<1x16xf32>,
        %mul3A_1221 = arith.constant 2560 : i32
        %mul3A_1222 = arith.muli %select_n3A, %mul3A_1221 : i32
        %add3A_1223 = arith.constant 2 : i32
        %add3A_1224 = arith.addi %mul3A_942, %add3A_1223 : i32
        %mul3A_1225 = arith.constant 128 : i32
        %mul3A_1226 = arith.muli %add3A_1224, %mul3A_1225 : i32
        %add3A_1227 = arith.addi %mul3A_1222, %mul3A_1226 : i32
        %add3A_1228 = arith.constant 32 : i32
        %add3A_1229 = arith.addi %add3A_1227, %add3A_1228 : i32
        %multiple_of3A_1230 = tpu.assume_multiple %add3A_1229, 16 : i32
        %add3A_1231 = arith.constant 2 : i32
        %add3A_1232 = arith.addi %mul3A_942, %add3A_1231 : i32
        %get3A_1233 = arith.constant 0 : i32
        %get3A_1234 = arith.index_cast %get3A_1233 : i32 to index
        %get3A_1235 = arith.index_cast %select_n3A : i32 to index
        %get3A_1236 = arith.index_cast %add3A_1232 : i32 to index
        %get3A_1237 = arith.constant 32 : index
        %get3A_1238 = tpu.vector_load %arg6[%get3A_1234, %get3A_1235, %get3A_1236, %get3A_1237] {strides = array<i32>} : memref<4x8x20x64xf32, #tpu.memory_space<vmem>>, vector<1x1x1x16xf32>,
        %get3A_1239 = vector.shape_cast %get3A_1238 : vector<1x1x1x16xf32> to vector<16xf32>
        %mul3A_1240 = arith.constant 8.000000e+00 : f32
        %mul3A_1241 = vector.broadcast %mul3A_1240 : f32 to vector<16xf32>
        %mul3A_1242 = arith.mulf %get3A_1239, %mul3A_1241 : vector<16xf32>
        %swap3A_1243 = arith.constant 0 : i32
        %swap3A_1244 = arith.index_cast %swap3A_1243 : i32 to index
        %swap3A_1245 = arith.index_cast %multiple_of3A_1230 : i32 to index
        %swap3A_1246 = tpu.vector_load %arg7[%swap3A_1244, %swap3A_1245] {strides = array<i32>} : memref<2x20480xf32, #tpu.memory_space<vmem>>, vector<1x16xf32>,
        %swap3A_1247 = vector.shape_cast %swap3A_1246 : vector<1x16xf32> to vector<16xf32>
        %swap3A_1248 = vector.shape_cast %mul3A_1242 : vector<16xf32> to vector<1x16xf32>
        tpu.vector_store %arg7[%swap3A_1244, %swap3A_1245], %swap3A_1248 {strides = array<i32>} : memref<2x20480xf32, #tpu.memory_space<vmem>>, vector<1x16xf32>,
        %mul3A_1249 = arith.constant 2560 : i32
        %mul3A_1250 = arith.muli %select_n3A, %mul3A_1249 : i32
        %add3A_1251 = arith.constant 2 : i32
        %add3A_1252 = arith.addi %mul3A_942, %add3A_1251 : i32
        %mul3A_1253 = arith.constant 128 : i32
        %mul3A_1254 = arith.muli %add3A_1252, %mul3A_1253 : i32
        %add3A_1255 = arith.addi %mul3A_1250, %mul3A_1254 : i32
        %add3A_1256 = arith.constant 48 : i32
        %add3A_1257 = arith.addi %add3A_1255, %add3A_1256 : i32
        %multiple_of3A_1258 = tpu.assume_multiple %add3A_1257, 16 : i32
        %add3A_1259 = arith.constant 2 : i32
        %add3A_1260 = arith.addi %mul3A_942, %add3A_1259 : i32
        %get3A_1261 = arith.constant 0 : i32
        %get3A_1262 = arith.index_cast %get3A_1261 : i32 to index
        %get3A_1263 = arith.index_cast %select_n3A : i32 to index
        %get3A_1264 = arith.index_cast %add3A_1260 : i32 to index
        %get3A_1265 = arith.constant 48 : index
        %get3A_1266 = tpu.vector_load %arg6[%get3A_1262, %get3A_1263, %get3A_1264, %get3A_1265] {strides = array<i32>} : memref<4x8x20x64xf32, #tpu.memory_space<vmem>>, vector<1x1x1x16xf32>,
        %get3A_1267 = vector.shape_cast %get3A_1266 : vector<1x1x1x16xf32> to vector<16xf32>
        %mul3A_1268 = arith.constant 8.000000e+00 : f32
        %mul3A_1269 = vector.broadcast %mul3A_1268 : f32 to vector<16xf32>
        %mul3A_1270 = arith.mulf %get3A_1267, %mul3A_1269 : vector<16xf32>
        %swap3A_1271 = arith.constant 0 : i32
        %swap3A_1272 = arith.index_cast %swap3A_1271 : i32 to index
        %swap3A_1273 = arith.index_cast %multiple_of3A_1258 : i32 to index
        %swap3A_1274 = tpu.vector_load %arg7[%swap3A_1272, %swap3A_1273] {strides = array<i32>} : memref<2x20480xf32, #tpu.memory_space<vmem>>, vector<1x16xf32>,
        %swap3A_1275 = vector.shape_cast %swap3A_1274 : vector<1x16xf32> to vector<16xf32>
        %swap3A_1276 = vector.shape_cast %mul3A_1270 : vector<16xf32> to vector<1x16xf32>
        tpu.vector_store %arg7[%swap3A_1272, %swap3A_1273], %swap3A_1276 {strides = array<i32>} : memref<2x20480xf32, #tpu.memory_space<vmem>>, vector<1x16xf32>,
        %mul3A_1277 = arith.constant 2560 : i32
        %mul3A_1278 = arith.muli %select_n3A, %mul3A_1277 : i32
        %add3A_1279 = arith.constant 3 : i32
        %add3A_1280 = arith.addi %mul3A_942, %add3A_1279 : i32
        %mul3A_1281 = arith.constant 128 : i32
        %mul3A_1282 = arith.muli %add3A_1280, %mul3A_1281 : i32
        %add3A_1283 = arith.addi %mul3A_1278, %mul3A_1282 : i32
        %add3A_1284 = arith.constant 0 : i32
        %add3A_1285 = arith.addi %add3A_1283, %add3A_1284 : i32
        %multiple_of3A_1286 = tpu.assume_multiple %add3A_1285, 16 : i32
        %add3A_1287 = arith.constant 3 : i32
        %add3A_1288 = arith.addi %mul3A_942, %add3A_1287 : i32
        %get3A_1289 = arith.constant 0 : i32
        %get3A_1290 = arith.index_cast %get3A_1289 : i32 to index
        %get3A_1291 = arith.index_cast %select_n3A : i32 to index
        %get3A_1292 = arith.index_cast %add3A_1288 : i32 to index
        %get3A_1293 = arith.constant 0 : index
        %get3A_1294 = tpu.vector_load %arg6[%get3A_1290, %get3A_1291, %get3A_1292, %get3A_1293] {strides = array<i32>} : memref<4x8x20x64xf32, #tpu.memory_space<vmem>>, vector<1x1x1x16xf32>,
        %get3A_1295 = vector.shape_cast %get3A_1294 : vector<1x1x1x16xf32> to vector<16xf32>
        %mul3A_1296 = arith.constant 8.000000e+00 : f32
        %mul3A_1297 = vector.broadcast %mul3A_1296 : f32 to vector<16xf32>
        %mul3A_1298 = arith.mulf %get3A_1295, %mul3A_1297 : vector<16xf32>
        %swap3A_1299 = arith.constant 0 : i32
        %swap3A_1300 = arith.index_cast %swap3A_1299 : i32 to index
        %swap3A_1301 = arith.index_cast %multiple_of3A_1286 : i32 to index
        %swap3A_1302 = tpu.vector_load %arg7[%swap3A_1300, %swap3A_1301] {strides = array<i32>} : memref<2x20480xf32, #tpu.memory_space<vmem>>, vector<1x16xf32>,
        %swap3A_1303 = vector.shape_cast %swap3A_1302 : vector<1x16xf32> to vector<16xf32>
        %swap3A_1304 = vector.shape_cast %mul3A_1298 : vector<16xf32> to vector<1x16xf32>
        tpu.vector_store %arg7[%swap3A_1300, %swap3A_1301], %swap3A_1304 {strides = array<i32>} : memref<2x20480xf32, #tpu.memory_space<vmem>>, vector<1x16xf32>,
        %mul3A_1305 = arith.constant 2560 : i32
        %mul3A_1306 = arith.muli %select_n3A, %mul3A_1305 : i32
        %add3A_1307 = arith.constant 3 : i32
        %add3A_1308 = arith.addi %mul3A_942, %add3A_1307 : i32
        %mul3A_1309 = arith.constant 128 : i32
        %mul3A_1310 = arith.muli %add3A_1308, %mul3A_1309 : i32
        %add3A_1311 = arith.addi %mul3A_1306, %mul3A_1310 : i32
        %add3A_1312 = arith.constant 16 : i32
        %add3A_1313 = arith.addi %add3A_1311, %add3A_1312 : i32
        %multiple_of3A_1314 = tpu.assume_multiple %add3A_1313, 16 : i32
        %add3A_1315 = arith.constant 3 : i32
        %add3A_1316 = arith.addi %mul3A_942, %add3A_1315 : i32
        %get3A_1317 = arith.constant 0 : i32
        %get3A_1318 = arith.index_cast %get3A_1317 : i32 to index
        %get3A_1319 = arith.index_cast %select_n3A : i32 to index
        %get3A_1320 = arith.index_cast %add3A_1316 : i32 to index
        %get3A_1321 = arith.constant 16 : index
        %get3A_1322 = tpu.vector_load %arg6[%get3A_1318, %get3A_1319, %get3A_1320, %get3A_1321] {strides = array<i32>} : memref<4x8x20x64xf32, #tpu.memory_space<vmem>>, vector<1x1x1x16xf32>,
        %get3A_1323 = vector.shape_cast %get3A_1322 : vector<1x1x1x16xf32> to vector<16xf32>
        %mul3A_1324 = arith.constant 8.000000e+00 : f32
        %mul3A_1325 = vector.broadcast %mul3A_1324 : f32 to vector<16xf32>
        %mul3A_1326 = arith.mulf %get3A_1323, %mul3A_1325 : vector<16xf32>
        %swap3A_1327 = arith.constant 0 : i32
        %swap3A_1328 = arith.index_cast %swap3A_1327 : i32 to index
        %swap3A_1329 = arith.index_cast %multiple_of3A_1314 : i32 to index
        %swap3A_1330 = tpu.vector_load %arg7[%swap3A_1328, %swap3A_1329] {strides = array<i32>} : memref<2x20480xf32, #tpu.memory_space<vmem>>, vector<1x16xf32>,
        %swap3A_1331 = vector.shape_cast %swap3A_1330 : vector<1x16xf32> to vector<16xf32>
        %swap3A_1332 = vector.shape_cast %mul3A_1326 : vector<16xf32> to vector<1x16xf32>
        tpu.vector_store %arg7[%swap3A_1328, %swap3A_1329], %swap3A_1332 {strides = array<i32>} : memref<2x20480xf32, #tpu.memory_space<vmem>>, vector<1x16xf32>,
        %mul3A_1333 = arith.constant 2560 : i32
        %mul3A_1334 = arith.muli %select_n3A, %mul3A_1333 : i32
        %add3A_1335 = arith.constant 3 : i32
        %add3A_1336 = arith.addi %mul3A_942, %add3A_1335 : i32
        %mul3A_1337 = arith.constant 128 : i32
        %mul3A_1338 = arith.muli %add3A_1336, %mul3A_1337 : i32
        %add3A_1339 = arith.addi %mul3A_1334, %mul3A_1338 : i32
        %add3A_1340 = arith.constant 32 : i32
        %add3A_1341 = arith.addi %add3A_1339, %add3A_1340 : i32
        %multiple_of3A_1342 = tpu.assume_multiple %add3A_1341, 16 : i32
        %add3A_1343 = arith.constant 3 : i32
        %add3A_1344 = arith.addi %mul3A_942, %add3A_1343 : i32
        %get3A_1345 = arith.constant 0 : i32
        %get3A_1346 = arith.index_cast %get3A_1345 : i32 to index
        %get3A_1347 = arith.index_cast %select_n3A : i32 to index
        %get3A_1348 = arith.index_cast %add3A_1344 : i32 to index
        %get3A_1349 = arith.constant 32 : index
        %get3A_1350 = tpu.vector_load %arg6[%get3A_1346, %get3A_1347, %get3A_1348, %get3A_1349] {strides = array<i32>} : memref<4x8x20x64xf32, #tpu.memory_space<vmem>>, vector<1x1x1x16xf32>,
        %get3A_1351 = vector.shape_cast %get3A_1350 : vector<1x1x1x16xf32> to vector<16xf32>
        %mul3A_1352 = arith.constant 8.000000e+00 : f32
        %mul3A_1353 = vector.broadcast %mul3A_1352 : f32 to vector<16xf32>
        %mul3A_1354 = arith.mulf %get3A_1351, %mul3A_1353 : vector<16xf32>
        %swap3A_1355 = arith.constant 0 : i32
        %swap3A_1356 = arith.index_cast %swap3A_1355 : i32 to index
        %swap3A_1357 = arith.index_cast %multiple_of3A_1342 : i32 to index
        %swap3A_1358 = tpu.vector_load %arg7[%swap3A_1356, %swap3A_1357] {strides = array<i32>} : memref<2x20480xf32, #tpu.memory_space<vmem>>, vector<1x16xf32>,
        %swap3A_1359 = vector.shape_cast %swap3A_1358 : vector<1x16xf32> to vector<16xf32>
        %swap3A_1360 = vector.shape_cast %mul3A_1354 : vector<16xf32> to vector<1x16xf32>
        tpu.vector_store %arg7[%swap3A_1356, %swap3A_1357], %swap3A_1360 {strides = array<i32>} : memref<2x20480xf32, #tpu.memory_space<vmem>>, vector<1x16xf32>,
        %mul3A_1361 = arith.constant 2560 : i32
        %mul3A_1362 = arith.muli %select_n3A, %mul3A_1361 : i32
        %add3A_1363 = arith.constant 3 : i32
        %add3A_1364 = arith.addi %mul3A_942, %add3A_1363 : i32
        %mul3A_1365 = arith.constant 128 : i32
        %mul3A_1366 = arith.muli %add3A_1364, %mul3A_1365 : i32
        %add3A_1367 = arith.addi %mul3A_1362, %mul3A_1366 : i32
        %add3A_1368 = arith.constant 48 : i32
        %add3A_1369 = arith.addi %add3A_1367, %add3A_1368 : i32
        %multiple_of3A_1370 = tpu.assume_multiple %add3A_1369, 16 : i32
        %add3A_1371 = arith.constant 3 : i32
        %add3A_1372 = arith.addi %mul3A_942, %add3A_1371 : i32
        %get3A_1373 = arith.constant 0 : i32
        %get3A_1374 = arith.index_cast %get3A_1373 : i32 to index
        %get3A_1375 = arith.index_cast %select_n3A : i32 to index
        %get3A_1376 = arith.index_cast %add3A_1372 : i32 to index
        %get3A_1377 = arith.constant 48 : index
        %get3A_1378 = tpu.vector_load %arg6[%get3A_1374, %get3A_1375, %get3A_1376, %get3A_1377] {strides = array<i32>} : memref<4x8x20x64xf32, #tpu.memory_space<vmem>>, vector<1x1x1x16xf32>,
        %get3A_1379 = vector.shape_cast %get3A_1378 : vector<1x1x1x16xf32> to vector<16xf32>
        %mul3A_1380 = arith.constant 8.000000e+00 : f32
        %mul3A_1381 = vector.broadcast %mul3A_1380 : f32 to vector<16xf32>
        %mul3A_1382 = arith.mulf %get3A_1379, %mul3A_1381 : vector<16xf32>
        %swap3A_1383 = arith.constant 0 : i32
        %swap3A_1384 = arith.index_cast %swap3A_1383 : i32 to index
        %swap3A_1385 = arith.index_cast %multiple_of3A_1370 : i32 to index
        %swap3A_1386 = tpu.vector_load %arg7[%swap3A_1384, %swap3A_1385] {strides = array<i32>} : memref<2x20480xf32, #tpu.memory_space<vmem>>, vector<1x16xf32>,
        %swap3A_1387 = vector.shape_cast %swap3A_1386 : vector<1x16xf32> to vector<16xf32>
        %swap3A_1388 = vector.shape_cast %mul3A_1382 : vector<16xf32> to vector<1x16xf32>
        tpu.vector_store %arg7[%swap3A_1384, %swap3A_1385], %swap3A_1388 {strides = array<i32>} : memref<2x20480xf32, #tpu.memory_space<vmem>>, vector<1x16xf32>,
      }
      %scan3A_265 = arith.constant 40 : i32
      %mul3A_266 = arith.constant 8 : i32
      %mul3A_267 = arith.muli %add3A_240, %mul3A_266 : i32
      %add3A_268 = arith.addi %multiple_of3A, %mul3A_267 : i32
      %add3A_269 = arith.constant 0 : i32
      %add3A_270 = arith.addi %add3A_268, %add3A_269 : i32
      %mul3A_271 = arith.constant 3072 : i32
      %mul3A_272 = arith.muli %add3A_270, %mul3A_271 : i32
      %multiple_of3A_273 = tpu.assume_multiple %mul3A_272, 1024 : i32
      %dma_start3A_274 = arith.constant 0 : i32
      %dma_start3A_275 = arith.constant 0 : i32
      %dma_start3A_276 = tpu.memref_slice %arg7[%dma_start3A_274, %dma_start3A_275] : memref<2x20480xf32, #tpu.memory_space<vmem>> -> memref<1x2560xf32, #tpu.memory_space<vmem>>
      %dma_start3A_277 = tpu.memref_squeeze %dma_start3A_276 : memref<1x2560xf32, #tpu.memory_space<vmem>> -> memref<2560xf32, #tpu.memory_space<vmem>>
      %dma_start3A_278 = tpu.memref_slice %arg4[%multiple_of3A_273] : memref<50331648xf32, #tpu.memory_space<hbm>> -> memref<2560xf32, #tpu.memory_space<hbm>>
      %dma_start3A_279 = tpu.memref_slice %arg4[%multiple_of3A_273] : memref<50331648xf32, #tpu.memory_space<hbm>> -> memref<2560xf32, #tpu.memory_space<hbm>>
      %dma_start3A_280 = arith.constant 0 : i32
      %dma_start3A_281 = tpu.memref_slice %arg7[%dma_start3A_274, %dma_start3A_280] : memref<2x20480xf32, #tpu.memory_space<vmem>> -> memref<1x2560xf32, #tpu.memory_space<vmem>>
      %dma_start3A_282 = tpu.memref_squeeze %dma_start3A_281 : memref<1x2560xf32, #tpu.memory_space<vmem>> -> memref<2560xf32, #tpu.memory_space<vmem>>
      tpu.enqueue_dma source(%dma_start3A_282 : memref<2560xf32, #tpu.memory_space<vmem>>) target(%dma_start3A_279 : memref<2560xf32, #tpu.memory_space<hbm>>) target_semaphore(%arg12 : memref<!tpu.dma_semaphore, #tpu.memory_space<semaphore_mem>>)
      %mul3A_283 = arith.constant 8 : i32
      %mul3A_284 = arith.muli %add3A_240, %mul3A_283 : i32
      %add3A_285 = arith.addi %multiple_of3A, %mul3A_284 : i32
      %add3A_286 = arith.constant 1 : i32
      %add3A_287 = arith.addi %add3A_285, %add3A_286 : i32
      %mul3A_288 = arith.constant 3072 : i32
      %mul3A_289 = arith.muli %add3A_287, %mul3A_288 : i32
      %multiple_of3A_290 = tpu.assume_multiple %mul3A_289, 1024 : i32
      %dma_start3A_291 = arith.constant 0 : i32
      %dma_start3A_292 = arith.constant 2560 : i32
      %dma_start3A_293 = tpu.memref_slice %arg7[%dma_start3A_291, %dma_start3A_292] : memref<2x20480xf32, #tpu.memory_space<vmem>> -> memref<1x2560xf32, #tpu.memory_space<vmem>>
      %dma_start3A_294 = tpu.memref_squeeze %dma_start3A_293 : memref<1x2560xf32, #tpu.memory_space<vmem>> -> memref<2560xf32, #tpu.memory_space<vmem>>
      %dma_start3A_295 = tpu.memref_slice %arg4[%multiple_of3A_290] : memref<50331648xf32, #tpu.memory_space<hbm>> -> memref<2560xf32, #tpu.memory_space<hbm>>
      %dma_start3A_296 = tpu.memref_slice %arg4[%multiple_of3A_290] : memref<50331648xf32, #tpu.memory_space<hbm>> -> memref<2560xf32, #tpu.memory_space<hbm>>
      %dma_start3A_297 = arith.constant 2560 : i32
      %dma_start3A_298 = tpu.memref_slice %arg7[%dma_start3A_291, %dma_start3A_297] : memref<2x20480xf32, #tpu.memory_space<vmem>> -> memref<1x2560xf32, #tpu.memory_space<vmem>>
      %dma_start3A_299 = tpu.memref_squeeze %dma_start3A_298 : memref<1x2560xf32, #tpu.memory_space<vmem>> -> memref<2560xf32, #tpu.memory_space<vmem>>
      tpu.enqueue_dma source(%dma_start3A_299 : memref<2560xf32, #tpu.memory_space<vmem>>) target(%dma_start3A_296 : memref<2560xf32, #tpu.memory_space<hbm>>) target_semaphore(%arg12 : memref<!tpu.dma_semaphore, #tpu.memory_space<semaphore_mem>>)
      %mul3A_300 = arith.constant 8 : i32
      %mul3A_301 = arith.muli %add3A_240, %mul3A_300 : i32
      %add3A_302 = arith.addi %multiple_of3A, %mul3A_301 : i32
      %add3A_303 = arith.constant 2 : i32
      %add3A_304 = arith.addi %add3A_302, %add3A_303 : i32
      %mul3A_305 = arith.constant 3072 : i32
      %mul3A_306 = arith.muli %add3A_304, %mul3A_305 : i32
      %multiple_of3A_307 = tpu.assume_multiple %mul3A_306, 1024 : i32
      %dma_start3A_308 = arith.constant 0 : i32
      %dma_start3A_309 = arith.constant 5120 : i32
      %dma_start3A_310 = tpu.memref_slice %arg7[%dma_start3A_308, %dma_start3A_309] : memref<2x20480xf32, #tpu.memory_space<vmem>> -> memref<1x2560xf32, #tpu.memory_space<vmem>>
      %dma_start3A_311 = tpu.memref_squeeze %dma_start3A_310 : memref<1x2560xf32, #tpu.memory_space<vmem>> -> memref<2560xf32, #tpu.memory_space<vmem>>
      %dma_start3A_312 = tpu.memref_slice %arg4[%multiple_of3A_307] : memref<50331648xf32, #tpu.memory_space<hbm>> -> memref<2560xf32, #tpu.memory_space<hbm>>
      %dma_start3A_313 = tpu.memref_slice %arg4[%multiple_of3A_307] : memref<50331648xf32, #tpu.memory_space<hbm>> -> memref<2560xf32, #tpu.memory_space<hbm>>
      %dma_start3A_314 = arith.constant 5120 : i32
      %dma_start3A_315 = tpu.memref_slice %arg7[%dma_start3A_308, %dma_start3A_314] : memref<2x20480xf32, #tpu.memory_space<vmem>> -> memref<1x2560xf32, #tpu.memory_space<vmem>>
      %dma_start3A_316 = tpu.memref_squeeze %dma_start3A_315 : memref<1x2560xf32, #tpu.memory_space<vmem>> -> memref<2560xf32, #tpu.memory_space<vmem>>
      tpu.enqueue_dma source(%dma_start3A_316 : memref<2560xf32, #tpu.memory_space<vmem>>) target(%dma_start3A_313 : memref<2560xf32, #tpu.memory_space<hbm>>) target_semaphore(%arg12 : memref<!tpu.dma_semaphore, #tpu.memory_space<semaphore_mem>>)
      %mul3A_317 = arith.constant 8 : i32
      %mul3A_318 = arith.muli %add3A_240, %mul3A_317 : i32
      %add3A_319 = arith.addi %multiple_of3A, %mul3A_318 : i32
      %add3A_320 = arith.constant 3 : i32
      %add3A_321 = arith.addi %add3A_319, %add3A_320 : i32
      %mul3A_322 = arith.constant 3072 : i32
      %mul3A_323 = arith.muli %add3A_321, %mul3A_322 : i32
      %multiple_of3A_324 = tpu.assume_multiple %mul3A_323, 1024 : i32
      %dma_start3A_325 = arith.constant 0 : i32
      %dma_start3A_326 = arith.constant 7680 : i32
      %dma_start3A_327 = tpu.memref_slice %arg7[%dma_start3A_325, %dma_start3A_326] : memref<2x20480xf32, #tpu.memory_space<vmem>> -> memref<1x2560xf32, #tpu.memory_space<vmem>>
      %dma_start3A_328 = tpu.memref_squeeze %dma_start3A_327 : memref<1x2560xf32, #tpu.memory_space<vmem>> -> memref<2560xf32, #tpu.memory_space<vmem>>
      %dma_start3A_329 = tpu.memref_slice %arg4[%multiple_of3A_324] : memref<50331648xf32, #tpu.memory_space<hbm>> -> memref<2560xf32, #tpu.memory_space<hbm>>
      %dma_start3A_330 = tpu.memref_slice %arg4[%multiple_of3A_324] : memref<50331648xf32, #tpu.memory_space<hbm>> -> memref<2560xf32, #tpu.memory_space<hbm>>
      %dma_start3A_331 = arith.constant 7680 : i32
      %dma_start3A_332 = tpu.memref_slice %arg7[%dma_start3A_325, %dma_start3A_331] : memref<2x20480xf32, #tpu.memory_space<vmem>> -> memref<1x2560xf32, #tpu.memory_space<vmem>>
      %dma_start3A_333 = tpu.memref_squeeze %dma_start3A_332 : memref<1x2560xf32, #tpu.memory_space<vmem>> -> memref<2560xf32, #tpu.memory_space<vmem>>
      tpu.enqueue_dma source(%dma_start3A_333 : memref<2560xf32, #tpu.memory_space<vmem>>) target(%dma_start3A_330 : memref<2560xf32, #tpu.memory_space<hbm>>) target_semaphore(%arg12 : memref<!tpu.dma_semaphore, #tpu.memory_space<semaphore_mem>>)
      %mul3A_334 = arith.constant 8 : i32
      %mul3A_335 = arith.muli %add3A_240, %mul3A_334 : i32
      %add3A_336 = arith.addi %multiple_of3A, %mul3A_335 : i32
      %add3A_337 = arith.constant 4 : i32
      %add3A_338 = arith.addi %add3A_336, %add3A_337 : i32
      %mul3A_339 = arith.constant 3072 : i32
      %mul3A_340 = arith.muli %add3A_338, %mul3A_339 : i32
      %multiple_of3A_341 = tpu.assume_multiple %mul3A_340, 1024 : i32
      %dma_start3A_342 = arith.constant 0 : i32
      %dma_start3A_343 = arith.constant 10240 : i32
      %dma_start3A_344 = tpu.memref_slice %arg7[%dma_start3A_342, %dma_start3A_343] : memref<2x20480xf32, #tpu.memory_space<vmem>> -> memref<1x2560xf32, #tpu.memory_space<vmem>>
      %dma_start3A_345 = tpu.memref_squeeze %dma_start3A_344 : memref<1x2560xf32, #tpu.memory_space<vmem>> -> memref<2560xf32, #tpu.memory_space<vmem>>
      %dma_start3A_346 = tpu.memref_slice %arg4[%multiple_of3A_341] : memref<50331648xf32, #tpu.memory_space<hbm>> -> memref<2560xf32, #tpu.memory_space<hbm>>
      %dma_start3A_347 = tpu.memref_slice %arg4[%multiple_of3A_341] : memref<50331648xf32, #tpu.memory_space<hbm>> -> memref<2560xf32, #tpu.memory_space<hbm>>
      %dma_start3A_348 = arith.constant 10240 : i32
      %dma_start3A_349 = tpu.memref_slice %arg7[%dma_start3A_342, %dma_start3A_348] : memref<2x20480xf32, #tpu.memory_space<vmem>> -> memref<1x2560xf32, #tpu.memory_space<vmem>>
      %dma_start3A_350 = tpu.memref_squeeze %dma_start3A_349 : memref<1x2560xf32, #tpu.memory_space<vmem>> -> memref<2560xf32, #tpu.memory_space<vmem>>
      tpu.enqueue_dma source(%dma_start3A_350 : memref<2560xf32, #tpu.memory_space<vmem>>) target(%dma_start3A_347 : memref<2560xf32, #tpu.memory_space<hbm>>) target_semaphore(%arg12 : memref<!tpu.dma_semaphore, #tpu.memory_space<semaphore_mem>>)
      %mul3A_351 = arith.constant 8 : i32
      %mul3A_352 = arith.muli %add3A_240, %mul3A_351 : i32
      %add3A_353 = arith.addi %multiple_of3A, %mul3A_352 : i32
      %add3A_354 = arith.constant 5 : i32
      %add3A_355 = arith.addi %add3A_353, %add3A_354 : i32
      %mul3A_356 = arith.constant 3072 : i32
      %mul3A_357 = arith.muli %add3A_355, %mul3A_356 : i32
      %multiple_of3A_358 = tpu.assume_multiple %mul3A_357, 1024 : i32
      %dma_start3A_359 = arith.constant 0 : i32
      %dma_start3A_360 = arith.constant 12800 : i32
      %dma_start3A_361 = tpu.memref_slice %arg7[%dma_start3A_359, %dma_start3A_360] : memref<2x20480xf32, #tpu.memory_space<vmem>> -> memref<1x2560xf32, #tpu.memory_space<vmem>>
      %dma_start3A_362 = tpu.memref_squeeze %dma_start3A_361 : memref<1x2560xf32, #tpu.memory_space<vmem>> -> memref<2560xf32, #tpu.memory_space<vmem>>
      %dma_start3A_363 = tpu.memref_slice %arg4[%multiple_of3A_358] : memref<50331648xf32, #tpu.memory_space<hbm>> -> memref<2560xf32, #tpu.memory_space<hbm>>
      %dma_start3A_364 = tpu.memref_slice %arg4[%multiple_of3A_358] : memref<50331648xf32, #tpu.memory_space<hbm>> -> memref<2560xf32, #tpu.memory_space<hbm>>
      %dma_start3A_365 = arith.constant 12800 : i32
      %dma_start3A_366 = tpu.memref_slice %arg7[%dma_start3A_359, %dma_start3A_365] : memref<2x20480xf32, #tpu.memory_space<vmem>> -> memref<1x2560xf32, #tpu.memory_space<vmem>>
      %dma_start3A_367 = tpu.memref_squeeze %dma_start3A_366 : memref<1x2560xf32, #tpu.memory_space<vmem>> -> memref<2560xf32, #tpu.memory_space<vmem>>
      tpu.enqueue_dma source(%dma_start3A_367 : memref<2560xf32, #tpu.memory_space<vmem>>) target(%dma_start3A_364 : memref<2560xf32, #tpu.memory_space<hbm>>) target_semaphore(%arg12 : memref<!tpu.dma_semaphore, #tpu.memory_space<semaphore_mem>>)
      %mul3A_368 = arith.constant 8 : i32
      %mul3A_369 = arith.muli %add3A_240, %mul3A_368 : i32
      %add3A_370 = arith.addi %multiple_of3A, %mul3A_369 : i32
      %add3A_371 = arith.constant 6 : i32
      %add3A_372 = arith.addi %add3A_370, %add3A_371 : i32
      %mul3A_373 = arith.constant 3072 : i32
      %mul3A_374 = arith.muli %add3A_372, %mul3A_373 : i32
      %multiple_of3A_375 = tpu.assume_multiple %mul3A_374, 1024 : i32
      %dma_start3A_376 = arith.constant 0 : i32
      %dma_start3A_377 = arith.constant 15360 : i32
      %dma_start3A_378 = tpu.memref_slice %arg7[%dma_start3A_376, %dma_start3A_377] : memref<2x20480xf32, #tpu.memory_space<vmem>> -> memref<1x2560xf32, #tpu.memory_space<vmem>>
      %dma_start3A_379 = tpu.memref_squeeze %dma_start3A_378 : memref<1x2560xf32, #tpu.memory_space<vmem>> -> memref<2560xf32, #tpu.memory_space<vmem>>
      %dma_start3A_380 = tpu.memref_slice %arg4[%multiple_of3A_375] : memref<50331648xf32, #tpu.memory_space<hbm>> -> memref<2560xf32, #tpu.memory_space<hbm>>
      %dma_start3A_381 = tpu.memref_slice %arg4[%multiple_of3A_375] : memref<50331648xf32, #tpu.memory_space<hbm>> -> memref<2560xf32, #tpu.memory_space<hbm>>
      %dma_start3A_382 = arith.constant 15360 : i32
      %dma_start3A_383 = tpu.memref_slice %arg7[%dma_start3A_376, %dma_start3A_382] : memref<2x20480xf32, #tpu.memory_space<vmem>> -> memref<1x2560xf32, #tpu.memory_space<vmem>>
      %dma_start3A_384 = tpu.memref_squeeze %dma_start3A_383 : memref<1x2560xf32, #tpu.memory_space<vmem>> -> memref<2560xf32, #tpu.memory_space<vmem>>
      tpu.enqueue_dma source(%dma_start3A_384 : memref<2560xf32, #tpu.memory_space<vmem>>) target(%dma_start3A_381 : memref<2560xf32, #tpu.memory_space<hbm>>) target_semaphore(%arg12 : memref<!tpu.dma_semaphore, #tpu.memory_space<semaphore_mem>>)
      %mul3A_385 = arith.constant 8 : i32
      %mul3A_386 = arith.muli %add3A_240, %mul3A_385 : i32
      %add3A_387 = arith.addi %multiple_of3A, %mul3A_386 : i32
      %add3A_388 = arith.constant 7 : i32
      %add3A_389 = arith.addi %add3A_387, %add3A_388 : i32
      %mul3A_390 = arith.constant 3072 : i32
      %mul3A_391 = arith.muli %add3A_389, %mul3A_390 : i32
      %multiple_of3A_392 = tpu.assume_multiple %mul3A_391, 1024 : i32
      %dma_start3A_393 = arith.constant 0 : i32
      %dma_start3A_394 = arith.constant 17920 : i32
      %dma_start3A_395 = tpu.memref_slice %arg7[%dma_start3A_393, %dma_start3A_394] : memref<2x20480xf32, #tpu.memory_space<vmem>> -> memref<1x2560xf32, #tpu.memory_space<vmem>>
      %dma_start3A_396 = tpu.memref_squeeze %dma_start3A_395 : memref<1x2560xf32, #tpu.memory_space<vmem>> -> memref<2560xf32, #tpu.memory_space<vmem>>
      %dma_start3A_397 = tpu.memref_slice %arg4[%multiple_of3A_392] : memref<50331648xf32, #tpu.memory_space<hbm>> -> memref<2560xf32, #tpu.memory_space<hbm>>
      %dma_start3A_398 = tpu.memref_slice %arg4[%multiple_of3A_392] : memref<50331648xf32, #tpu.memory_space<hbm>> -> memref<2560xf32, #tpu.memory_space<hbm>>
      %dma_start3A_399 = arith.constant 17920 : i32
      %dma_start3A_400 = tpu.memref_slice %arg7[%dma_start3A_393, %dma_start3A_399] : memref<2x20480xf32, #tpu.memory_space<vmem>> -> memref<1x2560xf32, #tpu.memory_space<vmem>>
      %dma_start3A_401 = tpu.memref_squeeze %dma_start3A_400 : memref<1x2560xf32, #tpu.memory_space<vmem>> -> memref<2560xf32, #tpu.memory_space<vmem>>
      tpu.enqueue_dma source(%dma_start3A_401 : memref<2560xf32, #tpu.memory_space<vmem>>) target(%dma_start3A_398 : memref<2560xf32, #tpu.memory_space<hbm>>) target_semaphore(%arg12 : memref<!tpu.dma_semaphore, #tpu.memory_space<semaphore_mem>>)
      %mul3A_402 = arith.constant 4 : i32
      %mul3A_403 = arith.muli %scan3A_236, %mul3A_402 : i32
      %add3A_404 = arith.constant 1 : i32
      %add3A_405 = arith.addi %mul3A_403, %add3A_404 : i32
      %add3A_406 = arith.constant 2 : i32
      %add3A_407 = arith.addi %add3A_405, %add3A_406 : i32
      %lt3A_408 = arith.constant 64 : i32
      %lt3A_409 = arith.cmpi slt, %add3A_407, %lt3A_408 : i32
      %convert_element_type3A_410 = arith.extui %lt3A_409 : i1 to i32
      %cond3A_411 = arith.constant 0 : i32
      %cond3A_412 = arith.cmpi ne, %convert_element_type3A_410, %cond3A_411 : i32
      scf.if %cond3A_412 {
        %mul3A_909 = arith.constant 8 : i32
        %mul3A_910 = arith.muli %add3A_407, %mul3A_909 : i32
        %add3A_911 = arith.constant 0 : i32
        %add3A_912 = arith.addi %mul3A_910, %add3A_911 : i32
        %dma_start3A_913 = arith.constant 3 : i32
        %dma_start3A_914 = arith.constant 0 : i32
        %dma_start3A_915 = arith.constant 0 : i32
        %dma_start3A_916 = arith.constant 0 : i32
        %dma_start3A_917 = tpu.memref_slice %arg6[%dma_start3A_913, %dma_start3A_914, %dma_start3A_915, %dma_start3A_916] : memref<4x8x20x64xf32, #tpu.memory_space<vmem>> -> memref<1x1x20x64xf32, #tpu.memory_space<vmem>>
        %dma_start3A_918 = tpu.memref_squeeze %dma_start3A_917 : memref<1x1x20x64xf32, #tpu.memory_space<vmem>> -> memref<20x64xf32, #tpu.memory_space<vmem>>
        %dma_start3A_919 = arith.constant 0 : i32
        %dma_start3A_920 = tpu.memref_slice %arg5[%add3A_912, %dma_start3A_919] : memref<512x20xi32, #tpu.memory_space<vmem>> -> memref<1x20xi32, #tpu.memory_space<vmem>>
        %dma_start3A_921 = tpu.memref_squeeze %dma_start3A_920 : memref<1x20xi32, #tpu.memory_space<vmem>> -> memref<20xi32, #tpu.memory_space<vmem>>
        %dma_start3A_922 = arith.constant 0 : i32
        %dma_start3A_923 = arith.constant 0 : i32
        %dma_start3A_924 = tpu.memref_slice %arg3[%dma_start3A_922, %dma_start3A_923] : memref<1000000x64xf32, #tpu.memory_space<hbm>> -> memref<1000000x64xf32, #tpu.memory_space<hbm>>
        tpu.enqueue_indirect_dma source(%dma_start3A_924 : memref<1000000x64xf32, #tpu.memory_space<hbm>>) target(%dma_start3A_918 : memref<20x64xf32, #tpu.memory_space<vmem>>) offsets(%dma_start3A_921 : memref<20xi32, #tpu.memory_space<vmem>>) semaphore(%arg11 : memref<!tpu.dma_semaphore, #tpu.memory_space<semaphore_mem>>)
        %mul3A_925 = arith.constant 8 : i32
        %mul3A_926 = arith.muli %add3A_407, %mul3A_925 : i32
        %add3A_927 = arith.constant 1 : i32
        %add3A_928 = arith.addi %mul3A_926, %add3A_927 : i32
        %dma_start3A_929 = arith.constant 3 : i32
        %dma_start3A_930 = arith.constant 1 : i32
        %dma_start3A_931 = arith.constant 0 : i32
        %dma_start3A_932 = arith.constant 0 : i32
        %dma_start3A_933 = tpu.memref_slice %arg6[%dma_start3A_929, %dma_start3A_930, %dma_start3A_931, %dma_start3A_932] : memref<4x8x20x64xf32, #tpu.memory_space<vmem>> -> memref<1x1x20x64xf32, #tpu.memory_space<vmem>>
        %dma_start3A_934 = tpu.memref_squeeze %dma_start3A_933 : memref<1x1x20x64xf32, #tpu.memory_space<vmem>> -> memref<20x64xf32, #tpu.memory_space<vmem>>
        %dma_start3A_935 = arith.constant 0 : i32
        %dma_start3A_936 = tpu.memref_slice %arg5[%add3A_928, %dma_start3A_935] : memref<512x20xi32, #tpu.memory_space<vmem>> -> memref<1x20xi32, #tpu.memory_space<vmem>>
        %dma_start3A_937 = tpu.memref_squeeze %dma_start3A_936 : memref<1x20xi32, #tpu.memory_space<vmem>> -> memref<20xi32, #tpu.memory_space<vmem>>
        %dma_start3A_938 = arith.constant 0 : i32
        %dma_start3A_939 = arith.constant 0 : i32
        %dma_start3A_940 = tpu.memref_slice %arg3[%dma_start3A_938, %dma_start3A_939] : memref<1000000x64xf32, #tpu.memory_space<hbm>> -> memref<1000000x64xf32, #tpu.memory_space<hbm>>
        tpu.enqueue_indirect_dma source(%dma_start3A_940 : memref<1000000x64xf32, #tpu.memory_space<hbm>>) target(%dma_start3A_934 : memref<20x64xf32, #tpu.memory_space<vmem>>) offsets(%dma_start3A_937 : memref<20xi32, #tpu.memory_space<vmem>>) semaphore(%arg11 : memref<!tpu.dma_semaphore, #tpu.memory_space<semaphore_mem>>)
        %mul3A_941 = arith.constant 8 : i32
        %mul3A_942 = arith.muli %add3A_407, %mul3A_941 : i32
        %add3A_943 = arith.constant 2 : i32
        %add3A_944 = arith.addi %mul3A_942, %add3A_943 : i32
        %dma_start3A_945 = arith.constant 3 : i32
        %dma_start3A_946 = arith.constant 2 : i32
        %dma_start3A_947 = arith.constant 0 : i32
        %dma_start3A_948 = arith.constant 0 : i32
        %dma_start3A_949 = tpu.memref_slice %arg6[%dma_start3A_945, %dma_start3A_946, %dma_start3A_947, %dma_start3A_948] : memref<4x8x20x64xf32, #tpu.memory_space<vmem>> -> memref<1x1x20x64xf32, #tpu.memory_space<vmem>>
        %dma_start3A_950 = tpu.memref_squeeze %dma_start3A_949 : memref<1x1x20x64xf32, #tpu.memory_space<vmem>> -> memref<20x64xf32, #tpu.memory_space<vmem>>
        %dma_start3A_951 = arith.constant 0 : i32
        %dma_start3A_952 = tpu.memref_slice %arg5[%add3A_944, %dma_start3A_951] : memref<512x20xi32, #tpu.memory_space<vmem>> -> memref<1x20xi32, #tpu.memory_space<vmem>>
        %dma_start3A_953 = tpu.memref_squeeze %dma_start3A_952 : memref<1x20xi32, #tpu.memory_space<vmem>> -> memref<20xi32, #tpu.memory_space<vmem>>
        %dma_start3A_954 = arith.constant 0 : i32
        %dma_start3A_955 = arith.constant 0 : i32
        %dma_start3A_956 = tpu.memref_slice %arg3[%dma_start3A_954, %dma_start3A_955] : memref<1000000x64xf32, #tpu.memory_space<hbm>> -> memref<1000000x64xf32, #tpu.memory_space<hbm>>
        tpu.enqueue_indirect_dma source(%dma_start3A_956 : memref<1000000x64xf32, #tpu.memory_space<hbm>>) target(%dma_start3A_950 : memref<20x64xf32, #tpu.memory_space<vmem>>) offsets(%dma_start3A_953 : memref<20xi32, #tpu.memory_space<vmem>>) semaphore(%arg11 : memref<!tpu.dma_semaphore, #tpu.memory_space<semaphore_mem>>)
        %mul3A_957 = arith.constant 8 : i32
        %mul3A_958 = arith.muli %add3A_407, %mul3A_957 : i32
        %add3A_959 = arith.constant 3 : i32
        %add3A_960 = arith.addi %mul3A_958, %add3A_959 : i32
        %dma_start3A_961 = arith.constant 3 : i32
        %dma_start3A_962 = arith.constant 3 : i32
        %dma_start3A_963 = arith.constant 0 : i32
        %dma_start3A_964 = arith.constant 0 : i32
        %dma_start3A_965 = tpu.memref_slice %arg6[%dma_start3A_961, %dma_start3A_962, %dma_start3A_963, %dma_start3A_964] : memref<4x8x20x64xf32, #tpu.memory_space<vmem>> -> memref<1x1x20x64xf32, #tpu.memory_space<vmem>>
        %dma_start3A_966 = tpu.memref_squeeze %dma_start3A_965 : memref<1x1x20x64xf32, #tpu.memory_space<vmem>> -> memref<20x64xf32, #tpu.memory_space<vmem>>
        %dma_start3A_967 = arith.constant 0 : i32
        %dma_start3A_968 = tpu.memref_slice %arg5[%add3A_960, %dma_start3A_967] : memref<512x20xi32, #tpu.memory_space<vmem>> -> memref<1x20xi32, #tpu.memory_space<vmem>>
        %dma_start3A_969 = tpu.memref_squeeze %dma_start3A_968 : memref<1x20xi32, #tpu.memory_space<vmem>> -> memref<20xi32, #tpu.memory_space<vmem>>
        %dma_start3A_970 = arith.constant 0 : i32
        %dma_start3A_971 = arith.constant 0 : i32
        %dma_start3A_972 = tpu.memref_slice %arg3[%dma_start3A_970, %dma_start3A_971] : memref<1000000x64xf32, #tpu.memory_space<hbm>> -> memref<1000000x64xf32, #tpu.memory_space<hbm>>
        tpu.enqueue_indirect_dma source(%dma_start3A_972 : memref<1000000x64xf32, #tpu.memory_space<hbm>>) target(%dma_start3A_966 : memref<20x64xf32, #tpu.memory_space<vmem>>) offsets(%dma_start3A_969 : memref<20xi32, #tpu.memory_space<vmem>>) semaphore(%arg11 : memref<!tpu.dma_semaphore, #tpu.memory_space<semaphore_mem>>)
        %mul3A_973 = arith.constant 8 : i32
        %mul3A_974 = arith.muli %add3A_407, %mul3A_973 : i32
        %add3A_975 = arith.constant 4 : i32
        %add3A_976 = arith.addi %mul3A_974, %add3A_975 : i32
        %dma_start3A_977 = arith.constant 3 : i32
        %dma_start3A_978 = arith.constant 4 : i32
        %dma_start3A_979 = arith.constant 0 : i32
        %dma_start3A_980 = arith.constant 0 : i32
        %dma_start3A_981 = tpu.memref_slice %arg6[%dma_start3A_977, %dma_start3A_978, %dma_start3A_979, %dma_start3A_980] : memref<4x8x20x64xf32, #tpu.memory_space<vmem>> -> memref<1x1x20x64xf32, #tpu.memory_space<vmem>>
        %dma_start3A_982 = tpu.memref_squeeze %dma_start3A_981 : memref<1x1x20x64xf32, #tpu.memory_space<vmem>> -> memref<20x64xf32, #tpu.memory_space<vmem>>
        %dma_start3A_983 = arith.constant 0 : i32
        %dma_start3A_984 = tpu.memref_slice %arg5[%add3A_976, %dma_start3A_983] : memref<512x20xi32, #tpu.memory_space<vmem>> -> memref<1x20xi32, #tpu.memory_space<vmem>>
        %dma_start3A_985 = tpu.memref_squeeze %dma_start3A_984 : memref<1x20xi32, #tpu.memory_space<vmem>> -> memref<20xi32, #tpu.memory_space<vmem>>
        %dma_start3A_986 = arith.constant 0 : i32
        %dma_start3A_987 = arith.constant 0 : i32
        %dma_start3A_988 = tpu.memref_slice %arg3[%dma_start3A_986, %dma_start3A_987] : memref<1000000x64xf32, #tpu.memory_space<hbm>> -> memref<1000000x64xf32, #tpu.memory_space<hbm>>
        tpu.enqueue_indirect_dma source(%dma_start3A_988 : memref<1000000x64xf32, #tpu.memory_space<hbm>>) target(%dma_start3A_982 : memref<20x64xf32, #tpu.memory_space<vmem>>) offsets(%dma_start3A_985 : memref<20xi32, #tpu.memory_space<vmem>>) semaphore(%arg11 : memref<!tpu.dma_semaphore, #tpu.memory_space<semaphore_mem>>)
        %mul3A_989 = arith.constant 8 : i32
        %mul3A_990 = arith.muli %add3A_407, %mul3A_989 : i32
        %add3A_991 = arith.constant 5 : i32
        %add3A_992 = arith.addi %mul3A_990, %add3A_991 : i32
        %dma_start3A_993 = arith.constant 3 : i32
        %dma_start3A_994 = arith.constant 5 : i32
        %dma_start3A_995 = arith.constant 0 : i32
        %dma_start3A_996 = arith.constant 0 : i32
        %dma_start3A_997 = tpu.memref_slice %arg6[%dma_start3A_993, %dma_start3A_994, %dma_start3A_995, %dma_start3A_996] : memref<4x8x20x64xf32, #tpu.memory_space<vmem>> -> memref<1x1x20x64xf32, #tpu.memory_space<vmem>>
        %dma_start3A_998 = tpu.memref_squeeze %dma_start3A_997 : memref<1x1x20x64xf32, #tpu.memory_space<vmem>> -> memref<20x64xf32, #tpu.memory_space<vmem>>
        %dma_start3A_999 = arith.constant 0 : i32
        %dma_start3A_1000 = tpu.memref_slice %arg5[%add3A_992, %dma_start3A_999] : memref<512x20xi32, #tpu.memory_space<vmem>> -> memref<1x20xi32, #tpu.memory_space<vmem>>
        %dma_start3A_1001 = tpu.memref_squeeze %dma_start3A_1000 : memref<1x20xi32, #tpu.memory_space<vmem>> -> memref<20xi32, #tpu.memory_space<vmem>>
        %dma_start3A_1002 = arith.constant 0 : i32
        %dma_start3A_1003 = arith.constant 0 : i32
        %dma_start3A_1004 = tpu.memref_slice %arg3[%dma_start3A_1002, %dma_start3A_1003] : memref<1000000x64xf32, #tpu.memory_space<hbm>> -> memref<1000000x64xf32, #tpu.memory_space<hbm>>
        tpu.enqueue_indirect_dma source(%dma_start3A_1004 : memref<1000000x64xf32, #tpu.memory_space<hbm>>) target(%dma_start3A_998 : memref<20x64xf32, #tpu.memory_space<vmem>>) offsets(%dma_start3A_1001 : memref<20xi32, #tpu.memory_space<vmem>>) semaphore(%arg11 : memref<!tpu.dma_semaphore, #tpu.memory_space<semaphore_mem>>)
        %mul3A_1005 = arith.constant 8 : i32
        %mul3A_1006 = arith.muli %add3A_407, %mul3A_1005 : i32
        %add3A_1007 = arith.constant 6 : i32
        %add3A_1008 = arith.addi %mul3A_1006, %add3A_1007 : i32
        %dma_start3A_1009 = arith.constant 3 : i32
        %dma_start3A_1010 = arith.constant 6 : i32
        %dma_start3A_1011 = arith.constant 0 : i32
        %dma_start3A_1012 = arith.constant 0 : i32
        %dma_start3A_1013 = tpu.memref_slice %arg6[%dma_start3A_1009, %dma_start3A_1010, %dma_start3A_1011, %dma_start3A_1012] : memref<4x8x20x64xf32, #tpu.memory_space<vmem>> -> memref<1x1x20x64xf32, #tpu.memory_space<vmem>>
        %dma_start3A_1014 = tpu.memref_squeeze %dma_start3A_1013 : memref<1x1x20x64xf32, #tpu.memory_space<vmem>> -> memref<20x64xf32, #tpu.memory_space<vmem>>
        %dma_start3A_1015 = arith.constant 0 : i32
        %dma_start3A_1016 = tpu.memref_slice %arg5[%add3A_1008, %dma_start3A_1015] : memref<512x20xi32, #tpu.memory_space<vmem>> -> memref<1x20xi32, #tpu.memory_space<vmem>>
        %dma_start3A_1017 = tpu.memref_squeeze %dma_start3A_1016 : memref<1x20xi32, #tpu.memory_space<vmem>> -> memref<20xi32, #tpu.memory_space<vmem>>
        %dma_start3A_1018 = arith.constant 0 : i32
        %dma_start3A_1019 = arith.constant 0 : i32
        %dma_start3A_1020 = tpu.memref_slice %arg3[%dma_start3A_1018, %dma_start3A_1019] : memref<1000000x64xf32, #tpu.memory_space<hbm>> -> memref<1000000x64xf32, #tpu.memory_space<hbm>>
        tpu.enqueue_indirect_dma source(%dma_start3A_1020 : memref<1000000x64xf32, #tpu.memory_space<hbm>>) target(%dma_start3A_1014 : memref<20x64xf32, #tpu.memory_space<vmem>>) offsets(%dma_start3A_1017 : memref<20xi32, #tpu.memory_space<vmem>>) semaphore(%arg11 : memref<!tpu.dma_semaphore, #tpu.memory_space<semaphore_mem>>)
        %mul3A_1021 = arith.constant 8 : i32
        %mul3A_1022 = arith.muli %add3A_407, %mul3A_1021 : i32
        %add3A_1023 = arith.constant 7 : i32
        %add3A_1024 = arith.addi %mul3A_1022, %add3A_1023 : i32
        %dma_start3A_1025 = arith.constant 3 : i32
        %dma_start3A_1026 = arith.constant 7 : i32
        %dma_start3A_1027 = arith.constant 0 : i32
        %dma_start3A_1028 = arith.constant 0 : i32
        %dma_start3A_1029 = tpu.memref_slice %arg6[%dma_start3A_1025, %dma_start3A_1026, %dma_start3A_1027, %dma_start3A_1028] : memref<4x8x20x64xf32, #tpu.memory_space<vmem>> -> memref<1x1x20x64xf32, #tpu.memory_space<vmem>>
        %dma_start3A_1030 = tpu.memref_squeeze %dma_start3A_1029 : memref<1x1x20x64xf32, #tpu.memory_space<vmem>> -> memref<20x64xf32, #tpu.memory_space<vmem>>
        %dma_start3A_1031 = arith.constant 0 : i32
        %dma_start3A_1032 = tpu.memref_slice %arg5[%add3A_1024, %dma_start3A_1031] : memref<512x20xi32, #tpu.memory_space<vmem>> -> memref<1x20xi32, #tpu.memory_space<vmem>>
        %dma_start3A_1033 = tpu.memref_squeeze %dma_start3A_1032 : memref<1x20xi32, #tpu.memory_space<vmem>> -> memref<20xi32, #tpu.memory_space<vmem>>
        %dma_start3A_1034 = arith.constant 0 : i32
        %dma_start3A_1035 = arith.constant 0 : i32
        %dma_start3A_1036 = tpu.memref_slice %arg3[%dma_start3A_1034, %dma_start3A_1035] : memref<1000000x64xf32, #tpu.memory_space<hbm>> -> memref<1000000x64xf32, #tpu.memory_space<hbm>>
        tpu.enqueue_indirect_dma source(%dma_start3A_1036 : memref<1000000x64xf32, #tpu.memory_space<hbm>>) target(%dma_start3A_1030 : memref<20x64xf32, #tpu.memory_space<vmem>>) offsets(%dma_start3A_1033 : memref<20xi32, #tpu.memory_space<vmem>>) semaphore(%arg11 : memref<!tpu.dma_semaphore, #tpu.memory_space<semaphore_mem>>)
      } else {
      }
      %dma_wait3A_413 = arith.constant 1 : i32
      %dma_wait3A_414 = arith.constant 0 : i32
      %dma_wait3A_415 = tpu.memref_slice %arg7[%dma_wait3A_413, %dma_wait3A_414] : memref<2x20480xf32, #tpu.memory_space<vmem>> -> memref<1x10240xf32, #tpu.memory_space<vmem>>
      %dma_wait3A_416 = tpu.memref_squeeze %dma_wait3A_415 : memref<1x10240xf32, #tpu.memory_space<vmem>> -> memref<10240xf32, #tpu.memory_space<vmem>>
      %dma_wait3A_417 = arith.constant 0 : i32
      %dma_wait3A_418 = tpu.memref_slice %arg4[%dma_wait3A_417] : memref<50331648xf32, #tpu.memory_space<hbm>> -> memref<10240xf32, #tpu.memory_space<hbm>>
      %dma_wait3A_419 = arith.constant 0 : i32
      %dma_wait3A_420 = tpu.memref_slice %arg7[%dma_wait3A_413, %dma_wait3A_419] : memref<2x20480xf32, #tpu.memory_space<vmem>> -> memref<1x10240xf32, #tpu.memory_space<vmem>>
      %dma_wait3A_421 = tpu.memref_squeeze %dma_wait3A_420 : memref<1x10240xf32, #tpu.memory_space<vmem>> -> memref<10240xf32, #tpu.memory_space<vmem>>
      %dma_wait3A_422 = arith.constant 0 : i32
      %dma_wait3A_423 = tpu.memref_slice %arg4[%dma_wait3A_422] : memref<50331648xf32, #tpu.memory_space<hbm>> -> memref<10240xf32, #tpu.memory_space<hbm>>
      tpu.wait_dma2 semaphore(%arg9 : memref<!tpu.dma_semaphore, #tpu.memory_space<semaphore_mem>>) src(%dma_wait3A_423 : memref<10240xf32, #tpu.memory_space<hbm>>) dst(%dma_wait3A_421 : memref<10240xf32, #tpu.memory_space<vmem>>)
      %ge3A_424 = arith.constant 2 : i32
      %ge3A_425 = arith.cmpi sge, %add3A_405, %ge3A_424 : i32
      %convert_element_type3A_426 = arith.extui %ge3A_425 : i1 to i32
      %cond3A_427 = arith.constant 0 : i32
      %cond3A_428 = arith.cmpi ne, %convert_element_type3A_426, %cond3A_427 : i32
      scf.if %cond3A_428 {
        %dma_wait3A_909 = arith.constant 1 : i32
        %dma_wait3A_910 = arith.constant 0 : i32
        %dma_wait3A_911 = tpu.memref_slice %arg7[%dma_wait3A_909, %dma_wait3A_910] : memref<2x20480xf32, #tpu.memory_space<vmem>> -> memref<1x20480xf32, #tpu.memory_space<vmem>>
        %dma_wait3A_912 = tpu.memref_squeeze %dma_wait3A_911 : memref<1x20480xf32, #tpu.memory_space<vmem>> -> memref<20480xf32, #tpu.memory_space<vmem>>
        %dma_wait3A_913 = arith.constant 0 : i32
        %dma_wait3A_914 = tpu.memref_slice %arg4[%dma_wait3A_913] : memref<50331648xf32, #tpu.memory_space<hbm>> -> memref<20480xf32, #tpu.memory_space<hbm>>
        %dma_wait3A_915 = arith.constant 0 : i32
        %dma_wait3A_916 = tpu.memref_slice %arg7[%dma_wait3A_909, %dma_wait3A_915] : memref<2x20480xf32, #tpu.memory_space<vmem>> -> memref<1x20480xf32, #tpu.memory_space<vmem>>
        %dma_wait3A_917 = tpu.memref_squeeze %dma_wait3A_916 : memref<1x20480xf32, #tpu.memory_space<vmem>> -> memref<20480xf32, #tpu.memory_space<vmem>>
        %dma_wait3A_918 = arith.constant 0 : i32
        %dma_wait3A_919 = tpu.memref_slice %arg4[%dma_wait3A_918] : memref<50331648xf32, #tpu.memory_space<hbm>> -> memref<20480xf32, #tpu.memory_space<hbm>>
        tpu.wait_dma2 semaphore(%arg13 : memref<!tpu.dma_semaphore, #tpu.memory_space<semaphore_mem>>) src(%dma_wait3A_919 : memref<20480xf32, #tpu.memory_space<hbm>>) dst(%dma_wait3A_917 : memref<20480xf32, #tpu.memory_space<vmem>>)
      } else {
      }
      %scan3A_429 = arith.constant 0 : i32
      %scan3A_430 = arith.constant 0 : i32
      %scan3A_431 = arith.constant 40 : i32
      %scan3A_432 = arith.addi %scan3A_430, %scan3A_431 : i32
      %scan3A_433 = arith.constant 1 : i32
      scf.for %scan3A_909 = %scan3A_430 to %scan3A_432 step %scan3A_433  : i32 {
        %jit3A = arith.constant 5 : i32
        %div3A = arith.divsi %scan3A_909, %jit3A : i32
        %sign3A = arith.constant 0 : i32
        %sign3A_910 = arith.cmpi sgt, %scan3A_909, %sign3A : i32
        %sign3A_911 = arith.extui %sign3A_910 : i1 to i32
        %sign3A_912 = arith.constant 0 : i32
        %sign3A_913 = arith.cmpi slt, %scan3A_909, %sign3A_912 : i32
        %sign3A_914 = arith.extui %sign3A_913 : i1 to i32
        %sign3A_915 = arith.subi %sign3A_911, %sign3A_914 : i32
        %sign3A_916 = arith.constant 0 : i32
        %sign3A_917 = arith.cmpi sgt, %jit3A, %sign3A_916 : i32
        %sign3A_918 = arith.extui %sign3A_917 : i1 to i32
        %sign3A_919 = arith.constant 0 : i32
        %sign3A_920 = arith.cmpi slt, %jit3A, %sign3A_919 : i32
        %sign3A_921 = arith.extui %sign3A_920 : i1 to i32
        %sign3A_922 = arith.subi %sign3A_918, %sign3A_921 : i32
        %ne3A = arith.cmpi ne, %sign3A_915, %sign3A_922 : i32
        %rem3A = arith.remsi %scan3A_909, %jit3A : i32
        %ne3A_923 = arith.constant 0 : i32
        %ne3A_924 = arith.cmpi ne, %rem3A, %ne3A_923 : i32
        %and3A = arith.andi %ne3A, %ne3A_924 : i1
        %sub3A = arith.constant 1 : i32
        %sub3A_925 = arith.subi %div3A, %sub3A : i32
        %select_n3A = arith.select %and3A, %sub3A_925, %div3A : i32
        %jit3A_926 = arith.constant 5 : i32
        %eq3A = arith.constant 0 : i32
        %eq3A_927 = arith.cmpi eq, %jit3A_926, %eq3A : i32
        %jit3A_928 = arith.constant 1 : i32
        %select_n3A_929 = arith.select %eq3A_927, %jit3A_928, %jit3A_926 : i32
        %rem3A_930 = arith.remsi %scan3A_909, %select_n3A_929 : i32
        %ne3A_931 = arith.constant 0 : i32
        %ne3A_932 = arith.cmpi ne, %rem3A_930, %ne3A_931 : i32
        %lt3A_933 = arith.constant 0 : i32
        %lt3A_934 = arith.cmpi slt, %rem3A_930, %lt3A_933 : i32
        %lt3A_935 = arith.constant 0 : i32
        %lt3A_936 = arith.cmpi slt, %select_n3A_929, %lt3A_935 : i32
        %ne3A_937 = arith.xori %lt3A_934, %lt3A_936 : i1
        %and3A_938 = arith.andi %ne3A_937, %ne3A_932 : i1
        %add3A_939 = arith.addi %rem3A_930, %select_n3A_929 : i32
        %select_n3A_940 = arith.select %and3A_938, %add3A_939, %rem3A_930 : i32
        %mul3A_941 = arith.constant 4 : i32
        %mul3A_942 = arith.muli %select_n3A_940, %mul3A_941 : i32
        %mul3A_943 = arith.constant 2560 : i32
        %mul3A_944 = arith.muli %select_n3A, %mul3A_943 : i32
        %add3A_945 = arith.constant 0 : i32
        %add3A_946 = arith.addi %mul3A_942, %add3A_945 : i32
        %mul3A_947 = arith.constant 128 : i32
        %mul3A_948 = arith.muli %add3A_946, %mul3A_947 : i32
        %add3A_949 = arith.addi %mul3A_944, %mul3A_948 : i32
        %add3A_950 = arith.constant 0 : i32
        %add3A_951 = arith.addi %add3A_949, %add3A_950 : i32
        %multiple_of3A_952 = tpu.assume_multiple %add3A_951, 16 : i32
        %add3A_953 = arith.constant 0 : i32
        %add3A_954 = arith.addi %mul3A_942, %add3A_953 : i32
        %get3A = arith.constant 1 : i32
        %get3A_955 = arith.index_cast %get3A : i32 to index
        %get3A_956 = arith.index_cast %select_n3A : i32 to index
        %get3A_957 = arith.index_cast %add3A_954 : i32 to index
        %get3A_958 = arith.constant 0 : index
        %get3A_959 = tpu.vector_load %arg6[%get3A_955, %get3A_956, %get3A_957, %get3A_958] {strides = array<i32>} : memref<4x8x20x64xf32, #tpu.memory_space<vmem>>, vector<1x1x1x16xf32>,
        %get3A_960 = vector.shape_cast %get3A_959 : vector<1x1x1x16xf32> to vector<16xf32>
        %mul3A_961 = arith.constant 8.000000e+00 : f32
        %mul3A_962 = vector.broadcast %mul3A_961 : f32 to vector<16xf32>
        %mul3A_963 = arith.mulf %get3A_960, %mul3A_962 : vector<16xf32>
        %swap3A = arith.constant 1 : i32
        %swap3A_964 = arith.index_cast %swap3A : i32 to index
        %swap3A_965 = arith.index_cast %multiple_of3A_952 : i32 to index
        %swap3A_966 = tpu.vector_load %arg7[%swap3A_964, %swap3A_965] {strides = array<i32>} : memref<2x20480xf32, #tpu.memory_space<vmem>>, vector<1x16xf32>,
        %swap3A_967 = vector.shape_cast %swap3A_966 : vector<1x16xf32> to vector<16xf32>
        %swap3A_968 = vector.shape_cast %mul3A_963 : vector<16xf32> to vector<1x16xf32>
        tpu.vector_store %arg7[%swap3A_964, %swap3A_965], %swap3A_968 {strides = array<i32>} : memref<2x20480xf32, #tpu.memory_space<vmem>>, vector<1x16xf32>,
        %mul3A_969 = arith.constant 2560 : i32
        %mul3A_970 = arith.muli %select_n3A, %mul3A_969 : i32
        %add3A_971 = arith.constant 0 : i32
        %add3A_972 = arith.addi %mul3A_942, %add3A_971 : i32
        %mul3A_973 = arith.constant 128 : i32
        %mul3A_974 = arith.muli %add3A_972, %mul3A_973 : i32
        %add3A_975 = arith.addi %mul3A_970, %mul3A_974 : i32
        %add3A_976 = arith.constant 16 : i32
        %add3A_977 = arith.addi %add3A_975, %add3A_976 : i32
        %multiple_of3A_978 = tpu.assume_multiple %add3A_977, 16 : i32
        %add3A_979 = arith.constant 0 : i32
        %add3A_980 = arith.addi %mul3A_942, %add3A_979 : i32
        %get3A_981 = arith.constant 1 : i32
        %get3A_982 = arith.index_cast %get3A_981 : i32 to index
        %get3A_983 = arith.index_cast %select_n3A : i32 to index
        %get3A_984 = arith.index_cast %add3A_980 : i32 to index
        %get3A_985 = arith.constant 16 : index
        %get3A_986 = tpu.vector_load %arg6[%get3A_982, %get3A_983, %get3A_984, %get3A_985] {strides = array<i32>} : memref<4x8x20x64xf32, #tpu.memory_space<vmem>>, vector<1x1x1x16xf32>,
        %get3A_987 = vector.shape_cast %get3A_986 : vector<1x1x1x16xf32> to vector<16xf32>
        %mul3A_988 = arith.constant 8.000000e+00 : f32
        %mul3A_989 = vector.broadcast %mul3A_988 : f32 to vector<16xf32>
        %mul3A_990 = arith.mulf %get3A_987, %mul3A_989 : vector<16xf32>
        %swap3A_991 = arith.constant 1 : i32
        %swap3A_992 = arith.index_cast %swap3A_991 : i32 to index
        %swap3A_993 = arith.index_cast %multiple_of3A_978 : i32 to index
        %swap3A_994 = tpu.vector_load %arg7[%swap3A_992, %swap3A_993] {strides = array<i32>} : memref<2x20480xf32, #tpu.memory_space<vmem>>, vector<1x16xf32>,
        %swap3A_995 = vector.shape_cast %swap3A_994 : vector<1x16xf32> to vector<16xf32>
        %swap3A_996 = vector.shape_cast %mul3A_990 : vector<16xf32> to vector<1x16xf32>
        tpu.vector_store %arg7[%swap3A_992, %swap3A_993], %swap3A_996 {strides = array<i32>} : memref<2x20480xf32, #tpu.memory_space<vmem>>, vector<1x16xf32>,
        %mul3A_997 = arith.constant 2560 : i32
        %mul3A_998 = arith.muli %select_n3A, %mul3A_997 : i32
        %add3A_999 = arith.constant 0 : i32
        %add3A_1000 = arith.addi %mul3A_942, %add3A_999 : i32
        %mul3A_1001 = arith.constant 128 : i32
        %mul3A_1002 = arith.muli %add3A_1000, %mul3A_1001 : i32
        %add3A_1003 = arith.addi %mul3A_998, %mul3A_1002 : i32
        %add3A_1004 = arith.constant 32 : i32
        %add3A_1005 = arith.addi %add3A_1003, %add3A_1004 : i32
        %multiple_of3A_1006 = tpu.assume_multiple %add3A_1005, 16 : i32
        %add3A_1007 = arith.constant 0 : i32
        %add3A_1008 = arith.addi %mul3A_942, %add3A_1007 : i32
        %get3A_1009 = arith.constant 1 : i32
        %get3A_1010 = arith.index_cast %get3A_1009 : i32 to index
        %get3A_1011 = arith.index_cast %select_n3A : i32 to index
        %get3A_1012 = arith.index_cast %add3A_1008 : i32 to index
        %get3A_1013 = arith.constant 32 : index
        %get3A_1014 = tpu.vector_load %arg6[%get3A_1010, %get3A_1011, %get3A_1012, %get3A_1013] {strides = array<i32>} : memref<4x8x20x64xf32, #tpu.memory_space<vmem>>, vector<1x1x1x16xf32>,
        %get3A_1015 = vector.shape_cast %get3A_1014 : vector<1x1x1x16xf32> to vector<16xf32>
        %mul3A_1016 = arith.constant 8.000000e+00 : f32
        %mul3A_1017 = vector.broadcast %mul3A_1016 : f32 to vector<16xf32>
        %mul3A_1018 = arith.mulf %get3A_1015, %mul3A_1017 : vector<16xf32>
        %swap3A_1019 = arith.constant 1 : i32
        %swap3A_1020 = arith.index_cast %swap3A_1019 : i32 to index
        %swap3A_1021 = arith.index_cast %multiple_of3A_1006 : i32 to index
        %swap3A_1022 = tpu.vector_load %arg7[%swap3A_1020, %swap3A_1021] {strides = array<i32>} : memref<2x20480xf32, #tpu.memory_space<vmem>>, vector<1x16xf32>,
        %swap3A_1023 = vector.shape_cast %swap3A_1022 : vector<1x16xf32> to vector<16xf32>
        %swap3A_1024 = vector.shape_cast %mul3A_1018 : vector<16xf32> to vector<1x16xf32>
        tpu.vector_store %arg7[%swap3A_1020, %swap3A_1021], %swap3A_1024 {strides = array<i32>} : memref<2x20480xf32, #tpu.memory_space<vmem>>, vector<1x16xf32>,
        %mul3A_1025 = arith.constant 2560 : i32
        %mul3A_1026 = arith.muli %select_n3A, %mul3A_1025 : i32
        %add3A_1027 = arith.constant 0 : i32
        %add3A_1028 = arith.addi %mul3A_942, %add3A_1027 : i32
        %mul3A_1029 = arith.constant 128 : i32
        %mul3A_1030 = arith.muli %add3A_1028, %mul3A_1029 : i32
        %add3A_1031 = arith.addi %mul3A_1026, %mul3A_1030 : i32
        %add3A_1032 = arith.constant 48 : i32
        %add3A_1033 = arith.addi %add3A_1031, %add3A_1032 : i32
        %multiple_of3A_1034 = tpu.assume_multiple %add3A_1033, 16 : i32
        %add3A_1035 = arith.constant 0 : i32
        %add3A_1036 = arith.addi %mul3A_942, %add3A_1035 : i32
        %get3A_1037 = arith.constant 1 : i32
        %get3A_1038 = arith.index_cast %get3A_1037 : i32 to index
        %get3A_1039 = arith.index_cast %select_n3A : i32 to index
        %get3A_1040 = arith.index_cast %add3A_1036 : i32 to index
        %get3A_1041 = arith.constant 48 : index
        %get3A_1042 = tpu.vector_load %arg6[%get3A_1038, %get3A_1039, %get3A_1040, %get3A_1041] {strides = array<i32>} : memref<4x8x20x64xf32, #tpu.memory_space<vmem>>, vector<1x1x1x16xf32>,
        %get3A_1043 = vector.shape_cast %get3A_1042 : vector<1x1x1x16xf32> to vector<16xf32>
        %mul3A_1044 = arith.constant 8.000000e+00 : f32
        %mul3A_1045 = vector.broadcast %mul3A_1044 : f32 to vector<16xf32>
        %mul3A_1046 = arith.mulf %get3A_1043, %mul3A_1045 : vector<16xf32>
        %swap3A_1047 = arith.constant 1 : i32
        %swap3A_1048 = arith.index_cast %swap3A_1047 : i32 to index
        %swap3A_1049 = arith.index_cast %multiple_of3A_1034 : i32 to index
        %swap3A_1050 = tpu.vector_load %arg7[%swap3A_1048, %swap3A_1049] {strides = array<i32>} : memref<2x20480xf32, #tpu.memory_space<vmem>>, vector<1x16xf32>,
        %swap3A_1051 = vector.shape_cast %swap3A_1050 : vector<1x16xf32> to vector<16xf32>
        %swap3A_1052 = vector.shape_cast %mul3A_1046 : vector<16xf32> to vector<1x16xf32>
        tpu.vector_store %arg7[%swap3A_1048, %swap3A_1049], %swap3A_1052 {strides = array<i32>} : memref<2x20480xf32, #tpu.memory_space<vmem>>, vector<1x16xf32>,
        %mul3A_1053 = arith.constant 2560 : i32
        %mul3A_1054 = arith.muli %select_n3A, %mul3A_1053 : i32
        %add3A_1055 = arith.constant 1 : i32
        %add3A_1056 = arith.addi %mul3A_942, %add3A_1055 : i32
        %mul3A_1057 = arith.constant 128 : i32
        %mul3A_1058 = arith.muli %add3A_1056, %mul3A_1057 : i32
        %add3A_1059 = arith.addi %mul3A_1054, %mul3A_1058 : i32
        %add3A_1060 = arith.constant 0 : i32
        %add3A_1061 = arith.addi %add3A_1059, %add3A_1060 : i32
        %multiple_of3A_1062 = tpu.assume_multiple %add3A_1061, 16 : i32
        %add3A_1063 = arith.constant 1 : i32
        %add3A_1064 = arith.addi %mul3A_942, %add3A_1063 : i32
        %get3A_1065 = arith.constant 1 : i32
        %get3A_1066 = arith.index_cast %get3A_1065 : i32 to index
        %get3A_1067 = arith.index_cast %select_n3A : i32 to index
        %get3A_1068 = arith.index_cast %add3A_1064 : i32 to index
        %get3A_1069 = arith.constant 0 : index
        %get3A_1070 = tpu.vector_load %arg6[%get3A_1066, %get3A_1067, %get3A_1068, %get3A_1069] {strides = array<i32>} : memref<4x8x20x64xf32, #tpu.memory_space<vmem>>, vector<1x1x1x16xf32>,
        %get3A_1071 = vector.shape_cast %get3A_1070 : vector<1x1x1x16xf32> to vector<16xf32>
        %mul3A_1072 = arith.constant 8.000000e+00 : f32
        %mul3A_1073 = vector.broadcast %mul3A_1072 : f32 to vector<16xf32>
        %mul3A_1074 = arith.mulf %get3A_1071, %mul3A_1073 : vector<16xf32>
        %swap3A_1075 = arith.constant 1 : i32
        %swap3A_1076 = arith.index_cast %swap3A_1075 : i32 to index
        %swap3A_1077 = arith.index_cast %multiple_of3A_1062 : i32 to index
        %swap3A_1078 = tpu.vector_load %arg7[%swap3A_1076, %swap3A_1077] {strides = array<i32>} : memref<2x20480xf32, #tpu.memory_space<vmem>>, vector<1x16xf32>,
        %swap3A_1079 = vector.shape_cast %swap3A_1078 : vector<1x16xf32> to vector<16xf32>
        %swap3A_1080 = vector.shape_cast %mul3A_1074 : vector<16xf32> to vector<1x16xf32>
        tpu.vector_store %arg7[%swap3A_1076, %swap3A_1077], %swap3A_1080 {strides = array<i32>} : memref<2x20480xf32, #tpu.memory_space<vmem>>, vector<1x16xf32>,
        %mul3A_1081 = arith.constant 2560 : i32
        %mul3A_1082 = arith.muli %select_n3A, %mul3A_1081 : i32
        %add3A_1083 = arith.constant 1 : i32
        %add3A_1084 = arith.addi %mul3A_942, %add3A_1083 : i32
        %mul3A_1085 = arith.constant 128 : i32
        %mul3A_1086 = arith.muli %add3A_1084, %mul3A_1085 : i32
        %add3A_1087 = arith.addi %mul3A_1082, %mul3A_1086 : i32
        %add3A_1088 = arith.constant 16 : i32
        %add3A_1089 = arith.addi %add3A_1087, %add3A_1088 : i32
        %multiple_of3A_1090 = tpu.assume_multiple %add3A_1089, 16 : i32
        %add3A_1091 = arith.constant 1 : i32
        %add3A_1092 = arith.addi %mul3A_942, %add3A_1091 : i32
        %get3A_1093 = arith.constant 1 : i32
        %get3A_1094 = arith.index_cast %get3A_1093 : i32 to index
        %get3A_1095 = arith.index_cast %select_n3A : i32 to index
        %get3A_1096 = arith.index_cast %add3A_1092 : i32 to index
        %get3A_1097 = arith.constant 16 : index
        %get3A_1098 = tpu.vector_load %arg6[%get3A_1094, %get3A_1095, %get3A_1096, %get3A_1097] {strides = array<i32>} : memref<4x8x20x64xf32, #tpu.memory_space<vmem>>, vector<1x1x1x16xf32>,
        %get3A_1099 = vector.shape_cast %get3A_1098 : vector<1x1x1x16xf32> to vector<16xf32>
        %mul3A_1100 = arith.constant 8.000000e+00 : f32
        %mul3A_1101 = vector.broadcast %mul3A_1100 : f32 to vector<16xf32>
        %mul3A_1102 = arith.mulf %get3A_1099, %mul3A_1101 : vector<16xf32>
        %swap3A_1103 = arith.constant 1 : i32
        %swap3A_1104 = arith.index_cast %swap3A_1103 : i32 to index
        %swap3A_1105 = arith.index_cast %multiple_of3A_1090 : i32 to index
        %swap3A_1106 = tpu.vector_load %arg7[%swap3A_1104, %swap3A_1105] {strides = array<i32>} : memref<2x20480xf32, #tpu.memory_space<vmem>>, vector<1x16xf32>,
        %swap3A_1107 = vector.shape_cast %swap3A_1106 : vector<1x16xf32> to vector<16xf32>
        %swap3A_1108 = vector.shape_cast %mul3A_1102 : vector<16xf32> to vector<1x16xf32>
        tpu.vector_store %arg7[%swap3A_1104, %swap3A_1105], %swap3A_1108 {strides = array<i32>} : memref<2x20480xf32, #tpu.memory_space<vmem>>, vector<1x16xf32>,
        %mul3A_1109 = arith.constant 2560 : i32
        %mul3A_1110 = arith.muli %select_n3A, %mul3A_1109 : i32
        %add3A_1111 = arith.constant 1 : i32
        %add3A_1112 = arith.addi %mul3A_942, %add3A_1111 : i32
        %mul3A_1113 = arith.constant 128 : i32
        %mul3A_1114 = arith.muli %add3A_1112, %mul3A_1113 : i32
        %add3A_1115 = arith.addi %mul3A_1110, %mul3A_1114 : i32
        %add3A_1116 = arith.constant 32 : i32
        %add3A_1117 = arith.addi %add3A_1115, %add3A_1116 : i32
        %multiple_of3A_1118 = tpu.assume_multiple %add3A_1117, 16 : i32
        %add3A_1119 = arith.constant 1 : i32
        %add3A_1120 = arith.addi %mul3A_942, %add3A_1119 : i32
        %get3A_1121 = arith.constant 1 : i32
        %get3A_1122 = arith.index_cast %get3A_1121 : i32 to index
        %get3A_1123 = arith.index_cast %select_n3A : i32 to index
        %get3A_1124 = arith.index_cast %add3A_1120 : i32 to index
        %get3A_1125 = arith.constant 32 : index
        %get3A_1126 = tpu.vector_load %arg6[%get3A_1122, %get3A_1123, %get3A_1124, %get3A_1125] {strides = array<i32>} : memref<4x8x20x64xf32, #tpu.memory_space<vmem>>, vector<1x1x1x16xf32>,
        %get3A_1127 = vector.shape_cast %get3A_1126 : vector<1x1x1x16xf32> to vector<16xf32>
        %mul3A_1128 = arith.constant 8.000000e+00 : f32
        %mul3A_1129 = vector.broadcast %mul3A_1128 : f32 to vector<16xf32>
        %mul3A_1130 = arith.mulf %get3A_1127, %mul3A_1129 : vector<16xf32>
        %swap3A_1131 = arith.constant 1 : i32
        %swap3A_1132 = arith.index_cast %swap3A_1131 : i32 to index
        %swap3A_1133 = arith.index_cast %multiple_of3A_1118 : i32 to index
        %swap3A_1134 = tpu.vector_load %arg7[%swap3A_1132, %swap3A_1133] {strides = array<i32>} : memref<2x20480xf32, #tpu.memory_space<vmem>>, vector<1x16xf32>,
        %swap3A_1135 = vector.shape_cast %swap3A_1134 : vector<1x16xf32> to vector<16xf32>
        %swap3A_1136 = vector.shape_cast %mul3A_1130 : vector<16xf32> to vector<1x16xf32>
        tpu.vector_store %arg7[%swap3A_1132, %swap3A_1133], %swap3A_1136 {strides = array<i32>} : memref<2x20480xf32, #tpu.memory_space<vmem>>, vector<1x16xf32>,
        %mul3A_1137 = arith.constant 2560 : i32
        %mul3A_1138 = arith.muli %select_n3A, %mul3A_1137 : i32
        %add3A_1139 = arith.constant 1 : i32
        %add3A_1140 = arith.addi %mul3A_942, %add3A_1139 : i32
        %mul3A_1141 = arith.constant 128 : i32
        %mul3A_1142 = arith.muli %add3A_1140, %mul3A_1141 : i32
        %add3A_1143 = arith.addi %mul3A_1138, %mul3A_1142 : i32
        %add3A_1144 = arith.constant 48 : i32
        %add3A_1145 = arith.addi %add3A_1143, %add3A_1144 : i32
        %multiple_of3A_1146 = tpu.assume_multiple %add3A_1145, 16 : i32
        %add3A_1147 = arith.constant 1 : i32
        %add3A_1148 = arith.addi %mul3A_942, %add3A_1147 : i32
        %get3A_1149 = arith.constant 1 : i32
        %get3A_1150 = arith.index_cast %get3A_1149 : i32 to index
        %get3A_1151 = arith.index_cast %select_n3A : i32 to index
        %get3A_1152 = arith.index_cast %add3A_1148 : i32 to index
        %get3A_1153 = arith.constant 48 : index
        %get3A_1154 = tpu.vector_load %arg6[%get3A_1150, %get3A_1151, %get3A_1152, %get3A_1153] {strides = array<i32>} : memref<4x8x20x64xf32, #tpu.memory_space<vmem>>, vector<1x1x1x16xf32>,
        %get3A_1155 = vector.shape_cast %get3A_1154 : vector<1x1x1x16xf32> to vector<16xf32>
        %mul3A_1156 = arith.constant 8.000000e+00 : f32
        %mul3A_1157 = vector.broadcast %mul3A_1156 : f32 to vector<16xf32>
        %mul3A_1158 = arith.mulf %get3A_1155, %mul3A_1157 : vector<16xf32>
        %swap3A_1159 = arith.constant 1 : i32
        %swap3A_1160 = arith.index_cast %swap3A_1159 : i32 to index
        %swap3A_1161 = arith.index_cast %multiple_of3A_1146 : i32 to index
        %swap3A_1162 = tpu.vector_load %arg7[%swap3A_1160, %swap3A_1161] {strides = array<i32>} : memref<2x20480xf32, #tpu.memory_space<vmem>>, vector<1x16xf32>,
        %swap3A_1163 = vector.shape_cast %swap3A_1162 : vector<1x16xf32> to vector<16xf32>
        %swap3A_1164 = vector.shape_cast %mul3A_1158 : vector<16xf32> to vector<1x16xf32>
        tpu.vector_store %arg7[%swap3A_1160, %swap3A_1161], %swap3A_1164 {strides = array<i32>} : memref<2x20480xf32, #tpu.memory_space<vmem>>, vector<1x16xf32>,
        %mul3A_1165 = arith.constant 2560 : i32
        %mul3A_1166 = arith.muli %select_n3A, %mul3A_1165 : i32
        %add3A_1167 = arith.constant 2 : i32
        %add3A_1168 = arith.addi %mul3A_942, %add3A_1167 : i32
        %mul3A_1169 = arith.constant 128 : i32
        %mul3A_1170 = arith.muli %add3A_1168, %mul3A_1169 : i32
        %add3A_1171 = arith.addi %mul3A_1166, %mul3A_1170 : i32
        %add3A_1172 = arith.constant 0 : i32
        %add3A_1173 = arith.addi %add3A_1171, %add3A_1172 : i32
        %multiple_of3A_1174 = tpu.assume_multiple %add3A_1173, 16 : i32
        %add3A_1175 = arith.constant 2 : i32
        %add3A_1176 = arith.addi %mul3A_942, %add3A_1175 : i32
        %get3A_1177 = arith.constant 1 : i32
        %get3A_1178 = arith.index_cast %get3A_1177 : i32 to index
        %get3A_1179 = arith.index_cast %select_n3A : i32 to index
        %get3A_1180 = arith.index_cast %add3A_1176 : i32 to index
        %get3A_1181 = arith.constant 0 : index
        %get3A_1182 = tpu.vector_load %arg6[%get3A_1178, %get3A_1179, %get3A_1180, %get3A_1181] {strides = array<i32>} : memref<4x8x20x64xf32, #tpu.memory_space<vmem>>, vector<1x1x1x16xf32>,
        %get3A_1183 = vector.shape_cast %get3A_1182 : vector<1x1x1x16xf32> to vector<16xf32>
        %mul3A_1184 = arith.constant 8.000000e+00 : f32
        %mul3A_1185 = vector.broadcast %mul3A_1184 : f32 to vector<16xf32>
        %mul3A_1186 = arith.mulf %get3A_1183, %mul3A_1185 : vector<16xf32>
        %swap3A_1187 = arith.constant 1 : i32
        %swap3A_1188 = arith.index_cast %swap3A_1187 : i32 to index
        %swap3A_1189 = arith.index_cast %multiple_of3A_1174 : i32 to index
        %swap3A_1190 = tpu.vector_load %arg7[%swap3A_1188, %swap3A_1189] {strides = array<i32>} : memref<2x20480xf32, #tpu.memory_space<vmem>>, vector<1x16xf32>,
        %swap3A_1191 = vector.shape_cast %swap3A_1190 : vector<1x16xf32> to vector<16xf32>
        %swap3A_1192 = vector.shape_cast %mul3A_1186 : vector<16xf32> to vector<1x16xf32>
        tpu.vector_store %arg7[%swap3A_1188, %swap3A_1189], %swap3A_1192 {strides = array<i32>} : memref<2x20480xf32, #tpu.memory_space<vmem>>, vector<1x16xf32>,
        %mul3A_1193 = arith.constant 2560 : i32
        %mul3A_1194 = arith.muli %select_n3A, %mul3A_1193 : i32
        %add3A_1195 = arith.constant 2 : i32
        %add3A_1196 = arith.addi %mul3A_942, %add3A_1195 : i32
        %mul3A_1197 = arith.constant 128 : i32
        %mul3A_1198 = arith.muli %add3A_1196, %mul3A_1197 : i32
        %add3A_1199 = arith.addi %mul3A_1194, %mul3A_1198 : i32
        %add3A_1200 = arith.constant 16 : i32
        %add3A_1201 = arith.addi %add3A_1199, %add3A_1200 : i32
        %multiple_of3A_1202 = tpu.assume_multiple %add3A_1201, 16 : i32
        %add3A_1203 = arith.constant 2 : i32
        %add3A_1204 = arith.addi %mul3A_942, %add3A_1203 : i32
        %get3A_1205 = arith.constant 1 : i32
        %get3A_1206 = arith.index_cast %get3A_1205 : i32 to index
        %get3A_1207 = arith.index_cast %select_n3A : i32 to index
        %get3A_1208 = arith.index_cast %add3A_1204 : i32 to index
        %get3A_1209 = arith.constant 16 : index
        %get3A_1210 = tpu.vector_load %arg6[%get3A_1206, %get3A_1207, %get3A_1208, %get3A_1209] {strides = array<i32>} : memref<4x8x20x64xf32, #tpu.memory_space<vmem>>, vector<1x1x1x16xf32>,
        %get3A_1211 = vector.shape_cast %get3A_1210 : vector<1x1x1x16xf32> to vector<16xf32>
        %mul3A_1212 = arith.constant 8.000000e+00 : f32
        %mul3A_1213 = vector.broadcast %mul3A_1212 : f32 to vector<16xf32>
        %mul3A_1214 = arith.mulf %get3A_1211, %mul3A_1213 : vector<16xf32>
        %swap3A_1215 = arith.constant 1 : i32
        %swap3A_1216 = arith.index_cast %swap3A_1215 : i32 to index
        %swap3A_1217 = arith.index_cast %multiple_of3A_1202 : i32 to index
        %swap3A_1218 = tpu.vector_load %arg7[%swap3A_1216, %swap3A_1217] {strides = array<i32>} : memref<2x20480xf32, #tpu.memory_space<vmem>>, vector<1x16xf32>,
        %swap3A_1219 = vector.shape_cast %swap3A_1218 : vector<1x16xf32> to vector<16xf32>
        %swap3A_1220 = vector.shape_cast %mul3A_1214 : vector<16xf32> to vector<1x16xf32>
        tpu.vector_store %arg7[%swap3A_1216, %swap3A_1217], %swap3A_1220 {strides = array<i32>} : memref<2x20480xf32, #tpu.memory_space<vmem>>, vector<1x16xf32>,
        %mul3A_1221 = arith.constant 2560 : i32
        %mul3A_1222 = arith.muli %select_n3A, %mul3A_1221 : i32
        %add3A_1223 = arith.constant 2 : i32
        %add3A_1224 = arith.addi %mul3A_942, %add3A_1223 : i32
        %mul3A_1225 = arith.constant 128 : i32
        %mul3A_1226 = arith.muli %add3A_1224, %mul3A_1225 : i32
        %add3A_1227 = arith.addi %mul3A_1222, %mul3A_1226 : i32
        %add3A_1228 = arith.constant 32 : i32
        %add3A_1229 = arith.addi %add3A_1227, %add3A_1228 : i32
        %multiple_of3A_1230 = tpu.assume_multiple %add3A_1229, 16 : i32
        %add3A_1231 = arith.constant 2 : i32
        %add3A_1232 = arith.addi %mul3A_942, %add3A_1231 : i32
        %get3A_1233 = arith.constant 1 : i32
        %get3A_1234 = arith.index_cast %get3A_1233 : i32 to index
        %get3A_1235 = arith.index_cast %select_n3A : i32 to index
        %get3A_1236 = arith.index_cast %add3A_1232 : i32 to index
        %get3A_1237 = arith.constant 32 : index
        %get3A_1238 = tpu.vector_load %arg6[%get3A_1234, %get3A_1235, %get3A_1236, %get3A_1237] {strides = array<i32>} : memref<4x8x20x64xf32, #tpu.memory_space<vmem>>, vector<1x1x1x16xf32>,
        %get3A_1239 = vector.shape_cast %get3A_1238 : vector<1x1x1x16xf32> to vector<16xf32>
        %mul3A_1240 = arith.constant 8.000000e+00 : f32
        %mul3A_1241 = vector.broadcast %mul3A_1240 : f32 to vector<16xf32>
        %mul3A_1242 = arith.mulf %get3A_1239, %mul3A_1241 : vector<16xf32>
        %swap3A_1243 = arith.constant 1 : i32
        %swap3A_1244 = arith.index_cast %swap3A_1243 : i32 to index
        %swap3A_1245 = arith.index_cast %multiple_of3A_1230 : i32 to index
        %swap3A_1246 = tpu.vector_load %arg7[%swap3A_1244, %swap3A_1245] {strides = array<i32>} : memref<2x20480xf32, #tpu.memory_space<vmem>>, vector<1x16xf32>,
        %swap3A_1247 = vector.shape_cast %swap3A_1246 : vector<1x16xf32> to vector<16xf32>
        %swap3A_1248 = vector.shape_cast %mul3A_1242 : vector<16xf32> to vector<1x16xf32>
        tpu.vector_store %arg7[%swap3A_1244, %swap3A_1245], %swap3A_1248 {strides = array<i32>} : memref<2x20480xf32, #tpu.memory_space<vmem>>, vector<1x16xf32>,
        %mul3A_1249 = arith.constant 2560 : i32
        %mul3A_1250 = arith.muli %select_n3A, %mul3A_1249 : i32
        %add3A_1251 = arith.constant 2 : i32
        %add3A_1252 = arith.addi %mul3A_942, %add3A_1251 : i32
        %mul3A_1253 = arith.constant 128 : i32
        %mul3A_1254 = arith.muli %add3A_1252, %mul3A_1253 : i32
        %add3A_1255 = arith.addi %mul3A_1250, %mul3A_1254 : i32
        %add3A_1256 = arith.constant 48 : i32
        %add3A_1257 = arith.addi %add3A_1255, %add3A_1256 : i32
        %multiple_of3A_1258 = tpu.assume_multiple %add3A_1257, 16 : i32
        %add3A_1259 = arith.constant 2 : i32
        %add3A_1260 = arith.addi %mul3A_942, %add3A_1259 : i32
        %get3A_1261 = arith.constant 1 : i32
        %get3A_1262 = arith.index_cast %get3A_1261 : i32 to index
        %get3A_1263 = arith.index_cast %select_n3A : i32 to index
        %get3A_1264 = arith.index_cast %add3A_1260 : i32 to index
        %get3A_1265 = arith.constant 48 : index
        %get3A_1266 = tpu.vector_load %arg6[%get3A_1262, %get3A_1263, %get3A_1264, %get3A_1265] {strides = array<i32>} : memref<4x8x20x64xf32, #tpu.memory_space<vmem>>, vector<1x1x1x16xf32>,
        %get3A_1267 = vector.shape_cast %get3A_1266 : vector<1x1x1x16xf32> to vector<16xf32>
        %mul3A_1268 = arith.constant 8.000000e+00 : f32
        %mul3A_1269 = vector.broadcast %mul3A_1268 : f32 to vector<16xf32>
        %mul3A_1270 = arith.mulf %get3A_1267, %mul3A_1269 : vector<16xf32>
        %swap3A_1271 = arith.constant 1 : i32
        %swap3A_1272 = arith.index_cast %swap3A_1271 : i32 to index
        %swap3A_1273 = arith.index_cast %multiple_of3A_1258 : i32 to index
        %swap3A_1274 = tpu.vector_load %arg7[%swap3A_1272, %swap3A_1273] {strides = array<i32>} : memref<2x20480xf32, #tpu.memory_space<vmem>>, vector<1x16xf32>,
        %swap3A_1275 = vector.shape_cast %swap3A_1274 : vector<1x16xf32> to vector<16xf32>
        %swap3A_1276 = vector.shape_cast %mul3A_1270 : vector<16xf32> to vector<1x16xf32>
        tpu.vector_store %arg7[%swap3A_1272, %swap3A_1273], %swap3A_1276 {strides = array<i32>} : memref<2x20480xf32, #tpu.memory_space<vmem>>, vector<1x16xf32>,
        %mul3A_1277 = arith.constant 2560 : i32
        %mul3A_1278 = arith.muli %select_n3A, %mul3A_1277 : i32
        %add3A_1279 = arith.constant 3 : i32
        %add3A_1280 = arith.addi %mul3A_942, %add3A_1279 : i32
        %mul3A_1281 = arith.constant 128 : i32
        %mul3A_1282 = arith.muli %add3A_1280, %mul3A_1281 : i32
        %add3A_1283 = arith.addi %mul3A_1278, %mul3A_1282 : i32
        %add3A_1284 = arith.constant 0 : i32
        %add3A_1285 = arith.addi %add3A_1283, %add3A_1284 : i32
        %multiple_of3A_1286 = tpu.assume_multiple %add3A_1285, 16 : i32
        %add3A_1287 = arith.constant 3 : i32
        %add3A_1288 = arith.addi %mul3A_942, %add3A_1287 : i32
        %get3A_1289 = arith.constant 1 : i32
        %get3A_1290 = arith.index_cast %get3A_1289 : i32 to index
        %get3A_1291 = arith.index_cast %select_n3A : i32 to index
        %get3A_1292 = arith.index_cast %add3A_1288 : i32 to index
        %get3A_1293 = arith.constant 0 : index
        %get3A_1294 = tpu.vector_load %arg6[%get3A_1290, %get3A_1291, %get3A_1292, %get3A_1293] {strides = array<i32>} : memref<4x8x20x64xf32, #tpu.memory_space<vmem>>, vector<1x1x1x16xf32>,
        %get3A_1295 = vector.shape_cast %get3A_1294 : vector<1x1x1x16xf32> to vector<16xf32>
        %mul3A_1296 = arith.constant 8.000000e+00 : f32
        %mul3A_1297 = vector.broadcast %mul3A_1296 : f32 to vector<16xf32>
        %mul3A_1298 = arith.mulf %get3A_1295, %mul3A_1297 : vector<16xf32>
        %swap3A_1299 = arith.constant 1 : i32
        %swap3A_1300 = arith.index_cast %swap3A_1299 : i32 to index
        %swap3A_1301 = arith.index_cast %multiple_of3A_1286 : i32 to index
        %swap3A_1302 = tpu.vector_load %arg7[%swap3A_1300, %swap3A_1301] {strides = array<i32>} : memref<2x20480xf32, #tpu.memory_space<vmem>>, vector<1x16xf32>,
        %swap3A_1303 = vector.shape_cast %swap3A_1302 : vector<1x16xf32> to vector<16xf32>
        %swap3A_1304 = vector.shape_cast %mul3A_1298 : vector<16xf32> to vector<1x16xf32>
        tpu.vector_store %arg7[%swap3A_1300, %swap3A_1301], %swap3A_1304 {strides = array<i32>} : memref<2x20480xf32, #tpu.memory_space<vmem>>, vector<1x16xf32>,
        %mul3A_1305 = arith.constant 2560 : i32
        %mul3A_1306 = arith.muli %select_n3A, %mul3A_1305 : i32
        %add3A_1307 = arith.constant 3 : i32
        %add3A_1308 = arith.addi %mul3A_942, %add3A_1307 : i32
        %mul3A_1309 = arith.constant 128 : i32
        %mul3A_1310 = arith.muli %add3A_1308, %mul3A_1309 : i32
        %add3A_1311 = arith.addi %mul3A_1306, %mul3A_1310 : i32
        %add3A_1312 = arith.constant 16 : i32
        %add3A_1313 = arith.addi %add3A_1311, %add3A_1312 : i32
        %multiple_of3A_1314 = tpu.assume_multiple %add3A_1313, 16 : i32
        %add3A_1315 = arith.constant 3 : i32
        %add3A_1316 = arith.addi %mul3A_942, %add3A_1315 : i32
        %get3A_1317 = arith.constant 1 : i32
        %get3A_1318 = arith.index_cast %get3A_1317 : i32 to index
        %get3A_1319 = arith.index_cast %select_n3A : i32 to index
        %get3A_1320 = arith.index_cast %add3A_1316 : i32 to index
        %get3A_1321 = arith.constant 16 : index
        %get3A_1322 = tpu.vector_load %arg6[%get3A_1318, %get3A_1319, %get3A_1320, %get3A_1321] {strides = array<i32>} : memref<4x8x20x64xf32, #tpu.memory_space<vmem>>, vector<1x1x1x16xf32>,
        %get3A_1323 = vector.shape_cast %get3A_1322 : vector<1x1x1x16xf32> to vector<16xf32>
        %mul3A_1324 = arith.constant 8.000000e+00 : f32
        %mul3A_1325 = vector.broadcast %mul3A_1324 : f32 to vector<16xf32>
        %mul3A_1326 = arith.mulf %get3A_1323, %mul3A_1325 : vector<16xf32>
        %swap3A_1327 = arith.constant 1 : i32
        %swap3A_1328 = arith.index_cast %swap3A_1327 : i32 to index
        %swap3A_1329 = arith.index_cast %multiple_of3A_1314 : i32 to index
        %swap3A_1330 = tpu.vector_load %arg7[%swap3A_1328, %swap3A_1329] {strides = array<i32>} : memref<2x20480xf32, #tpu.memory_space<vmem>>, vector<1x16xf32>,
        %swap3A_1331 = vector.shape_cast %swap3A_1330 : vector<1x16xf32> to vector<16xf32>
        %swap3A_1332 = vector.shape_cast %mul3A_1326 : vector<16xf32> to vector<1x16xf32>
        tpu.vector_store %arg7[%swap3A_1328, %swap3A_1329], %swap3A_1332 {strides = array<i32>} : memref<2x20480xf32, #tpu.memory_space<vmem>>, vector<1x16xf32>,
        %mul3A_1333 = arith.constant 2560 : i32
        %mul3A_1334 = arith.muli %select_n3A, %mul3A_1333 : i32
        %add3A_1335 = arith.constant 3 : i32
        %add3A_1336 = arith.addi %mul3A_942, %add3A_1335 : i32
        %mul3A_1337 = arith.constant 128 : i32
        %mul3A_1338 = arith.muli %add3A_1336, %mul3A_1337 : i32
        %add3A_1339 = arith.addi %mul3A_1334, %mul3A_1338 : i32
        %add3A_1340 = arith.constant 32 : i32
        %add3A_1341 = arith.addi %add3A_1339, %add3A_1340 : i32
        %multiple_of3A_1342 = tpu.assume_multiple %add3A_1341, 16 : i32
        %add3A_1343 = arith.constant 3 : i32
        %add3A_1344 = arith.addi %mul3A_942, %add3A_1343 : i32
        %get3A_1345 = arith.constant 1 : i32
        %get3A_1346 = arith.index_cast %get3A_1345 : i32 to index
        %get3A_1347 = arith.index_cast %select_n3A : i32 to index
        %get3A_1348 = arith.index_cast %add3A_1344 : i32 to index
        %get3A_1349 = arith.constant 32 : index
        %get3A_1350 = tpu.vector_load %arg6[%get3A_1346, %get3A_1347, %get3A_1348, %get3A_1349] {strides = array<i32>} : memref<4x8x20x64xf32, #tpu.memory_space<vmem>>, vector<1x1x1x16xf32>,
        %get3A_1351 = vector.shape_cast %get3A_1350 : vector<1x1x1x16xf32> to vector<16xf32>
        %mul3A_1352 = arith.constant 8.000000e+00 : f32
        %mul3A_1353 = vector.broadcast %mul3A_1352 : f32 to vector<16xf32>
        %mul3A_1354 = arith.mulf %get3A_1351, %mul3A_1353 : vector<16xf32>
        %swap3A_1355 = arith.constant 1 : i32
        %swap3A_1356 = arith.index_cast %swap3A_1355 : i32 to index
        %swap3A_1357 = arith.index_cast %multiple_of3A_1342 : i32 to index
        %swap3A_1358 = tpu.vector_load %arg7[%swap3A_1356, %swap3A_1357] {strides = array<i32>} : memref<2x20480xf32, #tpu.memory_space<vmem>>, vector<1x16xf32>,
        %swap3A_1359 = vector.shape_cast %swap3A_1358 : vector<1x16xf32> to vector<16xf32>
        %swap3A_1360 = vector.shape_cast %mul3A_1354 : vector<16xf32> to vector<1x16xf32>
        tpu.vector_store %arg7[%swap3A_1356, %swap3A_1357], %swap3A_1360 {strides = array<i32>} : memref<2x20480xf32, #tpu.memory_space<vmem>>, vector<1x16xf32>,
        %mul3A_1361 = arith.constant 2560 : i32
        %mul3A_1362 = arith.muli %select_n3A, %mul3A_1361 : i32
        %add3A_1363 = arith.constant 3 : i32
        %add3A_1364 = arith.addi %mul3A_942, %add3A_1363 : i32
        %mul3A_1365 = arith.constant 128 : i32
        %mul3A_1366 = arith.muli %add3A_1364, %mul3A_1365 : i32
        %add3A_1367 = arith.addi %mul3A_1362, %mul3A_1366 : i32
        %add3A_1368 = arith.constant 48 : i32
        %add3A_1369 = arith.addi %add3A_1367, %add3A_1368 : i32
        %multiple_of3A_1370 = tpu.assume_multiple %add3A_1369, 16 : i32
        %add3A_1371 = arith.constant 3 : i32
        %add3A_1372 = arith.addi %mul3A_942, %add3A_1371 : i32
        %get3A_1373 = arith.constant 1 : i32
        %get3A_1374 = arith.index_cast %get3A_1373 : i32 to index
        %get3A_1375 = arith.index_cast %select_n3A : i32 to index
        %get3A_1376 = arith.index_cast %add3A_1372 : i32 to index
        %get3A_1377 = arith.constant 48 : index
        %get3A_1378 = tpu.vector_load %arg6[%get3A_1374, %get3A_1375, %get3A_1376, %get3A_1377] {strides = array<i32>} : memref<4x8x20x64xf32, #tpu.memory_space<vmem>>, vector<1x1x1x16xf32>,
        %get3A_1379 = vector.shape_cast %get3A_1378 : vector<1x1x1x16xf32> to vector<16xf32>
        %mul3A_1380 = arith.constant 8.000000e+00 : f32
        %mul3A_1381 = vector.broadcast %mul3A_1380 : f32 to vector<16xf32>
        %mul3A_1382 = arith.mulf %get3A_1379, %mul3A_1381 : vector<16xf32>
        %swap3A_1383 = arith.constant 1 : i32
        %swap3A_1384 = arith.index_cast %swap3A_1383 : i32 to index
        %swap3A_1385 = arith.index_cast %multiple_of3A_1370 : i32 to index
        %swap3A_1386 = tpu.vector_load %arg7[%swap3A_1384, %swap3A_1385] {strides = array<i32>} : memref<2x20480xf32, #tpu.memory_space<vmem>>, vector<1x16xf32>,
        %swap3A_1387 = vector.shape_cast %swap3A_1386 : vector<1x16xf32> to vector<16xf32>
        %swap3A_1388 = vector.shape_cast %mul3A_1382 : vector<16xf32> to vector<1x16xf32>
        tpu.vector_store %arg7[%swap3A_1384, %swap3A_1385], %swap3A_1388 {strides = array<i32>} : memref<2x20480xf32, #tpu.memory_space<vmem>>, vector<1x16xf32>,
      }
      %scan3A_434 = arith.constant 40 : i32
      %mul3A_435 = arith.constant 8 : i32
      %mul3A_436 = arith.muli %add3A_405, %mul3A_435 : i32
      %add3A_437 = arith.addi %multiple_of3A, %mul3A_436 : i32
      %add3A_438 = arith.constant 0 : i32
      %add3A_439 = arith.addi %add3A_437, %add3A_438 : i32
      %mul3A_440 = arith.constant 3072 : i32
      %mul3A_441 = arith.muli %add3A_439, %mul3A_440 : i32
      %multiple_of3A_442 = tpu.assume_multiple %mul3A_441, 1024 : i32
      %dma_start3A_443 = arith.constant 1 : i32
      %dma_start3A_444 = arith.constant 0 : i32
      %dma_start3A_445 = tpu.memref_slice %arg7[%dma_start3A_443, %dma_start3A_444] : memref<2x20480xf32, #tpu.memory_space<vmem>> -> memref<1x2560xf32, #tpu.memory_space<vmem>>
      %dma_start3A_446 = tpu.memref_squeeze %dma_start3A_445 : memref<1x2560xf32, #tpu.memory_space<vmem>> -> memref<2560xf32, #tpu.memory_space<vmem>>
      %dma_start3A_447 = tpu.memref_slice %arg4[%multiple_of3A_442] : memref<50331648xf32, #tpu.memory_space<hbm>> -> memref<2560xf32, #tpu.memory_space<hbm>>
      %dma_start3A_448 = tpu.memref_slice %arg4[%multiple_of3A_442] : memref<50331648xf32, #tpu.memory_space<hbm>> -> memref<2560xf32, #tpu.memory_space<hbm>>
      %dma_start3A_449 = arith.constant 0 : i32
      %dma_start3A_450 = tpu.memref_slice %arg7[%dma_start3A_443, %dma_start3A_449] : memref<2x20480xf32, #tpu.memory_space<vmem>> -> memref<1x2560xf32, #tpu.memory_space<vmem>>
      %dma_start3A_451 = tpu.memref_squeeze %dma_start3A_450 : memref<1x2560xf32, #tpu.memory_space<vmem>> -> memref<2560xf32, #tpu.memory_space<vmem>>
      tpu.enqueue_dma source(%dma_start3A_451 : memref<2560xf32, #tpu.memory_space<vmem>>) target(%dma_start3A_448 : memref<2560xf32, #tpu.memory_space<hbm>>) target_semaphore(%arg13 : memref<!tpu.dma_semaphore, #tpu.memory_space<semaphore_mem>>)
      %mul3A_452 = arith.constant 8 : i32
      %mul3A_453 = arith.muli %add3A_405, %mul3A_452 : i32
      %add3A_454 = arith.addi %multiple_of3A, %mul3A_453 : i32
      %add3A_455 = arith.constant 1 : i32
      %add3A_456 = arith.addi %add3A_454, %add3A_455 : i32
      %mul3A_457 = arith.constant 3072 : i32
      %mul3A_458 = arith.muli %add3A_456, %mul3A_457 : i32
      %multiple_of3A_459 = tpu.assume_multiple %mul3A_458, 1024 : i32
      %dma_start3A_460 = arith.constant 1 : i32
      %dma_start3A_461 = arith.constant 2560 : i32
      %dma_start3A_462 = tpu.memref_slice %arg7[%dma_start3A_460, %dma_start3A_461] : memref<2x20480xf32, #tpu.memory_space<vmem>> -> memref<1x2560xf32, #tpu.memory_space<vmem>>
      %dma_start3A_463 = tpu.memref_squeeze %dma_start3A_462 : memref<1x2560xf32, #tpu.memory_space<vmem>> -> memref<2560xf32, #tpu.memory_space<vmem>>
      %dma_start3A_464 = tpu.memref_slice %arg4[%multiple_of3A_459] : memref<50331648xf32, #tpu.memory_space<hbm>> -> memref<2560xf32, #tpu.memory_space<hbm>>
      %dma_start3A_465 = tpu.memref_slice %arg4[%multiple_of3A_459] : memref<50331648xf32, #tpu.memory_space<hbm>> -> memref<2560xf32, #tpu.memory_space<hbm>>
      %dma_start3A_466 = arith.constant 2560 : i32
      %dma_start3A_467 = tpu.memref_slice %arg7[%dma_start3A_460, %dma_start3A_466] : memref<2x20480xf32, #tpu.memory_space<vmem>> -> memref<1x2560xf32, #tpu.memory_space<vmem>>
      %dma_start3A_468 = tpu.memref_squeeze %dma_start3A_467 : memref<1x2560xf32, #tpu.memory_space<vmem>> -> memref<2560xf32, #tpu.memory_space<vmem>>
      tpu.enqueue_dma source(%dma_start3A_468 : memref<2560xf32, #tpu.memory_space<vmem>>) target(%dma_start3A_465 : memref<2560xf32, #tpu.memory_space<hbm>>) target_semaphore(%arg13 : memref<!tpu.dma_semaphore, #tpu.memory_space<semaphore_mem>>)
      %mul3A_469 = arith.constant 8 : i32
      %mul3A_470 = arith.muli %add3A_405, %mul3A_469 : i32
      %add3A_471 = arith.addi %multiple_of3A, %mul3A_470 : i32
      %add3A_472 = arith.constant 2 : i32
      %add3A_473 = arith.addi %add3A_471, %add3A_472 : i32
      %mul3A_474 = arith.constant 3072 : i32
      %mul3A_475 = arith.muli %add3A_473, %mul3A_474 : i32
      %multiple_of3A_476 = tpu.assume_multiple %mul3A_475, 1024 : i32
      %dma_start3A_477 = arith.constant 1 : i32
      %dma_start3A_478 = arith.constant 5120 : i32
      %dma_start3A_479 = tpu.memref_slice %arg7[%dma_start3A_477, %dma_start3A_478] : memref<2x20480xf32, #tpu.memory_space<vmem>> -> memref<1x2560xf32, #tpu.memory_space<vmem>>
      %dma_start3A_480 = tpu.memref_squeeze %dma_start3A_479 : memref<1x2560xf32, #tpu.memory_space<vmem>> -> memref<2560xf32, #tpu.memory_space<vmem>>
      %dma_start3A_481 = tpu.memref_slice %arg4[%multiple_of3A_476] : memref<50331648xf32, #tpu.memory_space<hbm>> -> memref<2560xf32, #tpu.memory_space<hbm>>
      %dma_start3A_482 = tpu.memref_slice %arg4[%multiple_of3A_476] : memref<50331648xf32, #tpu.memory_space<hbm>> -> memref<2560xf32, #tpu.memory_space<hbm>>
      %dma_start3A_483 = arith.constant 5120 : i32
      %dma_start3A_484 = tpu.memref_slice %arg7[%dma_start3A_477, %dma_start3A_483] : memref<2x20480xf32, #tpu.memory_space<vmem>> -> memref<1x2560xf32, #tpu.memory_space<vmem>>
      %dma_start3A_485 = tpu.memref_squeeze %dma_start3A_484 : memref<1x2560xf32, #tpu.memory_space<vmem>> -> memref<2560xf32, #tpu.memory_space<vmem>>
      tpu.enqueue_dma source(%dma_start3A_485 : memref<2560xf32, #tpu.memory_space<vmem>>) target(%dma_start3A_482 : memref<2560xf32, #tpu.memory_space<hbm>>) target_semaphore(%arg13 : memref<!tpu.dma_semaphore, #tpu.memory_space<semaphore_mem>>)
      %mul3A_486 = arith.constant 8 : i32
      %mul3A_487 = arith.muli %add3A_405, %mul3A_486 : i32
      %add3A_488 = arith.addi %multiple_of3A, %mul3A_487 : i32
      %add3A_489 = arith.constant 3 : i32
      %add3A_490 = arith.addi %add3A_488, %add3A_489 : i32
      %mul3A_491 = arith.constant 3072 : i32
      %mul3A_492 = arith.muli %add3A_490, %mul3A_491 : i32
      %multiple_of3A_493 = tpu.assume_multiple %mul3A_492, 1024 : i32
      %dma_start3A_494 = arith.constant 1 : i32
      %dma_start3A_495 = arith.constant 7680 : i32
      %dma_start3A_496 = tpu.memref_slice %arg7[%dma_start3A_494, %dma_start3A_495] : memref<2x20480xf32, #tpu.memory_space<vmem>> -> memref<1x2560xf32, #tpu.memory_space<vmem>>
      %dma_start3A_497 = tpu.memref_squeeze %dma_start3A_496 : memref<1x2560xf32, #tpu.memory_space<vmem>> -> memref<2560xf32, #tpu.memory_space<vmem>>
      %dma_start3A_498 = tpu.memref_slice %arg4[%multiple_of3A_493] : memref<50331648xf32, #tpu.memory_space<hbm>> -> memref<2560xf32, #tpu.memory_space<hbm>>
      %dma_start3A_499 = tpu.memref_slice %arg4[%multiple_of3A_493] : memref<50331648xf32, #tpu.memory_space<hbm>> -> memref<2560xf32, #tpu.memory_space<hbm>>
      %dma_start3A_500 = arith.constant 7680 : i32
      %dma_start3A_501 = tpu.memref_slice %arg7[%dma_start3A_494, %dma_start3A_500] : memref<2x20480xf32, #tpu.memory_space<vmem>> -> memref<1x2560xf32, #tpu.memory_space<vmem>>
      %dma_start3A_502 = tpu.memref_squeeze %dma_start3A_501 : memref<1x2560xf32, #tpu.memory_space<vmem>> -> memref<2560xf32, #tpu.memory_space<vmem>>
      tpu.enqueue_dma source(%dma_start3A_502 : memref<2560xf32, #tpu.memory_space<vmem>>) target(%dma_start3A_499 : memref<2560xf32, #tpu.memory_space<hbm>>) target_semaphore(%arg13 : memref<!tpu.dma_semaphore, #tpu.memory_space<semaphore_mem>>)
      %mul3A_503 = arith.constant 8 : i32
      %mul3A_504 = arith.muli %add3A_405, %mul3A_503 : i32
      %add3A_505 = arith.addi %multiple_of3A, %mul3A_504 : i32
      %add3A_506 = arith.constant 4 : i32
      %add3A_507 = arith.addi %add3A_505, %add3A_506 : i32
      %mul3A_508 = arith.constant 3072 : i32
      %mul3A_509 = arith.muli %add3A_507, %mul3A_508 : i32
      %multiple_of3A_510 = tpu.assume_multiple %mul3A_509, 1024 : i32
      %dma_start3A_511 = arith.constant 1 : i32
      %dma_start3A_512 = arith.constant 10240 : i32
      %dma_start3A_513 = tpu.memref_slice %arg7[%dma_start3A_511, %dma_start3A_512] : memref<2x20480xf32, #tpu.memory_space<vmem>> -> memref<1x2560xf32, #tpu.memory_space<vmem>>
      %dma_start3A_514 = tpu.memref_squeeze %dma_start3A_513 : memref<1x2560xf32, #tpu.memory_space<vmem>> -> memref<2560xf32, #tpu.memory_space<vmem>>
      %dma_start3A_515 = tpu.memref_slice %arg4[%multiple_of3A_510] : memref<50331648xf32, #tpu.memory_space<hbm>> -> memref<2560xf32, #tpu.memory_space<hbm>>
      %dma_start3A_516 = tpu.memref_slice %arg4[%multiple_of3A_510] : memref<50331648xf32, #tpu.memory_space<hbm>> -> memref<2560xf32, #tpu.memory_space<hbm>>
      %dma_start3A_517 = arith.constant 10240 : i32
      %dma_start3A_518 = tpu.memref_slice %arg7[%dma_start3A_511, %dma_start3A_517] : memref<2x20480xf32, #tpu.memory_space<vmem>> -> memref<1x2560xf32, #tpu.memory_space<vmem>>
      %dma_start3A_519 = tpu.memref_squeeze %dma_start3A_518 : memref<1x2560xf32, #tpu.memory_space<vmem>> -> memref<2560xf32, #tpu.memory_space<vmem>>
      tpu.enqueue_dma source(%dma_start3A_519 : memref<2560xf32, #tpu.memory_space<vmem>>) target(%dma_start3A_516 : memref<2560xf32, #tpu.memory_space<hbm>>) target_semaphore(%arg13 : memref<!tpu.dma_semaphore, #tpu.memory_space<semaphore_mem>>)
      %mul3A_520 = arith.constant 8 : i32
      %mul3A_521 = arith.muli %add3A_405, %mul3A_520 : i32
      %add3A_522 = arith.addi %multiple_of3A, %mul3A_521 : i32
      %add3A_523 = arith.constant 5 : i32
      %add3A_524 = arith.addi %add3A_522, %add3A_523 : i32
      %mul3A_525 = arith.constant 3072 : i32
      %mul3A_526 = arith.muli %add3A_524, %mul3A_525 : i32
      %multiple_of3A_527 = tpu.assume_multiple %mul3A_526, 1024 : i32
      %dma_start3A_528 = arith.constant 1 : i32
      %dma_start3A_529 = arith.constant 12800 : i32
      %dma_start3A_530 = tpu.memref_slice %arg7[%dma_start3A_528, %dma_start3A_529] : memref<2x20480xf32, #tpu.memory_space<vmem>> -> memref<1x2560xf32, #tpu.memory_space<vmem>>
      %dma_start3A_531 = tpu.memref_squeeze %dma_start3A_530 : memref<1x2560xf32, #tpu.memory_space<vmem>> -> memref<2560xf32, #tpu.memory_space<vmem>>
      %dma_start3A_532 = tpu.memref_slice %arg4[%multiple_of3A_527] : memref<50331648xf32, #tpu.memory_space<hbm>> -> memref<2560xf32, #tpu.memory_space<hbm>>
      %dma_start3A_533 = tpu.memref_slice %arg4[%multiple_of3A_527] : memref<50331648xf32, #tpu.memory_space<hbm>> -> memref<2560xf32, #tpu.memory_space<hbm>>
      %dma_start3A_534 = arith.constant 12800 : i32
      %dma_start3A_535 = tpu.memref_slice %arg7[%dma_start3A_528, %dma_start3A_534] : memref<2x20480xf32, #tpu.memory_space<vmem>> -> memref<1x2560xf32, #tpu.memory_space<vmem>>
      %dma_start3A_536 = tpu.memref_squeeze %dma_start3A_535 : memref<1x2560xf32, #tpu.memory_space<vmem>> -> memref<2560xf32, #tpu.memory_space<vmem>>
      tpu.enqueue_dma source(%dma_start3A_536 : memref<2560xf32, #tpu.memory_space<vmem>>) target(%dma_start3A_533 : memref<2560xf32, #tpu.memory_space<hbm>>) target_semaphore(%arg13 : memref<!tpu.dma_semaphore, #tpu.memory_space<semaphore_mem>>)
      %mul3A_537 = arith.constant 8 : i32
      %mul3A_538 = arith.muli %add3A_405, %mul3A_537 : i32
      %add3A_539 = arith.addi %multiple_of3A, %mul3A_538 : i32
      %add3A_540 = arith.constant 6 : i32
      %add3A_541 = arith.addi %add3A_539, %add3A_540 : i32
      %mul3A_542 = arith.constant 3072 : i32
      %mul3A_543 = arith.muli %add3A_541, %mul3A_542 : i32
      %multiple_of3A_544 = tpu.assume_multiple %mul3A_543, 1024 : i32
      %dma_start3A_545 = arith.constant 1 : i32
      %dma_start3A_546 = arith.constant 15360 : i32
      %dma_start3A_547 = tpu.memref_slice %arg7[%dma_start3A_545, %dma_start3A_546] : memref<2x20480xf32, #tpu.memory_space<vmem>> -> memref<1x2560xf32, #tpu.memory_space<vmem>>
      %dma_start3A_548 = tpu.memref_squeeze %dma_start3A_547 : memref<1x2560xf32, #tpu.memory_space<vmem>> -> memref<2560xf32, #tpu.memory_space<vmem>>
      %dma_start3A_549 = tpu.memref_slice %arg4[%multiple_of3A_544] : memref<50331648xf32, #tpu.memory_space<hbm>> -> memref<2560xf32, #tpu.memory_space<hbm>>
      %dma_start3A_550 = tpu.memref_slice %arg4[%multiple_of3A_544] : memref<50331648xf32, #tpu.memory_space<hbm>> -> memref<2560xf32, #tpu.memory_space<hbm>>
      %dma_start3A_551 = arith.constant 15360 : i32
      %dma_start3A_552 = tpu.memref_slice %arg7[%dma_start3A_545, %dma_start3A_551] : memref<2x20480xf32, #tpu.memory_space<vmem>> -> memref<1x2560xf32, #tpu.memory_space<vmem>>
      %dma_start3A_553 = tpu.memref_squeeze %dma_start3A_552 : memref<1x2560xf32, #tpu.memory_space<vmem>> -> memref<2560xf32, #tpu.memory_space<vmem>>
      tpu.enqueue_dma source(%dma_start3A_553 : memref<2560xf32, #tpu.memory_space<vmem>>) target(%dma_start3A_550 : memref<2560xf32, #tpu.memory_space<hbm>>) target_semaphore(%arg13 : memref<!tpu.dma_semaphore, #tpu.memory_space<semaphore_mem>>)
      %mul3A_554 = arith.constant 8 : i32
      %mul3A_555 = arith.muli %add3A_405, %mul3A_554 : i32
      %add3A_556 = arith.addi %multiple_of3A, %mul3A_555 : i32
      %add3A_557 = arith.constant 7 : i32
      %add3A_558 = arith.addi %add3A_556, %add3A_557 : i32
      %mul3A_559 = arith.constant 3072 : i32
      %mul3A_560 = arith.muli %add3A_558, %mul3A_559 : i32
      %multiple_of3A_561 = tpu.assume_multiple %mul3A_560, 1024 : i32
      %dma_start3A_562 = arith.constant 1 : i32
      %dma_start3A_563 = arith.constant 17920 : i32
      %dma_start3A_564 = tpu.memref_slice %arg7[%dma_start3A_562, %dma_start3A_563] : memref<2x20480xf32, #tpu.memory_space<vmem>> -> memref<1x2560xf32, #tpu.memory_space<vmem>>
      %dma_start3A_565 = tpu.memref_squeeze %dma_start3A_564 : memref<1x2560xf32, #tpu.memory_space<vmem>> -> memref<2560xf32, #tpu.memory_space<vmem>>
      %dma_start3A_566 = tpu.memref_slice %arg4[%multiple_of3A_561] : memref<50331648xf32, #tpu.memory_space<hbm>> -> memref<2560xf32, #tpu.memory_space<hbm>>
      %dma_start3A_567 = tpu.memref_slice %arg4[%multiple_of3A_561] : memref<50331648xf32, #tpu.memory_space<hbm>> -> memref<2560xf32, #tpu.memory_space<hbm>>
      %dma_start3A_568 = arith.constant 17920 : i32
      %dma_start3A_569 = tpu.memref_slice %arg7[%dma_start3A_562, %dma_start3A_568] : memref<2x20480xf32, #tpu.memory_space<vmem>> -> memref<1x2560xf32, #tpu.memory_space<vmem>>
      %dma_start3A_570 = tpu.memref_squeeze %dma_start3A_569 : memref<1x2560xf32, #tpu.memory_space<vmem>> -> memref<2560xf32, #tpu.memory_space<vmem>>
      tpu.enqueue_dma source(%dma_start3A_570 : memref<2560xf32, #tpu.memory_space<vmem>>) target(%dma_start3A_567 : memref<2560xf32, #tpu.memory_space<hbm>>) target_semaphore(%arg13 : memref<!tpu.dma_semaphore, #tpu.memory_space<semaphore_mem>>)
      %mul3A_571 = arith.constant 4 : i32
      %mul3A_572 = arith.muli %scan3A_236, %mul3A_571 : i32
      %add3A_573 = arith.constant 2 : i32
      %add3A_574 = arith.addi %mul3A_572, %add3A_573 : i32
      %add3A_575 = arith.constant 2 : i32
      %add3A_576 = arith.addi %add3A_574, %add3A_575 : i32
      %lt3A_577 = arith.constant 64 : i32
      %lt3A_578 = arith.cmpi slt, %add3A_576, %lt3A_577 : i32
      %convert_element_type3A_579 = arith.extui %lt3A_578 : i1 to i32
      %cond3A_580 = arith.constant 0 : i32
      %cond3A_581 = arith.cmpi ne, %convert_element_type3A_579, %cond3A_580 : i32
      scf.if %cond3A_581 {
        %mul3A_909 = arith.constant 8 : i32
        %mul3A_910 = arith.muli %add3A_576, %mul3A_909 : i32
        %add3A_911 = arith.constant 0 : i32
        %add3A_912 = arith.addi %mul3A_910, %add3A_911 : i32
        %dma_start3A_913 = arith.constant 0 : i32
        %dma_start3A_914 = arith.constant 0 : i32
        %dma_start3A_915 = arith.constant 0 : i32
        %dma_start3A_916 = arith.constant 0 : i32
        %dma_start3A_917 = tpu.memref_slice %arg6[%dma_start3A_913, %dma_start3A_914, %dma_start3A_915, %dma_start3A_916] : memref<4x8x20x64xf32, #tpu.memory_space<vmem>> -> memref<1x1x20x64xf32, #tpu.memory_space<vmem>>
        %dma_start3A_918 = tpu.memref_squeeze %dma_start3A_917 : memref<1x1x20x64xf32, #tpu.memory_space<vmem>> -> memref<20x64xf32, #tpu.memory_space<vmem>>
        %dma_start3A_919 = arith.constant 0 : i32
        %dma_start3A_920 = tpu.memref_slice %arg5[%add3A_912, %dma_start3A_919] : memref<512x20xi32, #tpu.memory_space<vmem>> -> memref<1x20xi32, #tpu.memory_space<vmem>>
        %dma_start3A_921 = tpu.memref_squeeze %dma_start3A_920 : memref<1x20xi32, #tpu.memory_space<vmem>> -> memref<20xi32, #tpu.memory_space<vmem>>
        %dma_start3A_922 = arith.constant 0 : i32
        %dma_start3A_923 = arith.constant 0 : i32
        %dma_start3A_924 = tpu.memref_slice %arg3[%dma_start3A_922, %dma_start3A_923] : memref<1000000x64xf32, #tpu.memory_space<hbm>> -> memref<1000000x64xf32, #tpu.memory_space<hbm>>
        tpu.enqueue_indirect_dma source(%dma_start3A_924 : memref<1000000x64xf32, #tpu.memory_space<hbm>>) target(%dma_start3A_918 : memref<20x64xf32, #tpu.memory_space<vmem>>) offsets(%dma_start3A_921 : memref<20xi32, #tpu.memory_space<vmem>>) semaphore(%arg8 : memref<!tpu.dma_semaphore, #tpu.memory_space<semaphore_mem>>)
        %mul3A_925 = arith.constant 8 : i32
        %mul3A_926 = arith.muli %add3A_576, %mul3A_925 : i32
        %add3A_927 = arith.constant 1 : i32
        %add3A_928 = arith.addi %mul3A_926, %add3A_927 : i32
        %dma_start3A_929 = arith.constant 0 : i32
        %dma_start3A_930 = arith.constant 1 : i32
        %dma_start3A_931 = arith.constant 0 : i32
        %dma_start3A_932 = arith.constant 0 : i32
        %dma_start3A_933 = tpu.memref_slice %arg6[%dma_start3A_929, %dma_start3A_930, %dma_start3A_931, %dma_start3A_932] : memref<4x8x20x64xf32, #tpu.memory_space<vmem>> -> memref<1x1x20x64xf32, #tpu.memory_space<vmem>>
        %dma_start3A_934 = tpu.memref_squeeze %dma_start3A_933 : memref<1x1x20x64xf32, #tpu.memory_space<vmem>> -> memref<20x64xf32, #tpu.memory_space<vmem>>
        %dma_start3A_935 = arith.constant 0 : i32
        %dma_start3A_936 = tpu.memref_slice %arg5[%add3A_928, %dma_start3A_935] : memref<512x20xi32, #tpu.memory_space<vmem>> -> memref<1x20xi32, #tpu.memory_space<vmem>>
        %dma_start3A_937 = tpu.memref_squeeze %dma_start3A_936 : memref<1x20xi32, #tpu.memory_space<vmem>> -> memref<20xi32, #tpu.memory_space<vmem>>
        %dma_start3A_938 = arith.constant 0 : i32
        %dma_start3A_939 = arith.constant 0 : i32
        %dma_start3A_940 = tpu.memref_slice %arg3[%dma_start3A_938, %dma_start3A_939] : memref<1000000x64xf32, #tpu.memory_space<hbm>> -> memref<1000000x64xf32, #tpu.memory_space<hbm>>
        tpu.enqueue_indirect_dma source(%dma_start3A_940 : memref<1000000x64xf32, #tpu.memory_space<hbm>>) target(%dma_start3A_934 : memref<20x64xf32, #tpu.memory_space<vmem>>) offsets(%dma_start3A_937 : memref<20xi32, #tpu.memory_space<vmem>>) semaphore(%arg8 : memref<!tpu.dma_semaphore, #tpu.memory_space<semaphore_mem>>)
        %mul3A_941 = arith.constant 8 : i32
        %mul3A_942 = arith.muli %add3A_576, %mul3A_941 : i32
        %add3A_943 = arith.constant 2 : i32
        %add3A_944 = arith.addi %mul3A_942, %add3A_943 : i32
        %dma_start3A_945 = arith.constant 0 : i32
        %dma_start3A_946 = arith.constant 2 : i32
        %dma_start3A_947 = arith.constant 0 : i32
        %dma_start3A_948 = arith.constant 0 : i32
        %dma_start3A_949 = tpu.memref_slice %arg6[%dma_start3A_945, %dma_start3A_946, %dma_start3A_947, %dma_start3A_948] : memref<4x8x20x64xf32, #tpu.memory_space<vmem>> -> memref<1x1x20x64xf32, #tpu.memory_space<vmem>>
        %dma_start3A_950 = tpu.memref_squeeze %dma_start3A_949 : memref<1x1x20x64xf32, #tpu.memory_space<vmem>> -> memref<20x64xf32, #tpu.memory_space<vmem>>
        %dma_start3A_951 = arith.constant 0 : i32
        %dma_start3A_952 = tpu.memref_slice %arg5[%add3A_944, %dma_start3A_951] : memref<512x20xi32, #tpu.memory_space<vmem>> -> memref<1x20xi32, #tpu.memory_space<vmem>>
        %dma_start3A_953 = tpu.memref_squeeze %dma_start3A_952 : memref<1x20xi32, #tpu.memory_space<vmem>> -> memref<20xi32, #tpu.memory_space<vmem>>
        %dma_start3A_954 = arith.constant 0 : i32
        %dma_start3A_955 = arith.constant 0 : i32
        %dma_start3A_956 = tpu.memref_slice %arg3[%dma_start3A_954, %dma_start3A_955] : memref<1000000x64xf32, #tpu.memory_space<hbm>> -> memref<1000000x64xf32, #tpu.memory_space<hbm>>
        tpu.enqueue_indirect_dma source(%dma_start3A_956 : memref<1000000x64xf32, #tpu.memory_space<hbm>>) target(%dma_start3A_950 : memref<20x64xf32, #tpu.memory_space<vmem>>) offsets(%dma_start3A_953 : memref<20xi32, #tpu.memory_space<vmem>>) semaphore(%arg8 : memref<!tpu.dma_semaphore, #tpu.memory_space<semaphore_mem>>)
        %mul3A_957 = arith.constant 8 : i32
        %mul3A_958 = arith.muli %add3A_576, %mul3A_957 : i32
        %add3A_959 = arith.constant 3 : i32
        %add3A_960 = arith.addi %mul3A_958, %add3A_959 : i32
        %dma_start3A_961 = arith.constant 0 : i32
        %dma_start3A_962 = arith.constant 3 : i32
        %dma_start3A_963 = arith.constant 0 : i32
        %dma_start3A_964 = arith.constant 0 : i32
        %dma_start3A_965 = tpu.memref_slice %arg6[%dma_start3A_961, %dma_start3A_962, %dma_start3A_963, %dma_start3A_964] : memref<4x8x20x64xf32, #tpu.memory_space<vmem>> -> memref<1x1x20x64xf32, #tpu.memory_space<vmem>>
        %dma_start3A_966 = tpu.memref_squeeze %dma_start3A_965 : memref<1x1x20x64xf32, #tpu.memory_space<vmem>> -> memref<20x64xf32, #tpu.memory_space<vmem>>
        %dma_start3A_967 = arith.constant 0 : i32
        %dma_start3A_968 = tpu.memref_slice %arg5[%add3A_960, %dma_start3A_967] : memref<512x20xi32, #tpu.memory_space<vmem>> -> memref<1x20xi32, #tpu.memory_space<vmem>>
        %dma_start3A_969 = tpu.memref_squeeze %dma_start3A_968 : memref<1x20xi32, #tpu.memory_space<vmem>> -> memref<20xi32, #tpu.memory_space<vmem>>
        %dma_start3A_970 = arith.constant 0 : i32
        %dma_start3A_971 = arith.constant 0 : i32
        %dma_start3A_972 = tpu.memref_slice %arg3[%dma_start3A_970, %dma_start3A_971] : memref<1000000x64xf32, #tpu.memory_space<hbm>> -> memref<1000000x64xf32, #tpu.memory_space<hbm>>
        tpu.enqueue_indirect_dma source(%dma_start3A_972 : memref<1000000x64xf32, #tpu.memory_space<hbm>>) target(%dma_start3A_966 : memref<20x64xf32, #tpu.memory_space<vmem>>) offsets(%dma_start3A_969 : memref<20xi32, #tpu.memory_space<vmem>>) semaphore(%arg8 : memref<!tpu.dma_semaphore, #tpu.memory_space<semaphore_mem>>)
        %mul3A_973 = arith.constant 8 : i32
        %mul3A_974 = arith.muli %add3A_576, %mul3A_973 : i32
        %add3A_975 = arith.constant 4 : i32
        %add3A_976 = arith.addi %mul3A_974, %add3A_975 : i32
        %dma_start3A_977 = arith.constant 0 : i32
        %dma_start3A_978 = arith.constant 4 : i32
        %dma_start3A_979 = arith.constant 0 : i32
        %dma_start3A_980 = arith.constant 0 : i32
        %dma_start3A_981 = tpu.memref_slice %arg6[%dma_start3A_977, %dma_start3A_978, %dma_start3A_979, %dma_start3A_980] : memref<4x8x20x64xf32, #tpu.memory_space<vmem>> -> memref<1x1x20x64xf32, #tpu.memory_space<vmem>>
        %dma_start3A_982 = tpu.memref_squeeze %dma_start3A_981 : memref<1x1x20x64xf32, #tpu.memory_space<vmem>> -> memref<20x64xf32, #tpu.memory_space<vmem>>
        %dma_start3A_983 = arith.constant 0 : i32
        %dma_start3A_984 = tpu.memref_slice %arg5[%add3A_976, %dma_start3A_983] : memref<512x20xi32, #tpu.memory_space<vmem>> -> memref<1x20xi32, #tpu.memory_space<vmem>>
        %dma_start3A_985 = tpu.memref_squeeze %dma_start3A_984 : memref<1x20xi32, #tpu.memory_space<vmem>> -> memref<20xi32, #tpu.memory_space<vmem>>
        %dma_start3A_986 = arith.constant 0 : i32
        %dma_start3A_987 = arith.constant 0 : i32
        %dma_start3A_988 = tpu.memref_slice %arg3[%dma_start3A_986, %dma_start3A_987] : memref<1000000x64xf32, #tpu.memory_space<hbm>> -> memref<1000000x64xf32, #tpu.memory_space<hbm>>
        tpu.enqueue_indirect_dma source(%dma_start3A_988 : memref<1000000x64xf32, #tpu.memory_space<hbm>>) target(%dma_start3A_982 : memref<20x64xf32, #tpu.memory_space<vmem>>) offsets(%dma_start3A_985 : memref<20xi32, #tpu.memory_space<vmem>>) semaphore(%arg8 : memref<!tpu.dma_semaphore, #tpu.memory_space<semaphore_mem>>)
        %mul3A_989 = arith.constant 8 : i32
        %mul3A_990 = arith.muli %add3A_576, %mul3A_989 : i32
        %add3A_991 = arith.constant 5 : i32
        %add3A_992 = arith.addi %mul3A_990, %add3A_991 : i32
        %dma_start3A_993 = arith.constant 0 : i32
        %dma_start3A_994 = arith.constant 5 : i32
        %dma_start3A_995 = arith.constant 0 : i32
        %dma_start3A_996 = arith.constant 0 : i32
        %dma_start3A_997 = tpu.memref_slice %arg6[%dma_start3A_993, %dma_start3A_994, %dma_start3A_995, %dma_start3A_996] : memref<4x8x20x64xf32, #tpu.memory_space<vmem>> -> memref<1x1x20x64xf32, #tpu.memory_space<vmem>>
        %dma_start3A_998 = tpu.memref_squeeze %dma_start3A_997 : memref<1x1x20x64xf32, #tpu.memory_space<vmem>> -> memref<20x64xf32, #tpu.memory_space<vmem>>
        %dma_start3A_999 = arith.constant 0 : i32
        %dma_start3A_1000 = tpu.memref_slice %arg5[%add3A_992, %dma_start3A_999] : memref<512x20xi32, #tpu.memory_space<vmem>> -> memref<1x20xi32, #tpu.memory_space<vmem>>
        %dma_start3A_1001 = tpu.memref_squeeze %dma_start3A_1000 : memref<1x20xi32, #tpu.memory_space<vmem>> -> memref<20xi32, #tpu.memory_space<vmem>>
        %dma_start3A_1002 = arith.constant 0 : i32
        %dma_start3A_1003 = arith.constant 0 : i32
        %dma_start3A_1004 = tpu.memref_slice %arg3[%dma_start3A_1002, %dma_start3A_1003] : memref<1000000x64xf32, #tpu.memory_space<hbm>> -> memref<1000000x64xf32, #tpu.memory_space<hbm>>
        tpu.enqueue_indirect_dma source(%dma_start3A_1004 : memref<1000000x64xf32, #tpu.memory_space<hbm>>) target(%dma_start3A_998 : memref<20x64xf32, #tpu.memory_space<vmem>>) offsets(%dma_start3A_1001 : memref<20xi32, #tpu.memory_space<vmem>>) semaphore(%arg8 : memref<!tpu.dma_semaphore, #tpu.memory_space<semaphore_mem>>)
        %mul3A_1005 = arith.constant 8 : i32
        %mul3A_1006 = arith.muli %add3A_576, %mul3A_1005 : i32
        %add3A_1007 = arith.constant 6 : i32
        %add3A_1008 = arith.addi %mul3A_1006, %add3A_1007 : i32
        %dma_start3A_1009 = arith.constant 0 : i32
        %dma_start3A_1010 = arith.constant 6 : i32
        %dma_start3A_1011 = arith.constant 0 : i32
        %dma_start3A_1012 = arith.constant 0 : i32
        %dma_start3A_1013 = tpu.memref_slice %arg6[%dma_start3A_1009, %dma_start3A_1010, %dma_start3A_1011, %dma_start3A_1012] : memref<4x8x20x64xf32, #tpu.memory_space<vmem>> -> memref<1x1x20x64xf32, #tpu.memory_space<vmem>>
        %dma_start3A_1014 = tpu.memref_squeeze %dma_start3A_1013 : memref<1x1x20x64xf32, #tpu.memory_space<vmem>> -> memref<20x64xf32, #tpu.memory_space<vmem>>
        %dma_start3A_1015 = arith.constant 0 : i32
        %dma_start3A_1016 = tpu.memref_slice %arg5[%add3A_1008, %dma_start3A_1015] : memref<512x20xi32, #tpu.memory_space<vmem>> -> memref<1x20xi32, #tpu.memory_space<vmem>>
        %dma_start3A_1017 = tpu.memref_squeeze %dma_start3A_1016 : memref<1x20xi32, #tpu.memory_space<vmem>> -> memref<20xi32, #tpu.memory_space<vmem>>
        %dma_start3A_1018 = arith.constant 0 : i32
        %dma_start3A_1019 = arith.constant 0 : i32
        %dma_start3A_1020 = tpu.memref_slice %arg3[%dma_start3A_1018, %dma_start3A_1019] : memref<1000000x64xf32, #tpu.memory_space<hbm>> -> memref<1000000x64xf32, #tpu.memory_space<hbm>>
        tpu.enqueue_indirect_dma source(%dma_start3A_1020 : memref<1000000x64xf32, #tpu.memory_space<hbm>>) target(%dma_start3A_1014 : memref<20x64xf32, #tpu.memory_space<vmem>>) offsets(%dma_start3A_1017 : memref<20xi32, #tpu.memory_space<vmem>>) semaphore(%arg8 : memref<!tpu.dma_semaphore, #tpu.memory_space<semaphore_mem>>)
        %mul3A_1021 = arith.constant 8 : i32
        %mul3A_1022 = arith.muli %add3A_576, %mul3A_1021 : i32
        %add3A_1023 = arith.constant 7 : i32
        %add3A_1024 = arith.addi %mul3A_1022, %add3A_1023 : i32
        %dma_start3A_1025 = arith.constant 0 : i32
        %dma_start3A_1026 = arith.constant 7 : i32
        %dma_start3A_1027 = arith.constant 0 : i32
        %dma_start3A_1028 = arith.constant 0 : i32
        %dma_start3A_1029 = tpu.memref_slice %arg6[%dma_start3A_1025, %dma_start3A_1026, %dma_start3A_1027, %dma_start3A_1028] : memref<4x8x20x64xf32, #tpu.memory_space<vmem>> -> memref<1x1x20x64xf32, #tpu.memory_space<vmem>>
        %dma_start3A_1030 = tpu.memref_squeeze %dma_start3A_1029 : memref<1x1x20x64xf32, #tpu.memory_space<vmem>> -> memref<20x64xf32, #tpu.memory_space<vmem>>
        %dma_start3A_1031 = arith.constant 0 : i32
        %dma_start3A_1032 = tpu.memref_slice %arg5[%add3A_1024, %dma_start3A_1031] : memref<512x20xi32, #tpu.memory_space<vmem>> -> memref<1x20xi32, #tpu.memory_space<vmem>>
        %dma_start3A_1033 = tpu.memref_squeeze %dma_start3A_1032 : memref<1x20xi32, #tpu.memory_space<vmem>> -> memref<20xi32, #tpu.memory_space<vmem>>
        %dma_start3A_1034 = arith.constant 0 : i32
        %dma_start3A_1035 = arith.constant 0 : i32
        %dma_start3A_1036 = tpu.memref_slice %arg3[%dma_start3A_1034, %dma_start3A_1035] : memref<1000000x64xf32, #tpu.memory_space<hbm>> -> memref<1000000x64xf32, #tpu.memory_space<hbm>>
        tpu.enqueue_indirect_dma source(%dma_start3A_1036 : memref<1000000x64xf32, #tpu.memory_space<hbm>>) target(%dma_start3A_1030 : memref<20x64xf32, #tpu.memory_space<vmem>>) offsets(%dma_start3A_1033 : memref<20xi32, #tpu.memory_space<vmem>>) semaphore(%arg8 : memref<!tpu.dma_semaphore, #tpu.memory_space<semaphore_mem>>)
      } else {
      }
      %dma_wait3A_582 = arith.constant 2 : i32
      %dma_wait3A_583 = arith.constant 0 : i32
      %dma_wait3A_584 = tpu.memref_slice %arg7[%dma_wait3A_582, %dma_wait3A_583] : memref<2x20480xf32, #tpu.memory_space<vmem>> -> memref<1x10240xf32, #tpu.memory_space<vmem>>
      %dma_wait3A_585 = tpu.memref_squeeze %dma_wait3A_584 : memref<1x10240xf32, #tpu.memory_space<vmem>> -> memref<10240xf32, #tpu.memory_space<vmem>>
      %dma_wait3A_586 = arith.constant 0 : i32
      %dma_wait3A_587 = tpu.memref_slice %arg4[%dma_wait3A_586] : memref<50331648xf32, #tpu.memory_space<hbm>> -> memref<10240xf32, #tpu.memory_space<hbm>>
      %dma_wait3A_588 = arith.constant 0 : i32
      %dma_wait3A_589 = tpu.memref_slice %arg7[%dma_wait3A_582, %dma_wait3A_588] : memref<2x20480xf32, #tpu.memory_space<vmem>> -> memref<1x10240xf32, #tpu.memory_space<vmem>>
      %dma_wait3A_590 = tpu.memref_squeeze %dma_wait3A_589 : memref<1x10240xf32, #tpu.memory_space<vmem>> -> memref<10240xf32, #tpu.memory_space<vmem>>
      %dma_wait3A_591 = arith.constant 0 : i32
      %dma_wait3A_592 = tpu.memref_slice %arg4[%dma_wait3A_591] : memref<50331648xf32, #tpu.memory_space<hbm>> -> memref<10240xf32, #tpu.memory_space<hbm>>
      tpu.wait_dma2 semaphore(%arg10 : memref<!tpu.dma_semaphore, #tpu.memory_space<semaphore_mem>>) src(%dma_wait3A_592 : memref<10240xf32, #tpu.memory_space<hbm>>) dst(%dma_wait3A_590 : memref<10240xf32, #tpu.memory_space<vmem>>)
      %ge3A_593 = arith.constant 2 : i32
      %ge3A_594 = arith.cmpi sge, %add3A_574, %ge3A_593 : i32
      %convert_element_type3A_595 = arith.extui %ge3A_594 : i1 to i32
      %cond3A_596 = arith.constant 0 : i32
      %cond3A_597 = arith.cmpi ne, %convert_element_type3A_595, %cond3A_596 : i32
      scf.if %cond3A_597 {
        %dma_wait3A_909 = arith.constant 0 : i32
        %dma_wait3A_910 = arith.constant 0 : i32
        %dma_wait3A_911 = tpu.memref_slice %arg7[%dma_wait3A_909, %dma_wait3A_910] : memref<2x20480xf32, #tpu.memory_space<vmem>> -> memref<1x20480xf32, #tpu.memory_space<vmem>>
        %dma_wait3A_912 = tpu.memref_squeeze %dma_wait3A_911 : memref<1x20480xf32, #tpu.memory_space<vmem>> -> memref<20480xf32, #tpu.memory_space<vmem>>
        %dma_wait3A_913 = arith.constant 0 : i32
        %dma_wait3A_914 = tpu.memref_slice %arg4[%dma_wait3A_913] : memref<50331648xf32, #tpu.memory_space<hbm>> -> memref<20480xf32, #tpu.memory_space<hbm>>
        %dma_wait3A_915 = arith.constant 0 : i32
        %dma_wait3A_916 = tpu.memref_slice %arg7[%dma_wait3A_909, %dma_wait3A_915] : memref<2x20480xf32, #tpu.memory_space<vmem>> -> memref<1x20480xf32, #tpu.memory_space<vmem>>
        %dma_wait3A_917 = tpu.memref_squeeze %dma_wait3A_916 : memref<1x20480xf32, #tpu.memory_space<vmem>> -> memref<20480xf32, #tpu.memory_space<vmem>>
        %dma_wait3A_918 = arith.constant 0 : i32
        %dma_wait3A_919 = tpu.memref_slice %arg4[%dma_wait3A_918] : memref<50331648xf32, #tpu.memory_space<hbm>> -> memref<20480xf32, #tpu.memory_space<hbm>>
        tpu.wait_dma2 semaphore(%arg12 : memref<!tpu.dma_semaphore, #tpu.memory_space<semaphore_mem>>) src(%dma_wait3A_919 : memref<20480xf32, #tpu.memory_space<hbm>>) dst(%dma_wait3A_917 : memref<20480xf32, #tpu.memory_space<vmem>>)
      } else {
      }
      %scan3A_598 = arith.constant 0 : i32
      %scan3A_599 = arith.constant 0 : i32
      %scan3A_600 = arith.constant 40 : i32
      %scan3A_601 = arith.addi %scan3A_599, %scan3A_600 : i32
      %scan3A_602 = arith.constant 1 : i32
      scf.for %scan3A_909 = %scan3A_599 to %scan3A_601 step %scan3A_602  : i32 {
        %jit3A = arith.constant 5 : i32
        %div3A = arith.divsi %scan3A_909, %jit3A : i32
        %sign3A = arith.constant 0 : i32
        %sign3A_910 = arith.cmpi sgt, %scan3A_909, %sign3A : i32
        %sign3A_911 = arith.extui %sign3A_910 : i1 to i32
        %sign3A_912 = arith.constant 0 : i32
        %sign3A_913 = arith.cmpi slt, %scan3A_909, %sign3A_912 : i32
        %sign3A_914 = arith.extui %sign3A_913 : i1 to i32
        %sign3A_915 = arith.subi %sign3A_911, %sign3A_914 : i32
        %sign3A_916 = arith.constant 0 : i32
        %sign3A_917 = arith.cmpi sgt, %jit3A, %sign3A_916 : i32
        %sign3A_918 = arith.extui %sign3A_917 : i1 to i32
        %sign3A_919 = arith.constant 0 : i32
        %sign3A_920 = arith.cmpi slt, %jit3A, %sign3A_919 : i32
        %sign3A_921 = arith.extui %sign3A_920 : i1 to i32
        %sign3A_922 = arith.subi %sign3A_918, %sign3A_921 : i32
        %ne3A = arith.cmpi ne, %sign3A_915, %sign3A_922 : i32
        %rem3A = arith.remsi %scan3A_909, %jit3A : i32
        %ne3A_923 = arith.constant 0 : i32
        %ne3A_924 = arith.cmpi ne, %rem3A, %ne3A_923 : i32
        %and3A = arith.andi %ne3A, %ne3A_924 : i1
        %sub3A = arith.constant 1 : i32
        %sub3A_925 = arith.subi %div3A, %sub3A : i32
        %select_n3A = arith.select %and3A, %sub3A_925, %div3A : i32
        %jit3A_926 = arith.constant 5 : i32
        %eq3A = arith.constant 0 : i32
        %eq3A_927 = arith.cmpi eq, %jit3A_926, %eq3A : i32
        %jit3A_928 = arith.constant 1 : i32
        %select_n3A_929 = arith.select %eq3A_927, %jit3A_928, %jit3A_926 : i32
        %rem3A_930 = arith.remsi %scan3A_909, %select_n3A_929 : i32
        %ne3A_931 = arith.constant 0 : i32
        %ne3A_932 = arith.cmpi ne, %rem3A_930, %ne3A_931 : i32
        %lt3A_933 = arith.constant 0 : i32
        %lt3A_934 = arith.cmpi slt, %rem3A_930, %lt3A_933 : i32
        %lt3A_935 = arith.constant 0 : i32
        %lt3A_936 = arith.cmpi slt, %select_n3A_929, %lt3A_935 : i32
        %ne3A_937 = arith.xori %lt3A_934, %lt3A_936 : i1
        %and3A_938 = arith.andi %ne3A_937, %ne3A_932 : i1
        %add3A_939 = arith.addi %rem3A_930, %select_n3A_929 : i32
        %select_n3A_940 = arith.select %and3A_938, %add3A_939, %rem3A_930 : i32
        %mul3A_941 = arith.constant 4 : i32
        %mul3A_942 = arith.muli %select_n3A_940, %mul3A_941 : i32
        %mul3A_943 = arith.constant 2560 : i32
        %mul3A_944 = arith.muli %select_n3A, %mul3A_943 : i32
        %add3A_945 = arith.constant 0 : i32
        %add3A_946 = arith.addi %mul3A_942, %add3A_945 : i32
        %mul3A_947 = arith.constant 128 : i32
        %mul3A_948 = arith.muli %add3A_946, %mul3A_947 : i32
        %add3A_949 = arith.addi %mul3A_944, %mul3A_948 : i32
        %add3A_950 = arith.constant 0 : i32
        %add3A_951 = arith.addi %add3A_949, %add3A_950 : i32
        %multiple_of3A_952 = tpu.assume_multiple %add3A_951, 16 : i32
        %add3A_953 = arith.constant 0 : i32
        %add3A_954 = arith.addi %mul3A_942, %add3A_953 : i32
        %get3A = arith.constant 2 : i32
        %get3A_955 = arith.index_cast %get3A : i32 to index
        %get3A_956 = arith.index_cast %select_n3A : i32 to index
        %get3A_957 = arith.index_cast %add3A_954 : i32 to index
        %get3A_958 = arith.constant 0 : index
        %get3A_959 = tpu.vector_load %arg6[%get3A_955, %get3A_956, %get3A_957, %get3A_958] {strides = array<i32>} : memref<4x8x20x64xf32, #tpu.memory_space<vmem>>, vector<1x1x1x16xf32>,
        %get3A_960 = vector.shape_cast %get3A_959 : vector<1x1x1x16xf32> to vector<16xf32>
        %mul3A_961 = arith.constant 8.000000e+00 : f32
        %mul3A_962 = vector.broadcast %mul3A_961 : f32 to vector<16xf32>
        %mul3A_963 = arith.mulf %get3A_960, %mul3A_962 : vector<16xf32>
        %swap3A = arith.constant 0 : i32
        %swap3A_964 = arith.index_cast %swap3A : i32 to index
        %swap3A_965 = arith.index_cast %multiple_of3A_952 : i32 to index
        %swap3A_966 = tpu.vector_load %arg7[%swap3A_964, %swap3A_965] {strides = array<i32>} : memref<2x20480xf32, #tpu.memory_space<vmem>>, vector<1x16xf32>,
        %swap3A_967 = vector.shape_cast %swap3A_966 : vector<1x16xf32> to vector<16xf32>
        %swap3A_968 = vector.shape_cast %mul3A_963 : vector<16xf32> to vector<1x16xf32>
        tpu.vector_store %arg7[%swap3A_964, %swap3A_965], %swap3A_968 {strides = array<i32>} : memref<2x20480xf32, #tpu.memory_space<vmem>>, vector<1x16xf32>,
        %mul3A_969 = arith.constant 2560 : i32
        %mul3A_970 = arith.muli %select_n3A, %mul3A_969 : i32
        %add3A_971 = arith.constant 0 : i32
        %add3A_972 = arith.addi %mul3A_942, %add3A_971 : i32
        %mul3A_973 = arith.constant 128 : i32
        %mul3A_974 = arith.muli %add3A_972, %mul3A_973 : i32
        %add3A_975 = arith.addi %mul3A_970, %mul3A_974 : i32
        %add3A_976 = arith.constant 16 : i32
        %add3A_977 = arith.addi %add3A_975, %add3A_976 : i32
        %multiple_of3A_978 = tpu.assume_multiple %add3A_977, 16 : i32
        %add3A_979 = arith.constant 0 : i32
        %add3A_980 = arith.addi %mul3A_942, %add3A_979 : i32
        %get3A_981 = arith.constant 2 : i32
        %get3A_982 = arith.index_cast %get3A_981 : i32 to index
        %get3A_983 = arith.index_cast %select_n3A : i32 to index
        %get3A_984 = arith.index_cast %add3A_980 : i32 to index
        %get3A_985 = arith.constant 16 : index
        %get3A_986 = tpu.vector_load %arg6[%get3A_982, %get3A_983, %get3A_984, %get3A_985] {strides = array<i32>} : memref<4x8x20x64xf32, #tpu.memory_space<vmem>>, vector<1x1x1x16xf32>,
        %get3A_987 = vector.shape_cast %get3A_986 : vector<1x1x1x16xf32> to vector<16xf32>
        %mul3A_988 = arith.constant 8.000000e+00 : f32
        %mul3A_989 = vector.broadcast %mul3A_988 : f32 to vector<16xf32>
        %mul3A_990 = arith.mulf %get3A_987, %mul3A_989 : vector<16xf32>
        %swap3A_991 = arith.constant 0 : i32
        %swap3A_992 = arith.index_cast %swap3A_991 : i32 to index
        %swap3A_993 = arith.index_cast %multiple_of3A_978 : i32 to index
        %swap3A_994 = tpu.vector_load %arg7[%swap3A_992, %swap3A_993] {strides = array<i32>} : memref<2x20480xf32, #tpu.memory_space<vmem>>, vector<1x16xf32>,
        %swap3A_995 = vector.shape_cast %swap3A_994 : vector<1x16xf32> to vector<16xf32>
        %swap3A_996 = vector.shape_cast %mul3A_990 : vector<16xf32> to vector<1x16xf32>
        tpu.vector_store %arg7[%swap3A_992, %swap3A_993], %swap3A_996 {strides = array<i32>} : memref<2x20480xf32, #tpu.memory_space<vmem>>, vector<1x16xf32>,
        %mul3A_997 = arith.constant 2560 : i32
        %mul3A_998 = arith.muli %select_n3A, %mul3A_997 : i32
        %add3A_999 = arith.constant 0 : i32
        %add3A_1000 = arith.addi %mul3A_942, %add3A_999 : i32
        %mul3A_1001 = arith.constant 128 : i32
        %mul3A_1002 = arith.muli %add3A_1000, %mul3A_1001 : i32
        %add3A_1003 = arith.addi %mul3A_998, %mul3A_1002 : i32
        %add3A_1004 = arith.constant 32 : i32
        %add3A_1005 = arith.addi %add3A_1003, %add3A_1004 : i32
        %multiple_of3A_1006 = tpu.assume_multiple %add3A_1005, 16 : i32
        %add3A_1007 = arith.constant 0 : i32
        %add3A_1008 = arith.addi %mul3A_942, %add3A_1007 : i32
        %get3A_1009 = arith.constant 2 : i32
        %get3A_1010 = arith.index_cast %get3A_1009 : i32 to index
        %get3A_1011 = arith.index_cast %select_n3A : i32 to index
        %get3A_1012 = arith.index_cast %add3A_1008 : i32 to index
        %get3A_1013 = arith.constant 32 : index
        %get3A_1014 = tpu.vector_load %arg6[%get3A_1010, %get3A_1011, %get3A_1012, %get3A_1013] {strides = array<i32>} : memref<4x8x20x64xf32, #tpu.memory_space<vmem>>, vector<1x1x1x16xf32>,
        %get3A_1015 = vector.shape_cast %get3A_1014 : vector<1x1x1x16xf32> to vector<16xf32>
        %mul3A_1016 = arith.constant 8.000000e+00 : f32
        %mul3A_1017 = vector.broadcast %mul3A_1016 : f32 to vector<16xf32>
        %mul3A_1018 = arith.mulf %get3A_1015, %mul3A_1017 : vector<16xf32>
        %swap3A_1019 = arith.constant 0 : i32
        %swap3A_1020 = arith.index_cast %swap3A_1019 : i32 to index
        %swap3A_1021 = arith.index_cast %multiple_of3A_1006 : i32 to index
        %swap3A_1022 = tpu.vector_load %arg7[%swap3A_1020, %swap3A_1021] {strides = array<i32>} : memref<2x20480xf32, #tpu.memory_space<vmem>>, vector<1x16xf32>,
        %swap3A_1023 = vector.shape_cast %swap3A_1022 : vector<1x16xf32> to vector<16xf32>
        %swap3A_1024 = vector.shape_cast %mul3A_1018 : vector<16xf32> to vector<1x16xf32>
        tpu.vector_store %arg7[%swap3A_1020, %swap3A_1021], %swap3A_1024 {strides = array<i32>} : memref<2x20480xf32, #tpu.memory_space<vmem>>, vector<1x16xf32>,
        %mul3A_1025 = arith.constant 2560 : i32
        %mul3A_1026 = arith.muli %select_n3A, %mul3A_1025 : i32
        %add3A_1027 = arith.constant 0 : i32
        %add3A_1028 = arith.addi %mul3A_942, %add3A_1027 : i32
        %mul3A_1029 = arith.constant 128 : i32
        %mul3A_1030 = arith.muli %add3A_1028, %mul3A_1029 : i32
        %add3A_1031 = arith.addi %mul3A_1026, %mul3A_1030 : i32
        %add3A_1032 = arith.constant 48 : i32
        %add3A_1033 = arith.addi %add3A_1031, %add3A_1032 : i32
        %multiple_of3A_1034 = tpu.assume_multiple %add3A_1033, 16 : i32
        %add3A_1035 = arith.constant 0 : i32
        %add3A_1036 = arith.addi %mul3A_942, %add3A_1035 : i32
        %get3A_1037 = arith.constant 2 : i32
        %get3A_1038 = arith.index_cast %get3A_1037 : i32 to index
        %get3A_1039 = arith.index_cast %select_n3A : i32 to index
        %get3A_1040 = arith.index_cast %add3A_1036 : i32 to index
        %get3A_1041 = arith.constant 48 : index
        %get3A_1042 = tpu.vector_load %arg6[%get3A_1038, %get3A_1039, %get3A_1040, %get3A_1041] {strides = array<i32>} : memref<4x8x20x64xf32, #tpu.memory_space<vmem>>, vector<1x1x1x16xf32>,
        %get3A_1043 = vector.shape_cast %get3A_1042 : vector<1x1x1x16xf32> to vector<16xf32>
        %mul3A_1044 = arith.constant 8.000000e+00 : f32
        %mul3A_1045 = vector.broadcast %mul3A_1044 : f32 to vector<16xf32>
        %mul3A_1046 = arith.mulf %get3A_1043, %mul3A_1045 : vector<16xf32>
        %swap3A_1047 = arith.constant 0 : i32
        %swap3A_1048 = arith.index_cast %swap3A_1047 : i32 to index
        %swap3A_1049 = arith.index_cast %multiple_of3A_1034 : i32 to index
        %swap3A_1050 = tpu.vector_load %arg7[%swap3A_1048, %swap3A_1049] {strides = array<i32>} : memref<2x20480xf32, #tpu.memory_space<vmem>>, vector<1x16xf32>,
        %swap3A_1051 = vector.shape_cast %swap3A_1050 : vector<1x16xf32> to vector<16xf32>
        %swap3A_1052 = vector.shape_cast %mul3A_1046 : vector<16xf32> to vector<1x16xf32>
        tpu.vector_store %arg7[%swap3A_1048, %swap3A_1049], %swap3A_1052 {strides = array<i32>} : memref<2x20480xf32, #tpu.memory_space<vmem>>, vector<1x16xf32>,
        %mul3A_1053 = arith.constant 2560 : i32
        %mul3A_1054 = arith.muli %select_n3A, %mul3A_1053 : i32
        %add3A_1055 = arith.constant 1 : i32
        %add3A_1056 = arith.addi %mul3A_942, %add3A_1055 : i32
        %mul3A_1057 = arith.constant 128 : i32
        %mul3A_1058 = arith.muli %add3A_1056, %mul3A_1057 : i32
        %add3A_1059 = arith.addi %mul3A_1054, %mul3A_1058 : i32
        %add3A_1060 = arith.constant 0 : i32
        %add3A_1061 = arith.addi %add3A_1059, %add3A_1060 : i32
        %multiple_of3A_1062 = tpu.assume_multiple %add3A_1061, 16 : i32
        %add3A_1063 = arith.constant 1 : i32
        %add3A_1064 = arith.addi %mul3A_942, %add3A_1063 : i32
        %get3A_1065 = arith.constant 2 : i32
        %get3A_1066 = arith.index_cast %get3A_1065 : i32 to index
        %get3A_1067 = arith.index_cast %select_n3A : i32 to index
        %get3A_1068 = arith.index_cast %add3A_1064 : i32 to index
        %get3A_1069 = arith.constant 0 : index
        %get3A_1070 = tpu.vector_load %arg6[%get3A_1066, %get3A_1067, %get3A_1068, %get3A_1069] {strides = array<i32>} : memref<4x8x20x64xf32, #tpu.memory_space<vmem>>, vector<1x1x1x16xf32>,
        %get3A_1071 = vector.shape_cast %get3A_1070 : vector<1x1x1x16xf32> to vector<16xf32>
        %mul3A_1072 = arith.constant 8.000000e+00 : f32
        %mul3A_1073 = vector.broadcast %mul3A_1072 : f32 to vector<16xf32>
        %mul3A_1074 = arith.mulf %get3A_1071, %mul3A_1073 : vector<16xf32>
        %swap3A_1075 = arith.constant 0 : i32
        %swap3A_1076 = arith.index_cast %swap3A_1075 : i32 to index
        %swap3A_1077 = arith.index_cast %multiple_of3A_1062 : i32 to index
        %swap3A_1078 = tpu.vector_load %arg7[%swap3A_1076, %swap3A_1077] {strides = array<i32>} : memref<2x20480xf32, #tpu.memory_space<vmem>>, vector<1x16xf32>,
        %swap3A_1079 = vector.shape_cast %swap3A_1078 : vector<1x16xf32> to vector<16xf32>
        %swap3A_1080 = vector.shape_cast %mul3A_1074 : vector<16xf32> to vector<1x16xf32>
        tpu.vector_store %arg7[%swap3A_1076, %swap3A_1077], %swap3A_1080 {strides = array<i32>} : memref<2x20480xf32, #tpu.memory_space<vmem>>, vector<1x16xf32>,
        %mul3A_1081 = arith.constant 2560 : i32
        %mul3A_1082 = arith.muli %select_n3A, %mul3A_1081 : i32
        %add3A_1083 = arith.constant 1 : i32
        %add3A_1084 = arith.addi %mul3A_942, %add3A_1083 : i32
        %mul3A_1085 = arith.constant 128 : i32
        %mul3A_1086 = arith.muli %add3A_1084, %mul3A_1085 : i32
        %add3A_1087 = arith.addi %mul3A_1082, %mul3A_1086 : i32
        %add3A_1088 = arith.constant 16 : i32
        %add3A_1089 = arith.addi %add3A_1087, %add3A_1088 : i32
        %multiple_of3A_1090 = tpu.assume_multiple %add3A_1089, 16 : i32
        %add3A_1091 = arith.constant 1 : i32
        %add3A_1092 = arith.addi %mul3A_942, %add3A_1091 : i32
        %get3A_1093 = arith.constant 2 : i32
        %get3A_1094 = arith.index_cast %get3A_1093 : i32 to index
        %get3A_1095 = arith.index_cast %select_n3A : i32 to index
        %get3A_1096 = arith.index_cast %add3A_1092 : i32 to index
        %get3A_1097 = arith.constant 16 : index
        %get3A_1098 = tpu.vector_load %arg6[%get3A_1094, %get3A_1095, %get3A_1096, %get3A_1097] {strides = array<i32>} : memref<4x8x20x64xf32, #tpu.memory_space<vmem>>, vector<1x1x1x16xf32>,
        %get3A_1099 = vector.shape_cast %get3A_1098 : vector<1x1x1x16xf32> to vector<16xf32>
        %mul3A_1100 = arith.constant 8.000000e+00 : f32
        %mul3A_1101 = vector.broadcast %mul3A_1100 : f32 to vector<16xf32>
        %mul3A_1102 = arith.mulf %get3A_1099, %mul3A_1101 : vector<16xf32>
        %swap3A_1103 = arith.constant 0 : i32
        %swap3A_1104 = arith.index_cast %swap3A_1103 : i32 to index
        %swap3A_1105 = arith.index_cast %multiple_of3A_1090 : i32 to index
        %swap3A_1106 = tpu.vector_load %arg7[%swap3A_1104, %swap3A_1105] {strides = array<i32>} : memref<2x20480xf32, #tpu.memory_space<vmem>>, vector<1x16xf32>,
        %swap3A_1107 = vector.shape_cast %swap3A_1106 : vector<1x16xf32> to vector<16xf32>
        %swap3A_1108 = vector.shape_cast %mul3A_1102 : vector<16xf32> to vector<1x16xf32>
        tpu.vector_store %arg7[%swap3A_1104, %swap3A_1105], %swap3A_1108 {strides = array<i32>} : memref<2x20480xf32, #tpu.memory_space<vmem>>, vector<1x16xf32>,
        %mul3A_1109 = arith.constant 2560 : i32
        %mul3A_1110 = arith.muli %select_n3A, %mul3A_1109 : i32
        %add3A_1111 = arith.constant 1 : i32
        %add3A_1112 = arith.addi %mul3A_942, %add3A_1111 : i32
        %mul3A_1113 = arith.constant 128 : i32
        %mul3A_1114 = arith.muli %add3A_1112, %mul3A_1113 : i32
        %add3A_1115 = arith.addi %mul3A_1110, %mul3A_1114 : i32
        %add3A_1116 = arith.constant 32 : i32
        %add3A_1117 = arith.addi %add3A_1115, %add3A_1116 : i32
        %multiple_of3A_1118 = tpu.assume_multiple %add3A_1117, 16 : i32
        %add3A_1119 = arith.constant 1 : i32
        %add3A_1120 = arith.addi %mul3A_942, %add3A_1119 : i32
        %get3A_1121 = arith.constant 2 : i32
        %get3A_1122 = arith.index_cast %get3A_1121 : i32 to index
        %get3A_1123 = arith.index_cast %select_n3A : i32 to index
        %get3A_1124 = arith.index_cast %add3A_1120 : i32 to index
        %get3A_1125 = arith.constant 32 : index
        %get3A_1126 = tpu.vector_load %arg6[%get3A_1122, %get3A_1123, %get3A_1124, %get3A_1125] {strides = array<i32>} : memref<4x8x20x64xf32, #tpu.memory_space<vmem>>, vector<1x1x1x16xf32>,
        %get3A_1127 = vector.shape_cast %get3A_1126 : vector<1x1x1x16xf32> to vector<16xf32>
        %mul3A_1128 = arith.constant 8.000000e+00 : f32
        %mul3A_1129 = vector.broadcast %mul3A_1128 : f32 to vector<16xf32>
        %mul3A_1130 = arith.mulf %get3A_1127, %mul3A_1129 : vector<16xf32>
        %swap3A_1131 = arith.constant 0 : i32
        %swap3A_1132 = arith.index_cast %swap3A_1131 : i32 to index
        %swap3A_1133 = arith.index_cast %multiple_of3A_1118 : i32 to index
        %swap3A_1134 = tpu.vector_load %arg7[%swap3A_1132, %swap3A_1133] {strides = array<i32>} : memref<2x20480xf32, #tpu.memory_space<vmem>>, vector<1x16xf32>,
        %swap3A_1135 = vector.shape_cast %swap3A_1134 : vector<1x16xf32> to vector<16xf32>
        %swap3A_1136 = vector.shape_cast %mul3A_1130 : vector<16xf32> to vector<1x16xf32>
        tpu.vector_store %arg7[%swap3A_1132, %swap3A_1133], %swap3A_1136 {strides = array<i32>} : memref<2x20480xf32, #tpu.memory_space<vmem>>, vector<1x16xf32>,
        %mul3A_1137 = arith.constant 2560 : i32
        %mul3A_1138 = arith.muli %select_n3A, %mul3A_1137 : i32
        %add3A_1139 = arith.constant 1 : i32
        %add3A_1140 = arith.addi %mul3A_942, %add3A_1139 : i32
        %mul3A_1141 = arith.constant 128 : i32
        %mul3A_1142 = arith.muli %add3A_1140, %mul3A_1141 : i32
        %add3A_1143 = arith.addi %mul3A_1138, %mul3A_1142 : i32
        %add3A_1144 = arith.constant 48 : i32
        %add3A_1145 = arith.addi %add3A_1143, %add3A_1144 : i32
        %multiple_of3A_1146 = tpu.assume_multiple %add3A_1145, 16 : i32
        %add3A_1147 = arith.constant 1 : i32
        %add3A_1148 = arith.addi %mul3A_942, %add3A_1147 : i32
        %get3A_1149 = arith.constant 2 : i32
        %get3A_1150 = arith.index_cast %get3A_1149 : i32 to index
        %get3A_1151 = arith.index_cast %select_n3A : i32 to index
        %get3A_1152 = arith.index_cast %add3A_1148 : i32 to index
        %get3A_1153 = arith.constant 48 : index
        %get3A_1154 = tpu.vector_load %arg6[%get3A_1150, %get3A_1151, %get3A_1152, %get3A_1153] {strides = array<i32>} : memref<4x8x20x64xf32, #tpu.memory_space<vmem>>, vector<1x1x1x16xf32>,
        %get3A_1155 = vector.shape_cast %get3A_1154 : vector<1x1x1x16xf32> to vector<16xf32>
        %mul3A_1156 = arith.constant 8.000000e+00 : f32
        %mul3A_1157 = vector.broadcast %mul3A_1156 : f32 to vector<16xf32>
        %mul3A_1158 = arith.mulf %get3A_1155, %mul3A_1157 : vector<16xf32>
        %swap3A_1159 = arith.constant 0 : i32
        %swap3A_1160 = arith.index_cast %swap3A_1159 : i32 to index
        %swap3A_1161 = arith.index_cast %multiple_of3A_1146 : i32 to index
        %swap3A_1162 = tpu.vector_load %arg7[%swap3A_1160, %swap3A_1161] {strides = array<i32>} : memref<2x20480xf32, #tpu.memory_space<vmem>>, vector<1x16xf32>,
        %swap3A_1163 = vector.shape_cast %swap3A_1162 : vector<1x16xf32> to vector<16xf32>
        %swap3A_1164 = vector.shape_cast %mul3A_1158 : vector<16xf32> to vector<1x16xf32>
        tpu.vector_store %arg7[%swap3A_1160, %swap3A_1161], %swap3A_1164 {strides = array<i32>} : memref<2x20480xf32, #tpu.memory_space<vmem>>, vector<1x16xf32>,
        %mul3A_1165 = arith.constant 2560 : i32
        %mul3A_1166 = arith.muli %select_n3A, %mul3A_1165 : i32
        %add3A_1167 = arith.constant 2 : i32
        %add3A_1168 = arith.addi %mul3A_942, %add3A_1167 : i32
        %mul3A_1169 = arith.constant 128 : i32
        %mul3A_1170 = arith.muli %add3A_1168, %mul3A_1169 : i32
        %add3A_1171 = arith.addi %mul3A_1166, %mul3A_1170 : i32
        %add3A_1172 = arith.constant 0 : i32
        %add3A_1173 = arith.addi %add3A_1171, %add3A_1172 : i32
        %multiple_of3A_1174 = tpu.assume_multiple %add3A_1173, 16 : i32
        %add3A_1175 = arith.constant 2 : i32
        %add3A_1176 = arith.addi %mul3A_942, %add3A_1175 : i32
        %get3A_1177 = arith.constant 2 : i32
        %get3A_1178 = arith.index_cast %get3A_1177 : i32 to index
        %get3A_1179 = arith.index_cast %select_n3A : i32 to index
        %get3A_1180 = arith.index_cast %add3A_1176 : i32 to index
        %get3A_1181 = arith.constant 0 : index
        %get3A_1182 = tpu.vector_load %arg6[%get3A_1178, %get3A_1179, %get3A_1180, %get3A_1181] {strides = array<i32>} : memref<4x8x20x64xf32, #tpu.memory_space<vmem>>, vector<1x1x1x16xf32>,
        %get3A_1183 = vector.shape_cast %get3A_1182 : vector<1x1x1x16xf32> to vector<16xf32>
        %mul3A_1184 = arith.constant 8.000000e+00 : f32
        %mul3A_1185 = vector.broadcast %mul3A_1184 : f32 to vector<16xf32>
        %mul3A_1186 = arith.mulf %get3A_1183, %mul3A_1185 : vector<16xf32>
        %swap3A_1187 = arith.constant 0 : i32
        %swap3A_1188 = arith.index_cast %swap3A_1187 : i32 to index
        %swap3A_1189 = arith.index_cast %multiple_of3A_1174 : i32 to index
        %swap3A_1190 = tpu.vector_load %arg7[%swap3A_1188, %swap3A_1189] {strides = array<i32>} : memref<2x20480xf32, #tpu.memory_space<vmem>>, vector<1x16xf32>,
        %swap3A_1191 = vector.shape_cast %swap3A_1190 : vector<1x16xf32> to vector<16xf32>
        %swap3A_1192 = vector.shape_cast %mul3A_1186 : vector<16xf32> to vector<1x16xf32>
        tpu.vector_store %arg7[%swap3A_1188, %swap3A_1189], %swap3A_1192 {strides = array<i32>} : memref<2x20480xf32, #tpu.memory_space<vmem>>, vector<1x16xf32>,
        %mul3A_1193 = arith.constant 2560 : i32
        %mul3A_1194 = arith.muli %select_n3A, %mul3A_1193 : i32
        %add3A_1195 = arith.constant 2 : i32
        %add3A_1196 = arith.addi %mul3A_942, %add3A_1195 : i32
        %mul3A_1197 = arith.constant 128 : i32
        %mul3A_1198 = arith.muli %add3A_1196, %mul3A_1197 : i32
        %add3A_1199 = arith.addi %mul3A_1194, %mul3A_1198 : i32
        %add3A_1200 = arith.constant 16 : i32
        %add3A_1201 = arith.addi %add3A_1199, %add3A_1200 : i32
        %multiple_of3A_1202 = tpu.assume_multiple %add3A_1201, 16 : i32
        %add3A_1203 = arith.constant 2 : i32
        %add3A_1204 = arith.addi %mul3A_942, %add3A_1203 : i32
        %get3A_1205 = arith.constant 2 : i32
        %get3A_1206 = arith.index_cast %get3A_1205 : i32 to index
        %get3A_1207 = arith.index_cast %select_n3A : i32 to index
        %get3A_1208 = arith.index_cast %add3A_1204 : i32 to index
        %get3A_1209 = arith.constant 16 : index
        %get3A_1210 = tpu.vector_load %arg6[%get3A_1206, %get3A_1207, %get3A_1208, %get3A_1209] {strides = array<i32>} : memref<4x8x20x64xf32, #tpu.memory_space<vmem>>, vector<1x1x1x16xf32>,
        %get3A_1211 = vector.shape_cast %get3A_1210 : vector<1x1x1x16xf32> to vector<16xf32>
        %mul3A_1212 = arith.constant 8.000000e+00 : f32
        %mul3A_1213 = vector.broadcast %mul3A_1212 : f32 to vector<16xf32>
        %mul3A_1214 = arith.mulf %get3A_1211, %mul3A_1213 : vector<16xf32>
        %swap3A_1215 = arith.constant 0 : i32
        %swap3A_1216 = arith.index_cast %swap3A_1215 : i32 to index
        %swap3A_1217 = arith.index_cast %multiple_of3A_1202 : i32 to index
        %swap3A_1218 = tpu.vector_load %arg7[%swap3A_1216, %swap3A_1217] {strides = array<i32>} : memref<2x20480xf32, #tpu.memory_space<vmem>>, vector<1x16xf32>,
        %swap3A_1219 = vector.shape_cast %swap3A_1218 : vector<1x16xf32> to vector<16xf32>
        %swap3A_1220 = vector.shape_cast %mul3A_1214 : vector<16xf32> to vector<1x16xf32>
        tpu.vector_store %arg7[%swap3A_1216, %swap3A_1217], %swap3A_1220 {strides = array<i32>} : memref<2x20480xf32, #tpu.memory_space<vmem>>, vector<1x16xf32>,
        %mul3A_1221 = arith.constant 2560 : i32
        %mul3A_1222 = arith.muli %select_n3A, %mul3A_1221 : i32
        %add3A_1223 = arith.constant 2 : i32
        %add3A_1224 = arith.addi %mul3A_942, %add3A_1223 : i32
        %mul3A_1225 = arith.constant 128 : i32
        %mul3A_1226 = arith.muli %add3A_1224, %mul3A_1225 : i32
        %add3A_1227 = arith.addi %mul3A_1222, %mul3A_1226 : i32
        %add3A_1228 = arith.constant 32 : i32
        %add3A_1229 = arith.addi %add3A_1227, %add3A_1228 : i32
        %multiple_of3A_1230 = tpu.assume_multiple %add3A_1229, 16 : i32
        %add3A_1231 = arith.constant 2 : i32
        %add3A_1232 = arith.addi %mul3A_942, %add3A_1231 : i32
        %get3A_1233 = arith.constant 2 : i32
        %get3A_1234 = arith.index_cast %get3A_1233 : i32 to index
        %get3A_1235 = arith.index_cast %select_n3A : i32 to index
        %get3A_1236 = arith.index_cast %add3A_1232 : i32 to index
        %get3A_1237 = arith.constant 32 : index
        %get3A_1238 = tpu.vector_load %arg6[%get3A_1234, %get3A_1235, %get3A_1236, %get3A_1237] {strides = array<i32>} : memref<4x8x20x64xf32, #tpu.memory_space<vmem>>, vector<1x1x1x16xf32>,
        %get3A_1239 = vector.shape_cast %get3A_1238 : vector<1x1x1x16xf32> to vector<16xf32>
        %mul3A_1240 = arith.constant 8.000000e+00 : f32
        %mul3A_1241 = vector.broadcast %mul3A_1240 : f32 to vector<16xf32>
        %mul3A_1242 = arith.mulf %get3A_1239, %mul3A_1241 : vector<16xf32>
        %swap3A_1243 = arith.constant 0 : i32
        %swap3A_1244 = arith.index_cast %swap3A_1243 : i32 to index
        %swap3A_1245 = arith.index_cast %multiple_of3A_1230 : i32 to index
        %swap3A_1246 = tpu.vector_load %arg7[%swap3A_1244, %swap3A_1245] {strides = array<i32>} : memref<2x20480xf32, #tpu.memory_space<vmem>>, vector<1x16xf32>,
        %swap3A_1247 = vector.shape_cast %swap3A_1246 : vector<1x16xf32> to vector<16xf32>
        %swap3A_1248 = vector.shape_cast %mul3A_1242 : vector<16xf32> to vector<1x16xf32>
        tpu.vector_store %arg7[%swap3A_1244, %swap3A_1245], %swap3A_1248 {strides = array<i32>} : memref<2x20480xf32, #tpu.memory_space<vmem>>, vector<1x16xf32>,
        %mul3A_1249 = arith.constant 2560 : i32
        %mul3A_1250 = arith.muli %select_n3A, %mul3A_1249 : i32
        %add3A_1251 = arith.constant 2 : i32
        %add3A_1252 = arith.addi %mul3A_942, %add3A_1251 : i32
        %mul3A_1253 = arith.constant 128 : i32
        %mul3A_1254 = arith.muli %add3A_1252, %mul3A_1253 : i32
        %add3A_1255 = arith.addi %mul3A_1250, %mul3A_1254 : i32
        %add3A_1256 = arith.constant 48 : i32
        %add3A_1257 = arith.addi %add3A_1255, %add3A_1256 : i32
        %multiple_of3A_1258 = tpu.assume_multiple %add3A_1257, 16 : i32
        %add3A_1259 = arith.constant 2 : i32
        %add3A_1260 = arith.addi %mul3A_942, %add3A_1259 : i32
        %get3A_1261 = arith.constant 2 : i32
        %get3A_1262 = arith.index_cast %get3A_1261 : i32 to index
        %get3A_1263 = arith.index_cast %select_n3A : i32 to index
        %get3A_1264 = arith.index_cast %add3A_1260 : i32 to index
        %get3A_1265 = arith.constant 48 : index
        %get3A_1266 = tpu.vector_load %arg6[%get3A_1262, %get3A_1263, %get3A_1264, %get3A_1265] {strides = array<i32>} : memref<4x8x20x64xf32, #tpu.memory_space<vmem>>, vector<1x1x1x16xf32>,
        %get3A_1267 = vector.shape_cast %get3A_1266 : vector<1x1x1x16xf32> to vector<16xf32>
        %mul3A_1268 = arith.constant 8.000000e+00 : f32
        %mul3A_1269 = vector.broadcast %mul3A_1268 : f32 to vector<16xf32>
        %mul3A_1270 = arith.mulf %get3A_1267, %mul3A_1269 : vector<16xf32>
        %swap3A_1271 = arith.constant 0 : i32
        %swap3A_1272 = arith.index_cast %swap3A_1271 : i32 to index
        %swap3A_1273 = arith.index_cast %multiple_of3A_1258 : i32 to index
        %swap3A_1274 = tpu.vector_load %arg7[%swap3A_1272, %swap3A_1273] {strides = array<i32>} : memref<2x20480xf32, #tpu.memory_space<vmem>>, vector<1x16xf32>,
        %swap3A_1275 = vector.shape_cast %swap3A_1274 : vector<1x16xf32> to vector<16xf32>
        %swap3A_1276 = vector.shape_cast %mul3A_1270 : vector<16xf32> to vector<1x16xf32>
        tpu.vector_store %arg7[%swap3A_1272, %swap3A_1273], %swap3A_1276 {strides = array<i32>} : memref<2x20480xf32, #tpu.memory_space<vmem>>, vector<1x16xf32>,
        %mul3A_1277 = arith.constant 2560 : i32
        %mul3A_1278 = arith.muli %select_n3A, %mul3A_1277 : i32
        %add3A_1279 = arith.constant 3 : i32
        %add3A_1280 = arith.addi %mul3A_942, %add3A_1279 : i32
        %mul3A_1281 = arith.constant 128 : i32
        %mul3A_1282 = arith.muli %add3A_1280, %mul3A_1281 : i32
        %add3A_1283 = arith.addi %mul3A_1278, %mul3A_1282 : i32
        %add3A_1284 = arith.constant 0 : i32
        %add3A_1285 = arith.addi %add3A_1283, %add3A_1284 : i32
        %multiple_of3A_1286 = tpu.assume_multiple %add3A_1285, 16 : i32
        %add3A_1287 = arith.constant 3 : i32
        %add3A_1288 = arith.addi %mul3A_942, %add3A_1287 : i32
        %get3A_1289 = arith.constant 2 : i32
        %get3A_1290 = arith.index_cast %get3A_1289 : i32 to index
        %get3A_1291 = arith.index_cast %select_n3A : i32 to index
        %get3A_1292 = arith.index_cast %add3A_1288 : i32 to index
        %get3A_1293 = arith.constant 0 : index
        %get3A_1294 = tpu.vector_load %arg6[%get3A_1290, %get3A_1291, %get3A_1292, %get3A_1293] {strides = array<i32>} : memref<4x8x20x64xf32, #tpu.memory_space<vmem>>, vector<1x1x1x16xf32>,
        %get3A_1295 = vector.shape_cast %get3A_1294 : vector<1x1x1x16xf32> to vector<16xf32>
        %mul3A_1296 = arith.constant 8.000000e+00 : f32
        %mul3A_1297 = vector.broadcast %mul3A_1296 : f32 to vector<16xf32>
        %mul3A_1298 = arith.mulf %get3A_1295, %mul3A_1297 : vector<16xf32>
        %swap3A_1299 = arith.constant 0 : i32
        %swap3A_1300 = arith.index_cast %swap3A_1299 : i32 to index
        %swap3A_1301 = arith.index_cast %multiple_of3A_1286 : i32 to index
        %swap3A_1302 = tpu.vector_load %arg7[%swap3A_1300, %swap3A_1301] {strides = array<i32>} : memref<2x20480xf32, #tpu.memory_space<vmem>>, vector<1x16xf32>,
        %swap3A_1303 = vector.shape_cast %swap3A_1302 : vector<1x16xf32> to vector<16xf32>
        %swap3A_1304 = vector.shape_cast %mul3A_1298 : vector<16xf32> to vector<1x16xf32>
        tpu.vector_store %arg7[%swap3A_1300, %swap3A_1301], %swap3A_1304 {strides = array<i32>} : memref<2x20480xf32, #tpu.memory_space<vmem>>, vector<1x16xf32>,
        %mul3A_1305 = arith.constant 2560 : i32
        %mul3A_1306 = arith.muli %select_n3A, %mul3A_1305 : i32
        %add3A_1307 = arith.constant 3 : i32
        %add3A_1308 = arith.addi %mul3A_942, %add3A_1307 : i32
        %mul3A_1309 = arith.constant 128 : i32
        %mul3A_1310 = arith.muli %add3A_1308, %mul3A_1309 : i32
        %add3A_1311 = arith.addi %mul3A_1306, %mul3A_1310 : i32
        %add3A_1312 = arith.constant 16 : i32
        %add3A_1313 = arith.addi %add3A_1311, %add3A_1312 : i32
        %multiple_of3A_1314 = tpu.assume_multiple %add3A_1313, 16 : i32
        %add3A_1315 = arith.constant 3 : i32
        %add3A_1316 = arith.addi %mul3A_942, %add3A_1315 : i32
        %get3A_1317 = arith.constant 2 : i32
        %get3A_1318 = arith.index_cast %get3A_1317 : i32 to index
        %get3A_1319 = arith.index_cast %select_n3A : i32 to index
        %get3A_1320 = arith.index_cast %add3A_1316 : i32 to index
        %get3A_1321 = arith.constant 16 : index
        %get3A_1322 = tpu.vector_load %arg6[%get3A_1318, %get3A_1319, %get3A_1320, %get3A_1321] {strides = array<i32>} : memref<4x8x20x64xf32, #tpu.memory_space<vmem>>, vector<1x1x1x16xf32>,
        %get3A_1323 = vector.shape_cast %get3A_1322 : vector<1x1x1x16xf32> to vector<16xf32>
        %mul3A_1324 = arith.constant 8.000000e+00 : f32
        %mul3A_1325 = vector.broadcast %mul3A_1324 : f32 to vector<16xf32>
        %mul3A_1326 = arith.mulf %get3A_1323, %mul3A_1325 : vector<16xf32>
        %swap3A_1327 = arith.constant 0 : i32
        %swap3A_1328 = arith.index_cast %swap3A_1327 : i32 to index
        %swap3A_1329 = arith.index_cast %multiple_of3A_1314 : i32 to index
        %swap3A_1330 = tpu.vector_load %arg7[%swap3A_1328, %swap3A_1329] {strides = array<i32>} : memref<2x20480xf32, #tpu.memory_space<vmem>>, vector<1x16xf32>,
        %swap3A_1331 = vector.shape_cast %swap3A_1330 : vector<1x16xf32> to vector<16xf32>
        %swap3A_1332 = vector.shape_cast %mul3A_1326 : vector<16xf32> to vector<1x16xf32>
        tpu.vector_store %arg7[%swap3A_1328, %swap3A_1329], %swap3A_1332 {strides = array<i32>} : memref<2x20480xf32, #tpu.memory_space<vmem>>, vector<1x16xf32>,
        %mul3A_1333 = arith.constant 2560 : i32
        %mul3A_1334 = arith.muli %select_n3A, %mul3A_1333 : i32
        %add3A_1335 = arith.constant 3 : i32
        %add3A_1336 = arith.addi %mul3A_942, %add3A_1335 : i32
        %mul3A_1337 = arith.constant 128 : i32
        %mul3A_1338 = arith.muli %add3A_1336, %mul3A_1337 : i32
        %add3A_1339 = arith.addi %mul3A_1334, %mul3A_1338 : i32
        %add3A_1340 = arith.constant 32 : i32
        %add3A_1341 = arith.addi %add3A_1339, %add3A_1340 : i32
        %multiple_of3A_1342 = tpu.assume_multiple %add3A_1341, 16 : i32
        %add3A_1343 = arith.constant 3 : i32
        %add3A_1344 = arith.addi %mul3A_942, %add3A_1343 : i32
        %get3A_1345 = arith.constant 2 : i32
        %get3A_1346 = arith.index_cast %get3A_1345 : i32 to index
        %get3A_1347 = arith.index_cast %select_n3A : i32 to index
        %get3A_1348 = arith.index_cast %add3A_1344 : i32 to index
        %get3A_1349 = arith.constant 32 : index
        %get3A_1350 = tpu.vector_load %arg6[%get3A_1346, %get3A_1347, %get3A_1348, %get3A_1349] {strides = array<i32>} : memref<4x8x20x64xf32, #tpu.memory_space<vmem>>, vector<1x1x1x16xf32>,
        %get3A_1351 = vector.shape_cast %get3A_1350 : vector<1x1x1x16xf32> to vector<16xf32>
        %mul3A_1352 = arith.constant 8.000000e+00 : f32
        %mul3A_1353 = vector.broadcast %mul3A_1352 : f32 to vector<16xf32>
        %mul3A_1354 = arith.mulf %get3A_1351, %mul3A_1353 : vector<16xf32>
        %swap3A_1355 = arith.constant 0 : i32
        %swap3A_1356 = arith.index_cast %swap3A_1355 : i32 to index
        %swap3A_1357 = arith.index_cast %multiple_of3A_1342 : i32 to index
        %swap3A_1358 = tpu.vector_load %arg7[%swap3A_1356, %swap3A_1357] {strides = array<i32>} : memref<2x20480xf32, #tpu.memory_space<vmem>>, vector<1x16xf32>,
        %swap3A_1359 = vector.shape_cast %swap3A_1358 : vector<1x16xf32> to vector<16xf32>
        %swap3A_1360 = vector.shape_cast %mul3A_1354 : vector<16xf32> to vector<1x16xf32>
        tpu.vector_store %arg7[%swap3A_1356, %swap3A_1357], %swap3A_1360 {strides = array<i32>} : memref<2x20480xf32, #tpu.memory_space<vmem>>, vector<1x16xf32>,
        %mul3A_1361 = arith.constant 2560 : i32
        %mul3A_1362 = arith.muli %select_n3A, %mul3A_1361 : i32
        %add3A_1363 = arith.constant 3 : i32
        %add3A_1364 = arith.addi %mul3A_942, %add3A_1363 : i32
        %mul3A_1365 = arith.constant 128 : i32
        %mul3A_1366 = arith.muli %add3A_1364, %mul3A_1365 : i32
        %add3A_1367 = arith.addi %mul3A_1362, %mul3A_1366 : i32
        %add3A_1368 = arith.constant 48 : i32
        %add3A_1369 = arith.addi %add3A_1367, %add3A_1368 : i32
        %multiple_of3A_1370 = tpu.assume_multiple %add3A_1369, 16 : i32
        %add3A_1371 = arith.constant 3 : i32
        %add3A_1372 = arith.addi %mul3A_942, %add3A_1371 : i32
        %get3A_1373 = arith.constant 2 : i32
        %get3A_1374 = arith.index_cast %get3A_1373 : i32 to index
        %get3A_1375 = arith.index_cast %select_n3A : i32 to index
        %get3A_1376 = arith.index_cast %add3A_1372 : i32 to index
        %get3A_1377 = arith.constant 48 : index
        %get3A_1378 = tpu.vector_load %arg6[%get3A_1374, %get3A_1375, %get3A_1376, %get3A_1377] {strides = array<i32>} : memref<4x8x20x64xf32, #tpu.memory_space<vmem>>, vector<1x1x1x16xf32>,
        %get3A_1379 = vector.shape_cast %get3A_1378 : vector<1x1x1x16xf32> to vector<16xf32>
        %mul3A_1380 = arith.constant 8.000000e+00 : f32
        %mul3A_1381 = vector.broadcast %mul3A_1380 : f32 to vector<16xf32>
        %mul3A_1382 = arith.mulf %get3A_1379, %mul3A_1381 : vector<16xf32>
        %swap3A_1383 = arith.constant 0 : i32
        %swap3A_1384 = arith.index_cast %swap3A_1383 : i32 to index
        %swap3A_1385 = arith.index_cast %multiple_of3A_1370 : i32 to index
        %swap3A_1386 = tpu.vector_load %arg7[%swap3A_1384, %swap3A_1385] {strides = array<i32>} : memref<2x20480xf32, #tpu.memory_space<vmem>>, vector<1x16xf32>,
        %swap3A_1387 = vector.shape_cast %swap3A_1386 : vector<1x16xf32> to vector<16xf32>
        %swap3A_1388 = vector.shape_cast %mul3A_1382 : vector<16xf32> to vector<1x16xf32>
        tpu.vector_store %arg7[%swap3A_1384, %swap3A_1385], %swap3A_1388 {strides = array<i32>} : memref<2x20480xf32, #tpu.memory_space<vmem>>, vector<1x16xf32>,
      }
      %scan3A_603 = arith.constant 40 : i32
      %mul3A_604 = arith.constant 8 : i32
      %mul3A_605 = arith.muli %add3A_574, %mul3A_604 : i32
      %add3A_606 = arith.addi %multiple_of3A, %mul3A_605 : i32
      %add3A_607 = arith.constant 0 : i32
      %add3A_608 = arith.addi %add3A_606, %add3A_607 : i32
      %mul3A_609 = arith.constant 3072 : i32
      %mul3A_610 = arith.muli %add3A_608, %mul3A_609 : i32
      %multiple_of3A_611 = tpu.assume_multiple %mul3A_610, 1024 : i32
      %dma_start3A_612 = arith.constant 0 : i32
      %dma_start3A_613 = arith.constant 0 : i32
      %dma_start3A_614 = tpu.memref_slice %arg7[%dma_start3A_612, %dma_start3A_613] : memref<2x20480xf32, #tpu.memory_space<vmem>> -> memref<1x2560xf32, #tpu.memory_space<vmem>>
      %dma_start3A_615 = tpu.memref_squeeze %dma_start3A_614 : memref<1x2560xf32, #tpu.memory_space<vmem>> -> memref<2560xf32, #tpu.memory_space<vmem>>
      %dma_start3A_616 = tpu.memref_slice %arg4[%multiple_of3A_611] : memref<50331648xf32, #tpu.memory_space<hbm>> -> memref<2560xf32, #tpu.memory_space<hbm>>
      %dma_start3A_617 = tpu.memref_slice %arg4[%multiple_of3A_611] : memref<50331648xf32, #tpu.memory_space<hbm>> -> memref<2560xf32, #tpu.memory_space<hbm>>
      %dma_start3A_618 = arith.constant 0 : i32
      %dma_start3A_619 = tpu.memref_slice %arg7[%dma_start3A_612, %dma_start3A_618] : memref<2x20480xf32, #tpu.memory_space<vmem>> -> memref<1x2560xf32, #tpu.memory_space<vmem>>
      %dma_start3A_620 = tpu.memref_squeeze %dma_start3A_619 : memref<1x2560xf32, #tpu.memory_space<vmem>> -> memref<2560xf32, #tpu.memory_space<vmem>>
      tpu.enqueue_dma source(%dma_start3A_620 : memref<2560xf32, #tpu.memory_space<vmem>>) target(%dma_start3A_617 : memref<2560xf32, #tpu.memory_space<hbm>>) target_semaphore(%arg12 : memref<!tpu.dma_semaphore, #tpu.memory_space<semaphore_mem>>)
      %mul3A_621 = arith.constant 8 : i32
      %mul3A_622 = arith.muli %add3A_574, %mul3A_621 : i32
      %add3A_623 = arith.addi %multiple_of3A, %mul3A_622 : i32
      %add3A_624 = arith.constant 1 : i32
      %add3A_625 = arith.addi %add3A_623, %add3A_624 : i32
      %mul3A_626 = arith.constant 3072 : i32
      %mul3A_627 = arith.muli %add3A_625, %mul3A_626 : i32
      %multiple_of3A_628 = tpu.assume_multiple %mul3A_627, 1024 : i32
      %dma_start3A_629 = arith.constant 0 : i32
      %dma_start3A_630 = arith.constant 2560 : i32
      %dma_start3A_631 = tpu.memref_slice %arg7[%dma_start3A_629, %dma_start3A_630] : memref<2x20480xf32, #tpu.memory_space<vmem>> -> memref<1x2560xf32, #tpu.memory_space<vmem>>
      %dma_start3A_632 = tpu.memref_squeeze %dma_start3A_631 : memref<1x2560xf32, #tpu.memory_space<vmem>> -> memref<2560xf32, #tpu.memory_space<vmem>>
      %dma_start3A_633 = tpu.memref_slice %arg4[%multiple_of3A_628] : memref<50331648xf32, #tpu.memory_space<hbm>> -> memref<2560xf32, #tpu.memory_space<hbm>>
      %dma_start3A_634 = tpu.memref_slice %arg4[%multiple_of3A_628] : memref<50331648xf32, #tpu.memory_space<hbm>> -> memref<2560xf32, #tpu.memory_space<hbm>>
      %dma_start3A_635 = arith.constant 2560 : i32
      %dma_start3A_636 = tpu.memref_slice %arg7[%dma_start3A_629, %dma_start3A_635] : memref<2x20480xf32, #tpu.memory_space<vmem>> -> memref<1x2560xf32, #tpu.memory_space<vmem>>
      %dma_start3A_637 = tpu.memref_squeeze %dma_start3A_636 : memref<1x2560xf32, #tpu.memory_space<vmem>> -> memref<2560xf32, #tpu.memory_space<vmem>>
      tpu.enqueue_dma source(%dma_start3A_637 : memref<2560xf32, #tpu.memory_space<vmem>>) target(%dma_start3A_634 : memref<2560xf32, #tpu.memory_space<hbm>>) target_semaphore(%arg12 : memref<!tpu.dma_semaphore, #tpu.memory_space<semaphore_mem>>)
      %mul3A_638 = arith.constant 8 : i32
      %mul3A_639 = arith.muli %add3A_574, %mul3A_638 : i32
      %add3A_640 = arith.addi %multiple_of3A, %mul3A_639 : i32
      %add3A_641 = arith.constant 2 : i32
      %add3A_642 = arith.addi %add3A_640, %add3A_641 : i32
      %mul3A_643 = arith.constant 3072 : i32
      %mul3A_644 = arith.muli %add3A_642, %mul3A_643 : i32
      %multiple_of3A_645 = tpu.assume_multiple %mul3A_644, 1024 : i32
      %dma_start3A_646 = arith.constant 0 : i32
      %dma_start3A_647 = arith.constant 5120 : i32
      %dma_start3A_648 = tpu.memref_slice %arg7[%dma_start3A_646, %dma_start3A_647] : memref<2x20480xf32, #tpu.memory_space<vmem>> -> memref<1x2560xf32, #tpu.memory_space<vmem>>
      %dma_start3A_649 = tpu.memref_squeeze %dma_start3A_648 : memref<1x2560xf32, #tpu.memory_space<vmem>> -> memref<2560xf32, #tpu.memory_space<vmem>>
      %dma_start3A_650 = tpu.memref_slice %arg4[%multiple_of3A_645] : memref<50331648xf32, #tpu.memory_space<hbm>> -> memref<2560xf32, #tpu.memory_space<hbm>>
      %dma_start3A_651 = tpu.memref_slice %arg4[%multiple_of3A_645] : memref<50331648xf32, #tpu.memory_space<hbm>> -> memref<2560xf32, #tpu.memory_space<hbm>>
      %dma_start3A_652 = arith.constant 5120 : i32
      %dma_start3A_653 = tpu.memref_slice %arg7[%dma_start3A_646, %dma_start3A_652] : memref<2x20480xf32, #tpu.memory_space<vmem>> -> memref<1x2560xf32, #tpu.memory_space<vmem>>
      %dma_start3A_654 = tpu.memref_squeeze %dma_start3A_653 : memref<1x2560xf32, #tpu.memory_space<vmem>> -> memref<2560xf32, #tpu.memory_space<vmem>>
      tpu.enqueue_dma source(%dma_start3A_654 : memref<2560xf32, #tpu.memory_space<vmem>>) target(%dma_start3A_651 : memref<2560xf32, #tpu.memory_space<hbm>>) target_semaphore(%arg12 : memref<!tpu.dma_semaphore, #tpu.memory_space<semaphore_mem>>)
      %mul3A_655 = arith.constant 8 : i32
      %mul3A_656 = arith.muli %add3A_574, %mul3A_655 : i32
      %add3A_657 = arith.addi %multiple_of3A, %mul3A_656 : i32
      %add3A_658 = arith.constant 3 : i32
      %add3A_659 = arith.addi %add3A_657, %add3A_658 : i32
      %mul3A_660 = arith.constant 3072 : i32
      %mul3A_661 = arith.muli %add3A_659, %mul3A_660 : i32
      %multiple_of3A_662 = tpu.assume_multiple %mul3A_661, 1024 : i32
      %dma_start3A_663 = arith.constant 0 : i32
      %dma_start3A_664 = arith.constant 7680 : i32
      %dma_start3A_665 = tpu.memref_slice %arg7[%dma_start3A_663, %dma_start3A_664] : memref<2x20480xf32, #tpu.memory_space<vmem>> -> memref<1x2560xf32, #tpu.memory_space<vmem>>
      %dma_start3A_666 = tpu.memref_squeeze %dma_start3A_665 : memref<1x2560xf32, #tpu.memory_space<vmem>> -> memref<2560xf32, #tpu.memory_space<vmem>>
      %dma_start3A_667 = tpu.memref_slice %arg4[%multiple_of3A_662] : memref<50331648xf32, #tpu.memory_space<hbm>> -> memref<2560xf32, #tpu.memory_space<hbm>>
      %dma_start3A_668 = tpu.memref_slice %arg4[%multiple_of3A_662] : memref<50331648xf32, #tpu.memory_space<hbm>> -> memref<2560xf32, #tpu.memory_space<hbm>>
      %dma_start3A_669 = arith.constant 7680 : i32
      %dma_start3A_670 = tpu.memref_slice %arg7[%dma_start3A_663, %dma_start3A_669] : memref<2x20480xf32, #tpu.memory_space<vmem>> -> memref<1x2560xf32, #tpu.memory_space<vmem>>
      %dma_start3A_671 = tpu.memref_squeeze %dma_start3A_670 : memref<1x2560xf32, #tpu.memory_space<vmem>> -> memref<2560xf32, #tpu.memory_space<vmem>>
      tpu.enqueue_dma source(%dma_start3A_671 : memref<2560xf32, #tpu.memory_space<vmem>>) target(%dma_start3A_668 : memref<2560xf32, #tpu.memory_space<hbm>>) target_semaphore(%arg12 : memref<!tpu.dma_semaphore, #tpu.memory_space<semaphore_mem>>)
      %mul3A_672 = arith.constant 8 : i32
      %mul3A_673 = arith.muli %add3A_574, %mul3A_672 : i32
      %add3A_674 = arith.addi %multiple_of3A, %mul3A_673 : i32
      %add3A_675 = arith.constant 4 : i32
      %add3A_676 = arith.addi %add3A_674, %add3A_675 : i32
      %mul3A_677 = arith.constant 3072 : i32
      %mul3A_678 = arith.muli %add3A_676, %mul3A_677 : i32
      %multiple_of3A_679 = tpu.assume_multiple %mul3A_678, 1024 : i32
      %dma_start3A_680 = arith.constant 0 : i32
      %dma_start3A_681 = arith.constant 10240 : i32
      %dma_start3A_682 = tpu.memref_slice %arg7[%dma_start3A_680, %dma_start3A_681] : memref<2x20480xf32, #tpu.memory_space<vmem>> -> memref<1x2560xf32, #tpu.memory_space<vmem>>
      %dma_start3A_683 = tpu.memref_squeeze %dma_start3A_682 : memref<1x2560xf32, #tpu.memory_space<vmem>> -> memref<2560xf32, #tpu.memory_space<vmem>>
      %dma_start3A_684 = tpu.memref_slice %arg4[%multiple_of3A_679] : memref<50331648xf32, #tpu.memory_space<hbm>> -> memref<2560xf32, #tpu.memory_space<hbm>>
      %dma_start3A_685 = tpu.memref_slice %arg4[%multiple_of3A_679] : memref<50331648xf32, #tpu.memory_space<hbm>> -> memref<2560xf32, #tpu.memory_space<hbm>>
      %dma_start3A_686 = arith.constant 10240 : i32
      %dma_start3A_687 = tpu.memref_slice %arg7[%dma_start3A_680, %dma_start3A_686] : memref<2x20480xf32, #tpu.memory_space<vmem>> -> memref<1x2560xf32, #tpu.memory_space<vmem>>
      %dma_start3A_688 = tpu.memref_squeeze %dma_start3A_687 : memref<1x2560xf32, #tpu.memory_space<vmem>> -> memref<2560xf32, #tpu.memory_space<vmem>>
      tpu.enqueue_dma source(%dma_start3A_688 : memref<2560xf32, #tpu.memory_space<vmem>>) target(%dma_start3A_685 : memref<2560xf32, #tpu.memory_space<hbm>>) target_semaphore(%arg12 : memref<!tpu.dma_semaphore, #tpu.memory_space<semaphore_mem>>)
      %mul3A_689 = arith.constant 8 : i32
      %mul3A_690 = arith.muli %add3A_574, %mul3A_689 : i32
      %add3A_691 = arith.addi %multiple_of3A, %mul3A_690 : i32
      %add3A_692 = arith.constant 5 : i32
      %add3A_693 = arith.addi %add3A_691, %add3A_692 : i32
      %mul3A_694 = arith.constant 3072 : i32
      %mul3A_695 = arith.muli %add3A_693, %mul3A_694 : i32
      %multiple_of3A_696 = tpu.assume_multiple %mul3A_695, 1024 : i32
      %dma_start3A_697 = arith.constant 0 : i32
      %dma_start3A_698 = arith.constant 12800 : i32
      %dma_start3A_699 = tpu.memref_slice %arg7[%dma_start3A_697, %dma_start3A_698] : memref<2x20480xf32, #tpu.memory_space<vmem>> -> memref<1x2560xf32, #tpu.memory_space<vmem>>
      %dma_start3A_700 = tpu.memref_squeeze %dma_start3A_699 : memref<1x2560xf32, #tpu.memory_space<vmem>> -> memref<2560xf32, #tpu.memory_space<vmem>>
      %dma_start3A_701 = tpu.memref_slice %arg4[%multiple_of3A_696] : memref<50331648xf32, #tpu.memory_space<hbm>> -> memref<2560xf32, #tpu.memory_space<hbm>>
      %dma_start3A_702 = tpu.memref_slice %arg4[%multiple_of3A_696] : memref<50331648xf32, #tpu.memory_space<hbm>> -> memref<2560xf32, #tpu.memory_space<hbm>>
      %dma_start3A_703 = arith.constant 12800 : i32
      %dma_start3A_704 = tpu.memref_slice %arg7[%dma_start3A_697, %dma_start3A_703] : memref<2x20480xf32, #tpu.memory_space<vmem>> -> memref<1x2560xf32, #tpu.memory_space<vmem>>
      %dma_start3A_705 = tpu.memref_squeeze %dma_start3A_704 : memref<1x2560xf32, #tpu.memory_space<vmem>> -> memref<2560xf32, #tpu.memory_space<vmem>>
      tpu.enqueue_dma source(%dma_start3A_705 : memref<2560xf32, #tpu.memory_space<vmem>>) target(%dma_start3A_702 : memref<2560xf32, #tpu.memory_space<hbm>>) target_semaphore(%arg12 : memref<!tpu.dma_semaphore, #tpu.memory_space<semaphore_mem>>)
      %mul3A_706 = arith.constant 8 : i32
      %mul3A_707 = arith.muli %add3A_574, %mul3A_706 : i32
      %add3A_708 = arith.addi %multiple_of3A, %mul3A_707 : i32
      %add3A_709 = arith.constant 6 : i32
      %add3A_710 = arith.addi %add3A_708, %add3A_709 : i32
      %mul3A_711 = arith.constant 3072 : i32
      %mul3A_712 = arith.muli %add3A_710, %mul3A_711 : i32
      %multiple_of3A_713 = tpu.assume_multiple %mul3A_712, 1024 : i32
      %dma_start3A_714 = arith.constant 0 : i32
      %dma_start3A_715 = arith.constant 15360 : i32
      %dma_start3A_716 = tpu.memref_slice %arg7[%dma_start3A_714, %dma_start3A_715] : memref<2x20480xf32, #tpu.memory_space<vmem>> -> memref<1x2560xf32, #tpu.memory_space<vmem>>
      %dma_start3A_717 = tpu.memref_squeeze %dma_start3A_716 : memref<1x2560xf32, #tpu.memory_space<vmem>> -> memref<2560xf32, #tpu.memory_space<vmem>>
      %dma_start3A_718 = tpu.memref_slice %arg4[%multiple_of3A_713] : memref<50331648xf32, #tpu.memory_space<hbm>> -> memref<2560xf32, #tpu.memory_space<hbm>>
      %dma_start3A_719 = tpu.memref_slice %arg4[%multiple_of3A_713] : memref<50331648xf32, #tpu.memory_space<hbm>> -> memref<2560xf32, #tpu.memory_space<hbm>>
      %dma_start3A_720 = arith.constant 15360 : i32
      %dma_start3A_721 = tpu.memref_slice %arg7[%dma_start3A_714, %dma_start3A_720] : memref<2x20480xf32, #tpu.memory_space<vmem>> -> memref<1x2560xf32, #tpu.memory_space<vmem>>
      %dma_start3A_722 = tpu.memref_squeeze %dma_start3A_721 : memref<1x2560xf32, #tpu.memory_space<vmem>> -> memref<2560xf32, #tpu.memory_space<vmem>>
      tpu.enqueue_dma source(%dma_start3A_722 : memref<2560xf32, #tpu.memory_space<vmem>>) target(%dma_start3A_719 : memref<2560xf32, #tpu.memory_space<hbm>>) target_semaphore(%arg12 : memref<!tpu.dma_semaphore, #tpu.memory_space<semaphore_mem>>)
      %mul3A_723 = arith.constant 8 : i32
      %mul3A_724 = arith.muli %add3A_574, %mul3A_723 : i32
      %add3A_725 = arith.addi %multiple_of3A, %mul3A_724 : i32
      %add3A_726 = arith.constant 7 : i32
      %add3A_727 = arith.addi %add3A_725, %add3A_726 : i32
      %mul3A_728 = arith.constant 3072 : i32
      %mul3A_729 = arith.muli %add3A_727, %mul3A_728 : i32
      %multiple_of3A_730 = tpu.assume_multiple %mul3A_729, 1024 : i32
      %dma_start3A_731 = arith.constant 0 : i32
      %dma_start3A_732 = arith.constant 17920 : i32
      %dma_start3A_733 = tpu.memref_slice %arg7[%dma_start3A_731, %dma_start3A_732] : memref<2x20480xf32, #tpu.memory_space<vmem>> -> memref<1x2560xf32, #tpu.memory_space<vmem>>
      %dma_start3A_734 = tpu.memref_squeeze %dma_start3A_733 : memref<1x2560xf32, #tpu.memory_space<vmem>> -> memref<2560xf32, #tpu.memory_space<vmem>>
      %dma_start3A_735 = tpu.memref_slice %arg4[%multiple_of3A_730] : memref<50331648xf32, #tpu.memory_space<hbm>> -> memref<2560xf32, #tpu.memory_space<hbm>>
      %dma_start3A_736 = tpu.memref_slice %arg4[%multiple_of3A_730] : memref<50331648xf32, #tpu.memory_space<hbm>> -> memref<2560xf32, #tpu.memory_space<hbm>>
      %dma_start3A_737 = arith.constant 17920 : i32
      %dma_start3A_738 = tpu.memref_slice %arg7[%dma_start3A_731, %dma_start3A_737] : memref<2x20480xf32, #tpu.memory_space<vmem>> -> memref<1x2560xf32, #tpu.memory_space<vmem>>
      %dma_start3A_739 = tpu.memref_squeeze %dma_start3A_738 : memref<1x2560xf32, #tpu.memory_space<vmem>> -> memref<2560xf32, #tpu.memory_space<vmem>>
      tpu.enqueue_dma source(%dma_start3A_739 : memref<2560xf32, #tpu.memory_space<vmem>>) target(%dma_start3A_736 : memref<2560xf32, #tpu.memory_space<hbm>>) target_semaphore(%arg12 : memref<!tpu.dma_semaphore, #tpu.memory_space<semaphore_mem>>)
      %mul3A_740 = arith.constant 4 : i32
      %mul3A_741 = arith.muli %scan3A_236, %mul3A_740 : i32
      %add3A_742 = arith.constant 3 : i32
      %add3A_743 = arith.addi %mul3A_741, %add3A_742 : i32
      %add3A_744 = arith.constant 2 : i32
      %add3A_745 = arith.addi %add3A_743, %add3A_744 : i32
      %lt3A_746 = arith.constant 64 : i32
      %lt3A_747 = arith.cmpi slt, %add3A_745, %lt3A_746 : i32
      %convert_element_type3A_748 = arith.extui %lt3A_747 : i1 to i32
      %cond3A_749 = arith.constant 0 : i32
      %cond3A_750 = arith.cmpi ne, %convert_element_type3A_748, %cond3A_749 : i32
      scf.if %cond3A_750 {
        %mul3A_909 = arith.constant 8 : i32
        %mul3A_910 = arith.muli %add3A_745, %mul3A_909 : i32
        %add3A_911 = arith.constant 0 : i32
        %add3A_912 = arith.addi %mul3A_910, %add3A_911 : i32
        %dma_start3A_913 = arith.constant 1 : i32
        %dma_start3A_914 = arith.constant 0 : i32
        %dma_start3A_915 = arith.constant 0 : i32
        %dma_start3A_916 = arith.constant 0 : i32
        %dma_start3A_917 = tpu.memref_slice %arg6[%dma_start3A_913, %dma_start3A_914, %dma_start3A_915, %dma_start3A_916] : memref<4x8x20x64xf32, #tpu.memory_space<vmem>> -> memref<1x1x20x64xf32, #tpu.memory_space<vmem>>
        %dma_start3A_918 = tpu.memref_squeeze %dma_start3A_917 : memref<1x1x20x64xf32, #tpu.memory_space<vmem>> -> memref<20x64xf32, #tpu.memory_space<vmem>>
        %dma_start3A_919 = arith.constant 0 : i32
        %dma_start3A_920 = tpu.memref_slice %arg5[%add3A_912, %dma_start3A_919] : memref<512x20xi32, #tpu.memory_space<vmem>> -> memref<1x20xi32, #tpu.memory_space<vmem>>
        %dma_start3A_921 = tpu.memref_squeeze %dma_start3A_920 : memref<1x20xi32, #tpu.memory_space<vmem>> -> memref<20xi32, #tpu.memory_space<vmem>>
        %dma_start3A_922 = arith.constant 0 : i32
        %dma_start3A_923 = arith.constant 0 : i32
        %dma_start3A_924 = tpu.memref_slice %arg3[%dma_start3A_922, %dma_start3A_923] : memref<1000000x64xf32, #tpu.memory_space<hbm>> -> memref<1000000x64xf32, #tpu.memory_space<hbm>>
        tpu.enqueue_indirect_dma source(%dma_start3A_924 : memref<1000000x64xf32, #tpu.memory_space<hbm>>) target(%dma_start3A_918 : memref<20x64xf32, #tpu.memory_space<vmem>>) offsets(%dma_start3A_921 : memref<20xi32, #tpu.memory_space<vmem>>) semaphore(%arg9 : memref<!tpu.dma_semaphore, #tpu.memory_space<semaphore_mem>>)
        %mul3A_925 = arith.constant 8 : i32
        %mul3A_926 = arith.muli %add3A_745, %mul3A_925 : i32
        %add3A_927 = arith.constant 1 : i32
        %add3A_928 = arith.addi %mul3A_926, %add3A_927 : i32
        %dma_start3A_929 = arith.constant 1 : i32
        %dma_start3A_930 = arith.constant 1 : i32
        %dma_start3A_931 = arith.constant 0 : i32
        %dma_start3A_932 = arith.constant 0 : i32
        %dma_start3A_933 = tpu.memref_slice %arg6[%dma_start3A_929, %dma_start3A_930, %dma_start3A_931, %dma_start3A_932] : memref<4x8x20x64xf32, #tpu.memory_space<vmem>> -> memref<1x1x20x64xf32, #tpu.memory_space<vmem>>
        %dma_start3A_934 = tpu.memref_squeeze %dma_start3A_933 : memref<1x1x20x64xf32, #tpu.memory_space<vmem>> -> memref<20x64xf32, #tpu.memory_space<vmem>>
        %dma_start3A_935 = arith.constant 0 : i32
        %dma_start3A_936 = tpu.memref_slice %arg5[%add3A_928, %dma_start3A_935] : memref<512x20xi32, #tpu.memory_space<vmem>> -> memref<1x20xi32, #tpu.memory_space<vmem>>
        %dma_start3A_937 = tpu.memref_squeeze %dma_start3A_936 : memref<1x20xi32, #tpu.memory_space<vmem>> -> memref<20xi32, #tpu.memory_space<vmem>>
        %dma_start3A_938 = arith.constant 0 : i32
        %dma_start3A_939 = arith.constant 0 : i32
        %dma_start3A_940 = tpu.memref_slice %arg3[%dma_start3A_938, %dma_start3A_939] : memref<1000000x64xf32, #tpu.memory_space<hbm>> -> memref<1000000x64xf32, #tpu.memory_space<hbm>>
        tpu.enqueue_indirect_dma source(%dma_start3A_940 : memref<1000000x64xf32, #tpu.memory_space<hbm>>) target(%dma_start3A_934 : memref<20x64xf32, #tpu.memory_space<vmem>>) offsets(%dma_start3A_937 : memref<20xi32, #tpu.memory_space<vmem>>) semaphore(%arg9 : memref<!tpu.dma_semaphore, #tpu.memory_space<semaphore_mem>>)
        %mul3A_941 = arith.constant 8 : i32
        %mul3A_942 = arith.muli %add3A_745, %mul3A_941 : i32
        %add3A_943 = arith.constant 2 : i32
        %add3A_944 = arith.addi %mul3A_942, %add3A_943 : i32
        %dma_start3A_945 = arith.constant 1 : i32
        %dma_start3A_946 = arith.constant 2 : i32
        %dma_start3A_947 = arith.constant 0 : i32
        %dma_start3A_948 = arith.constant 0 : i32
        %dma_start3A_949 = tpu.memref_slice %arg6[%dma_start3A_945, %dma_start3A_946, %dma_start3A_947, %dma_start3A_948] : memref<4x8x20x64xf32, #tpu.memory_space<vmem>> -> memref<1x1x20x64xf32, #tpu.memory_space<vmem>>
        %dma_start3A_950 = tpu.memref_squeeze %dma_start3A_949 : memref<1x1x20x64xf32, #tpu.memory_space<vmem>> -> memref<20x64xf32, #tpu.memory_space<vmem>>
        %dma_start3A_951 = arith.constant 0 : i32
        %dma_start3A_952 = tpu.memref_slice %arg5[%add3A_944, %dma_start3A_951] : memref<512x20xi32, #tpu.memory_space<vmem>> -> memref<1x20xi32, #tpu.memory_space<vmem>>
        %dma_start3A_953 = tpu.memref_squeeze %dma_start3A_952 : memref<1x20xi32, #tpu.memory_space<vmem>> -> memref<20xi32, #tpu.memory_space<vmem>>
        %dma_start3A_954 = arith.constant 0 : i32
        %dma_start3A_955 = arith.constant 0 : i32
        %dma_start3A_956 = tpu.memref_slice %arg3[%dma_start3A_954, %dma_start3A_955] : memref<1000000x64xf32, #tpu.memory_space<hbm>> -> memref<1000000x64xf32, #tpu.memory_space<hbm>>
        tpu.enqueue_indirect_dma source(%dma_start3A_956 : memref<1000000x64xf32, #tpu.memory_space<hbm>>) target(%dma_start3A_950 : memref<20x64xf32, #tpu.memory_space<vmem>>) offsets(%dma_start3A_953 : memref<20xi32, #tpu.memory_space<vmem>>) semaphore(%arg9 : memref<!tpu.dma_semaphore, #tpu.memory_space<semaphore_mem>>)
        %mul3A_957 = arith.constant 8 : i32
        %mul3A_958 = arith.muli %add3A_745, %mul3A_957 : i32
        %add3A_959 = arith.constant 3 : i32
        %add3A_960 = arith.addi %mul3A_958, %add3A_959 : i32
        %dma_start3A_961 = arith.constant 1 : i32
        %dma_start3A_962 = arith.constant 3 : i32
        %dma_start3A_963 = arith.constant 0 : i32
        %dma_start3A_964 = arith.constant 0 : i32
        %dma_start3A_965 = tpu.memref_slice %arg6[%dma_start3A_961, %dma_start3A_962, %dma_start3A_963, %dma_start3A_964] : memref<4x8x20x64xf32, #tpu.memory_space<vmem>> -> memref<1x1x20x64xf32, #tpu.memory_space<vmem>>
        %dma_start3A_966 = tpu.memref_squeeze %dma_start3A_965 : memref<1x1x20x64xf32, #tpu.memory_space<vmem>> -> memref<20x64xf32, #tpu.memory_space<vmem>>
        %dma_start3A_967 = arith.constant 0 : i32
        %dma_start3A_968 = tpu.memref_slice %arg5[%add3A_960, %dma_start3A_967] : memref<512x20xi32, #tpu.memory_space<vmem>> -> memref<1x20xi32, #tpu.memory_space<vmem>>
        %dma_start3A_969 = tpu.memref_squeeze %dma_start3A_968 : memref<1x20xi32, #tpu.memory_space<vmem>> -> memref<20xi32, #tpu.memory_space<vmem>>
        %dma_start3A_970 = arith.constant 0 : i32
        %dma_start3A_971 = arith.constant 0 : i32
        %dma_start3A_972 = tpu.memref_slice %arg3[%dma_start3A_970, %dma_start3A_971] : memref<1000000x64xf32, #tpu.memory_space<hbm>> -> memref<1000000x64xf32, #tpu.memory_space<hbm>>
        tpu.enqueue_indirect_dma source(%dma_start3A_972 : memref<1000000x64xf32, #tpu.memory_space<hbm>>) target(%dma_start3A_966 : memref<20x64xf32, #tpu.memory_space<vmem>>) offsets(%dma_start3A_969 : memref<20xi32, #tpu.memory_space<vmem>>) semaphore(%arg9 : memref<!tpu.dma_semaphore, #tpu.memory_space<semaphore_mem>>)
        %mul3A_973 = arith.constant 8 : i32
        %mul3A_974 = arith.muli %add3A_745, %mul3A_973 : i32
        %add3A_975 = arith.constant 4 : i32
        %add3A_976 = arith.addi %mul3A_974, %add3A_975 : i32
        %dma_start3A_977 = arith.constant 1 : i32
        %dma_start3A_978 = arith.constant 4 : i32
        %dma_start3A_979 = arith.constant 0 : i32
        %dma_start3A_980 = arith.constant 0 : i32
        %dma_start3A_981 = tpu.memref_slice %arg6[%dma_start3A_977, %dma_start3A_978, %dma_start3A_979, %dma_start3A_980] : memref<4x8x20x64xf32, #tpu.memory_space<vmem>> -> memref<1x1x20x64xf32, #tpu.memory_space<vmem>>
        %dma_start3A_982 = tpu.memref_squeeze %dma_start3A_981 : memref<1x1x20x64xf32, #tpu.memory_space<vmem>> -> memref<20x64xf32, #tpu.memory_space<vmem>>
        %dma_start3A_983 = arith.constant 0 : i32
        %dma_start3A_984 = tpu.memref_slice %arg5[%add3A_976, %dma_start3A_983] : memref<512x20xi32, #tpu.memory_space<vmem>> -> memref<1x20xi32, #tpu.memory_space<vmem>>
        %dma_start3A_985 = tpu.memref_squeeze %dma_start3A_984 : memref<1x20xi32, #tpu.memory_space<vmem>> -> memref<20xi32, #tpu.memory_space<vmem>>
        %dma_start3A_986 = arith.constant 0 : i32
        %dma_start3A_987 = arith.constant 0 : i32
        %dma_start3A_988 = tpu.memref_slice %arg3[%dma_start3A_986, %dma_start3A_987] : memref<1000000x64xf32, #tpu.memory_space<hbm>> -> memref<1000000x64xf32, #tpu.memory_space<hbm>>
        tpu.enqueue_indirect_dma source(%dma_start3A_988 : memref<1000000x64xf32, #tpu.memory_space<hbm>>) target(%dma_start3A_982 : memref<20x64xf32, #tpu.memory_space<vmem>>) offsets(%dma_start3A_985 : memref<20xi32, #tpu.memory_space<vmem>>) semaphore(%arg9 : memref<!tpu.dma_semaphore, #tpu.memory_space<semaphore_mem>>)
        %mul3A_989 = arith.constant 8 : i32
        %mul3A_990 = arith.muli %add3A_745, %mul3A_989 : i32
        %add3A_991 = arith.constant 5 : i32
        %add3A_992 = arith.addi %mul3A_990, %add3A_991 : i32
        %dma_start3A_993 = arith.constant 1 : i32
        %dma_start3A_994 = arith.constant 5 : i32
        %dma_start3A_995 = arith.constant 0 : i32
        %dma_start3A_996 = arith.constant 0 : i32
        %dma_start3A_997 = tpu.memref_slice %arg6[%dma_start3A_993, %dma_start3A_994, %dma_start3A_995, %dma_start3A_996] : memref<4x8x20x64xf32, #tpu.memory_space<vmem>> -> memref<1x1x20x64xf32, #tpu.memory_space<vmem>>
        %dma_start3A_998 = tpu.memref_squeeze %dma_start3A_997 : memref<1x1x20x64xf32, #tpu.memory_space<vmem>> -> memref<20x64xf32, #tpu.memory_space<vmem>>
        %dma_start3A_999 = arith.constant 0 : i32
        %dma_start3A_1000 = tpu.memref_slice %arg5[%add3A_992, %dma_start3A_999] : memref<512x20xi32, #tpu.memory_space<vmem>> -> memref<1x20xi32, #tpu.memory_space<vmem>>
        %dma_start3A_1001 = tpu.memref_squeeze %dma_start3A_1000 : memref<1x20xi32, #tpu.memory_space<vmem>> -> memref<20xi32, #tpu.memory_space<vmem>>
        %dma_start3A_1002 = arith.constant 0 : i32
        %dma_start3A_1003 = arith.constant 0 : i32
        %dma_start3A_1004 = tpu.memref_slice %arg3[%dma_start3A_1002, %dma_start3A_1003] : memref<1000000x64xf32, #tpu.memory_space<hbm>> -> memref<1000000x64xf32, #tpu.memory_space<hbm>>
        tpu.enqueue_indirect_dma source(%dma_start3A_1004 : memref<1000000x64xf32, #tpu.memory_space<hbm>>) target(%dma_start3A_998 : memref<20x64xf32, #tpu.memory_space<vmem>>) offsets(%dma_start3A_1001 : memref<20xi32, #tpu.memory_space<vmem>>) semaphore(%arg9 : memref<!tpu.dma_semaphore, #tpu.memory_space<semaphore_mem>>)
        %mul3A_1005 = arith.constant 8 : i32
        %mul3A_1006 = arith.muli %add3A_745, %mul3A_1005 : i32
        %add3A_1007 = arith.constant 6 : i32
        %add3A_1008 = arith.addi %mul3A_1006, %add3A_1007 : i32
        %dma_start3A_1009 = arith.constant 1 : i32
        %dma_start3A_1010 = arith.constant 6 : i32
        %dma_start3A_1011 = arith.constant 0 : i32
        %dma_start3A_1012 = arith.constant 0 : i32
        %dma_start3A_1013 = tpu.memref_slice %arg6[%dma_start3A_1009, %dma_start3A_1010, %dma_start3A_1011, %dma_start3A_1012] : memref<4x8x20x64xf32, #tpu.memory_space<vmem>> -> memref<1x1x20x64xf32, #tpu.memory_space<vmem>>
        %dma_start3A_1014 = tpu.memref_squeeze %dma_start3A_1013 : memref<1x1x20x64xf32, #tpu.memory_space<vmem>> -> memref<20x64xf32, #tpu.memory_space<vmem>>
        %dma_start3A_1015 = arith.constant 0 : i32
        %dma_start3A_1016 = tpu.memref_slice %arg5[%add3A_1008, %dma_start3A_1015] : memref<512x20xi32, #tpu.memory_space<vmem>> -> memref<1x20xi32, #tpu.memory_space<vmem>>
        %dma_start3A_1017 = tpu.memref_squeeze %dma_start3A_1016 : memref<1x20xi32, #tpu.memory_space<vmem>> -> memref<20xi32, #tpu.memory_space<vmem>>
        %dma_start3A_1018 = arith.constant 0 : i32
        %dma_start3A_1019 = arith.constant 0 : i32
        %dma_start3A_1020 = tpu.memref_slice %arg3[%dma_start3A_1018, %dma_start3A_1019] : memref<1000000x64xf32, #tpu.memory_space<hbm>> -> memref<1000000x64xf32, #tpu.memory_space<hbm>>
        tpu.enqueue_indirect_dma source(%dma_start3A_1020 : memref<1000000x64xf32, #tpu.memory_space<hbm>>) target(%dma_start3A_1014 : memref<20x64xf32, #tpu.memory_space<vmem>>) offsets(%dma_start3A_1017 : memref<20xi32, #tpu.memory_space<vmem>>) semaphore(%arg9 : memref<!tpu.dma_semaphore, #tpu.memory_space<semaphore_mem>>)
        %mul3A_1021 = arith.constant 8 : i32
        %mul3A_1022 = arith.muli %add3A_745, %mul3A_1021 : i32
        %add3A_1023 = arith.constant 7 : i32
        %add3A_1024 = arith.addi %mul3A_1022, %add3A_1023 : i32
        %dma_start3A_1025 = arith.constant 1 : i32
        %dma_start3A_1026 = arith.constant 7 : i32
        %dma_start3A_1027 = arith.constant 0 : i32
        %dma_start3A_1028 = arith.constant 0 : i32
        %dma_start3A_1029 = tpu.memref_slice %arg6[%dma_start3A_1025, %dma_start3A_1026, %dma_start3A_1027, %dma_start3A_1028] : memref<4x8x20x64xf32, #tpu.memory_space<vmem>> -> memref<1x1x20x64xf32, #tpu.memory_space<vmem>>
        %dma_start3A_1030 = tpu.memref_squeeze %dma_start3A_1029 : memref<1x1x20x64xf32, #tpu.memory_space<vmem>> -> memref<20x64xf32, #tpu.memory_space<vmem>>
        %dma_start3A_1031 = arith.constant 0 : i32
        %dma_start3A_1032 = tpu.memref_slice %arg5[%add3A_1024, %dma_start3A_1031] : memref<512x20xi32, #tpu.memory_space<vmem>> -> memref<1x20xi32, #tpu.memory_space<vmem>>
        %dma_start3A_1033 = tpu.memref_squeeze %dma_start3A_1032 : memref<1x20xi32, #tpu.memory_space<vmem>> -> memref<20xi32, #tpu.memory_space<vmem>>
        %dma_start3A_1034 = arith.constant 0 : i32
        %dma_start3A_1035 = arith.constant 0 : i32
        %dma_start3A_1036 = tpu.memref_slice %arg3[%dma_start3A_1034, %dma_start3A_1035] : memref<1000000x64xf32, #tpu.memory_space<hbm>> -> memref<1000000x64xf32, #tpu.memory_space<hbm>>
        tpu.enqueue_indirect_dma source(%dma_start3A_1036 : memref<1000000x64xf32, #tpu.memory_space<hbm>>) target(%dma_start3A_1030 : memref<20x64xf32, #tpu.memory_space<vmem>>) offsets(%dma_start3A_1033 : memref<20xi32, #tpu.memory_space<vmem>>) semaphore(%arg9 : memref<!tpu.dma_semaphore, #tpu.memory_space<semaphore_mem>>)
      } else {
      }
      %dma_wait3A_751 = arith.constant 3 : i32
      %dma_wait3A_752 = arith.constant 0 : i32
      %dma_wait3A_753 = tpu.memref_slice %arg7[%dma_wait3A_751, %dma_wait3A_752] : memref<2x20480xf32, #tpu.memory_space<vmem>> -> memref<1x10240xf32, #tpu.memory_space<vmem>>
      %dma_wait3A_754 = tpu.memref_squeeze %dma_wait3A_753 : memref<1x10240xf32, #tpu.memory_space<vmem>> -> memref<10240xf32, #tpu.memory_space<vmem>>
      %dma_wait3A_755 = arith.constant 0 : i32
      %dma_wait3A_756 = tpu.memref_slice %arg4[%dma_wait3A_755] : memref<50331648xf32, #tpu.memory_space<hbm>> -> memref<10240xf32, #tpu.memory_space<hbm>>
      %dma_wait3A_757 = arith.constant 0 : i32
      %dma_wait3A_758 = tpu.memref_slice %arg7[%dma_wait3A_751, %dma_wait3A_757] : memref<2x20480xf32, #tpu.memory_space<vmem>> -> memref<1x10240xf32, #tpu.memory_space<vmem>>
      %dma_wait3A_759 = tpu.memref_squeeze %dma_wait3A_758 : memref<1x10240xf32, #tpu.memory_space<vmem>> -> memref<10240xf32, #tpu.memory_space<vmem>>
      %dma_wait3A_760 = arith.constant 0 : i32
      %dma_wait3A_761 = tpu.memref_slice %arg4[%dma_wait3A_760] : memref<50331648xf32, #tpu.memory_space<hbm>> -> memref<10240xf32, #tpu.memory_space<hbm>>
      tpu.wait_dma2 semaphore(%arg11 : memref<!tpu.dma_semaphore, #tpu.memory_space<semaphore_mem>>) src(%dma_wait3A_761 : memref<10240xf32, #tpu.memory_space<hbm>>) dst(%dma_wait3A_759 : memref<10240xf32, #tpu.memory_space<vmem>>)
      %ge3A_762 = arith.constant 2 : i32
      %ge3A_763 = arith.cmpi sge, %add3A_743, %ge3A_762 : i32
      %convert_element_type3A_764 = arith.extui %ge3A_763 : i1 to i32
      %cond3A_765 = arith.constant 0 : i32
      %cond3A_766 = arith.cmpi ne, %convert_element_type3A_764, %cond3A_765 : i32
      scf.if %cond3A_766 {
        %dma_wait3A_909 = arith.constant 1 : i32
        %dma_wait3A_910 = arith.constant 0 : i32
        %dma_wait3A_911 = tpu.memref_slice %arg7[%dma_wait3A_909, %dma_wait3A_910] : memref<2x20480xf32, #tpu.memory_space<vmem>> -> memref<1x20480xf32, #tpu.memory_space<vmem>>
        %dma_wait3A_912 = tpu.memref_squeeze %dma_wait3A_911 : memref<1x20480xf32, #tpu.memory_space<vmem>> -> memref<20480xf32, #tpu.memory_space<vmem>>
        %dma_wait3A_913 = arith.constant 0 : i32
        %dma_wait3A_914 = tpu.memref_slice %arg4[%dma_wait3A_913] : memref<50331648xf32, #tpu.memory_space<hbm>> -> memref<20480xf32, #tpu.memory_space<hbm>>
        %dma_wait3A_915 = arith.constant 0 : i32
        %dma_wait3A_916 = tpu.memref_slice %arg7[%dma_wait3A_909, %dma_wait3A_915] : memref<2x20480xf32, #tpu.memory_space<vmem>> -> memref<1x20480xf32, #tpu.memory_space<vmem>>
        %dma_wait3A_917 = tpu.memref_squeeze %dma_wait3A_916 : memref<1x20480xf32, #tpu.memory_space<vmem>> -> memref<20480xf32, #tpu.memory_space<vmem>>
        %dma_wait3A_918 = arith.constant 0 : i32
        %dma_wait3A_919 = tpu.memref_slice %arg4[%dma_wait3A_918] : memref<50331648xf32, #tpu.memory_space<hbm>> -> memref<20480xf32, #tpu.memory_space<hbm>>
        tpu.wait_dma2 semaphore(%arg13 : memref<!tpu.dma_semaphore, #tpu.memory_space<semaphore_mem>>) src(%dma_wait3A_919 : memref<20480xf32, #tpu.memory_space<hbm>>) dst(%dma_wait3A_917 : memref<20480xf32, #tpu.memory_space<vmem>>)
      } else {
      }
      %scan3A_767 = arith.constant 0 : i32
      %scan3A_768 = arith.constant 0 : i32
      %scan3A_769 = arith.constant 40 : i32
      %scan3A_770 = arith.addi %scan3A_768, %scan3A_769 : i32
      %scan3A_771 = arith.constant 1 : i32
      scf.for %scan3A_909 = %scan3A_768 to %scan3A_770 step %scan3A_771  : i32 {
        %jit3A = arith.constant 5 : i32
        %div3A = arith.divsi %scan3A_909, %jit3A : i32
        %sign3A = arith.constant 0 : i32
        %sign3A_910 = arith.cmpi sgt, %scan3A_909, %sign3A : i32
        %sign3A_911 = arith.extui %sign3A_910 : i1 to i32
        %sign3A_912 = arith.constant 0 : i32
        %sign3A_913 = arith.cmpi slt, %scan3A_909, %sign3A_912 : i32
        %sign3A_914 = arith.extui %sign3A_913 : i1 to i32
        %sign3A_915 = arith.subi %sign3A_911, %sign3A_914 : i32
        %sign3A_916 = arith.constant 0 : i32
        %sign3A_917 = arith.cmpi sgt, %jit3A, %sign3A_916 : i32
        %sign3A_918 = arith.extui %sign3A_917 : i1 to i32
        %sign3A_919 = arith.constant 0 : i32
        %sign3A_920 = arith.cmpi slt, %jit3A, %sign3A_919 : i32
        %sign3A_921 = arith.extui %sign3A_920 : i1 to i32
        %sign3A_922 = arith.subi %sign3A_918, %sign3A_921 : i32
        %ne3A = arith.cmpi ne, %sign3A_915, %sign3A_922 : i32
        %rem3A = arith.remsi %scan3A_909, %jit3A : i32
        %ne3A_923 = arith.constant 0 : i32
        %ne3A_924 = arith.cmpi ne, %rem3A, %ne3A_923 : i32
        %and3A = arith.andi %ne3A, %ne3A_924 : i1
        %sub3A = arith.constant 1 : i32
        %sub3A_925 = arith.subi %div3A, %sub3A : i32
        %select_n3A = arith.select %and3A, %sub3A_925, %div3A : i32
        %jit3A_926 = arith.constant 5 : i32
        %eq3A = arith.constant 0 : i32
        %eq3A_927 = arith.cmpi eq, %jit3A_926, %eq3A : i32
        %jit3A_928 = arith.constant 1 : i32
        %select_n3A_929 = arith.select %eq3A_927, %jit3A_928, %jit3A_926 : i32
        %rem3A_930 = arith.remsi %scan3A_909, %select_n3A_929 : i32
        %ne3A_931 = arith.constant 0 : i32
        %ne3A_932 = arith.cmpi ne, %rem3A_930, %ne3A_931 : i32
        %lt3A_933 = arith.constant 0 : i32
        %lt3A_934 = arith.cmpi slt, %rem3A_930, %lt3A_933 : i32
        %lt3A_935 = arith.constant 0 : i32
        %lt3A_936 = arith.cmpi slt, %select_n3A_929, %lt3A_935 : i32
        %ne3A_937 = arith.xori %lt3A_934, %lt3A_936 : i1
        %and3A_938 = arith.andi %ne3A_937, %ne3A_932 : i1
        %add3A_939 = arith.addi %rem3A_930, %select_n3A_929 : i32
        %select_n3A_940 = arith.select %and3A_938, %add3A_939, %rem3A_930 : i32
        %mul3A_941 = arith.constant 4 : i32
        %mul3A_942 = arith.muli %select_n3A_940, %mul3A_941 : i32
        %mul3A_943 = arith.constant 2560 : i32
        %mul3A_944 = arith.muli %select_n3A, %mul3A_943 : i32
        %add3A_945 = arith.constant 0 : i32
        %add3A_946 = arith.addi %mul3A_942, %add3A_945 : i32
        %mul3A_947 = arith.constant 128 : i32
        %mul3A_948 = arith.muli %add3A_946, %mul3A_947 : i32
        %add3A_949 = arith.addi %mul3A_944, %mul3A_948 : i32
        %add3A_950 = arith.constant 0 : i32
        %add3A_951 = arith.addi %add3A_949, %add3A_950 : i32
        %multiple_of3A_952 = tpu.assume_multiple %add3A_951, 16 : i32
        %add3A_953 = arith.constant 0 : i32
        %add3A_954 = arith.addi %mul3A_942, %add3A_953 : i32
        %get3A = arith.constant 3 : i32
        %get3A_955 = arith.index_cast %get3A : i32 to index
        %get3A_956 = arith.index_cast %select_n3A : i32 to index
        %get3A_957 = arith.index_cast %add3A_954 : i32 to index
        %get3A_958 = arith.constant 0 : index
        %get3A_959 = tpu.vector_load %arg6[%get3A_955, %get3A_956, %get3A_957, %get3A_958] {strides = array<i32>} : memref<4x8x20x64xf32, #tpu.memory_space<vmem>>, vector<1x1x1x16xf32>,
        %get3A_960 = vector.shape_cast %get3A_959 : vector<1x1x1x16xf32> to vector<16xf32>
        %mul3A_961 = arith.constant 8.000000e+00 : f32
        %mul3A_962 = vector.broadcast %mul3A_961 : f32 to vector<16xf32>
        %mul3A_963 = arith.mulf %get3A_960, %mul3A_962 : vector<16xf32>
        %swap3A = arith.constant 1 : i32
        %swap3A_964 = arith.index_cast %swap3A : i32 to index
        %swap3A_965 = arith.index_cast %multiple_of3A_952 : i32 to index
        %swap3A_966 = tpu.vector_load %arg7[%swap3A_964, %swap3A_965] {strides = array<i32>} : memref<2x20480xf32, #tpu.memory_space<vmem>>, vector<1x16xf32>,
        %swap3A_967 = vector.shape_cast %swap3A_966 : vector<1x16xf32> to vector<16xf32>
        %swap3A_968 = vector.shape_cast %mul3A_963 : vector<16xf32> to vector<1x16xf32>
        tpu.vector_store %arg7[%swap3A_964, %swap3A_965], %swap3A_968 {strides = array<i32>} : memref<2x20480xf32, #tpu.memory_space<vmem>>, vector<1x16xf32>,
        %mul3A_969 = arith.constant 2560 : i32
        %mul3A_970 = arith.muli %select_n3A, %mul3A_969 : i32
        %add3A_971 = arith.constant 0 : i32
        %add3A_972 = arith.addi %mul3A_942, %add3A_971 : i32
        %mul3A_973 = arith.constant 128 : i32
        %mul3A_974 = arith.muli %add3A_972, %mul3A_973 : i32
        %add3A_975 = arith.addi %mul3A_970, %mul3A_974 : i32
        %add3A_976 = arith.constant 16 : i32
        %add3A_977 = arith.addi %add3A_975, %add3A_976 : i32
        %multiple_of3A_978 = tpu.assume_multiple %add3A_977, 16 : i32
        %add3A_979 = arith.constant 0 : i32
        %add3A_980 = arith.addi %mul3A_942, %add3A_979 : i32
        %get3A_981 = arith.constant 3 : i32
        %get3A_982 = arith.index_cast %get3A_981 : i32 to index
        %get3A_983 = arith.index_cast %select_n3A : i32 to index
        %get3A_984 = arith.index_cast %add3A_980 : i32 to index
        %get3A_985 = arith.constant 16 : index
        %get3A_986 = tpu.vector_load %arg6[%get3A_982, %get3A_983, %get3A_984, %get3A_985] {strides = array<i32>} : memref<4x8x20x64xf32, #tpu.memory_space<vmem>>, vector<1x1x1x16xf32>,
        %get3A_987 = vector.shape_cast %get3A_986 : vector<1x1x1x16xf32> to vector<16xf32>
        %mul3A_988 = arith.constant 8.000000e+00 : f32
        %mul3A_989 = vector.broadcast %mul3A_988 : f32 to vector<16xf32>
        %mul3A_990 = arith.mulf %get3A_987, %mul3A_989 : vector<16xf32>
        %swap3A_991 = arith.constant 1 : i32
        %swap3A_992 = arith.index_cast %swap3A_991 : i32 to index
        %swap3A_993 = arith.index_cast %multiple_of3A_978 : i32 to index
        %swap3A_994 = tpu.vector_load %arg7[%swap3A_992, %swap3A_993] {strides = array<i32>} : memref<2x20480xf32, #tpu.memory_space<vmem>>, vector<1x16xf32>,
        %swap3A_995 = vector.shape_cast %swap3A_994 : vector<1x16xf32> to vector<16xf32>
        %swap3A_996 = vector.shape_cast %mul3A_990 : vector<16xf32> to vector<1x16xf32>
        tpu.vector_store %arg7[%swap3A_992, %swap3A_993], %swap3A_996 {strides = array<i32>} : memref<2x20480xf32, #tpu.memory_space<vmem>>, vector<1x16xf32>,
        %mul3A_997 = arith.constant 2560 : i32
        %mul3A_998 = arith.muli %select_n3A, %mul3A_997 : i32
        %add3A_999 = arith.constant 0 : i32
        %add3A_1000 = arith.addi %mul3A_942, %add3A_999 : i32
        %mul3A_1001 = arith.constant 128 : i32
        %mul3A_1002 = arith.muli %add3A_1000, %mul3A_1001 : i32
        %add3A_1003 = arith.addi %mul3A_998, %mul3A_1002 : i32
        %add3A_1004 = arith.constant 32 : i32
        %add3A_1005 = arith.addi %add3A_1003, %add3A_1004 : i32
        %multiple_of3A_1006 = tpu.assume_multiple %add3A_1005, 16 : i32
        %add3A_1007 = arith.constant 0 : i32
        %add3A_1008 = arith.addi %mul3A_942, %add3A_1007 : i32
        %get3A_1009 = arith.constant 3 : i32
        %get3A_1010 = arith.index_cast %get3A_1009 : i32 to index
        %get3A_1011 = arith.index_cast %select_n3A : i32 to index
        %get3A_1012 = arith.index_cast %add3A_1008 : i32 to index
        %get3A_1013 = arith.constant 32 : index
        %get3A_1014 = tpu.vector_load %arg6[%get3A_1010, %get3A_1011, %get3A_1012, %get3A_1013] {strides = array<i32>} : memref<4x8x20x64xf32, #tpu.memory_space<vmem>>, vector<1x1x1x16xf32>,
        %get3A_1015 = vector.shape_cast %get3A_1014 : vector<1x1x1x16xf32> to vector<16xf32>
        %mul3A_1016 = arith.constant 8.000000e+00 : f32
        %mul3A_1017 = vector.broadcast %mul3A_1016 : f32 to vector<16xf32>
        %mul3A_1018 = arith.mulf %get3A_1015, %mul3A_1017 : vector<16xf32>
        %swap3A_1019 = arith.constant 1 : i32
        %swap3A_1020 = arith.index_cast %swap3A_1019 : i32 to index
        %swap3A_1021 = arith.index_cast %multiple_of3A_1006 : i32 to index
        %swap3A_1022 = tpu.vector_load %arg7[%swap3A_1020, %swap3A_1021] {strides = array<i32>} : memref<2x20480xf32, #tpu.memory_space<vmem>>, vector<1x16xf32>,
        %swap3A_1023 = vector.shape_cast %swap3A_1022 : vector<1x16xf32> to vector<16xf32>
        %swap3A_1024 = vector.shape_cast %mul3A_1018 : vector<16xf32> to vector<1x16xf32>
        tpu.vector_store %arg7[%swap3A_1020, %swap3A_1021], %swap3A_1024 {strides = array<i32>} : memref<2x20480xf32, #tpu.memory_space<vmem>>, vector<1x16xf32>,
        %mul3A_1025 = arith.constant 2560 : i32
        %mul3A_1026 = arith.muli %select_n3A, %mul3A_1025 : i32
        %add3A_1027 = arith.constant 0 : i32
        %add3A_1028 = arith.addi %mul3A_942, %add3A_1027 : i32
        %mul3A_1029 = arith.constant 128 : i32
        %mul3A_1030 = arith.muli %add3A_1028, %mul3A_1029 : i32
        %add3A_1031 = arith.addi %mul3A_1026, %mul3A_1030 : i32
        %add3A_1032 = arith.constant 48 : i32
        %add3A_1033 = arith.addi %add3A_1031, %add3A_1032 : i32
        %multiple_of3A_1034 = tpu.assume_multiple %add3A_1033, 16 : i32
        %add3A_1035 = arith.constant 0 : i32
        %add3A_1036 = arith.addi %mul3A_942, %add3A_1035 : i32
        %get3A_1037 = arith.constant 3 : i32
        %get3A_1038 = arith.index_cast %get3A_1037 : i32 to index
        %get3A_1039 = arith.index_cast %select_n3A : i32 to index
        %get3A_1040 = arith.index_cast %add3A_1036 : i32 to index
        %get3A_1041 = arith.constant 48 : index
        %get3A_1042 = tpu.vector_load %arg6[%get3A_1038, %get3A_1039, %get3A_1040, %get3A_1041] {strides = array<i32>} : memref<4x8x20x64xf32, #tpu.memory_space<vmem>>, vector<1x1x1x16xf32>,
        %get3A_1043 = vector.shape_cast %get3A_1042 : vector<1x1x1x16xf32> to vector<16xf32>
        %mul3A_1044 = arith.constant 8.000000e+00 : f32
        %mul3A_1045 = vector.broadcast %mul3A_1044 : f32 to vector<16xf32>
        %mul3A_1046 = arith.mulf %get3A_1043, %mul3A_1045 : vector<16xf32>
        %swap3A_1047 = arith.constant 1 : i32
        %swap3A_1048 = arith.index_cast %swap3A_1047 : i32 to index
        %swap3A_1049 = arith.index_cast %multiple_of3A_1034 : i32 to index
        %swap3A_1050 = tpu.vector_load %arg7[%swap3A_1048, %swap3A_1049] {strides = array<i32>} : memref<2x20480xf32, #tpu.memory_space<vmem>>, vector<1x16xf32>,
        %swap3A_1051 = vector.shape_cast %swap3A_1050 : vector<1x16xf32> to vector<16xf32>
        %swap3A_1052 = vector.shape_cast %mul3A_1046 : vector<16xf32> to vector<1x16xf32>
        tpu.vector_store %arg7[%swap3A_1048, %swap3A_1049], %swap3A_1052 {strides = array<i32>} : memref<2x20480xf32, #tpu.memory_space<vmem>>, vector<1x16xf32>,
        %mul3A_1053 = arith.constant 2560 : i32
        %mul3A_1054 = arith.muli %select_n3A, %mul3A_1053 : i32
        %add3A_1055 = arith.constant 1 : i32
        %add3A_1056 = arith.addi %mul3A_942, %add3A_1055 : i32
        %mul3A_1057 = arith.constant 128 : i32
        %mul3A_1058 = arith.muli %add3A_1056, %mul3A_1057 : i32
        %add3A_1059 = arith.addi %mul3A_1054, %mul3A_1058 : i32
        %add3A_1060 = arith.constant 0 : i32
        %add3A_1061 = arith.addi %add3A_1059, %add3A_1060 : i32
        %multiple_of3A_1062 = tpu.assume_multiple %add3A_1061, 16 : i32
        %add3A_1063 = arith.constant 1 : i32
        %add3A_1064 = arith.addi %mul3A_942, %add3A_1063 : i32
        %get3A_1065 = arith.constant 3 : i32
        %get3A_1066 = arith.index_cast %get3A_1065 : i32 to index
        %get3A_1067 = arith.index_cast %select_n3A : i32 to index
        %get3A_1068 = arith.index_cast %add3A_1064 : i32 to index
        %get3A_1069 = arith.constant 0 : index
        %get3A_1070 = tpu.vector_load %arg6[%get3A_1066, %get3A_1067, %get3A_1068, %get3A_1069] {strides = array<i32>} : memref<4x8x20x64xf32, #tpu.memory_space<vmem>>, vector<1x1x1x16xf32>,
        %get3A_1071 = vector.shape_cast %get3A_1070 : vector<1x1x1x16xf32> to vector<16xf32>
        %mul3A_1072 = arith.constant 8.000000e+00 : f32
        %mul3A_1073 = vector.broadcast %mul3A_1072 : f32 to vector<16xf32>
        %mul3A_1074 = arith.mulf %get3A_1071, %mul3A_1073 : vector<16xf32>
        %swap3A_1075 = arith.constant 1 : i32
        %swap3A_1076 = arith.index_cast %swap3A_1075 : i32 to index
        %swap3A_1077 = arith.index_cast %multiple_of3A_1062 : i32 to index
        %swap3A_1078 = tpu.vector_load %arg7[%swap3A_1076, %swap3A_1077] {strides = array<i32>} : memref<2x20480xf32, #tpu.memory_space<vmem>>, vector<1x16xf32>,
        %swap3A_1079 = vector.shape_cast %swap3A_1078 : vector<1x16xf32> to vector<16xf32>
        %swap3A_1080 = vector.shape_cast %mul3A_1074 : vector<16xf32> to vector<1x16xf32>
        tpu.vector_store %arg7[%swap3A_1076, %swap3A_1077], %swap3A_1080 {strides = array<i32>} : memref<2x20480xf32, #tpu.memory_space<vmem>>, vector<1x16xf32>,
        %mul3A_1081 = arith.constant 2560 : i32
        %mul3A_1082 = arith.muli %select_n3A, %mul3A_1081 : i32
        %add3A_1083 = arith.constant 1 : i32
        %add3A_1084 = arith.addi %mul3A_942, %add3A_1083 : i32
        %mul3A_1085 = arith.constant 128 : i32
        %mul3A_1086 = arith.muli %add3A_1084, %mul3A_1085 : i32
        %add3A_1087 = arith.addi %mul3A_1082, %mul3A_1086 : i32
        %add3A_1088 = arith.constant 16 : i32
        %add3A_1089 = arith.addi %add3A_1087, %add3A_1088 : i32
        %multiple_of3A_1090 = tpu.assume_multiple %add3A_1089, 16 : i32
        %add3A_1091 = arith.constant 1 : i32
        %add3A_1092 = arith.addi %mul3A_942, %add3A_1091 : i32
        %get3A_1093 = arith.constant 3 : i32
        %get3A_1094 = arith.index_cast %get3A_1093 : i32 to index
        %get3A_1095 = arith.index_cast %select_n3A : i32 to index
        %get3A_1096 = arith.index_cast %add3A_1092 : i32 to index
        %get3A_1097 = arith.constant 16 : index
        %get3A_1098 = tpu.vector_load %arg6[%get3A_1094, %get3A_1095, %get3A_1096, %get3A_1097] {strides = array<i32>} : memref<4x8x20x64xf32, #tpu.memory_space<vmem>>, vector<1x1x1x16xf32>,
        %get3A_1099 = vector.shape_cast %get3A_1098 : vector<1x1x1x16xf32> to vector<16xf32>
        %mul3A_1100 = arith.constant 8.000000e+00 : f32
        %mul3A_1101 = vector.broadcast %mul3A_1100 : f32 to vector<16xf32>
        %mul3A_1102 = arith.mulf %get3A_1099, %mul3A_1101 : vector<16xf32>
        %swap3A_1103 = arith.constant 1 : i32
        %swap3A_1104 = arith.index_cast %swap3A_1103 : i32 to index
        %swap3A_1105 = arith.index_cast %multiple_of3A_1090 : i32 to index
        %swap3A_1106 = tpu.vector_load %arg7[%swap3A_1104, %swap3A_1105] {strides = array<i32>} : memref<2x20480xf32, #tpu.memory_space<vmem>>, vector<1x16xf32>,
        %swap3A_1107 = vector.shape_cast %swap3A_1106 : vector<1x16xf32> to vector<16xf32>
        %swap3A_1108 = vector.shape_cast %mul3A_1102 : vector<16xf32> to vector<1x16xf32>
        tpu.vector_store %arg7[%swap3A_1104, %swap3A_1105], %swap3A_1108 {strides = array<i32>} : memref<2x20480xf32, #tpu.memory_space<vmem>>, vector<1x16xf32>,
        %mul3A_1109 = arith.constant 2560 : i32
        %mul3A_1110 = arith.muli %select_n3A, %mul3A_1109 : i32
        %add3A_1111 = arith.constant 1 : i32
        %add3A_1112 = arith.addi %mul3A_942, %add3A_1111 : i32
        %mul3A_1113 = arith.constant 128 : i32
        %mul3A_1114 = arith.muli %add3A_1112, %mul3A_1113 : i32
        %add3A_1115 = arith.addi %mul3A_1110, %mul3A_1114 : i32
        %add3A_1116 = arith.constant 32 : i32
        %add3A_1117 = arith.addi %add3A_1115, %add3A_1116 : i32
        %multiple_of3A_1118 = tpu.assume_multiple %add3A_1117, 16 : i32
        %add3A_1119 = arith.constant 1 : i32
        %add3A_1120 = arith.addi %mul3A_942, %add3A_1119 : i32
        %get3A_1121 = arith.constant 3 : i32
        %get3A_1122 = arith.index_cast %get3A_1121 : i32 to index
        %get3A_1123 = arith.index_cast %select_n3A : i32 to index
        %get3A_1124 = arith.index_cast %add3A_1120 : i32 to index
        %get3A_1125 = arith.constant 32 : index
        %get3A_1126 = tpu.vector_load %arg6[%get3A_1122, %get3A_1123, %get3A_1124, %get3A_1125] {strides = array<i32>} : memref<4x8x20x64xf32, #tpu.memory_space<vmem>>, vector<1x1x1x16xf32>,
        %get3A_1127 = vector.shape_cast %get3A_1126 : vector<1x1x1x16xf32> to vector<16xf32>
        %mul3A_1128 = arith.constant 8.000000e+00 : f32
        %mul3A_1129 = vector.broadcast %mul3A_1128 : f32 to vector<16xf32>
        %mul3A_1130 = arith.mulf %get3A_1127, %mul3A_1129 : vector<16xf32>
        %swap3A_1131 = arith.constant 1 : i32
        %swap3A_1132 = arith.index_cast %swap3A_1131 : i32 to index
        %swap3A_1133 = arith.index_cast %multiple_of3A_1118 : i32 to index
        %swap3A_1134 = tpu.vector_load %arg7[%swap3A_1132, %swap3A_1133] {strides = array<i32>} : memref<2x20480xf32, #tpu.memory_space<vmem>>, vector<1x16xf32>,
        %swap3A_1135 = vector.shape_cast %swap3A_1134 : vector<1x16xf32> to vector<16xf32>
        %swap3A_1136 = vector.shape_cast %mul3A_1130 : vector<16xf32> to vector<1x16xf32>
        tpu.vector_store %arg7[%swap3A_1132, %swap3A_1133], %swap3A_1136 {strides = array<i32>} : memref<2x20480xf32, #tpu.memory_space<vmem>>, vector<1x16xf32>,
        %mul3A_1137 = arith.constant 2560 : i32
        %mul3A_1138 = arith.muli %select_n3A, %mul3A_1137 : i32
        %add3A_1139 = arith.constant 1 : i32
        %add3A_1140 = arith.addi %mul3A_942, %add3A_1139 : i32
        %mul3A_1141 = arith.constant 128 : i32
        %mul3A_1142 = arith.muli %add3A_1140, %mul3A_1141 : i32
        %add3A_1143 = arith.addi %mul3A_1138, %mul3A_1142 : i32
        %add3A_1144 = arith.constant 48 : i32
        %add3A_1145 = arith.addi %add3A_1143, %add3A_1144 : i32
        %multiple_of3A_1146 = tpu.assume_multiple %add3A_1145, 16 : i32
        %add3A_1147 = arith.constant 1 : i32
        %add3A_1148 = arith.addi %mul3A_942, %add3A_1147 : i32
        %get3A_1149 = arith.constant 3 : i32
        %get3A_1150 = arith.index_cast %get3A_1149 : i32 to index
        %get3A_1151 = arith.index_cast %select_n3A : i32 to index
        %get3A_1152 = arith.index_cast %add3A_1148 : i32 to index
        %get3A_1153 = arith.constant 48 : index
        %get3A_1154 = tpu.vector_load %arg6[%get3A_1150, %get3A_1151, %get3A_1152, %get3A_1153] {strides = array<i32>} : memref<4x8x20x64xf32, #tpu.memory_space<vmem>>, vector<1x1x1x16xf32>,
        %get3A_1155 = vector.shape_cast %get3A_1154 : vector<1x1x1x16xf32> to vector<16xf32>
        %mul3A_1156 = arith.constant 8.000000e+00 : f32
        %mul3A_1157 = vector.broadcast %mul3A_1156 : f32 to vector<16xf32>
        %mul3A_1158 = arith.mulf %get3A_1155, %mul3A_1157 : vector<16xf32>
        %swap3A_1159 = arith.constant 1 : i32
        %swap3A_1160 = arith.index_cast %swap3A_1159 : i32 to index
        %swap3A_1161 = arith.index_cast %multiple_of3A_1146 : i32 to index
        %swap3A_1162 = tpu.vector_load %arg7[%swap3A_1160, %swap3A_1161] {strides = array<i32>} : memref<2x20480xf32, #tpu.memory_space<vmem>>, vector<1x16xf32>,
        %swap3A_1163 = vector.shape_cast %swap3A_1162 : vector<1x16xf32> to vector<16xf32>
        %swap3A_1164 = vector.shape_cast %mul3A_1158 : vector<16xf32> to vector<1x16xf32>
        tpu.vector_store %arg7[%swap3A_1160, %swap3A_1161], %swap3A_1164 {strides = array<i32>} : memref<2x20480xf32, #tpu.memory_space<vmem>>, vector<1x16xf32>,
        %mul3A_1165 = arith.constant 2560 : i32
        %mul3A_1166 = arith.muli %select_n3A, %mul3A_1165 : i32
        %add3A_1167 = arith.constant 2 : i32
        %add3A_1168 = arith.addi %mul3A_942, %add3A_1167 : i32
        %mul3A_1169 = arith.constant 128 : i32
        %mul3A_1170 = arith.muli %add3A_1168, %mul3A_1169 : i32
        %add3A_1171 = arith.addi %mul3A_1166, %mul3A_1170 : i32
        %add3A_1172 = arith.constant 0 : i32
        %add3A_1173 = arith.addi %add3A_1171, %add3A_1172 : i32
        %multiple_of3A_1174 = tpu.assume_multiple %add3A_1173, 16 : i32
        %add3A_1175 = arith.constant 2 : i32
        %add3A_1176 = arith.addi %mul3A_942, %add3A_1175 : i32
        %get3A_1177 = arith.constant 3 : i32
        %get3A_1178 = arith.index_cast %get3A_1177 : i32 to index
        %get3A_1179 = arith.index_cast %select_n3A : i32 to index
        %get3A_1180 = arith.index_cast %add3A_1176 : i32 to index
        %get3A_1181 = arith.constant 0 : index
        %get3A_1182 = tpu.vector_load %arg6[%get3A_1178, %get3A_1179, %get3A_1180, %get3A_1181] {strides = array<i32>} : memref<4x8x20x64xf32, #tpu.memory_space<vmem>>, vector<1x1x1x16xf32>,
        %get3A_1183 = vector.shape_cast %get3A_1182 : vector<1x1x1x16xf32> to vector<16xf32>
        %mul3A_1184 = arith.constant 8.000000e+00 : f32
        %mul3A_1185 = vector.broadcast %mul3A_1184 : f32 to vector<16xf32>
        %mul3A_1186 = arith.mulf %get3A_1183, %mul3A_1185 : vector<16xf32>
        %swap3A_1187 = arith.constant 1 : i32
        %swap3A_1188 = arith.index_cast %swap3A_1187 : i32 to index
        %swap3A_1189 = arith.index_cast %multiple_of3A_1174 : i32 to index
        %swap3A_1190 = tpu.vector_load %arg7[%swap3A_1188, %swap3A_1189] {strides = array<i32>} : memref<2x20480xf32, #tpu.memory_space<vmem>>, vector<1x16xf32>,
        %swap3A_1191 = vector.shape_cast %swap3A_1190 : vector<1x16xf32> to vector<16xf32>
        %swap3A_1192 = vector.shape_cast %mul3A_1186 : vector<16xf32> to vector<1x16xf32>
        tpu.vector_store %arg7[%swap3A_1188, %swap3A_1189], %swap3A_1192 {strides = array<i32>} : memref<2x20480xf32, #tpu.memory_space<vmem>>, vector<1x16xf32>,
        %mul3A_1193 = arith.constant 2560 : i32
        %mul3A_1194 = arith.muli %select_n3A, %mul3A_1193 : i32
        %add3A_1195 = arith.constant 2 : i32
        %add3A_1196 = arith.addi %mul3A_942, %add3A_1195 : i32
        %mul3A_1197 = arith.constant 128 : i32
        %mul3A_1198 = arith.muli %add3A_1196, %mul3A_1197 : i32
        %add3A_1199 = arith.addi %mul3A_1194, %mul3A_1198 : i32
        %add3A_1200 = arith.constant 16 : i32
        %add3A_1201 = arith.addi %add3A_1199, %add3A_1200 : i32
        %multiple_of3A_1202 = tpu.assume_multiple %add3A_1201, 16 : i32
        %add3A_1203 = arith.constant 2 : i32
        %add3A_1204 = arith.addi %mul3A_942, %add3A_1203 : i32
        %get3A_1205 = arith.constant 3 : i32
        %get3A_1206 = arith.index_cast %get3A_1205 : i32 to index
        %get3A_1207 = arith.index_cast %select_n3A : i32 to index
        %get3A_1208 = arith.index_cast %add3A_1204 : i32 to index
        %get3A_1209 = arith.constant 16 : index
        %get3A_1210 = tpu.vector_load %arg6[%get3A_1206, %get3A_1207, %get3A_1208, %get3A_1209] {strides = array<i32>} : memref<4x8x20x64xf32, #tpu.memory_space<vmem>>, vector<1x1x1x16xf32>,
        %get3A_1211 = vector.shape_cast %get3A_1210 : vector<1x1x1x16xf32> to vector<16xf32>
        %mul3A_1212 = arith.constant 8.000000e+00 : f32
        %mul3A_1213 = vector.broadcast %mul3A_1212 : f32 to vector<16xf32>
        %mul3A_1214 = arith.mulf %get3A_1211, %mul3A_1213 : vector<16xf32>
        %swap3A_1215 = arith.constant 1 : i32
        %swap3A_1216 = arith.index_cast %swap3A_1215 : i32 to index
        %swap3A_1217 = arith.index_cast %multiple_of3A_1202 : i32 to index
        %swap3A_1218 = tpu.vector_load %arg7[%swap3A_1216, %swap3A_1217] {strides = array<i32>} : memref<2x20480xf32, #tpu.memory_space<vmem>>, vector<1x16xf32>,
        %swap3A_1219 = vector.shape_cast %swap3A_1218 : vector<1x16xf32> to vector<16xf32>
        %swap3A_1220 = vector.shape_cast %mul3A_1214 : vector<16xf32> to vector<1x16xf32>
        tpu.vector_store %arg7[%swap3A_1216, %swap3A_1217], %swap3A_1220 {strides = array<i32>} : memref<2x20480xf32, #tpu.memory_space<vmem>>, vector<1x16xf32>,
        %mul3A_1221 = arith.constant 2560 : i32
        %mul3A_1222 = arith.muli %select_n3A, %mul3A_1221 : i32
        %add3A_1223 = arith.constant 2 : i32
        %add3A_1224 = arith.addi %mul3A_942, %add3A_1223 : i32
        %mul3A_1225 = arith.constant 128 : i32
        %mul3A_1226 = arith.muli %add3A_1224, %mul3A_1225 : i32
        %add3A_1227 = arith.addi %mul3A_1222, %mul3A_1226 : i32
        %add3A_1228 = arith.constant 32 : i32
        %add3A_1229 = arith.addi %add3A_1227, %add3A_1228 : i32
        %multiple_of3A_1230 = tpu.assume_multiple %add3A_1229, 16 : i32
        %add3A_1231 = arith.constant 2 : i32
        %add3A_1232 = arith.addi %mul3A_942, %add3A_1231 : i32
        %get3A_1233 = arith.constant 3 : i32
        %get3A_1234 = arith.index_cast %get3A_1233 : i32 to index
        %get3A_1235 = arith.index_cast %select_n3A : i32 to index
        %get3A_1236 = arith.index_cast %add3A_1232 : i32 to index
        %get3A_1237 = arith.constant 32 : index
        %get3A_1238 = tpu.vector_load %arg6[%get3A_1234, %get3A_1235, %get3A_1236, %get3A_1237] {strides = array<i32>} : memref<4x8x20x64xf32, #tpu.memory_space<vmem>>, vector<1x1x1x16xf32>,
        %get3A_1239 = vector.shape_cast %get3A_1238 : vector<1x1x1x16xf32> to vector<16xf32>
        %mul3A_1240 = arith.constant 8.000000e+00 : f32
        %mul3A_1241 = vector.broadcast %mul3A_1240 : f32 to vector<16xf32>
        %mul3A_1242 = arith.mulf %get3A_1239, %mul3A_1241 : vector<16xf32>
        %swap3A_1243 = arith.constant 1 : i32
        %swap3A_1244 = arith.index_cast %swap3A_1243 : i32 to index
        %swap3A_1245 = arith.index_cast %multiple_of3A_1230 : i32 to index
        %swap3A_1246 = tpu.vector_load %arg7[%swap3A_1244, %swap3A_1245] {strides = array<i32>} : memref<2x20480xf32, #tpu.memory_space<vmem>>, vector<1x16xf32>,
        %swap3A_1247 = vector.shape_cast %swap3A_1246 : vector<1x16xf32> to vector<16xf32>
        %swap3A_1248 = vector.shape_cast %mul3A_1242 : vector<16xf32> to vector<1x16xf32>
        tpu.vector_store %arg7[%swap3A_1244, %swap3A_1245], %swap3A_1248 {strides = array<i32>} : memref<2x20480xf32, #tpu.memory_space<vmem>>, vector<1x16xf32>,
        %mul3A_1249 = arith.constant 2560 : i32
        %mul3A_1250 = arith.muli %select_n3A, %mul3A_1249 : i32
        %add3A_1251 = arith.constant 2 : i32
        %add3A_1252 = arith.addi %mul3A_942, %add3A_1251 : i32
        %mul3A_1253 = arith.constant 128 : i32
        %mul3A_1254 = arith.muli %add3A_1252, %mul3A_1253 : i32
        %add3A_1255 = arith.addi %mul3A_1250, %mul3A_1254 : i32
        %add3A_1256 = arith.constant 48 : i32
        %add3A_1257 = arith.addi %add3A_1255, %add3A_1256 : i32
        %multiple_of3A_1258 = tpu.assume_multiple %add3A_1257, 16 : i32
        %add3A_1259 = arith.constant 2 : i32
        %add3A_1260 = arith.addi %mul3A_942, %add3A_1259 : i32
        %get3A_1261 = arith.constant 3 : i32
        %get3A_1262 = arith.index_cast %get3A_1261 : i32 to index
        %get3A_1263 = arith.index_cast %select_n3A : i32 to index
        %get3A_1264 = arith.index_cast %add3A_1260 : i32 to index
        %get3A_1265 = arith.constant 48 : index
        %get3A_1266 = tpu.vector_load %arg6[%get3A_1262, %get3A_1263, %get3A_1264, %get3A_1265] {strides = array<i32>} : memref<4x8x20x64xf32, #tpu.memory_space<vmem>>, vector<1x1x1x16xf32>,
        %get3A_1267 = vector.shape_cast %get3A_1266 : vector<1x1x1x16xf32> to vector<16xf32>
        %mul3A_1268 = arith.constant 8.000000e+00 : f32
        %mul3A_1269 = vector.broadcast %mul3A_1268 : f32 to vector<16xf32>
        %mul3A_1270 = arith.mulf %get3A_1267, %mul3A_1269 : vector<16xf32>
        %swap3A_1271 = arith.constant 1 : i32
        %swap3A_1272 = arith.index_cast %swap3A_1271 : i32 to index
        %swap3A_1273 = arith.index_cast %multiple_of3A_1258 : i32 to index
        %swap3A_1274 = tpu.vector_load %arg7[%swap3A_1272, %swap3A_1273] {strides = array<i32>} : memref<2x20480xf32, #tpu.memory_space<vmem>>, vector<1x16xf32>,
        %swap3A_1275 = vector.shape_cast %swap3A_1274 : vector<1x16xf32> to vector<16xf32>
        %swap3A_1276 = vector.shape_cast %mul3A_1270 : vector<16xf32> to vector<1x16xf32>
        tpu.vector_store %arg7[%swap3A_1272, %swap3A_1273], %swap3A_1276 {strides = array<i32>} : memref<2x20480xf32, #tpu.memory_space<vmem>>, vector<1x16xf32>,
        %mul3A_1277 = arith.constant 2560 : i32
        %mul3A_1278 = arith.muli %select_n3A, %mul3A_1277 : i32
        %add3A_1279 = arith.constant 3 : i32
        %add3A_1280 = arith.addi %mul3A_942, %add3A_1279 : i32
        %mul3A_1281 = arith.constant 128 : i32
        %mul3A_1282 = arith.muli %add3A_1280, %mul3A_1281 : i32
        %add3A_1283 = arith.addi %mul3A_1278, %mul3A_1282 : i32
        %add3A_1284 = arith.constant 0 : i32
        %add3A_1285 = arith.addi %add3A_1283, %add3A_1284 : i32
        %multiple_of3A_1286 = tpu.assume_multiple %add3A_1285, 16 : i32
        %add3A_1287 = arith.constant 3 : i32
        %add3A_1288 = arith.addi %mul3A_942, %add3A_1287 : i32
        %get3A_1289 = arith.constant 3 : i32
        %get3A_1290 = arith.index_cast %get3A_1289 : i32 to index
        %get3A_1291 = arith.index_cast %select_n3A : i32 to index
        %get3A_1292 = arith.index_cast %add3A_1288 : i32 to index
        %get3A_1293 = arith.constant 0 : index
        %get3A_1294 = tpu.vector_load %arg6[%get3A_1290, %get3A_1291, %get3A_1292, %get3A_1293] {strides = array<i32>} : memref<4x8x20x64xf32, #tpu.memory_space<vmem>>, vector<1x1x1x16xf32>,
        %get3A_1295 = vector.shape_cast %get3A_1294 : vector<1x1x1x16xf32> to vector<16xf32>
        %mul3A_1296 = arith.constant 8.000000e+00 : f32
        %mul3A_1297 = vector.broadcast %mul3A_1296 : f32 to vector<16xf32>
        %mul3A_1298 = arith.mulf %get3A_1295, %mul3A_1297 : vector<16xf32>
        %swap3A_1299 = arith.constant 1 : i32
        %swap3A_1300 = arith.index_cast %swap3A_1299 : i32 to index
        %swap3A_1301 = arith.index_cast %multiple_of3A_1286 : i32 to index
        %swap3A_1302 = tpu.vector_load %arg7[%swap3A_1300, %swap3A_1301] {strides = array<i32>} : memref<2x20480xf32, #tpu.memory_space<vmem>>, vector<1x16xf32>,
        %swap3A_1303 = vector.shape_cast %swap3A_1302 : vector<1x16xf32> to vector<16xf32>
        %swap3A_1304 = vector.shape_cast %mul3A_1298 : vector<16xf32> to vector<1x16xf32>
        tpu.vector_store %arg7[%swap3A_1300, %swap3A_1301], %swap3A_1304 {strides = array<i32>} : memref<2x20480xf32, #tpu.memory_space<vmem>>, vector<1x16xf32>,
        %mul3A_1305 = arith.constant 2560 : i32
        %mul3A_1306 = arith.muli %select_n3A, %mul3A_1305 : i32
        %add3A_1307 = arith.constant 3 : i32
        %add3A_1308 = arith.addi %mul3A_942, %add3A_1307 : i32
        %mul3A_1309 = arith.constant 128 : i32
        %mul3A_1310 = arith.muli %add3A_1308, %mul3A_1309 : i32
        %add3A_1311 = arith.addi %mul3A_1306, %mul3A_1310 : i32
        %add3A_1312 = arith.constant 16 : i32
        %add3A_1313 = arith.addi %add3A_1311, %add3A_1312 : i32
        %multiple_of3A_1314 = tpu.assume_multiple %add3A_1313, 16 : i32
        %add3A_1315 = arith.constant 3 : i32
        %add3A_1316 = arith.addi %mul3A_942, %add3A_1315 : i32
        %get3A_1317 = arith.constant 3 : i32
        %get3A_1318 = arith.index_cast %get3A_1317 : i32 to index
        %get3A_1319 = arith.index_cast %select_n3A : i32 to index
        %get3A_1320 = arith.index_cast %add3A_1316 : i32 to index
        %get3A_1321 = arith.constant 16 : index
        %get3A_1322 = tpu.vector_load %arg6[%get3A_1318, %get3A_1319, %get3A_1320, %get3A_1321] {strides = array<i32>} : memref<4x8x20x64xf32, #tpu.memory_space<vmem>>, vector<1x1x1x16xf32>,
        %get3A_1323 = vector.shape_cast %get3A_1322 : vector<1x1x1x16xf32> to vector<16xf32>
        %mul3A_1324 = arith.constant 8.000000e+00 : f32
        %mul3A_1325 = vector.broadcast %mul3A_1324 : f32 to vector<16xf32>
        %mul3A_1326 = arith.mulf %get3A_1323, %mul3A_1325 : vector<16xf32>
        %swap3A_1327 = arith.constant 1 : i32
        %swap3A_1328 = arith.index_cast %swap3A_1327 : i32 to index
        %swap3A_1329 = arith.index_cast %multiple_of3A_1314 : i32 to index
        %swap3A_1330 = tpu.vector_load %arg7[%swap3A_1328, %swap3A_1329] {strides = array<i32>} : memref<2x20480xf32, #tpu.memory_space<vmem>>, vector<1x16xf32>,
        %swap3A_1331 = vector.shape_cast %swap3A_1330 : vector<1x16xf32> to vector<16xf32>
        %swap3A_1332 = vector.shape_cast %mul3A_1326 : vector<16xf32> to vector<1x16xf32>
        tpu.vector_store %arg7[%swap3A_1328, %swap3A_1329], %swap3A_1332 {strides = array<i32>} : memref<2x20480xf32, #tpu.memory_space<vmem>>, vector<1x16xf32>,
        %mul3A_1333 = arith.constant 2560 : i32
        %mul3A_1334 = arith.muli %select_n3A, %mul3A_1333 : i32
        %add3A_1335 = arith.constant 3 : i32
        %add3A_1336 = arith.addi %mul3A_942, %add3A_1335 : i32
        %mul3A_1337 = arith.constant 128 : i32
        %mul3A_1338 = arith.muli %add3A_1336, %mul3A_1337 : i32
        %add3A_1339 = arith.addi %mul3A_1334, %mul3A_1338 : i32
        %add3A_1340 = arith.constant 32 : i32
        %add3A_1341 = arith.addi %add3A_1339, %add3A_1340 : i32
        %multiple_of3A_1342 = tpu.assume_multiple %add3A_1341, 16 : i32
        %add3A_1343 = arith.constant 3 : i32
        %add3A_1344 = arith.addi %mul3A_942, %add3A_1343 : i32
        %get3A_1345 = arith.constant 3 : i32
        %get3A_1346 = arith.index_cast %get3A_1345 : i32 to index
        %get3A_1347 = arith.index_cast %select_n3A : i32 to index
        %get3A_1348 = arith.index_cast %add3A_1344 : i32 to index
        %get3A_1349 = arith.constant 32 : index
        %get3A_1350 = tpu.vector_load %arg6[%get3A_1346, %get3A_1347, %get3A_1348, %get3A_1349] {strides = array<i32>} : memref<4x8x20x64xf32, #tpu.memory_space<vmem>>, vector<1x1x1x16xf32>,
        %get3A_1351 = vector.shape_cast %get3A_1350 : vector<1x1x1x16xf32> to vector<16xf32>
        %mul3A_1352 = arith.constant 8.000000e+00 : f32
        %mul3A_1353 = vector.broadcast %mul3A_1352 : f32 to vector<16xf32>
        %mul3A_1354 = arith.mulf %get3A_1351, %mul3A_1353 : vector<16xf32>
        %swap3A_1355 = arith.constant 1 : i32
        %swap3A_1356 = arith.index_cast %swap3A_1355 : i32 to index
        %swap3A_1357 = arith.index_cast %multiple_of3A_1342 : i32 to index
        %swap3A_1358 = tpu.vector_load %arg7[%swap3A_1356, %swap3A_1357] {strides = array<i32>} : memref<2x20480xf32, #tpu.memory_space<vmem>>, vector<1x16xf32>,
        %swap3A_1359 = vector.shape_cast %swap3A_1358 : vector<1x16xf32> to vector<16xf32>
        %swap3A_1360 = vector.shape_cast %mul3A_1354 : vector<16xf32> to vector<1x16xf32>
        tpu.vector_store %arg7[%swap3A_1356, %swap3A_1357], %swap3A_1360 {strides = array<i32>} : memref<2x20480xf32, #tpu.memory_space<vmem>>, vector<1x16xf32>,
        %mul3A_1361 = arith.constant 2560 : i32
        %mul3A_1362 = arith.muli %select_n3A, %mul3A_1361 : i32
        %add3A_1363 = arith.constant 3 : i32
        %add3A_1364 = arith.addi %mul3A_942, %add3A_1363 : i32
        %mul3A_1365 = arith.constant 128 : i32
        %mul3A_1366 = arith.muli %add3A_1364, %mul3A_1365 : i32
        %add3A_1367 = arith.addi %mul3A_1362, %mul3A_1366 : i32
        %add3A_1368 = arith.constant 48 : i32
        %add3A_1369 = arith.addi %add3A_1367, %add3A_1368 : i32
        %multiple_of3A_1370 = tpu.assume_multiple %add3A_1369, 16 : i32
        %add3A_1371 = arith.constant 3 : i32
        %add3A_1372 = arith.addi %mul3A_942, %add3A_1371 : i32
        %get3A_1373 = arith.constant 3 : i32
        %get3A_1374 = arith.index_cast %get3A_1373 : i32 to index
        %get3A_1375 = arith.index_cast %select_n3A : i32 to index
        %get3A_1376 = arith.index_cast %add3A_1372 : i32 to index
        %get3A_1377 = arith.constant 48 : index
        %get3A_1378 = tpu.vector_load %arg6[%get3A_1374, %get3A_1375, %get3A_1376, %get3A_1377] {strides = array<i32>} : memref<4x8x20x64xf32, #tpu.memory_space<vmem>>, vector<1x1x1x16xf32>,
        %get3A_1379 = vector.shape_cast %get3A_1378 : vector<1x1x1x16xf32> to vector<16xf32>
        %mul3A_1380 = arith.constant 8.000000e+00 : f32
        %mul3A_1381 = vector.broadcast %mul3A_1380 : f32 to vector<16xf32>
        %mul3A_1382 = arith.mulf %get3A_1379, %mul3A_1381 : vector<16xf32>
        %swap3A_1383 = arith.constant 1 : i32
        %swap3A_1384 = arith.index_cast %swap3A_1383 : i32 to index
        %swap3A_1385 = arith.index_cast %multiple_of3A_1370 : i32 to index
        %swap3A_1386 = tpu.vector_load %arg7[%swap3A_1384, %swap3A_1385] {strides = array<i32>} : memref<2x20480xf32, #tpu.memory_space<vmem>>, vector<1x16xf32>,
        %swap3A_1387 = vector.shape_cast %swap3A_1386 : vector<1x16xf32> to vector<16xf32>
        %swap3A_1388 = vector.shape_cast %mul3A_1382 : vector<16xf32> to vector<1x16xf32>
        tpu.vector_store %arg7[%swap3A_1384, %swap3A_1385], %swap3A_1388 {strides = array<i32>} : memref<2x20480xf32, #tpu.memory_space<vmem>>, vector<1x16xf32>,
      }
      %scan3A_772 = arith.constant 40 : i32
      %mul3A_773 = arith.constant 8 : i32
      %mul3A_774 = arith.muli %add3A_743, %mul3A_773 : i32
      %add3A_775 = arith.addi %multiple_of3A, %mul3A_774 : i32
      %add3A_776 = arith.constant 0 : i32
      %add3A_777 = arith.addi %add3A_775, %add3A_776 : i32
      %mul3A_778 = arith.constant 3072 : i32
      %mul3A_779 = arith.muli %add3A_777, %mul3A_778 : i32
      %multiple_of3A_780 = tpu.assume_multiple %mul3A_779, 1024 : i32
      %dma_start3A_781 = arith.constant 1 : i32
      %dma_start3A_782 = arith.constant 0 : i32
      %dma_start3A_783 = tpu.memref_slice %arg7[%dma_start3A_781, %dma_start3A_782] : memref<2x20480xf32, #tpu.memory_space<vmem>> -> memref<1x2560xf32, #tpu.memory_space<vmem>>
      %dma_start3A_784 = tpu.memref_squeeze %dma_start3A_783 : memref<1x2560xf32, #tpu.memory_space<vmem>> -> memref<2560xf32, #tpu.memory_space<vmem>>
      %dma_start3A_785 = tpu.memref_slice %arg4[%multiple_of3A_780] : memref<50331648xf32, #tpu.memory_space<hbm>> -> memref<2560xf32, #tpu.memory_space<hbm>>
      %dma_start3A_786 = tpu.memref_slice %arg4[%multiple_of3A_780] : memref<50331648xf32, #tpu.memory_space<hbm>> -> memref<2560xf32, #tpu.memory_space<hbm>>
      %dma_start3A_787 = arith.constant 0 : i32
      %dma_start3A_788 = tpu.memref_slice %arg7[%dma_start3A_781, %dma_start3A_787] : memref<2x20480xf32, #tpu.memory_space<vmem>> -> memref<1x2560xf32, #tpu.memory_space<vmem>>
      %dma_start3A_789 = tpu.memref_squeeze %dma_start3A_788 : memref<1x2560xf32, #tpu.memory_space<vmem>> -> memref<2560xf32, #tpu.memory_space<vmem>>
      tpu.enqueue_dma source(%dma_start3A_789 : memref<2560xf32, #tpu.memory_space<vmem>>) target(%dma_start3A_786 : memref<2560xf32, #tpu.memory_space<hbm>>) target_semaphore(%arg13 : memref<!tpu.dma_semaphore, #tpu.memory_space<semaphore_mem>>)
      %mul3A_790 = arith.constant 8 : i32
      %mul3A_791 = arith.muli %add3A_743, %mul3A_790 : i32
      %add3A_792 = arith.addi %multiple_of3A, %mul3A_791 : i32
      %add3A_793 = arith.constant 1 : i32
      %add3A_794 = arith.addi %add3A_792, %add3A_793 : i32
      %mul3A_795 = arith.constant 3072 : i32
      %mul3A_796 = arith.muli %add3A_794, %mul3A_795 : i32
      %multiple_of3A_797 = tpu.assume_multiple %mul3A_796, 1024 : i32
      %dma_start3A_798 = arith.constant 1 : i32
      %dma_start3A_799 = arith.constant 2560 : i32
      %dma_start3A_800 = tpu.memref_slice %arg7[%dma_start3A_798, %dma_start3A_799] : memref<2x20480xf32, #tpu.memory_space<vmem>> -> memref<1x2560xf32, #tpu.memory_space<vmem>>
      %dma_start3A_801 = tpu.memref_squeeze %dma_start3A_800 : memref<1x2560xf32, #tpu.memory_space<vmem>> -> memref<2560xf32, #tpu.memory_space<vmem>>
      %dma_start3A_802 = tpu.memref_slice %arg4[%multiple_of3A_797] : memref<50331648xf32, #tpu.memory_space<hbm>> -> memref<2560xf32, #tpu.memory_space<hbm>>
      %dma_start3A_803 = tpu.memref_slice %arg4[%multiple_of3A_797] : memref<50331648xf32, #tpu.memory_space<hbm>> -> memref<2560xf32, #tpu.memory_space<hbm>>
      %dma_start3A_804 = arith.constant 2560 : i32
      %dma_start3A_805 = tpu.memref_slice %arg7[%dma_start3A_798, %dma_start3A_804] : memref<2x20480xf32, #tpu.memory_space<vmem>> -> memref<1x2560xf32, #tpu.memory_space<vmem>>
      %dma_start3A_806 = tpu.memref_squeeze %dma_start3A_805 : memref<1x2560xf32, #tpu.memory_space<vmem>> -> memref<2560xf32, #tpu.memory_space<vmem>>
      tpu.enqueue_dma source(%dma_start3A_806 : memref<2560xf32, #tpu.memory_space<vmem>>) target(%dma_start3A_803 : memref<2560xf32, #tpu.memory_space<hbm>>) target_semaphore(%arg13 : memref<!tpu.dma_semaphore, #tpu.memory_space<semaphore_mem>>)
      %mul3A_807 = arith.constant 8 : i32
      %mul3A_808 = arith.muli %add3A_743, %mul3A_807 : i32
      %add3A_809 = arith.addi %multiple_of3A, %mul3A_808 : i32
      %add3A_810 = arith.constant 2 : i32
      %add3A_811 = arith.addi %add3A_809, %add3A_810 : i32
      %mul3A_812 = arith.constant 3072 : i32
      %mul3A_813 = arith.muli %add3A_811, %mul3A_812 : i32
      %multiple_of3A_814 = tpu.assume_multiple %mul3A_813, 1024 : i32
      %dma_start3A_815 = arith.constant 1 : i32
      %dma_start3A_816 = arith.constant 5120 : i32
      %dma_start3A_817 = tpu.memref_slice %arg7[%dma_start3A_815, %dma_start3A_816] : memref<2x20480xf32, #tpu.memory_space<vmem>> -> memref<1x2560xf32, #tpu.memory_space<vmem>>
      %dma_start3A_818 = tpu.memref_squeeze %dma_start3A_817 : memref<1x2560xf32, #tpu.memory_space<vmem>> -> memref<2560xf32, #tpu.memory_space<vmem>>
      %dma_start3A_819 = tpu.memref_slice %arg4[%multiple_of3A_814] : memref<50331648xf32, #tpu.memory_space<hbm>> -> memref<2560xf32, #tpu.memory_space<hbm>>
      %dma_start3A_820 = tpu.memref_slice %arg4[%multiple_of3A_814] : memref<50331648xf32, #tpu.memory_space<hbm>> -> memref<2560xf32, #tpu.memory_space<hbm>>
      %dma_start3A_821 = arith.constant 5120 : i32
      %dma_start3A_822 = tpu.memref_slice %arg7[%dma_start3A_815, %dma_start3A_821] : memref<2x20480xf32, #tpu.memory_space<vmem>> -> memref<1x2560xf32, #tpu.memory_space<vmem>>
      %dma_start3A_823 = tpu.memref_squeeze %dma_start3A_822 : memref<1x2560xf32, #tpu.memory_space<vmem>> -> memref<2560xf32, #tpu.memory_space<vmem>>
      tpu.enqueue_dma source(%dma_start3A_823 : memref<2560xf32, #tpu.memory_space<vmem>>) target(%dma_start3A_820 : memref<2560xf32, #tpu.memory_space<hbm>>) target_semaphore(%arg13 : memref<!tpu.dma_semaphore, #tpu.memory_space<semaphore_mem>>)
      %mul3A_824 = arith.constant 8 : i32
      %mul3A_825 = arith.muli %add3A_743, %mul3A_824 : i32
      %add3A_826 = arith.addi %multiple_of3A, %mul3A_825 : i32
      %add3A_827 = arith.constant 3 : i32
      %add3A_828 = arith.addi %add3A_826, %add3A_827 : i32
      %mul3A_829 = arith.constant 3072 : i32
      %mul3A_830 = arith.muli %add3A_828, %mul3A_829 : i32
      %multiple_of3A_831 = tpu.assume_multiple %mul3A_830, 1024 : i32
      %dma_start3A_832 = arith.constant 1 : i32
      %dma_start3A_833 = arith.constant 7680 : i32
      %dma_start3A_834 = tpu.memref_slice %arg7[%dma_start3A_832, %dma_start3A_833] : memref<2x20480xf32, #tpu.memory_space<vmem>> -> memref<1x2560xf32, #tpu.memory_space<vmem>>
      %dma_start3A_835 = tpu.memref_squeeze %dma_start3A_834 : memref<1x2560xf32, #tpu.memory_space<vmem>> -> memref<2560xf32, #tpu.memory_space<vmem>>
      %dma_start3A_836 = tpu.memref_slice %arg4[%multiple_of3A_831] : memref<50331648xf32, #tpu.memory_space<hbm>> -> memref<2560xf32, #tpu.memory_space<hbm>>
      %dma_start3A_837 = tpu.memref_slice %arg4[%multiple_of3A_831] : memref<50331648xf32, #tpu.memory_space<hbm>> -> memref<2560xf32, #tpu.memory_space<hbm>>
      %dma_start3A_838 = arith.constant 7680 : i32
      %dma_start3A_839 = tpu.memref_slice %arg7[%dma_start3A_832, %dma_start3A_838] : memref<2x20480xf32, #tpu.memory_space<vmem>> -> memref<1x2560xf32, #tpu.memory_space<vmem>>
      %dma_start3A_840 = tpu.memref_squeeze %dma_start3A_839 : memref<1x2560xf32, #tpu.memory_space<vmem>> -> memref<2560xf32, #tpu.memory_space<vmem>>
      tpu.enqueue_dma source(%dma_start3A_840 : memref<2560xf32, #tpu.memory_space<vmem>>) target(%dma_start3A_837 : memref<2560xf32, #tpu.memory_space<hbm>>) target_semaphore(%arg13 : memref<!tpu.dma_semaphore, #tpu.memory_space<semaphore_mem>>)
      %mul3A_841 = arith.constant 8 : i32
      %mul3A_842 = arith.muli %add3A_743, %mul3A_841 : i32
      %add3A_843 = arith.addi %multiple_of3A, %mul3A_842 : i32
      %add3A_844 = arith.constant 4 : i32
      %add3A_845 = arith.addi %add3A_843, %add3A_844 : i32
      %mul3A_846 = arith.constant 3072 : i32
      %mul3A_847 = arith.muli %add3A_845, %mul3A_846 : i32
      %multiple_of3A_848 = tpu.assume_multiple %mul3A_847, 1024 : i32
      %dma_start3A_849 = arith.constant 1 : i32
      %dma_start3A_850 = arith.constant 10240 : i32
      %dma_start3A_851 = tpu.memref_slice %arg7[%dma_start3A_849, %dma_start3A_850] : memref<2x20480xf32, #tpu.memory_space<vmem>> -> memref<1x2560xf32, #tpu.memory_space<vmem>>
      %dma_start3A_852 = tpu.memref_squeeze %dma_start3A_851 : memref<1x2560xf32, #tpu.memory_space<vmem>> -> memref<2560xf32, #tpu.memory_space<vmem>>
      %dma_start3A_853 = tpu.memref_slice %arg4[%multiple_of3A_848] : memref<50331648xf32, #tpu.memory_space<hbm>> -> memref<2560xf32, #tpu.memory_space<hbm>>
      %dma_start3A_854 = tpu.memref_slice %arg4[%multiple_of3A_848] : memref<50331648xf32, #tpu.memory_space<hbm>> -> memref<2560xf32, #tpu.memory_space<hbm>>
      %dma_start3A_855 = arith.constant 10240 : i32
      %dma_start3A_856 = tpu.memref_slice %arg7[%dma_start3A_849, %dma_start3A_855] : memref<2x20480xf32, #tpu.memory_space<vmem>> -> memref<1x2560xf32, #tpu.memory_space<vmem>>
      %dma_start3A_857 = tpu.memref_squeeze %dma_start3A_856 : memref<1x2560xf32, #tpu.memory_space<vmem>> -> memref<2560xf32, #tpu.memory_space<vmem>>
      tpu.enqueue_dma source(%dma_start3A_857 : memref<2560xf32, #tpu.memory_space<vmem>>) target(%dma_start3A_854 : memref<2560xf32, #tpu.memory_space<hbm>>) target_semaphore(%arg13 : memref<!tpu.dma_semaphore, #tpu.memory_space<semaphore_mem>>)
      %mul3A_858 = arith.constant 8 : i32
      %mul3A_859 = arith.muli %add3A_743, %mul3A_858 : i32
      %add3A_860 = arith.addi %multiple_of3A, %mul3A_859 : i32
      %add3A_861 = arith.constant 5 : i32
      %add3A_862 = arith.addi %add3A_860, %add3A_861 : i32
      %mul3A_863 = arith.constant 3072 : i32
      %mul3A_864 = arith.muli %add3A_862, %mul3A_863 : i32
      %multiple_of3A_865 = tpu.assume_multiple %mul3A_864, 1024 : i32
      %dma_start3A_866 = arith.constant 1 : i32
      %dma_start3A_867 = arith.constant 12800 : i32
      %dma_start3A_868 = tpu.memref_slice %arg7[%dma_start3A_866, %dma_start3A_867] : memref<2x20480xf32, #tpu.memory_space<vmem>> -> memref<1x2560xf32, #tpu.memory_space<vmem>>
      %dma_start3A_869 = tpu.memref_squeeze %dma_start3A_868 : memref<1x2560xf32, #tpu.memory_space<vmem>> -> memref<2560xf32, #tpu.memory_space<vmem>>
      %dma_start3A_870 = tpu.memref_slice %arg4[%multiple_of3A_865] : memref<50331648xf32, #tpu.memory_space<hbm>> -> memref<2560xf32, #tpu.memory_space<hbm>>
      %dma_start3A_871 = tpu.memref_slice %arg4[%multiple_of3A_865] : memref<50331648xf32, #tpu.memory_space<hbm>> -> memref<2560xf32, #tpu.memory_space<hbm>>
      %dma_start3A_872 = arith.constant 12800 : i32
      %dma_start3A_873 = tpu.memref_slice %arg7[%dma_start3A_866, %dma_start3A_872] : memref<2x20480xf32, #tpu.memory_space<vmem>> -> memref<1x2560xf32, #tpu.memory_space<vmem>>
      %dma_start3A_874 = tpu.memref_squeeze %dma_start3A_873 : memref<1x2560xf32, #tpu.memory_space<vmem>> -> memref<2560xf32, #tpu.memory_space<vmem>>
      tpu.enqueue_dma source(%dma_start3A_874 : memref<2560xf32, #tpu.memory_space<vmem>>) target(%dma_start3A_871 : memref<2560xf32, #tpu.memory_space<hbm>>) target_semaphore(%arg13 : memref<!tpu.dma_semaphore, #tpu.memory_space<semaphore_mem>>)
      %mul3A_875 = arith.constant 8 : i32
      %mul3A_876 = arith.muli %add3A_743, %mul3A_875 : i32
      %add3A_877 = arith.addi %multiple_of3A, %mul3A_876 : i32
      %add3A_878 = arith.constant 6 : i32
      %add3A_879 = arith.addi %add3A_877, %add3A_878 : i32
      %mul3A_880 = arith.constant 3072 : i32
      %mul3A_881 = arith.muli %add3A_879, %mul3A_880 : i32
      %multiple_of3A_882 = tpu.assume_multiple %mul3A_881, 1024 : i32
      %dma_start3A_883 = arith.constant 1 : i32
      %dma_start3A_884 = arith.constant 15360 : i32
      %dma_start3A_885 = tpu.memref_slice %arg7[%dma_start3A_883, %dma_start3A_884] : memref<2x20480xf32, #tpu.memory_space<vmem>> -> memref<1x2560xf32, #tpu.memory_space<vmem>>
      %dma_start3A_886 = tpu.memref_squeeze %dma_start3A_885 : memref<1x2560xf32, #tpu.memory_space<vmem>> -> memref<2560xf32, #tpu.memory_space<vmem>>
      %dma_start3A_887 = tpu.memref_slice %arg4[%multiple_of3A_882] : memref<50331648xf32, #tpu.memory_space<hbm>> -> memref<2560xf32, #tpu.memory_space<hbm>>
      %dma_start3A_888 = tpu.memref_slice %arg4[%multiple_of3A_882] : memref<50331648xf32, #tpu.memory_space<hbm>> -> memref<2560xf32, #tpu.memory_space<hbm>>
      %dma_start3A_889 = arith.constant 15360 : i32
      %dma_start3A_890 = tpu.memref_slice %arg7[%dma_start3A_883, %dma_start3A_889] : memref<2x20480xf32, #tpu.memory_space<vmem>> -> memref<1x2560xf32, #tpu.memory_space<vmem>>
      %dma_start3A_891 = tpu.memref_squeeze %dma_start3A_890 : memref<1x2560xf32, #tpu.memory_space<vmem>> -> memref<2560xf32, #tpu.memory_space<vmem>>
      tpu.enqueue_dma source(%dma_start3A_891 : memref<2560xf32, #tpu.memory_space<vmem>>) target(%dma_start3A_888 : memref<2560xf32, #tpu.memory_space<hbm>>) target_semaphore(%arg13 : memref<!tpu.dma_semaphore, #tpu.memory_space<semaphore_mem>>)
      %mul3A_892 = arith.constant 8 : i32
      %mul3A_893 = arith.muli %add3A_743, %mul3A_892 : i32
      %add3A_894 = arith.addi %multiple_of3A, %mul3A_893 : i32
      %add3A_895 = arith.constant 7 : i32
      %add3A_896 = arith.addi %add3A_894, %add3A_895 : i32
      %mul3A_897 = arith.constant 3072 : i32
      %mul3A_898 = arith.muli %add3A_896, %mul3A_897 : i32
      %multiple_of3A_899 = tpu.assume_multiple %mul3A_898, 1024 : i32
      %dma_start3A_900 = arith.constant 1 : i32
      %dma_start3A_901 = arith.constant 17920 : i32
      %dma_start3A_902 = tpu.memref_slice %arg7[%dma_start3A_900, %dma_start3A_901] : memref<2x20480xf32, #tpu.memory_space<vmem>> -> memref<1x2560xf32, #tpu.memory_space<vmem>>
      %dma_start3A_903 = tpu.memref_squeeze %dma_start3A_902 : memref<1x2560xf32, #tpu.memory_space<vmem>> -> memref<2560xf32, #tpu.memory_space<vmem>>
      %dma_start3A_904 = tpu.memref_slice %arg4[%multiple_of3A_899] : memref<50331648xf32, #tpu.memory_space<hbm>> -> memref<2560xf32, #tpu.memory_space<hbm>>
      %dma_start3A_905 = tpu.memref_slice %arg4[%multiple_of3A_899] : memref<50331648xf32, #tpu.memory_space<hbm>> -> memref<2560xf32, #tpu.memory_space<hbm>>
      %dma_start3A_906 = arith.constant 17920 : i32
      %dma_start3A_907 = tpu.memref_slice %arg7[%dma_start3A_900, %dma_start3A_906] : memref<2x20480xf32, #tpu.memory_space<vmem>> -> memref<1x2560xf32, #tpu.memory_space<vmem>>
      %dma_start3A_908 = tpu.memref_squeeze %dma_start3A_907 : memref<1x2560xf32, #tpu.memory_space<vmem>> -> memref<2560xf32, #tpu.memory_space<vmem>>
      tpu.enqueue_dma source(%dma_start3A_908 : memref<2560xf32, #tpu.memory_space<vmem>>) target(%dma_start3A_905 : memref<2560xf32, #tpu.memory_space<hbm>>) target_semaphore(%arg13 : memref<!tpu.dma_semaphore, #tpu.memory_space<semaphore_mem>>)
    }
    %scan3A_214 = arith.constant 16 : i32
    %dma_wait3A = arith.constant 0 : i32
    %dma_wait3A_215 = arith.constant 0 : i32
    %dma_wait3A_216 = tpu.memref_slice %arg7[%dma_wait3A, %dma_wait3A_215] : memref<2x20480xf32, #tpu.memory_space<vmem>> -> memref<1x20480xf32, #tpu.memory_space<vmem>>
    %dma_wait3A_217 = tpu.memref_squeeze %dma_wait3A_216 : memref<1x20480xf32, #tpu.memory_space<vmem>> -> memref<20480xf32, #tpu.memory_space<vmem>>
    %dma_wait3A_218 = arith.constant 0 : i32
    %dma_wait3A_219 = tpu.memref_slice %arg4[%dma_wait3A_218] : memref<50331648xf32, #tpu.memory_space<hbm>> -> memref<20480xf32, #tpu.memory_space<hbm>>
    %dma_wait3A_220 = arith.constant 0 : i32
    %dma_wait3A_221 = tpu.memref_slice %arg7[%dma_wait3A, %dma_wait3A_220] : memref<2x20480xf32, #tpu.memory_space<vmem>> -> memref<1x20480xf32, #tpu.memory_space<vmem>>
    %dma_wait3A_222 = tpu.memref_squeeze %dma_wait3A_221 : memref<1x20480xf32, #tpu.memory_space<vmem>> -> memref<20480xf32, #tpu.memory_space<vmem>>
    %dma_wait3A_223 = arith.constant 0 : i32
    %dma_wait3A_224 = tpu.memref_slice %arg4[%dma_wait3A_223] : memref<50331648xf32, #tpu.memory_space<hbm>> -> memref<20480xf32, #tpu.memory_space<hbm>>
    tpu.wait_dma2 semaphore(%arg12 : memref<!tpu.dma_semaphore, #tpu.memory_space<semaphore_mem>>) src(%dma_wait3A_224 : memref<20480xf32, #tpu.memory_space<hbm>>) dst(%dma_wait3A_222 : memref<20480xf32, #tpu.memory_space<vmem>>)
    %dma_wait3A_225 = arith.constant 1 : i32
    %dma_wait3A_226 = arith.constant 0 : i32
    %dma_wait3A_227 = tpu.memref_slice %arg7[%dma_wait3A_225, %dma_wait3A_226] : memref<2x20480xf32, #tpu.memory_space<vmem>> -> memref<1x20480xf32, #tpu.memory_space<vmem>>
    %dma_wait3A_228 = tpu.memref_squeeze %dma_wait3A_227 : memref<1x20480xf32, #tpu.memory_space<vmem>> -> memref<20480xf32, #tpu.memory_space<vmem>>
    %dma_wait3A_229 = arith.constant 0 : i32
    %dma_wait3A_230 = tpu.memref_slice %arg4[%dma_wait3A_229] : memref<50331648xf32, #tpu.memory_space<hbm>> -> memref<20480xf32, #tpu.memory_space<hbm>>
    %dma_wait3A_231 = arith.constant 0 : i32
    %dma_wait3A_232 = tpu.memref_slice %arg7[%dma_wait3A_225, %dma_wait3A_231] : memref<2x20480xf32, #tpu.memory_space<vmem>> -> memref<1x20480xf32, #tpu.memory_space<vmem>>
    %dma_wait3A_233 = tpu.memref_squeeze %dma_wait3A_232 : memref<1x20480xf32, #tpu.memory_space<vmem>> -> memref<20480xf32, #tpu.memory_space<vmem>>
    %dma_wait3A_234 = arith.constant 0 : i32
    %dma_wait3A_235 = tpu.memref_slice %arg4[%dma_wait3A_234] : memref<50331648xf32, #tpu.memory_space<hbm>> -> memref<20480xf32, #tpu.memory_space<hbm>>
    tpu.wait_dma2 semaphore(%arg13 : memref<!tpu.dma_semaphore, #tpu.memory_space<semaphore_mem>>) src(%dma_wait3A_235 : memref<20480xf32, #tpu.memory_space<hbm>>) dst(%dma_wait3A_233 : memref<20480xf32, #tpu.memory_space<vmem>>)
    return
  }
}

</mosaic_0001>

<sc_bundles>
// kernel: kernel.3.cloned.1.call-start
scs
__scs_entry_jumppad:
0x0: {  	(pc) =	sbr.rel $0x88, $3  }
0x1: {  	(tag) =	ssettag $0x0;
	lr =	simm.s32 $0x1  }
0x2: {  	[smem:$0x3F9F] =	sst lr;
	_ =	strace $0xD0000000  }
0x3: {  	_ = 	snop  }
0x4: {  	_ = 	snop  }
0x5: {  	_ = 	snop  }
0x6: {  	_ = 	snop  }
0x7: {  	_ = 	snop  }
__scs_overlays_trampoline_lowered:
0x8: {  	[smem:$0x3FAE] =	sst s0  }
0x9: {  	[smem:$0x3FAF] =	sst s1  }
0xa: {  	[smem:$0x3FB0] =	sst s2  }
0xb: {  	[smem:$0x3FB1] =	sst s3  }
0xc: {  	[smem:$0x3FB2] =	sst s4  }
0xd: {  	[smem:$0x3FB3] =	sst s5  }
0xe: {  	[smem:$0x3FB4] =	sst s6  }
0xf: {  	[smem:$0x3FB5] =	sst s7  }
0x10: {  	[smem:$0x3FB6] =	sst s8  }
0x11: {  	[smem:$0x3FB7] =	sst s9;
	s0 =	simm.s32 @!p0 $0x0  }
0x12: {  	s1 =	sld [smem:$0x3F9D];
	s0 =	simm.s32 @p0 $0x1  }
0x13: {  	[smem:$0x3FB8] =	sst s0;
	s0 =	simm.s32 @!p1 $0x0  }
0x14: {  	s2 =	sld [smem:$0x3F9C];
	s0 =	simm.s32 @p1 $0x1  }
0x15: {  	[smem:$0x3FB9] =	sst s0;
	s0 =	simm.s32 @!p2 $0x0  }
0x16: {  	s3 =	sld [smem:$0x3FDB];
	s0 =	simm.s32 @p2 $0x1  }
0x17: {  	s4 =	simm.s32 $0x1BF5;
	[smem:$0x3FBB] =	sst s0  }
0x18: {  	s0 =	sld [smem:$0x3F9E];
	_ =	swait.ge [sflag:s4], $0x0  }
0x19: {  	s7 =	sld [smem:$0x3F9F]  }
0x1a: {  	s8 =	sadd.s32 $0xFFFFE003, lr  }
0x1b: {  	s9 =	sadd.s32 $0xFFFFFEF7, lr;
	s5 =	simm.s32 $0xFFFFFFFF;
	p2 =	slt.u32 s8, $0xFFFFF086  }
0x1c: {  	p1 =	slt.u32 s9, $0xF7A;
	s5 =	simm.s32 @!p2 $0x0  }
0x1d: {  	s5 =	simm.s32 @p1 $0x1;
	p0 =	seq.s32 s7, s2  }
0x1e: {  	s7 =	smul.u32 @!p0 $0xF7A, s2;
	p2 =	seq.s32 @!p0 s5, $0x0  }
0x1f: {  	s9 =	smul.u32 $0xF7A, s1;
	s8 =	simm.s32 @!p0 $0x1BF5;
	p2 =	por !p2, p0  }
0x20: {  	[sflag:s8] =	ssyncset.s32 @!p0 $0xFFFFF086;
	s6 =	sadd.s32 @!p0 s3, s7;
	s7 =	simm.s32 @!p0 $0x108  }
0x21: {  	s3 =	sadd.s32 s3, s9;
	s6 =	sadd.s32 @!p0 $0x88, s6;
	s7 =	simm.s32 @p2 $0x1082  }
0x22: {  	[simem:s7], [sflag:s8] =	dma.local @!p0 [hbm:s6], $0xF7A  }
0x23: {  	s9 =	sor.u32 $0xD0000000, s2;
	s6 =	simm.s32 $0x108;
	_ =	swait.ge @!p0 [sflag:s8], $0x0  }
0x24: {  	s3 =	sadd.s32 $0x88, s3;
	s6 =	simm.s32 @!p1 $0x1082;
	[sflag:s4] =	ssyncset.s32 $0xFFFFF086  }
0x25: {  	[simem:s6], [sflag:s4] =	dma.local [hbm:s3], $0xF7A  }
0x26: {  	[smem:$0x3F9F] =	sst s1;
	(tag) =	ssettag s2;
	_ =	strace s9  }
0x27: {  	s1 =	sld [smem:$0x3FAF]  }
0x28: {  	s2 =	sld [smem:$0x3FB0]  }
0x29: {  	s4 =	sld [smem:$0x3FB2]  }
0x2a: {  	p0 =	seq.s32 s5, $0x0;
	s5 =	sld [smem:$0x3FB3]  }
0x2b: {  	s6 =	sld [smem:$0x3FB4]  }
0x2c: {  	s7 =	sld [smem:$0x3FB5]  }
0x2d: {  	s3 =	simm.s32 $0x108;
	s8 =	sld [smem:$0x3FB6]  }
0x2e: {  	s3 =	simm.s32 @!p0 $0x1082;
	s9 =	sld [smem:$0x3FB7]  }
0x2f: {  	lr =	sadd.s32 s0, s3;
	s0 =	sld [smem:$0x3FAE]  }
0x30: {  	s3 =	sld [smem:$0x3FB1]  }
0x31: {  	[smem:$0x3FBA] =	sst s10  }
0x32: {  	s10 =	sld [smem:$0x3FB8];
	_ =	sdelay $0x3  }
0x33: {  	p0 =	seq.s32 s10, $0x1;
	s10 =	sld [smem:$0x3FBA];
	_ =	sdelay $0x3  }
0x34: {  	[smem:$0x3FBA] =	sst s10  }
0x35: {  	s10 =	sld [smem:$0x3FB9];
	_ =	sdelay $0x3  }
0x36: {  	p1 =	seq.s32 s10, $0x1;
	s10 =	sld [smem:$0x3FBA];
	_ =	sdelay $0x3  }
0x37: {  	[smem:$0x3FBA] =	sst s10  }
0x38: {  	s10 =	sld [smem:$0x3FBB]  }
0x39: {  	_ = 	snop;
	(pc) =	sbr.ind lr, $3  }
0x3a: {  	_ = 	snop  }
0x3b: {  	_ = 	snop  }
0x3c: {  	p2 =	seq.s32 s10, $0x1;
	s10 =	sld [smem:$0x3FBA]  }
0x3d: {  	_ =	shalt  }
0x3e: {  	_ =	shalt  }
0x3f: {  	_ =	shalt  }
0x40: {  	_ =	shalt  }
0x41: {  	_ =	shalt  }
0x42: {  	_ =	shalt  }
0x43: {  	_ =	shalt  }
0x44: {  	_ =	shalt  }
0x45: {  	_ =	shalt  }
0x46: {  	_ =	shalt  }
0x47: {  	_ =	shalt  }
0x48: {  	_ =	shalt  }
0x49: {  	_ =	shalt  }
0x4a: {  	_ =	shalt  }
0x4b: {  	_ =	shalt  }
0x4c: {  	_ =	shalt  }
0x4d: {  	_ =	shalt  }
0x4e: {  	_ =	shalt  }
0x4f: {  	_ =	shalt  }
0x50: {  	_ =	shalt  }
0x51: {  	_ =	shalt  }
0x52: {  	_ =	shalt  }
0x53: {  	_ =	shalt  }
0x54: {  	_ =	shalt  }
0x55: {  	_ =	shalt  }
0x56: {  	_ =	shalt  }
0x57: {  	_ =	shalt  }
0x58: {  	_ =	shalt  }
0x59: {  	_ =	shalt  }
0x5a: {  	_ =	shalt  }
0x5b: {  	_ =	shalt  }
0x5c: {  	_ =	shalt  }
0x5d: {  	_ =	shalt  }
0x5e: {  	_ =	shalt  }
0x5f: {  	_ =	shalt  }
0x60: {  	_ =	shalt  }
0x61: {  	_ =	shalt  }
0x62: {  	_ =	shalt  }
0x63: {  	_ =	shalt  }
0x64: {  	_ =	shalt  }
0x65: {  	_ =	shalt  }
0x66: {  	_ =	shalt  }
0x67: {  	_ =	shalt  }
0x68: {  	_ =	shalt  }
0x69: {  	_ =	shalt  }
0x6a: {  	_ =	shalt  }
0x6b: {  	_ =	shalt  }
0x6c: {  	_ =	shalt  }
0x6d: {  	_ =	shalt  }
0x6e: {  	_ =	shalt  }
0x6f: {  	_ =	shalt  }
0x70: {  	_ =	shalt  }
0x71: {  	_ =	shalt  }
0x72: {  	_ =	shalt  }
0x73: {  	_ =	shalt  }
0x74: {  	_ =	shalt  }
0x75: {  	_ =	shalt  }
0x76: {  	_ =	shalt  }
0x77: {  	_ =	shalt  }
0x78: {  	_ =	shalt  }
0x79: {  	_ =	shalt  }
0x7a: {  	_ =	shalt  }
0x7b: {  	_ =	shalt  }
0x7c: {  	_ =	shalt  }
0x7d: {  	_ =	shalt  }
0x7e: {  	_ =	shalt  }
0x7f: {  	_ =	shalt  }
0x80: {  	_ =	shalt  }
0x81: {  	_ =	shalt  }
0x82: {  	_ =	shalt  }
0x83: {  	_ =	shalt  }
0x84: {  	_ =	shalt  }
0x85: {  	_ =	shalt  }
0x86: {  	_ =	shalt  }
0x87: {  	_ =	shalt  }
.Lfunc_end0:
.L_simem_size_0:
called_computation.1_lowered:
.L_overlay_start_0:
0x88: {  	s2 =	sld [smem:$0x3FD9]  }
0x89: {  	s3 =	sld [smem:$0x3FFE];
	_ =	sdelay $0x1  }
0x8a: {  	s1 =	srdreg.scid  }
0x8b: {  	s0 =	sand.u32 $0x1, s1  }
0x8c: {  	s17 =	sshll.u32 s0, $0xA;
	s2 =	sadd.s32 s3, s2  }
0x8d: {  	s2 =	sadd.s32 s2, s17  }
0x8e: {  	[smem:$0x3FC6] =	sst s2  }
0x8f: {  	_ = 	snop  }
0x90: {  	s2 =	sld [smem:$0x3FD0];
	(tm) =	ssettm $0x1  }
0x91: {  	s18 =	sld [smem:$0x3FFB];
	_ =	sdelay $0x3  }
0x92: {  	_ =	strace s18  }
0x93: {  	s3 =	sld [smem:$0x3FFC];
	_ =	sdelay $0x3  }
0x94: {  	_ =	strace s3  }
0x95: {  	s3 =	sld [smem:$0x3FFD];
	_ =	sdelay $0x3  }
0x96: {  	_ =	strace s3  }
0x97: {  	_ =	strace $0x8FFFFFFF  }
0x98: {  	s19 =	sld [smem:$0x3FDB];
	_ =	sdelay $0x1  }
0x99: {  	s4 =	simm.s32 $_scs_section_size  }
0x9a: {  	s5 =	simm.s32 $_size__tile_overlayer_lowered;
	s6 =	simm.s32 $_tile_overlayer_lowered  }
0x9b: {  	s22 =	simm.s32 $0x1BFF;
	s21 =	sshll.u32 s6, $0x1;
	s3 =	sadd.s32 s4, s19  }
0x9c: {  	s7 =	simm.s32 $0x0;
	s20 =	sshll.u32 s5, $0x1;
	s5 =	sadd.s32 s21, s3  }
0x9d: {  	[timem:s7], [sflag:s22] =	dma.local [hbm:s5], s20  }
0x9e: {  	_ =	swait.ge [sflag:s22], s20  }
0x9f: {  	s4 =	ssub.s32 $0x0, s20;
	[sflag:s22] =	ssyncset.done $0x0  }
0xa0: {  	[sflag:s22] =	ssyncadd.s32 s4;
	_ =	sdelay $0x1  }
0xa1: {  	s23 =	simm.s32 $0x1B8B  }
0xa2: {  	_ =	swait.ge [sflag:s23], $0x1  }
0xa3: {  	[sflag:s23] =	ssyncset.done $0x0  }
0xa4: {  	s25 =	simm.s32 $0x1B8E;
	s24 =	sld [smem:$0x3FFE];
	[sflag:s23] =	ssyncadd.s32 $0xFFFFFFFF  }
0xa5: {  	s26 =	simm.s32 $execute0_lowered;
	[smem:$0x3FD2] =	sst s25  }
0xa6: {  	s5 =	sshll.u32 s26, $0x1;
	_ =	strace $0x80000046;
	[dreg:$0x1] =	wrdreg $0xFFFFFFFF  }
0xa7: {  	s28 =	simm.s32 $_size_execute0_lowered;
	s3 =	sadd.s32 s3, s5;
	[dreg:$0x0] =	wrdreg $0x0  }
0xa8: {  	s5 =	sshll.u32 s28, $0x1;
	[dreg:$0x2] =	wrdreg s3  }
0xa9: {  	[dreg:$0x3] =	wrdreg s5  }
0xaa: {  	[dreg:$0x4] =	wrdreg $0xC0  }
0xab: {  	_ =	task [dreg:s7], $0x5FFFF  }
0xac: {  	[dreg:$0x1] =	wrdreg $0xFFFFFFFF  }
0xad: {  	[dreg:$0x0] =	wrdreg $0x60  }
0xae: {  	[dreg:$0x2] =	wrdreg s2  }
0xaf: {  	[dreg:$0x3] =	wrdreg s24  }
0xb0: {  	[dreg:$0x4] =	wrdreg $0x9  }
0xb1: {  	_ =	task.clear_ibuf [dreg:s7], $0x5FFFF;
	_ =	strace $0x90000046  }
0xb2: {  	s29 =	simm.s32 $0x9;
	_ =	strace $0x80000048  }
0xb3: {  	_ =	swait.ge [sflag:s29], $0x1  }
0xb4: {  	[sflag:s29] =	ssyncadd.s32 $0xFFFFFFFF  }
0xb5: {  	_ =	strace $0x90000048  }
0xb6: {  	_ =	sfence  }
0xb7: {  	s30 =	sld [smem:$0x0];
	_ =	sdelay $0x2  }
0xb8: {  	s31 =	sshll.u32 s1, $0xD;
	s1 =	sshrl.u32 s1, $0x2  }
0xb9: {  	s3 =	sand.u32 $0x4000, s31;
	s1 =	sadd.s32 s1, s30  }
0xba: {  	s0 =	sor.u32 s3, s0;
	s1 =	sshll.u32 s1, $0x11  }
0xbb: {  	s0 =	sor.u32 s1, s0  }
0xbc: {  	s0 =	sadd.s32 $0x8F2B, s0  }
0xbd: {  	[sflag:s0] =	ssyncadd.remote.s32 $0x1  }
0xbe: {  	_ =	sfence.sel $0xFFFF  }
0xbf: {  	[dreg:$0x0] =	wrdreg $0xFFFFFFFF;
	(pc) =	sbr.abs _section_cstart, $3  }
0xc0: {  	[dreg:$0x1] =	wrdreg $0xFFFFFFFF  }
0xc1: {  	_ =	task.clear_ibuf [dreg:s7], $0x2FFFF;
	_ =	strace $0x9FFFFFFF  }
0xc2: {  	(tm) =	ssettm $0x7FFFFFFF  }
0xc3: {  	_ =	shalt  }
tec
execute0_lowered:
.L_overlay_start_1:
0x0: {  	(tag) =	ssettag $0x1  }
0x1: {  	s0 =	rddreg [dreg:$0x0]  }
0x2: {  	s1 =	rddreg [dreg:$0x1];
	s2 =	srdreg.scid  }
0x3: {  	s4 =	stileid.u32;
	s16 =	simm.s32 $0x14;
	s24 =	simm.s32 $0xD000  }
0x4: {  	s22 =	simm.s32 $0x2;
	s21 =	simm.s32 $0x3;
	s25 =	simm.s32 $0x5  }
0x5: {  	s26 =	simm.s32 $0x4;
	s28 =	simm.s32 $0x6;
	s3 =	sand.u32 $0x1, s2  }
0x6: {  	s2 =	simm.s32 $0x0;
	s4 =	sshll.u32 s4, $0xA;
	s9 =	sadd.s32 $0xE80, s1  }
0x7: {  	s10 =	sadd.s32 $0x1000, s1;
	s11 =	sadd.s32 $0x1180, s1;
	s12 =	sadd.s32 $0x1300, s1  }
0x8: {  	s13 =	sadd.s32 $0x1480, s1;
	s5 =	sshll.u32 s3, $0x9;
	s6 =	ssub.s32 $0x2, s3  }
0x9: {  	[smem:$0x7FF] =	sst s2;
	s3 =	sor.u32 s5, s4;
	s7 =	sshrl.u32 s6, $0x1  }
0xa: {  	_ =	strace $0x80000047;
	s8 =	smul.u32 $0x3, s3;
	s6 =	ssub.s32 s6, s7  }
0xb: {  	s4 =	sadd.s32 $0xF42E00, s1;
	s5 =	sadd.s32 $0xA00, s1;
	s31 =	smax.u32 s6, $0x1  }
0xc: {  	s7 =	sadd.s32 $0xB80, s1;
	s0 =	sadd.s32 s0, s8;
	[dreg:$0x4] =	wrdreg s31  }
0xd: {  	s8 =	sadd.s32 $0xD00, s1;
	s1 =	simm.s32 $0x0;
	[dreg:$0x3] =	wrdreg s0  }
.LBB2_1:
0xe: {  	[dreg:$0x5] =	wrdreg s1  }
0xf: {  	s0 =	rddreg [dreg:$0x3];
	s31 =	simm.s32 $0x7  }
0x10: {  	[tilespmem:s2], [sflag:$0x7] =	stream.linear.gather [hbm4b:s0+s2], $0x3000, $0x38;
	[tilespmem:$0x17000] =	vst v63  }
0x11: {  	_ =	swait.ge [sflag:s31], $0x3000  }
0x12: {  	[sflag:s31] =	ssyncset.done $0x0  }
0x13: {  	s1 =	simm.s32 $0x3000;
	[sflag:s31] =	ssyncadd.s32 $0xFFFFD000  }
0x14: {  	[tilespmem:s1], [sflag:$0x1] =	stream.indirect.gather [hbm4b:s4+s16], $0x40, s2, s16, $0xb8;
	[tilespmem:$0x17000] =	vst v63  }
0x15: {  	s6 =	simm.s32 $0x18;
	s14 =	simm.s32 $0x3500  }
0x16: {  	[tilespmem:s14], [sflag:$0x1] =	stream.indirect.gather [hbm4b:s4+s16], $0x40, s6, s16, $0xb8;
	[tilespmem:$0x17000] =	vst v63  }
0x17: {  	s15 =	simm.s32 $0x30;
	s17 =	simm.s32 $0x3A00  }
0x18: {  	[tilespmem:s17], [sflag:$0x1] =	stream.indirect.gather [hbm4b:s4+s16], $0x40, s15, s16, $0xb8;
	[tilespmem:$0x17000] =	vst v63  }
0x19: {  	s18 =	simm.s32 $0x48;
	s19 =	simm.s32 $0x3F00  }
0x1a: {  	[tilespmem:s19], [sflag:$0x1] =	stream.indirect.gather [hbm4b:s4+s16], $0x40, s18, s16, $0xb8;
	[tilespmem:$0x17000] =	vst v63  }
0x1b: {  	s20 =	simm.s32 $0x60;
	s23 =	simm.s32 $0x4400  }
0x1c: {  	[tilespmem:s23], [sflag:$0x1] =	stream.indirect.gather [hbm4b:s4+s16], $0x40, s20, s16, $0xb8;
	[tilespmem:$0x17000] =	vst v63  }
0x1d: {  	s30 =	simm.s32 $0x78;
	s31 =	simm.s32 $0x4900  }
0x1e: {  	[tilespmem:s31], [sflag:$0x1] =	stream.indirect.gather [hbm4b:s4+s16], $0x40, s30, s16, $0xb8;
	[tilespmem:$0x17000] =	vst v63  }
0x1f: {  	s6 =	simm.s32 $0x90;
	s14 =	simm.s32 $0x4E00  }
0x20: {  	[tilespmem:s14], [sflag:$0x1] =	stream.indirect.gather [hbm4b:s4+s16], $0x40, s6, s16, $0xb8;
	[tilespmem:$0x17000] =	vst v63  }
0x21: {  	s15 =	simm.s32 $0xA8;
	s17 =	simm.s32 $0x5300  }
0x22: {  	[tilespmem:s17], [sflag:$0x1] =	stream.indirect.gather [hbm4b:s4+s16], $0x40, s15, s16, $0xb8;
	[tilespmem:$0x17000] =	vst v63  }
0x23: {  	s18 =	simm.s32 $0xC0;
	s19 =	simm.s32 $0x5800  }
0x24: {  	[tilespmem:s19], [sflag:$0x2] =	stream.indirect.gather [hbm4b:s4+s16], $0x40, s18, s16, $0xb8;
	[tilespmem:$0x17000] =	vst v63  }
0x25: {  	s20 =	simm.s32 $0xD8;
	s23 =	simm.s32 $0x5D00  }
0x26: {  	[tilespmem:s23], [sflag:$0x2] =	stream.indirect.gather [hbm4b:s4+s16], $0x40, s20, s16, $0xb8;
	[tilespmem:$0x17000] =	vst v63  }
0x27: {  	s30 =	simm.s32 $0xF0;
	s31 =	simm.s32 $0x6200  }
0x28: {  	[tilespmem:s31], [sflag:$0x2] =	stream.indirect.gather [hbm4b:s4+s16], $0x40, s30, s16, $0xb8;
	[tilespmem:$0x17000] =	vst v63  }
0x29: {  	s6 =	simm.s32 $0x108;
	s14 =	simm.s32 $0x6700  }
0x2a: {  	[tilespmem:s14], [sflag:$0x2] =	stream.indirect.gather [hbm4b:s4+s16], $0x40, s6, s16, $0xb8;
	[tilespmem:$0x17000] =	vst v63  }
0x2b: {  	s15 =	simm.s32 $0x120;
	s17 =	simm.s32 $0x6C00  }
0x2c: {  	[tilespmem:s17], [sflag:$0x2] =	stream.indirect.gather [hbm4b:s4+s16], $0x40, s15, s16, $0xb8;
	[tilespmem:$0x17000] =	vst v63  }
0x2d: {  	s18 =	simm.s32 $0x138;
	s19 =	simm.s32 $0x7100  }
0x2e: {  	[tilespmem:s19], [sflag:$0x2] =	stream.indirect.gather [hbm4b:s4+s16], $0x40, s18, s16, $0xb8;
	[tilespmem:$0x17000] =	vst v63  }
0x2f: {  	s20 =	simm.s32 $0x150;
	s23 =	simm.s32 $0x7600  }
0x30: {  	[tilespmem:s23], [sflag:$0x2] =	stream.indirect.gather [hbm4b:s4+s16], $0x40, s20, s16, $0xb8;
	[tilespmem:$0x17000] =	vst v63  }
0x31: {  	s29 =	simm.s32 $0x0;
	s30 =	simm.s32 $0x168;
	s31 =	simm.s32 $0x7B00  }
0x32: {  	[tilespmem:s31], [sflag:$0x2] =	stream.indirect.gather [hbm4b:s4+s16], $0x40, s30, s16, $0xb8;
	[tilespmem:$0x17000] =	vst v63  }
.LBB2_2:
0x33: {  	s0 =	sshll.u32 s29, $0x2  }
0x34: {  	s31 =	sor.u32 $0x2, s0  }
0x35: {  	s1 =	smul.u32 $0x300, s31;
	_ =	sdelay $0x1  }
0x36: {  	s6 =	simm.s32 $0x8000;
	s1 =	sshra.s32 s1, $0x2  }
0x37: {  	[tilespmem:s6], [sflag:$0x3] =	stream.indirect.gather [hbm4b:s4+s16], $0x40, s1, s16, $0xb8;
	[tilespmem:$0x17000] =	vst v63  }
0x38: {  	s14 =	simm.s32 $0x8500;
	s18 =	sor.u32 $0x18, s1  }
0x39: {  	[tilespmem:s14], [sflag:$0x3] =	stream.indirect.gather [hbm4b:s4+s16], $0x40, s18, s16, $0xb8;
	[tilespmem:$0x17000] =	vst v63  }
0x3a: {  	s20 =	simm.s32 $0x8A00;
	s19 =	sor.u32 $0x30, s1  }
0x3b: {  	[tilespmem:s20], [sflag:$0x3] =	stream.indirect.gather [hbm4b:s4+s16], $0x40, s19, s16, $0xb8;
	[tilespmem:$0x17000] =	vst v63  }
0x3c: {  	s30 =	simm.s32 $0x8F00;
	s23 =	sor.u32 $0x48, s1  }
0x3d: {  	[tilespmem:s30], [sflag:$0x3] =	stream.indirect.gather [hbm4b:s4+s16], $0x40, s23, s16, $0xb8;
	[tilespmem:$0x17000] =	vst v63  }
0x3e: {  	s15 =	simm.s32 $0x9400;
	s14 =	sor.u32 $0x60, s1  }
0x3f: {  	[tilespmem:s15], [sflag:$0x3] =	stream.indirect.gather [hbm4b:s4+s16], $0x40, s14, s16, $0xb8;
	[tilespmem:$0x17000] =	vst v63  }
0x40: {  	s17 =	sor.u32 $0x78, s1;
	s18 =	simm.s32 $0x9900;
	s23 =	simm.s32 $0x0  }
0x41: {  	[tilespmem:s18], [sflag:$0x3] =	stream.indirect.gather [hbm4b:s4+s16], $0x40, s17, s16, $0xb8;
	[tilespmem:$0x17000] =	vst v63  }
0x42: {  	s19 =	sadd.s32 $0x90, s1;
	s20 =	simm.s32 $0x9E00;
	s6 =	smul.u32 $0xCD, s23  }
0x43: {  	[tilespmem:s20], [sflag:$0x3] =	stream.indirect.gather [hbm4b:s4+s16], $0x40, s19, s16, $0xb8;
	[tilespmem:$0x17000] =	vst v63  }
0x44: {  	s1 =	sadd.s32 $0xA8, s1;
	s30 =	simm.s32 $0xA300;
	s6 =	sshrl.u32 s6, $0xA  }
0x45: {  	[tilespmem:s30], [sflag:$0x3] =	stream.indirect.gather [hbm4b:s4+s16], $0x40, s1, s16, $0xb8;
	[tilespmem:$0x17000] =	vst v63  }
0x46: {  	s15 =	simm.s32 $0x1;
	s1 =	sand.u32 $0x3F, s6  }
0x47: {  	_ =	swait.ge [sflag:s15], $0x2800;
	s14 =	smul.u32 $0x5, s1  }
0x48: {  	p0 =	seq.s32 s29, $0x0;
	s17 =	smul.u32 $0x1400, s1;
	[sflag:s15] =	ssyncset.done $0x0  }
0x49: {  	[sflag:s15] =	ssyncadd.s32 $0xFFFFD800;
	s15 =	simm.s32 @!p0 $0x5;
	s6 =	ssub.s32 $0x0, s14  }
0x4a: {  	s14 =	sshrl.u32 s17, $0x2;
	_ =	swait.ge @!p0 [sflag:s15], $0x5000;
	s6 =	sand.u32 $0xFF, s6  }
0x4b: {  	s14 =	sadd.s32 $0x3000, s14;
	[sflag:s15] =	ssyncset.done @!p0 $0x0;
	s17 =	sshll.u32 s6, $0x8  }
0x4c: {  	[sflag:s15] =	ssyncadd.s32 @!p0 $0xFFFFB000;
	s18 =	sadd.s32 s17, s14  }
0x4d: {  	v0 =	vld [tilespmem:s18+$0x0];
	_ =	sdelay $0x1  }
0x4e: {  	s1 =	smul.u32 $0x2800, s1;
	_ =	sdelay $0x1  }
0x4f: {  	s1 =	sshrl.u32 s1, $0x2  }
0x50: {  	s1 =	sadd.s32 $0xD000, s1;
	s19 =	sshll.u32 s6, $0x9;
	v0 =	vmul.f32 $8.000000000e+00, v0  }
0x51: {  	s17 =	sadd.s32 s19, s1  }
0x52: {  	[tilespmem:s17+$0x0] =	vst v0  }
0x53: {  	v0 =	vld [tilespmem:s18+$0x10];
	_ =	sdelay $0x4  }
0x54: {  	v0 =	vmul.f32 $8.000000000e+00, v0;
	_ =	sdelay $0x1  }
0x55: {  	[tilespmem:s17+$0x10] =	vst v0  }
0x56: {  	v0 =	vld [tilespmem:s18+$0x20];
	_ =	sdelay $0x4  }
0x57: {  	v0 =	vmul.f32 $8.000000000e+00, v0;
	_ =	sdelay $0x1  }
0x58: {  	[tilespmem:s17+$0x20] =	vst v0  }
0x59: {  	v0 =	vld [tilespmem:s18+$0x30];
	_ =	sdelay $0x3  }
0x5a: {  	s20 =	sshll.u32 s6, $0x2  }
0x5b: {  	s18 =	sor.u32 $0x1, s20;
	v0 =	vmul.f32 $8.000000000e+00, v0  }
0x5c: {  	s23 =	sshll.u32 s18, $0x6  }
0x5d: {  	s23 =	sadd.s32 s23, s14;
	[tilespmem:s17+$0x30] =	vst v0  }
0x5e: {  	v0 =	vld [tilespmem:s23+$0x0];
	_ =	sdelay $0x4  }
0x5f: {  	s18 =	sshll.u32 s18, $0x7;
	v0 =	vmul.f32 $8.000000000e+00, v0  }
0x60: {  	s18 =	sadd.s32 s18, s1  }
0x61: {  	[tilespmem:s18+$0x0] =	vst v0  }
0x62: {  	v0 =	vld [tilespmem:s23+$0x10];
	_ =	sdelay $0x4  }
0x63: {  	v0 =	vmul.f32 $8.000000000e+00, v0;
	_ =	sdelay $0x1  }
0x64: {  	[tilespmem:s18+$0x10] =	vst v0  }
0x65: {  	v0 =	vld [tilespmem:s23+$0x20];
	_ =	sdelay $0x4  }
0x66: {  	v0 =	vmul.f32 $8.000000000e+00, v0;
	_ =	sdelay $0x1  }
0x67: {  	[tilespmem:s18+$0x20] =	vst v0  }
0x68: {  	v0 =	vld [tilespmem:s23+$0x30];
	_ =	sdelay $0x4  }
0x69: {  	s15 =	sor.u32 $0x2, s20;
	v0 =	vmul.f32 $8.000000000e+00, v0  }
0x6a: {  	s30 =	sshll.u32 s15, $0x6  }
0x6b: {  	s17 =	sadd.s32 s30, s14;
	[tilespmem:s18+$0x30] =	vst v0  }
0x6c: {  	v0 =	vld [tilespmem:s17+$0x0];
	_ =	sdelay $0x4  }
0x6d: {  	s15 =	sshll.u32 s15, $0x7;
	v0 =	vmul.f32 $8.000000000e+00, v0  }
0x6e: {  	s15 =	sadd.s32 s15, s1  }
0x6f: {  	[tilespmem:s15+$0x0] =	vst v0  }
0x70: {  	v0 =	vld [tilespmem:s17+$0x10];
	_ =	sdelay $0x4  }
0x71: {  	v0 =	vmul.f32 $8.000000000e+00, v0;
	_ =	sdelay $0x1  }
0x72: {  	[tilespmem:s15+$0x10] =	vst v0  }
0x73: {  	v0 =	vld [tilespmem:s17+$0x20];
	_ =	sdelay $0x4  }
0x74: {  	v0 =	vmul.f32 $8.000000000e+00, v0;
	_ =	sdelay $0x1  }
0x75: {  	[tilespmem:s15+$0x20] =	vst v0  }
0x76: {  	v0 =	vld [tilespmem:s17+$0x30];
	_ =	sdelay $0x4  }
0x77: {  	s6 =	sshllo.u32 s6, $0x2;
	v0 =	vmul.f32 $8.000000000e+00, v0  }
0x78: {  	s19 =	sshll.u32 s6, $0x6  }
0x79: {  	s14 =	sadd.s32 s19, s14;
	[tilespmem:s15+$0x30] =	vst v0  }
0x7a: {  	v0 =	vld [tilespmem:s14+$0x0];
	_ =	sdelay $0x4  }
0x7b: {  	s6 =	sshll.u32 s6, $0x7;
	v0 =	vmul.f32 $8.000000000e+00, v0  }
0x7c: {  	s1 =	sadd.s32 s6, s1  }
0x7d: {  	[tilespmem:s1+$0x0] =	vst v0  }
0x7e: {  	v0 =	vld [tilespmem:s14+$0x10];
	_ =	sdelay $0x4  }
0x7f: {  	v0 =	vmul.f32 $8.000000000e+00, v0;
	_ =	sdelay $0x1  }
0x80: {  	[tilespmem:s1+$0x10] =	vst v0  }
0x81: {  	v0 =	vld [tilespmem:s14+$0x20];
	_ =	sdelay $0x4  }
0x82: {  	s20 =	simm.s32 $0x1;
	v0 =	vmul.f32 $8.000000000e+00, v0  }
0x83: {  	s6 =	smul.u32 $0xCD, s20  }
0x84: {  	[tilespmem:s1+$0x20] =	vst v0  }
0x85: {  	s6 =	sshrl.u32 s6, $0xA;
	v0 =	vld [tilespmem:s14+$0x30]  }
0x86: {  	s6 =	sand.u32 $0x3F, s6  }
0x87: {  	s23 =	smul.u32 $0x5, s6  }
0x88: {  	s30 =	smul.u32 $0x1400, s6  }
0x89: {  	s17 =	simm.s32 $0x2;
	s14 =	ssub.s32 $0x1, s23  }
0x8a: {  	s15 =	smul.u32 $0x2800, s6;
	s6 =	sand.u32 $0xFF, s14;
	s14 =	sshrl.u32 s30, $0x2;
	v0 =	vmul.f32 $8.000000000e+00, v0  }
.LBB2_3:
0x8b: {  	s14 =	sadd.s32 $0x3000, s14  }
0x8c: {  	s18 =	sshll.u32 s6, $0x8;
	[tilespmem:s1+$0x30] =	vst v0;
	s23 =	smov.u32 s17;
	s30 =	sadd.s32 $0x1, s17  }
0x8d: {  	p1 =	sne.s32 s17, $0x27;
	s1 =	sadd.s32 s18, s14  }
0x8e: {  	v0 =	vld [tilespmem:s1+$0x0];
	_ =	sdelay $0x3  }
0x8f: {  	s15 =	sshrl.u32 s15, $0x2  }
0x90: {  	s17 =	sshll.u32 s6, $0x9;
	s15 =	sadd.s32 $0xD000, s15;
	v0 =	vmul.f32 $8.000000000e+00, v0  }
0x91: {  	s17 =	sadd.s32 s17, s15  }
0x92: {  	[tilespmem:s17+$0x0] =	vst v0  }
0x93: {  	v0 =	vld [tilespmem:s1+$0x10];
	_ =	sdelay $0x4  }
0x94: {  	v0 =	vmul.f32 $8.000000000e+00, v0;
	_ =	sdelay $0x1  }
0x95: {  	[tilespmem:s17+$0x10] =	vst v0  }
0x96: {  	v0 =	vld [tilespmem:s1+$0x20];
	_ =	sdelay $0x4  }
0x97: {  	v0 =	vmul.f32 $8.000000000e+00, v0;
	_ =	sdelay $0x1  }
0x98: {  	[tilespmem:s17+$0x20] =	vst v0  }
0x99: {  	v0 =	vld [tilespmem:s1+$0x30];
	_ =	sdelay $0x3  }
0x9a: {  	s1 =	sshll.u32 s6, $0x2  }
0x9b: {  	s18 =	sor.u32 $0x1, s1;
	s1 =	sor.u32 $0x2, s1;
	v0 =	vmul.f32 $8.000000000e+00, v0  }
0x9c: {  	s19 =	sshll.u32 s18, $0x6;
	s20 =	sshll.u32 s1, $0x6;
	s1 =	sshll.u32 s1, $0x7  }
0x9d: {  	[tilespmem:s17+$0x30] =	vst v0;
	s17 =	sadd.s32 s19, s14  }
0x9e: {  	v0 =	vld [tilespmem:s17+$0x0];
	_ =	sdelay $0x4  }
0x9f: {  	s18 =	sshll.u32 s18, $0x7;
	v0 =	vmul.f32 $8.000000000e+00, v0  }
0xa0: {  	s18 =	sadd.s32 s18, s15  }
0xa1: {  	[tilespmem:s18+$0x0] =	vst v0  }
0xa2: {  	v0 =	vld [tilespmem:s17+$0x10];
	_ =	sdelay $0x4  }
0xa3: {  	v0 =	vmul.f32 $8.000000000e+00, v0;
	_ =	sdelay $0x1  }
0xa4: {  	[tilespmem:s18+$0x10] =	vst v0  }
0xa5: {  	v0 =	vld [tilespmem:s17+$0x20];
	_ =	sdelay $0x4  }
0xa6: {  	v0 =	vmul.f32 $8.000000000e+00, v0;
	_ =	sdelay $0x1  }
0xa7: {  	[tilespmem:s18+$0x20] =	vst v0  }
0xa8: {  	v0 =	vld [tilespmem:s17+$0x30];
	_ =	sdelay $0x4  }
0xa9: {  	v0 =	vmul.f32 $8.000000000e+00, v0;
	_ =	sdelay $0x1  }
0xaa: {  	s17 =	sadd.s32 s20, s14;
	[tilespmem:s18+$0x30] =	vst v0  }
0xab: {  	v0 =	vld [tilespmem:s17+$0x0];
	_ =	sdelay $0x4  }
0xac: {  	v0 =	vmul.f32 $8.000000000e+00, v0  }
0xad: {  	s1 =	sadd.s32 s1, s15  }
0xae: {  	[tilespmem:s1+$0x0] =	vst v0  }
0xaf: {  	v0 =	vld [tilespmem:s17+$0x10];
	_ =	sdelay $0x4  }
0xb0: {  	v0 =	vmul.f32 $8.000000000e+00, v0;
	_ =	sdelay $0x1  }
0xb1: {  	[tilespmem:s1+$0x10] =	vst v0  }
0xb2: {  	v0 =	vld [tilespmem:s17+$0x20];
	_ =	sdelay $0x4  }
0xb3: {  	v0 =	vmul.f32 $8.000000000e+00, v0;
	_ =	sdelay $0x1  }
0xb4: {  	[tilespmem:s1+$0x20] =	vst v0  }
0xb5: {  	v0 =	vld [tilespmem:s17+$0x30];
	_ =	sdelay $0x4  }
0xb6: {  	s6 =	sshllo.u32 s6, $0x2;
	v0 =	vmul.f32 $8.000000000e+00, v0  }
0xb7: {  	s17 =	sshll.u32 s6, $0x6;
	s6 =	sshll.u32 s6, $0x7  }
0xb8: {  	s14 =	sadd.s32 s17, s14;
	[tilespmem:s1+$0x30] =	vst v0  }
0xb9: {  	v0 =	vld [tilespmem:s14+$0x0];
	_ =	sdelay $0x4  }
0xba: {  	v0 =	vmul.f32 $8.000000000e+00, v0  }
0xbb: {  	s1 =	sadd.s32 s6, s15  }
0xbc: {  	[tilespmem:s1+$0x0] =	vst v0  }
0xbd: {  	v0 =	vld [tilespmem:s14+$0x10];
	_ =	sdelay $0x4  }
0xbe: {  	v0 =	vmul.f32 $8.000000000e+00, v0;
	_ =	sdelay $0x1  }
0xbf: {  	[tilespmem:s1+$0x10] =	vst v0  }
0xc0: {  	v0 =	vld [tilespmem:s14+$0x20];
	_ =	sdelay $0x4  }
0xc1: {  	v0 =	vmul.f32 $8.000000000e+00, v0;
	_ =	sdelay $0x1  }
0xc2: {  	s6 =	smul.u32 $0xCD, s23;
	[tilespmem:s1+$0x20] =	vst v0  }
0xc3: {  	v0 =	vld [tilespmem:s14+$0x30]  }
0xc4: {  	s6 =	sshrl.u32 s6, $0xA  }
.Ltmp0:
0xc5: {  	s6 =	sand.u32 $0x3F, s6;
	(pc) =	sbr.rel @p1 .LBB2_3-.Ltmp0, $4  }
0xc6: {  	s14 =	smul.u32 $0x5, s6  }
0xc7: {  	s17 =	smul.u32 $0x1400, s6  }
0xc8: {  	s15 =	smul.u32 $0x2800, s6;
	s14 =	ssub.s32 s23, s14;
	v0 =	vmul.f32 $8.000000000e+00, v0  }
0xc9: {  	s6 =	sand.u32 $0xFF, s14;
	s14 =	sshrl.u32 s17, $0x2;
	s17 =	smov.u32 s30  }
0xca: {  	s14 =	sadd.s32 $0x3000, s14;
	s17 =	sshll.u32 s6, $0x8  }
0xcb: {  	[tilespmem:s1+$0x30] =	vst v0;
	s18 =	sadd.s32 s17, s14  }
0xcc: {  	v0 =	vld [tilespmem:s18+$0x0];
	_ =	sdelay $0x3  }
0xcd: {  	s15 =	sshrl.u32 s15, $0x2  }
0xce: {  	s19 =	sshll.u32 s6, $0x9;
	s15 =	sadd.s32 $0xD000, s15;
	v0 =	vmul.f32 $8.000000000e+00, v0  }
0xcf: {  	s17 =	sadd.s32 s19, s15  }
0xd0: {  	[tilespmem:s17+$0x0] =	vst v0  }
0xd1: {  	v0 =	vld [tilespmem:s18+$0x10];
	_ =	sdelay $0x4  }
0xd2: {  	v0 =	vmul.f32 $8.000000000e+00, v0;
	_ =	sdelay $0x1  }
0xd3: {  	[tilespmem:s17+$0x10] =	vst v0  }
0xd4: {  	v0 =	vld [tilespmem:s18+$0x20];
	_ =	sdelay $0x4  }
0xd5: {  	v0 =	vmul.f32 $8.000000000e+00, v0;
	_ =	sdelay $0x1  }
0xd6: {  	[tilespmem:s17+$0x20] =	vst v0  }
0xd7: {  	v0 =	vld [tilespmem:s18+$0x30];
	_ =	sdelay $0x3  }
0xd8: {  	s20 =	sshll.u32 s6, $0x2  }
0xd9: {  	s18 =	sor.u32 $0x1, s20;
	v0 =	vmul.f32 $8.000000000e+00, v0  }
0xda: {  	s19 =	sshll.u32 s18, $0x6  }
0xdb: {  	s23 =	sadd.s32 s19, s14;
	[tilespmem:s17+$0x30] =	vst v0  }
0xdc: {  	v0 =	vld [tilespmem:s23+$0x0];
	_ =	sdelay $0x4  }
0xdd: {  	s18 =	sshll.u32 s18, $0x7;
	v0 =	vmul.f32 $8.000000000e+00, v0  }
0xde: {  	s18 =	sadd.s32 s18, s15  }
0xdf: {  	[tilespmem:s18+$0x0] =	vst v0  }
0xe0: {  	v0 =	vld [tilespmem:s23+$0x10];
	_ =	sdelay $0x4  }
0xe1: {  	v0 =	vmul.f32 $8.000000000e+00, v0;
	_ =	sdelay $0x1  }
0xe2: {  	[tilespmem:s18+$0x10] =	vst v0  }
0xe3: {  	v0 =	vld [tilespmem:s23+$0x20];
	_ =	sdelay $0x4  }
0xe4: {  	v0 =	vmul.f32 $8.000000000e+00, v0;
	_ =	sdelay $0x1  }
0xe5: {  	[tilespmem:s18+$0x20] =	vst v0  }
0xe6: {  	v0 =	vld [tilespmem:s23+$0x30];
	_ =	sdelay $0x4  }
0xe7: {  	s1 =	sor.u32 $0x2, s20;
	v0 =	vmul.f32 $8.000000000e+00, v0  }
0xe8: {  	s19 =	sshll.u32 s1, $0x6  }
0xe9: {  	s17 =	sadd.s32 s19, s14;
	[tilespmem:s18+$0x30] =	vst v0  }
0xea: {  	v0 =	vld [tilespmem:s17+$0x0];
	_ =	sdelay $0x4  }
0xeb: {  	s1 =	sshll.u32 s1, $0x7;
	v0 =	vmul.f32 $8.000000000e+00, v0  }
0xec: {  	s1 =	sadd.s32 s1, s15  }
0xed: {  	[tilespmem:s1+$0x0] =	vst v0  }
0xee: {  	v0 =	vld [tilespmem:s17+$0x10];
	_ =	sdelay $0x4  }
0xef: {  	v0 =	vmul.f32 $8.000000000e+00, v0;
	_ =	sdelay $0x1  }
0xf0: {  	[tilespmem:s1+$0x10] =	vst v0  }
0xf1: {  	v0 =	vld [tilespmem:s17+$0x20];
	_ =	sdelay $0x4  }
0xf2: {  	v0 =	vmul.f32 $8.000000000e+00, v0;
	_ =	sdelay $0x1  }
0xf3: {  	[tilespmem:s1+$0x20] =	vst v0  }
0xf4: {  	v0 =	vld [tilespmem:s17+$0x30];
	_ =	sdelay $0x4  }
0xf5: {  	s20 =	sshllo.u32 s6, $0x2;
	v0 =	vmul.f32 $8.000000000e+00, v0  }
0xf6: {  	s23 =	sshll.u32 s20, $0x6  }
0xf7: {  	s17 =	sadd.s32 s23, s14;
	[tilespmem:s1+$0x30] =	vst v0  }
0xf8: {  	v0 =	vld [tilespmem:s17+$0x0];
	_ =	sdelay $0x4  }
0xf9: {  	s6 =	sshll.u32 s20, $0x7;
	v0 =	vmul.f32 $8.000000000e+00, v0  }
0xfa: {  	s18 =	sadd.s32 s6, s15  }
0xfb: {  	[tilespmem:s18+$0x0] =	vst v0  }
0xfc: {  	v0 =	vld [tilespmem:s17+$0x10];
	_ =	sdelay $0x4  }
0xfd: {  	v0 =	vmul.f32 $8.000000000e+00, v0;
	_ =	sdelay $0x1  }
0xfe: {  	[tilespmem:s18+$0x10] =	vst v0  }
0xff: {  	v0 =	vld [tilespmem:s17+$0x20];
	_ =	sdelay $0x4  }
0x100: {  	v0 =	vmul.f32 $8.000000000e+00, v0;
	_ =	sdelay $0x1  }
0x101: {  	[tilespmem:s18+$0x20] =	vst v0  }
0x102: {  	v0 =	vld [tilespmem:s17+$0x30];
	_ =	sdelay $0x2  }
0x103: {  	s19 =	sshll.u32 s29, $0x5  }
0x104: {  	s6 =	sor.u32 s3, s19  }
0x105: {  	s1 =	smul.u32 $0x180, s6;
	v0 =	vmul.f32 $8.000000000e+00, v0;
	_ =	sdelay $0x1  }
0x106: {  	s20 =	sadd.s32 s5, s1;
	[tilespmem:s18+$0x30] =	vst v0  }
0x107: {  	[hbm4b:s20+s2] =	stream.linear.scatter [tilespmem:s24], [sflag:$0x5], $0xA00, $0x38;
	[tilespmem:$0x17000] =	vst v63  }
0x108: {  	s23 =	sadd.s32 s1, s7;
	s24 =	simm.s32 $0xDA00  }
0x109: {  	[hbm4b:s23+s2] =	stream.linear.scatter [tilespmem:s24], [sflag:$0x5], $0xA00, $0x38;
	[tilespmem:$0x17000] =	vst v63  }
0x10a: {  	s17 =	sadd.s32 s1, s8;
	s18 =	simm.s32 $0xE400  }
0x10b: {  	[hbm4b:s17+s2] =	stream.linear.scatter [tilespmem:s18], [sflag:$0x5], $0xA00, $0x38;
	[tilespmem:$0x17000] =	vst v63  }
0x10c: {  	s19 =	sadd.s32 s1, s9;
	s20 =	simm.s32 $0xEE00  }
0x10d: {  	[hbm4b:s19+s2] =	stream.linear.scatter [tilespmem:s20], [sflag:$0x5], $0xA00, $0x38;
	[tilespmem:$0x17000] =	vst v63  }
0x10e: {  	s23 =	sadd.s32 s1, s10;
	s24 =	simm.s32 $0xF800  }
0x10f: {  	[hbm4b:s23+s2] =	stream.linear.scatter [tilespmem:s24], [sflag:$0x5], $0xA00, $0x38;
	[tilespmem:$0x17000] =	vst v63  }
0x110: {  	s15 =	sadd.s32 s1, s11;
	s17 =	simm.s32 $0x10200  }
0x111: {  	[hbm4b:s15+s2] =	stream.linear.scatter [tilespmem:s17], [sflag:$0x5], $0xA00, $0x38;
	[tilespmem:$0x17000] =	vst v63  }
0x112: {  	s30 =	sor.u32 $0x3, s0;
	s18 =	sadd.s32 s1, s12;
	s19 =	simm.s32 $0x10C00  }
0x113: {  	[hbm4b:s18+s2] =	stream.linear.scatter [tilespmem:s19], [sflag:$0x5], $0xA00, $0x38;
	[tilespmem:$0x17000] =	vst v63  }
0x114: {  	s20 =	sadd.s32 s1, s13;
	s23 =	smul.u32 $0x300, s30;
	s24 =	simm.s32 $0x11600  }
0x115: {  	[hbm4b:s20+s2] =	stream.linear.scatter [tilespmem:s24], [sflag:$0x5], $0xA00, $0x38;
	[tilespmem:$0x17000] =	vst v63  }
0x116: {  	s0 =	sshra.s32 s23, $0x2;
	s15 =	simm.s32 $0xA800  }
0x117: {  	[tilespmem:s15], [sflag:$0x4] =	stream.indirect.gather [hbm4b:s4+s16], $0x40, s0, s16, $0xb8;
	[tilespmem:$0x17000] =	vst v63  }
0x118: {  	s17 =	sor.u32 $0x18, s0;
	s18 =	simm.s32 $0xAD00  }
0x119: {  	[tilespmem:s18], [sflag:$0x4] =	stream.indirect.gather [hbm4b:s4+s16], $0x40, s17, s16, $0xb8;
	[tilespmem:$0x17000] =	vst v63  }
0x11a: {  	s19 =	sor.u32 $0x30, s0;
	s20 =	simm.s32 $0xB200  }
0x11b: {  	[tilespmem:s20], [sflag:$0x4] =	stream.indirect.gather [hbm4b:s4+s16], $0x40, s19, s16, $0xb8;
	[tilespmem:$0x17000] =	vst v63  }
0x11c: {  	s23 =	sadd.s32 $0x48, s0;
	s24 =	simm.s32 $0xB700  }
0x11d: {  	[tilespmem:s24], [sflag:$0x4] =	stream.indirect.gather [hbm4b:s4+s16], $0x40, s23, s16, $0xb8;
	[tilespmem:$0x17000] =	vst v63  }
0x11e: {  	s14 =	sadd.s32 $0x60, s0;
	s15 =	simm.s32 $0xBC00  }
0x11f: {  	[tilespmem:s15], [sflag:$0x4] =	stream.indirect.gather [hbm4b:s4+s16], $0x40, s14, s16, $0xb8;
	[tilespmem:$0x17000] =	vst v63  }
0x120: {  	s17 =	sadd.s32 $0x78, s0;
	s18 =	simm.s32 $0xC100;
	s23 =	simm.s32 $0x0  }
0x121: {  	[tilespmem:s18], [sflag:$0x4] =	stream.indirect.gather [hbm4b:s4+s16], $0x40, s17, s16, $0xb8;
	[tilespmem:$0x17000] =	vst v63  }
0x122: {  	s19 =	sor.u32 $0x90, s0;
	s20 =	simm.s32 $0xC600;
	s1 =	smul.u32 $0xCD, s23  }
0x123: {  	[tilespmem:s20], [sflag:$0x4] =	stream.indirect.gather [hbm4b:s4+s16], $0x40, s19, s16, $0xb8;
	[tilespmem:$0x17000] =	vst v63  }
0x124: {  	s0 =	sor.u32 $0xA8, s0;
	s24 =	simm.s32 $0xCB00;
	s15 =	sshrl.u32 s1, $0xA  }
0x125: {  	[tilespmem:s24], [sflag:$0x4] =	stream.indirect.gather [hbm4b:s4+s16], $0x40, s0, s16, $0xb8;
	[tilespmem:$0x17000] =	vst v63  }
0x126: {  	s0 =	sand.u32 $0x3F, s15  }
0x127: {  	_ =	swait.ge [sflag:s22], $0x2800;
	s17 =	smul.u32 $0x5, s0  }
0x128: {  	s18 =	smul.u32 $0x1400, s0;
	[sflag:s22] =	ssyncset.done $0x0  }
0x129: {  	s15 =	simm.s32 @!p0 $0x6;
	[sflag:s22] =	ssyncadd.s32 $0xFFFFD800;
	s1 =	ssub.s32 $0x0, s17  }
0x12a: {  	s14 =	sshrl.u32 s18, $0x2;
	_ =	swait.ge @!p0 [sflag:s15], $0x5000;
	s1 =	sand.u32 $0xFF, s1  }
0x12b: {  	s14 =	sadd.s32 $0x5800, s14;
	[sflag:s15] =	ssyncset.done @!p0 $0x0;
	s19 =	sshll.u32 s1, $0x8  }
0x12c: {  	[sflag:s15] =	ssyncadd.s32 @!p0 $0xFFFFB000;
	s20 =	sadd.s32 s19, s14  }
0x12d: {  	v0 =	vld [tilespmem:s20+$0x0];
	_ =	sdelay $0x1  }
0x12e: {  	s0 =	smul.u32 $0x2800, s0;
	_ =	sdelay $0x1  }
0x12f: {  	s0 =	sshrl.u32 s0, $0x2  }
0x130: {  	s0 =	sadd.s32 $0xD000, s0;
	s23 =	sshll.u32 s1, $0x9;
	v0 =	vmul.f32 $8.000000000e+00, v0  }
0x131: {  	s17 =	sadd.s32 s23, s0  }
0x132: {  	[tilespmem:s17+$0x5000] =	vst v0  }
0x133: {  	v0 =	vld [tilespmem:s20+$0x10];
	_ =	sdelay $0x4  }
0x134: {  	v0 =	vmul.f32 $8.000000000e+00, v0;
	_ =	sdelay $0x1  }
0x135: {  	[tilespmem:s17+$0x5010] =	vst v0  }
0x136: {  	v0 =	vld [tilespmem:s20+$0x20];
	_ =	sdelay $0x4  }
0x137: {  	v0 =	vmul.f32 $8.000000000e+00, v0;
	_ =	sdelay $0x1  }
0x138: {  	[tilespmem:s17+$0x5020] =	vst v0  }
0x139: {  	v0 =	vld [tilespmem:s20+$0x30];
	_ =	sdelay $0x3  }
0x13a: {  	s15 =	sshll.u32 s1, $0x2  }
0x13b: {  	s24 =	sor.u32 $0x1, s15;
	v0 =	vmul.f32 $8.000000000e+00, v0  }
0x13c: {  	s20 =	sshll.u32 s24, $0x6  }
0x13d: {  	s23 =	sadd.s32 s20, s14;
	[tilespmem:s17+$0x5030] =	vst v0  }
0x13e: {  	v0 =	vld [tilespmem:s23+$0x0];
	_ =	sdelay $0x4  }
0x13f: {  	s18 =	sshll.u32 s24, $0x7;
	v0 =	vmul.f32 $8.000000000e+00, v0  }
0x140: {  	s18 =	sadd.s32 s18, s0  }
0x141: {  	[tilespmem:s18+$0x5000] =	vst v0  }
0x142: {  	v0 =	vld [tilespmem:s23+$0x10];
	_ =	sdelay $0x4  }
0x143: {  	v0 =	vmul.f32 $8.000000000e+00, v0;
	_ =	sdelay $0x1  }
0x144: {  	[tilespmem:s18+$0x5010] =	vst v0  }
0x145: {  	v0 =	vld [tilespmem:s23+$0x20];
	_ =	sdelay $0x4  }
0x146: {  	v0 =	vmul.f32 $8.000000000e+00, v0;
	_ =	sdelay $0x1  }
0x147: {  	[tilespmem:s18+$0x5020] =	vst v0  }
0x148: {  	v0 =	vld [tilespmem:s23+$0x30];
	_ =	sdelay $0x4  }
0x149: {  	s15 =	sor.u32 $0x2, s15;
	v0 =	vmul.f32 $8.000000000e+00, v0  }
0x14a: {  	s24 =	sshll.u32 s15, $0x6  }
0x14b: {  	s17 =	sadd.s32 s24, s14;
	[tilespmem:s18+$0x5030] =	vst v0  }
0x14c: {  	v0 =	vld [tilespmem:s17+$0x0];
	_ =	sdelay $0x4  }
0x14d: {  	s15 =	sshll.u32 s15, $0x7;
	v0 =	vmul.f32 $8.000000000e+00, v0  }
0x14e: {  	s15 =	sadd.s32 s15, s0  }
0x14f: {  	[tilespmem:s15+$0x5000] =	vst v0  }
0x150: {  	v0 =	vld [tilespmem:s17+$0x10];
	_ =	sdelay $0x4  }
0x151: {  	v0 =	vmul.f32 $8.000000000e+00, v0;
	_ =	sdelay $0x1  }
0x152: {  	[tilespmem:s15+$0x5010] =	vst v0  }
0x153: {  	v0 =	vld [tilespmem:s17+$0x20];
	_ =	sdelay $0x4  }
0x154: {  	v0 =	vmul.f32 $8.000000000e+00, v0;
	_ =	sdelay $0x1  }
0x155: {  	[tilespmem:s15+$0x5020] =	vst v0  }
0x156: {  	v0 =	vld [tilespmem:s17+$0x30];
	_ =	sdelay $0x4  }
0x157: {  	s1 =	sshllo.u32 s1, $0x2;
	v0 =	vmul.f32 $8.000000000e+00, v0  }
0x158: {  	s18 =	sshll.u32 s1, $0x6  }
0x159: {  	s14 =	sadd.s32 s18, s14;
	[tilespmem:s15+$0x5030] =	vst v0  }
0x15a: {  	v0 =	vld [tilespmem:s14+$0x0];
	_ =	sdelay $0x4  }
0x15b: {  	s1 =	sshll.u32 s1, $0x7;
	v0 =	vmul.f32 $8.000000000e+00, v0  }
0x15c: {  	s1 =	sadd.s32 s1, s0  }
0x15d: {  	[tilespmem:s1+$0x5000] =	vst v0  }
0x15e: {  	v0 =	vld [tilespmem:s14+$0x10];
	_ =	sdelay $0x4  }
0x15f: {  	v0 =	vmul.f32 $8.000000000e+00, v0;
	_ =	sdelay $0x1  }
0x160: {  	[tilespmem:s1+$0x5010] =	vst v0  }
0x161: {  	v0 =	vld [tilespmem:s14+$0x20];
	_ =	sdelay $0x4  }
0x162: {  	s19 =	simm.s32 $0x1;
	v0 =	vmul.f32 $8.000000000e+00, v0  }
0x163: {  	s0 =	smul.u32 $0xCD, s19  }
0x164: {  	[tilespmem:s1+$0x5020] =	vst v0  }
0x165: {  	s0 =	sshrl.u32 s0, $0xA;
	v0 =	vld [tilespmem:s14+$0x30]  }
0x166: {  	s0 =	sand.u32 $0x3F, s0  }
0x167: {  	s20 =	smul.u32 $0x5, s0  }
0x168: {  	s24 =	smul.u32 $0x1400, s0  }
0x169: {  	s23 =	simm.s32 $0x2;
	s14 =	ssub.s32 $0x1, s20  }
0x16a: {  	s17 =	smul.u32 $0x2800, s0;
	s0 =	sand.u32 $0xFF, s14;
	s14 =	sshrl.u32 s24, $0x2;
	v0 =	vmul.f32 $8.000000000e+00, v0  }
.LBB2_5:
0x16b: {  	s15 =	sadd.s32 $0x5800, s14  }
0x16c: {  	s19 =	sshll.u32 s0, $0x8;
	[tilespmem:s1+$0x5030] =	vst v0;
	s14 =	smov.u32 s23;
	s18 =	sadd.s32 $0x1, s23  }
0x16d: {  	p0 =	sne.s32 s23, $0x27;
	s19 =	sadd.s32 s19, s15  }
0x16e: {  	v0 =	vld [tilespmem:s19+$0x0];
	_ =	sdelay $0x3  }
0x16f: {  	s1 =	sshrl.u32 s17, $0x2  }
0x170: {  	s17 =	sshll.u32 s0, $0x9;
	s1 =	sadd.s32 $0xD000, s1;
	v0 =	vmul.f32 $8.000000000e+00, v0  }
0x171: {  	s17 =	sadd.s32 s17, s1  }
0x172: {  	[tilespmem:s17+$0x5000] =	vst v0  }
0x173: {  	v0 =	vld [tilespmem:s19+$0x10];
	_ =	sdelay $0x4  }
0x174: {  	v0 =	vmul.f32 $8.000000000e+00, v0;
	_ =	sdelay $0x1  }
0x175: {  	[tilespmem:s17+$0x5010] =	vst v0  }
0x176: {  	v0 =	vld [tilespmem:s19+$0x20];
	_ =	sdelay $0x4  }
0x177: {  	v0 =	vmul.f32 $8.000000000e+00, v0;
	_ =	sdelay $0x1  }
0x178: {  	[tilespmem:s17+$0x5020] =	vst v0  }
0x179: {  	v0 =	vld [tilespmem:s19+$0x30];
	_ =	sdelay $0x3  }
0x17a: {  	s19 =	sshll.u32 s0, $0x2  }
0x17b: {  	s20 =	sor.u32 $0x1, s19;
	s19 =	sor.u32 $0x2, s19;
	v0 =	vmul.f32 $8.000000000e+00, v0  }
0x17c: {  	s23 =	sshll.u32 s20, $0x6;
	s24 =	sshll.u32 s19, $0x6;
	s19 =	sshll.u32 s19, $0x7  }
0x17d: {  	[tilespmem:s17+$0x5030] =	vst v0;
	s17 =	sadd.s32 s23, s15  }
0x17e: {  	v0 =	vld [tilespmem:s17+$0x0];
	_ =	sdelay $0x4  }
0x17f: {  	s20 =	sshll.u32 s20, $0x7;
	v0 =	vmul.f32 $8.000000000e+00, v0  }
0x180: {  	s20 =	sadd.s32 s20, s1  }
0x181: {  	[tilespmem:s20+$0x5000] =	vst v0  }
0x182: {  	v0 =	vld [tilespmem:s17+$0x10];
	_ =	sdelay $0x4  }
0x183: {  	v0 =	vmul.f32 $8.000000000e+00, v0;
	_ =	sdelay $0x1  }
0x184: {  	[tilespmem:s20+$0x5010] =	vst v0  }
0x185: {  	v0 =	vld [tilespmem:s17+$0x20];
	_ =	sdelay $0x4  }
0x186: {  	v0 =	vmul.f32 $8.000000000e+00, v0;
	_ =	sdelay $0x1  }
0x187: {  	[tilespmem:s20+$0x5020] =	vst v0  }
0x188: {  	v0 =	vld [tilespmem:s17+$0x30];
	_ =	sdelay $0x4  }
0x189: {  	v0 =	vmul.f32 $8.000000000e+00, v0;
	_ =	sdelay $0x1  }
0x18a: {  	s17 =	sadd.s32 s24, s15;
	[tilespmem:s20+$0x5030] =	vst v0  }
0x18b: {  	v0 =	vld [tilespmem:s17+$0x0];
	_ =	sdelay $0x4  }
0x18c: {  	v0 =	vmul.f32 $8.000000000e+00, v0  }
0x18d: {  	s19 =	sadd.s32 s19, s1  }
0x18e: {  	[tilespmem:s19+$0x5000] =	vst v0  }
0x18f: {  	v0 =	vld [tilespmem:s17+$0x10];
	_ =	sdelay $0x4  }
0x190: {  	v0 =	vmul.f32 $8.000000000e+00, v0;
	_ =	sdelay $0x1  }
0x191: {  	[tilespmem:s19+$0x5010] =	vst v0  }
0x192: {  	v0 =	vld [tilespmem:s17+$0x20];
	_ =	sdelay $0x4  }
0x193: {  	v0 =	vmul.f32 $8.000000000e+00, v0;
	_ =	sdelay $0x1  }
0x194: {  	[tilespmem:s19+$0x5020] =	vst v0  }
0x195: {  	v0 =	vld [tilespmem:s17+$0x30];
	_ =	sdelay $0x4  }
0x196: {  	s0 =	sshllo.u32 s0, $0x2;
	v0 =	vmul.f32 $8.000000000e+00, v0  }
0x197: {  	s17 =	sshll.u32 s0, $0x6;
	s0 =	sshll.u32 s0, $0x7  }
0x198: {  	s15 =	sadd.s32 s17, s15;
	[tilespmem:s19+$0x5030] =	vst v0  }
0x199: {  	v0 =	vld [tilespmem:s15+$0x0];
	_ =	sdelay $0x4  }
0x19a: {  	v0 =	vmul.f32 $8.000000000e+00, v0  }
0x19b: {  	s1 =	sadd.s32 s0, s1  }
0x19c: {  	[tilespmem:s1+$0x5000] =	vst v0  }
0x19d: {  	v0 =	vld [tilespmem:s15+$0x10];
	_ =	sdelay $0x4  }
0x19e: {  	v0 =	vmul.f32 $8.000000000e+00, v0;
	_ =	sdelay $0x1  }
0x19f: {  	[tilespmem:s1+$0x5010] =	vst v0  }
0x1a0: {  	v0 =	vld [tilespmem:s15+$0x20];
	_ =	sdelay $0x4  }
0x1a1: {  	v0 =	vmul.f32 $8.000000000e+00, v0;
	_ =	sdelay $0x1  }
0x1a2: {  	s0 =	smul.u32 $0xCD, s14;
	[tilespmem:s1+$0x5020] =	vst v0  }
0x1a3: {  	v0 =	vld [tilespmem:s15+$0x30]  }
0x1a4: {  	s0 =	sshrl.u32 s0, $0xA  }
.Ltmp1:
0x1a5: {  	s0 =	sand.u32 $0x3F, s0;
	(pc) =	sbr.rel @p0 .LBB2_5-.Ltmp1, $4  }
0x1a6: {  	s15 =	smul.u32 $0x5, s0  }
0x1a7: {  	s19 =	smul.u32 $0x1400, s0  }
0x1a8: {  	s17 =	smul.u32 $0x2800, s0;
	s14 =	ssub.s32 s14, s15;
	v0 =	vmul.f32 $8.000000000e+00, v0  }
0x1a9: {  	s23 =	smov.u32 s18;
	s0 =	sand.u32 $0xFF, s14;
	s14 =	sshrl.u32 s19, $0x2  }
0x1aa: {  	s14 =	sadd.s32 $0x5800, s14;
	s15 =	sshll.u32 s0, $0x8  }
0x1ab: {  	[tilespmem:s1+$0x5030] =	vst v0;
	s19 =	sadd.s32 s15, s14  }
0x1ac: {  	v0 =	vld [tilespmem:s19+$0x0];
	_ =	sdelay $0x3  }
0x1ad: {  	s20 =	sshrl.u32 s17, $0x2  }
0x1ae: {  	s23 =	sshll.u32 s0, $0x9;
	s15 =	sadd.s32 $0xD000, s20;
	v0 =	vmul.f32 $8.000000000e+00, v0  }
0x1af: {  	s17 =	sadd.s32 s23, s15  }
0x1b0: {  	[tilespmem:s17+$0x5000] =	vst v0  }
0x1b1: {  	v0 =	vld [tilespmem:s19+$0x10];
	_ =	sdelay $0x4  }
0x1b2: {  	v0 =	vmul.f32 $8.000000000e+00, v0;
	_ =	sdelay $0x1  }
0x1b3: {  	[tilespmem:s17+$0x5010] =	vst v0  }
0x1b4: {  	v0 =	vld [tilespmem:s19+$0x20];
	_ =	sdelay $0x4  }
0x1b5: {  	v0 =	vmul.f32 $8.000000000e+00, v0;
	_ =	sdelay $0x1  }
0x1b6: {  	[tilespmem:s17+$0x5020] =	vst v0  }
0x1b7: {  	v0 =	vld [tilespmem:s19+$0x30];
	_ =	sdelay $0x3  }
0x1b8: {  	s24 =	sshll.u32 s0, $0x2  }
0x1b9: {  	s18 =	sor.u32 $0x1, s24;
	v0 =	vmul.f32 $8.000000000e+00, v0  }
0x1ba: {  	s19 =	sshll.u32 s18, $0x6  }
0x1bb: {  	s19 =	sadd.s32 s19, s14;
	[tilespmem:s17+$0x5030] =	vst v0  }
0x1bc: {  	v0 =	vld [tilespmem:s19+$0x0];
	_ =	sdelay $0x4  }
0x1bd: {  	s18 =	sshll.u32 s18, $0x7;
	v0 =	vmul.f32 $8.000000000e+00, v0  }
0x1be: {  	s18 =	sadd.s32 s18, s15  }
0x1bf: {  	[tilespmem:s18+$0x5000] =	vst v0  }
0x1c0: {  	v0 =	vld [tilespmem:s19+$0x10];
	_ =	sdelay $0x4  }
0x1c1: {  	v0 =	vmul.f32 $8.000000000e+00, v0;
	_ =	sdelay $0x1  }
0x1c2: {  	[tilespmem:s18+$0x5010] =	vst v0  }
0x1c3: {  	v0 =	vld [tilespmem:s19+$0x20];
	_ =	sdelay $0x4  }
0x1c4: {  	v0 =	vmul.f32 $8.000000000e+00, v0;
	_ =	sdelay $0x1  }
0x1c5: {  	[tilespmem:s18+$0x5020] =	vst v0  }
0x1c6: {  	v0 =	vld [tilespmem:s19+$0x30];
	_ =	sdelay $0x4  }
0x1c7: {  	s1 =	sor.u32 $0x2, s24;
	v0 =	vmul.f32 $8.000000000e+00, v0  }
0x1c8: {  	s20 =	sshll.u32 s1, $0x6  }
0x1c9: {  	s17 =	sadd.s32 s20, s14;
	[tilespmem:s18+$0x5030] =	vst v0  }
0x1ca: {  	v0 =	vld [tilespmem:s17+$0x0];
	_ =	sdelay $0x4  }
0x1cb: {  	s1 =	sshll.u32 s1, $0x7;
	v0 =	vmul.f32 $8.000000000e+00, v0  }
0x1cc: {  	s1 =	sadd.s32 s1, s15  }
0x1cd: {  	[tilespmem:s1+$0x5000] =	vst v0  }
0x1ce: {  	v0 =	vld [tilespmem:s17+$0x10];
	_ =	sdelay $0x4  }
0x1cf: {  	v0 =	vmul.f32 $8.000000000e+00, v0;
	_ =	sdelay $0x1  }
0x1d0: {  	[tilespmem:s1+$0x5010] =	vst v0  }
0x1d1: {  	v0 =	vld [tilespmem:s17+$0x20];
	_ =	sdelay $0x4  }
0x1d2: {  	v0 =	vmul.f32 $8.000000000e+00, v0;
	_ =	sdelay $0x1  }
0x1d3: {  	[tilespmem:s1+$0x5020] =	vst v0  }
0x1d4: {  	v0 =	vld [tilespmem:s17+$0x30];
	_ =	sdelay $0x4  }
0x1d5: {  	s23 =	sshllo.u32 s0, $0x2;
	v0 =	vmul.f32 $8.000000000e+00, v0  }
0x1d6: {  	s24 =	sshll.u32 s23, $0x6  }
0x1d7: {  	s17 =	sadd.s32 s24, s14;
	[tilespmem:s1+$0x5030] =	vst v0  }
0x1d8: {  	v0 =	vld [tilespmem:s17+$0x0];
	_ =	sdelay $0x4  }
0x1d9: {  	s0 =	sshll.u32 s23, $0x7;
	v0 =	vmul.f32 $8.000000000e+00, v0  }
0x1da: {  	s0 =	sadd.s32 s0, s15  }
0x1db: {  	[tilespmem:s0+$0x5000] =	vst v0  }
0x1dc: {  	v0 =	vld [tilespmem:s17+$0x10];
	_ =	sdelay $0x4  }
0x1dd: {  	v0 =	vmul.f32 $8.000000000e+00, v0;
	_ =	sdelay $0x1  }
0x1de: {  	[tilespmem:s0+$0x5010] =	vst v0  }
0x1df: {  	v0 =	vld [tilespmem:s17+$0x20];
	_ =	sdelay $0x4  }
0x1e0: {  	v0 =	vmul.f32 $8.000000000e+00, v0;
	_ =	sdelay $0x1  }
0x1e1: {  	[tilespmem:s0+$0x5020] =	vst v0  }
0x1e2: {  	v0 =	vld [tilespmem:s17+$0x30];
	_ =	sdelay $0x3  }
0x1e3: {  	s18 =	sor.u32 $0x8, s6  }
0x1e4: {  	s6 =	smul.u32 $0x180, s18;
	v0 =	vmul.f32 $8.000000000e+00, v0;
	_ =	sdelay $0x1  }
0x1e5: {  	s20 =	simm.s32 $0x12000;
	s19 =	sadd.s32 s5, s6;
	s1 =	smul.u32 $0xC00, s18;
	[tilespmem:s0+$0x5030] =	vst v0  }
0x1e6: {  	[hbm4b:s19+s2] =	stream.linear.scatter [tilespmem:s20], [sflag:$0x6], $0xA00, $0x38;
	[tilespmem:$0x17000] =	vst v63  }
0x1e7: {  	s23 =	sadd.s32 s6, s7;
	s24 =	simm.s32 $0x12A00;
	s15 =	sshrl.u32 s1, $0x3  }
0x1e8: {  	[hbm4b:s23+s2] =	stream.linear.scatter [tilespmem:s24], [sflag:$0x6], $0xA00, $0x38;
	[tilespmem:$0x17000] =	vst v63  }
0x1e9: {  	s6 =	sadd.s32 s6, s8;
	s14 =	simm.s32 $0x13400;
	s0 =	sadd.s32 s5, s15  }
0x1ea: {  	[hbm4b:s6+s2] =	stream.linear.scatter [tilespmem:s14], [sflag:$0x6], $0xA00, $0x38;
	[tilespmem:$0x17000] =	vst v63  }
0x1eb: {  	s18 =	simm.s32 $0x13E00;
	s17 =	sadd.s32 $0x480, s0  }
0x1ec: {  	[hbm4b:s17+s2] =	stream.linear.scatter [tilespmem:s18], [sflag:$0x6], $0xA00, $0x38;
	[tilespmem:$0x17000] =	vst v63  }
0x1ed: {  	s19 =	sadd.s32 $0x600, s0;
	s20 =	simm.s32 $0x14800  }
0x1ee: {  	[hbm4b:s19+s2] =	stream.linear.scatter [tilespmem:s20], [sflag:$0x6], $0xA00, $0x38;
	[tilespmem:$0x17000] =	vst v63  }
0x1ef: {  	s23 =	sadd.s32 $0x780, s0;
	s24 =	simm.s32 $0x15200  }
0x1f0: {  	[hbm4b:s23+s2] =	stream.linear.scatter [tilespmem:s24], [sflag:$0x6], $0xA00, $0x38;
	[tilespmem:$0x17000] =	vst v63  }
0x1f1: {  	p0 =	seq.s32 s29, $0xF;
	s6 =	sadd.s32 $0x900, s0;
	s14 =	simm.s32 $0x15C00  }
0x1f2: {  	[hbm4b:s6+s2] =	stream.linear.scatter [tilespmem:s14], [sflag:$0x6], $0xA00, $0x38;
	[tilespmem:$0x17000] =	vst v63  }
0x1f3: {  	s1 =	smul.u32 @!p0 $0xC00, s29;
	s15 =	simm.s32 $0x16600;
	s0 =	sadd.s32 $0xA80, s0  }
0x1f4: {  	[hbm4b:s0+s2] =	stream.linear.scatter [tilespmem:s15], [sflag:$0x6], $0xA00, $0x38;
	[tilespmem:$0x17000] =	vst v63  }
0x1f5: {  	s0 =	sshra.s32 @!p0 s1, $0x2  }
0x1f6: {  	s6 =	simm.s32 @!p0 $0x14;
	s14 =	simm.s32 @!p0 $0x3000;
	s1 =	sadd.s32 @!p0 $0x300, s0  }
0x1f7: {  	[tilespmem:s14], [sflag:$0x1] =	stream.indirect.gather @!p0 [hbm4b:s4+s6], $0x40, s1, s6, $0xb8;
	[tilespmem:$0x17000] =	vst v63  }
0x1f8: {  	s1 =	sadd.s32 @!p0 $0x318, s0;
	s14 =	simm.s32 @!p0 $0x3500  }
0x1f9: {  	[tilespmem:s14], [sflag:$0x1] =	stream.indirect.gather @!p0 [hbm4b:s4+s6], $0x40, s1, s6, $0xb8;
	[tilespmem:$0x17000] =	vst v63  }
0x1fa: {  	s1 =	sadd.s32 @!p0 $0x330, s0;
	s14 =	simm.s32 @!p0 $0x3A00  }
0x1fb: {  	[tilespmem:s14], [sflag:$0x1] =	stream.indirect.gather @!p0 [hbm4b:s4+s6], $0x40, s1, s6, $0xb8;
	[tilespmem:$0x17000] =	vst v63  }
0x1fc: {  	s1 =	sadd.s32 @!p0 $0x348, s0;
	s14 =	simm.s32 @!p0 $0x3F00  }
0x1fd: {  	[tilespmem:s14], [sflag:$0x1] =	stream.indirect.gather @!p0 [hbm4b:s4+s6], $0x40, s1, s6, $0xb8;
	[tilespmem:$0x17000] =	vst v63  }
0x1fe: {  	s1 =	sadd.s32 @!p0 $0x360, s0;
	s14 =	simm.s32 @!p0 $0x4400  }
0x1ff: {  	[tilespmem:s14], [sflag:$0x1] =	stream.indirect.gather @!p0 [hbm4b:s4+s6], $0x40, s1, s6, $0xb8;
	[tilespmem:$0x17000] =	vst v63  }
0x200: {  	s1 =	sadd.s32 @!p0 $0x378, s0;
	s14 =	simm.s32 @!p0 $0x4900  }
0x201: {  	[tilespmem:s14], [sflag:$0x1] =	stream.indirect.gather @!p0 [hbm4b:s4+s6], $0x40, s1, s6, $0xb8;
	[tilespmem:$0x17000] =	vst v63  }
0x202: {  	s17 =	simm.s32 $0x0;
	s1 =	sadd.s32 @!p0 $0x390, s0;
	s14 =	simm.s32 @!p0 $0x4E00  }
0x203: {  	[tilespmem:s14], [sflag:$0x1] =	stream.indirect.gather @!p0 [hbm4b:s4+s6], $0x40, s1, s6, $0xb8;
	[tilespmem:$0x17000] =	vst v63  }
0x204: {  	s15 =	simm.s32 @!p0 $0x5300;
	s14 =	sadd.s32 @!p0 $0x3A8, s0;
	s1 =	smul.u32 $0xCD, s17  }
0x205: {  	[tilespmem:s15], [sflag:$0x1] =	stream.indirect.gather @!p0 [hbm4b:s4+s6], $0x40, s14, s6, $0xb8;
	[tilespmem:$0x17000] =	vst v63  }
0x206: {  	s1 =	sshrl.u32 s1, $0xA  }
0x207: {  	s1 =	sand.u32 $0x3F, s1  }
0x208: {  	_ =	swait.ge [sflag:s21], $0x2800;
	s18 =	smul.u32 $0x5, s1  }
0x209: {  	[sflag:s21] =	ssyncset.done $0x0;
	s19 =	smul.u32 $0x1400, s1  }
0x20a: {  	[sflag:s21] =	ssyncadd.s32 $0xFFFFD800;
	s6 =	ssub.s32 $0x0, s18  }
0x20b: {  	_ =	swait.ge [sflag:s25], $0x5000;
	s14 =	sshrl.u32 s19, $0x2;
	s6 =	sand.u32 $0xFF, s6  }
0x20c: {  	[sflag:s25] =	ssyncset.done $0x0;
	s14 =	sadd.s32 $0x8000, s14;
	s20 =	sshll.u32 s6, $0x8  }
0x20d: {  	[sflag:s25] =	ssyncadd.s32 $0xFFFFB000;
	s15 =	sadd.s32 s20, s14  }
0x20e: {  	v0 =	vld [tilespmem:s15+$0x0];
	_ =	sdelay $0x1  }
0x20f: {  	s1 =	smul.u32 $0x2800, s1;
	_ =	sdelay $0x1  }
0x210: {  	s1 =	sshrl.u32 s1, $0x2  }
0x211: {  	s1 =	sadd.s32 $0xD000, s1;
	s23 =	sshll.u32 s6, $0x9;
	v0 =	vmul.f32 $8.000000000e+00, v0  }
0x212: {  	s17 =	sadd.s32 s23, s1  }
0x213: {  	[tilespmem:s17+$0x0] =	vst v0  }
0x214: {  	v0 =	vld [tilespmem:s15+$0x10];
	_ =	sdelay $0x4  }
0x215: {  	v0 =	vmul.f32 $8.000000000e+00, v0;
	_ =	sdelay $0x1  }
0x216: {  	[tilespmem:s17+$0x10] =	vst v0  }
0x217: {  	v0 =	vld [tilespmem:s15+$0x20];
	_ =	sdelay $0x4  }
0x218: {  	v0 =	vmul.f32 $8.000000000e+00, v0;
	_ =	sdelay $0x1  }
0x219: {  	[tilespmem:s17+$0x20] =	vst v0  }
0x21a: {  	v0 =	vld [tilespmem:s15+$0x30];
	_ =	sdelay $0x3  }
0x21b: {  	s15 =	sshll.u32 s6, $0x2  }
0x21c: {  	s24 =	sor.u32 $0x1, s15;
	v0 =	vmul.f32 $8.000000000e+00, v0  }
0x21d: {  	s20 =	sshll.u32 s24, $0x6  }
0x21e: {  	s23 =	sadd.s32 s20, s14;
	[tilespmem:s17+$0x30] =	vst v0  }
0x21f: {  	v0 =	vld [tilespmem:s23+$0x0];
	_ =	sdelay $0x4  }
0x220: {  	s18 =	sshll.u32 s24, $0x7;
	v0 =	vmul.f32 $8.000000000e+00, v0  }
0x221: {  	s18 =	sadd.s32 s18, s1  }
0x222: {  	[tilespmem:s18+$0x0] =	vst v0  }
0x223: {  	v0 =	vld [tilespmem:s23+$0x10];
	_ =	sdelay $0x4  }
0x224: {  	v0 =	vmul.f32 $8.000000000e+00, v0;
	_ =	sdelay $0x1  }
0x225: {  	[tilespmem:s18+$0x10] =	vst v0  }
0x226: {  	v0 =	vld [tilespmem:s23+$0x20];
	_ =	sdelay $0x4  }
0x227: {  	v0 =	vmul.f32 $8.000000000e+00, v0;
	_ =	sdelay $0x1  }
0x228: {  	[tilespmem:s18+$0x20] =	vst v0  }
0x229: {  	v0 =	vld [tilespmem:s23+$0x30];
	_ =	sdelay $0x4  }
0x22a: {  	s15 =	sor.u32 $0x2, s15;
	v0 =	vmul.f32 $8.000000000e+00, v0  }
0x22b: {  	s24 =	sshll.u32 s15, $0x6  }
0x22c: {  	s17 =	sadd.s32 s24, s14;
	[tilespmem:s18+$0x30] =	vst v0  }
0x22d: {  	v0 =	vld [tilespmem:s17+$0x0];
	_ =	sdelay $0x4  }
0x22e: {  	s15 =	sshll.u32 s15, $0x7;
	v0 =	vmul.f32 $8.000000000e+00, v0  }
0x22f: {  	s15 =	sadd.s32 s15, s1  }
0x230: {  	[tilespmem:s15+$0x0] =	vst v0  }
0x231: {  	v0 =	vld [tilespmem:s17+$0x10];
	_ =	sdelay $0x4  }
0x232: {  	v0 =	vmul.f32 $8.000000000e+00, v0;
	_ =	sdelay $0x1  }
0x233: {  	[tilespmem:s15+$0x10] =	vst v0  }
0x234: {  	v0 =	vld [tilespmem:s17+$0x20];
	_ =	sdelay $0x4  }
0x235: {  	v0 =	vmul.f32 $8.000000000e+00, v0;
	_ =	sdelay $0x1  }
0x236: {  	[tilespmem:s15+$0x20] =	vst v0  }
0x237: {  	v0 =	vld [tilespmem:s17+$0x30];
	_ =	sdelay $0x4  }
0x238: {  	s6 =	sshllo.u32 s6, $0x2;
	v0 =	vmul.f32 $8.000000000e+00, v0  }
0x239: {  	s19 =	sshll.u32 s6, $0x6  }
0x23a: {  	s14 =	sadd.s32 s19, s14;
	[tilespmem:s15+$0x30] =	vst v0  }
0x23b: {  	v0 =	vld [tilespmem:s14+$0x0];
	_ =	sdelay $0x4  }
0x23c: {  	s6 =	sshll.u32 s6, $0x7;
	v0 =	vmul.f32 $8.000000000e+00, v0  }
0x23d: {  	s1 =	sadd.s32 s6, s1  }
0x23e: {  	[tilespmem:s1+$0x0] =	vst v0  }
0x23f: {  	v0 =	vld [tilespmem:s14+$0x10];
	_ =	sdelay $0x4  }
0x240: {  	v0 =	vmul.f32 $8.000000000e+00, v0;
	_ =	sdelay $0x1  }
0x241: {  	[tilespmem:s1+$0x10] =	vst v0  }
0x242: {  	v0 =	vld [tilespmem:s14+$0x20];
	_ =	sdelay $0x4  }
0x243: {  	s20 =	simm.s32 $0x1;
	v0 =	vmul.f32 $8.000000000e+00, v0  }
0x244: {  	s6 =	smul.u32 $0xCD, s20  }
0x245: {  	[tilespmem:s1+$0x20] =	vst v0  }
0x246: {  	s6 =	sshrl.u32 s6, $0xA;
	v0 =	vld [tilespmem:s14+$0x30]  }
0x247: {  	s6 =	sand.u32 $0x3F, s6  }
0x248: {  	s23 =	smul.u32 $0x5, s6  }
0x249: {  	s24 =	smul.u32 $0x1400, s6  }
0x24a: {  	s18 =	simm.s32 $0x2;
	s14 =	ssub.s32 $0x1, s23  }
0x24b: {  	s17 =	smul.u32 $0x2800, s6;
	s6 =	sand.u32 $0xFF, s14;
	s14 =	sshrl.u32 s24, $0x2;
	v0 =	vmul.f32 $8.000000000e+00, v0  }
.LBB2_7:
0x24c: {  	s15 =	sadd.s32 $0x8000, s14  }
0x24d: {  	s19 =	sshll.u32 s6, $0x8;
	[tilespmem:s1+$0x30] =	vst v0;
	s14 =	smov.u32 s18;
	s23 =	sadd.s32 $0x1, s18  }
0x24e: {  	p1 =	sne.s32 s18, $0x27;
	s18 =	sadd.s32 s19, s15  }
0x24f: {  	v0 =	vld [tilespmem:s18+$0x0];
	_ =	sdelay $0x3  }
0x250: {  	s1 =	sshrl.u32 s17, $0x2  }
0x251: {  	s17 =	sshll.u32 s6, $0x9;
	s1 =	sadd.s32 $0xD000, s1;
	v0 =	vmul.f32 $8.000000000e+00, v0  }
0x252: {  	s17 =	sadd.s32 s17, s1  }
0x253: {  	[tilespmem:s17+$0x0] =	vst v0  }
0x254: {  	v0 =	vld [tilespmem:s18+$0x10];
	_ =	sdelay $0x4  }
0x255: {  	v0 =	vmul.f32 $8.000000000e+00, v0;
	_ =	sdelay $0x1  }
0x256: {  	[tilespmem:s17+$0x10] =	vst v0  }
0x257: {  	v0 =	vld [tilespmem:s18+$0x20];
	_ =	sdelay $0x4  }
0x258: {  	v0 =	vmul.f32 $8.000000000e+00, v0;
	_ =	sdelay $0x1  }
0x259: {  	[tilespmem:s17+$0x20] =	vst v0  }
0x25a: {  	v0 =	vld [tilespmem:s18+$0x30];
	_ =	sdelay $0x3  }
0x25b: {  	s18 =	sshll.u32 s6, $0x2  }
0x25c: {  	s19 =	sor.u32 $0x1, s18;
	s18 =	sor.u32 $0x2, s18;
	v0 =	vmul.f32 $8.000000000e+00, v0  }
0x25d: {  	s20 =	sshll.u32 s19, $0x6;
	s24 =	sshll.u32 s18, $0x6;
	s18 =	sshll.u32 s18, $0x7  }
0x25e: {  	[tilespmem:s17+$0x30] =	vst v0;
	s17 =	sadd.s32 s20, s15  }
0x25f: {  	v0 =	vld [tilespmem:s17+$0x0];
	_ =	sdelay $0x4  }
0x260: {  	s19 =	sshll.u32 s19, $0x7;
	v0 =	vmul.f32 $8.000000000e+00, v0  }
0x261: {  	s19 =	sadd.s32 s19, s1  }
0x262: {  	[tilespmem:s19+$0x0] =	vst v0  }
0x263: {  	v0 =	vld [tilespmem:s17+$0x10];
	_ =	sdelay $0x4  }
0x264: {  	v0 =	vmul.f32 $8.000000000e+00, v0;
	_ =	sdelay $0x1  }
0x265: {  	[tilespmem:s19+$0x10] =	vst v0  }
0x266: {  	v0 =	vld [tilespmem:s17+$0x20];
	_ =	sdelay $0x4  }
0x267: {  	v0 =	vmul.f32 $8.000000000e+00, v0;
	_ =	sdelay $0x1  }
0x268: {  	[tilespmem:s19+$0x20] =	vst v0  }
0x269: {  	v0 =	vld [tilespmem:s17+$0x30];
	_ =	sdelay $0x4  }
0x26a: {  	v0 =	vmul.f32 $8.000000000e+00, v0;
	_ =	sdelay $0x1  }
0x26b: {  	s17 =	sadd.s32 s24, s15;
	[tilespmem:s19+$0x30] =	vst v0  }
0x26c: {  	v0 =	vld [tilespmem:s17+$0x0];
	_ =	sdelay $0x4  }
0x26d: {  	v0 =	vmul.f32 $8.000000000e+00, v0  }
0x26e: {  	s18 =	sadd.s32 s18, s1  }
0x26f: {  	[tilespmem:s18+$0x0] =	vst v0  }
0x270: {  	v0 =	vld [tilespmem:s17+$0x10];
	_ =	sdelay $0x4  }
0x271: {  	v0 =	vmul.f32 $8.000000000e+00, v0;
	_ =	sdelay $0x1  }
0x272: {  	[tilespmem:s18+$0x10] =	vst v0  }
0x273: {  	v0 =	vld [tilespmem:s17+$0x20];
	_ =	sdelay $0x4  }
0x274: {  	v0 =	vmul.f32 $8.000000000e+00, v0;
	_ =	sdelay $0x1  }
0x275: {  	[tilespmem:s18+$0x20] =	vst v0  }
0x276: {  	v0 =	vld [tilespmem:s17+$0x30];
	_ =	sdelay $0x4  }
0x277: {  	s6 =	sshllo.u32 s6, $0x2;
	v0 =	vmul.f32 $8.000000000e+00, v0  }
0x278: {  	s17 =	sshll.u32 s6, $0x6;
	s6 =	sshll.u32 s6, $0x7  }
0x279: {  	s15 =	sadd.s32 s17, s15;
	[tilespmem:s18+$0x30] =	vst v0  }
0x27a: {  	v0 =	vld [tilespmem:s15+$0x0];
	_ =	sdelay $0x4  }
0x27b: {  	v0 =	vmul.f32 $8.000000000e+00, v0  }
0x27c: {  	s1 =	sadd.s32 s6, s1  }
0x27d: {  	[tilespmem:s1+$0x0] =	vst v0  }
0x27e: {  	v0 =	vld [tilespmem:s15+$0x10];
	_ =	sdelay $0x4  }
0x27f: {  	v0 =	vmul.f32 $8.000000000e+00, v0;
	_ =	sdelay $0x1  }
0x280: {  	[tilespmem:s1+$0x10] =	vst v0  }
0x281: {  	v0 =	vld [tilespmem:s15+$0x20];
	_ =	sdelay $0x4  }
0x282: {  	v0 =	vmul.f32 $8.000000000e+00, v0;
	_ =	sdelay $0x1  }
0x283: {  	s6 =	smul.u32 $0xCD, s14;
	[tilespmem:s1+$0x20] =	vst v0  }
0x284: {  	v0 =	vld [tilespmem:s15+$0x30]  }
0x285: {  	s6 =	sshrl.u32 s6, $0xA  }
.Ltmp2:
0x286: {  	s6 =	sand.u32 $0x3F, s6;
	(pc) =	sbr.rel @p1 .LBB2_7-.Ltmp2, $4  }
0x287: {  	s15 =	smul.u32 $0x5, s6  }
0x288: {  	s18 =	smul.u32 $0x1400, s6  }
0x289: {  	s17 =	smul.u32 $0x2800, s6;
	s14 =	ssub.s32 s14, s15;
	v0 =	vmul.f32 $8.000000000e+00, v0  }
0x28a: {  	s6 =	sand.u32 $0xFF, s14;
	s14 =	sshrl.u32 s18, $0x2;
	s18 =	smov.u32 s23  }
0x28b: {  	s14 =	sadd.s32 $0x8000, s14;
	s15 =	sshll.u32 s6, $0x8  }
0x28c: {  	[tilespmem:s1+$0x30] =	vst v0;
	s19 =	sadd.s32 s15, s14  }
0x28d: {  	v0 =	vld [tilespmem:s19+$0x0];
	_ =	sdelay $0x3  }
0x28e: {  	s20 =	sshrl.u32 s17, $0x2  }
0x28f: {  	s23 =	sshll.u32 s6, $0x9;
	s15 =	sadd.s32 $0xD000, s20;
	v0 =	vmul.f32 $8.000000000e+00, v0  }
0x290: {  	s17 =	sadd.s32 s23, s15  }
0x291: {  	[tilespmem:s17+$0x0] =	vst v0  }
0x292: {  	v0 =	vld [tilespmem:s19+$0x10];
	_ =	sdelay $0x4  }
0x293: {  	v0 =	vmul.f32 $8.000000000e+00, v0;
	_ =	sdelay $0x1  }
0x294: {  	[tilespmem:s17+$0x10] =	vst v0  }
0x295: {  	v0 =	vld [tilespmem:s19+$0x20];
	_ =	sdelay $0x4  }
0x296: {  	v0 =	vmul.f32 $8.000000000e+00, v0;
	_ =	sdelay $0x1  }
0x297: {  	[tilespmem:s17+$0x20] =	vst v0  }
0x298: {  	v0 =	vld [tilespmem:s19+$0x30];
	_ =	sdelay $0x3  }
0x299: {  	s24 =	sshll.u32 s6, $0x2  }
0x29a: {  	s18 =	sor.u32 $0x1, s24;
	v0 =	vmul.f32 $8.000000000e+00, v0  }
0x29b: {  	s19 =	sshll.u32 s18, $0x6  }
0x29c: {  	s19 =	sadd.s32 s19, s14;
	[tilespmem:s17+$0x30] =	vst v0  }
0x29d: {  	v0 =	vld [tilespmem:s19+$0x0];
	_ =	sdelay $0x4  }
0x29e: {  	s18 =	sshll.u32 s18, $0x7;
	v0 =	vmul.f32 $8.000000000e+00, v0  }
0x29f: {  	s18 =	sadd.s32 s18, s15  }
0x2a0: {  	[tilespmem:s18+$0x0] =	vst v0  }
0x2a1: {  	v0 =	vld [tilespmem:s19+$0x10];
	_ =	sdelay $0x4  }
0x2a2: {  	v0 =	vmul.f32 $8.000000000e+00, v0;
	_ =	sdelay $0x1  }
0x2a3: {  	[tilespmem:s18+$0x10] =	vst v0  }
0x2a4: {  	v0 =	vld [tilespmem:s19+$0x20];
	_ =	sdelay $0x4  }
0x2a5: {  	v0 =	vmul.f32 $8.000000000e+00, v0;
	_ =	sdelay $0x1  }
0x2a6: {  	[tilespmem:s18+$0x20] =	vst v0  }
0x2a7: {  	v0 =	vld [tilespmem:s19+$0x30];
	_ =	sdelay $0x4  }
0x2a8: {  	s1 =	sor.u32 $0x2, s24;
	v0 =	vmul.f32 $8.000000000e+00, v0  }
0x2a9: {  	s20 =	sshll.u32 s1, $0x6  }
0x2aa: {  	s17 =	sadd.s32 s20, s14;
	[tilespmem:s18+$0x30] =	vst v0  }
0x2ab: {  	v0 =	vld [tilespmem:s17+$0x0];
	_ =	sdelay $0x4  }
0x2ac: {  	s1 =	sshll.u32 s1, $0x7;
	v0 =	vmul.f32 $8.000000000e+00, v0  }
0x2ad: {  	s1 =	sadd.s32 s1, s15  }
0x2ae: {  	[tilespmem:s1+$0x0] =	vst v0  }
0x2af: {  	v0 =	vld [tilespmem:s17+$0x10];
	_ =	sdelay $0x4  }
0x2b0: {  	v0 =	vmul.f32 $8.000000000e+00, v0;
	_ =	sdelay $0x1  }
0x2b1: {  	[tilespmem:s1+$0x10] =	vst v0  }
0x2b2: {  	v0 =	vld [tilespmem:s17+$0x20];
	_ =	sdelay $0x4  }
0x2b3: {  	v0 =	vmul.f32 $8.000000000e+00, v0;
	_ =	sdelay $0x1  }
0x2b4: {  	[tilespmem:s1+$0x20] =	vst v0  }
0x2b5: {  	v0 =	vld [tilespmem:s17+$0x30];
	_ =	sdelay $0x4  }
0x2b6: {  	s23 =	sshllo.u32 s6, $0x2;
	v0 =	vmul.f32 $8.000000000e+00, v0  }
0x2b7: {  	s24 =	sshll.u32 s23, $0x6  }
0x2b8: {  	s18 =	sadd.s32 s24, s14;
	[tilespmem:s1+$0x30] =	vst v0  }
0x2b9: {  	v0 =	vld [tilespmem:s18+$0x0];
	_ =	sdelay $0x4  }
0x2ba: {  	s6 =	sshll.u32 s23, $0x7;
	v0 =	vmul.f32 $8.000000000e+00, v0  }
0x2bb: {  	s6 =	sadd.s32 s6, s15  }
0x2bc: {  	[tilespmem:s6+$0x0] =	vst v0  }
0x2bd: {  	v0 =	vld [tilespmem:s18+$0x10];
	_ =	sdelay $0x4  }
0x2be: {  	v0 =	vmul.f32 $8.000000000e+00, v0;
	_ =	sdelay $0x1  }
0x2bf: {  	[tilespmem:s6+$0x10] =	vst v0  }
0x2c0: {  	v0 =	vld [tilespmem:s18+$0x20];
	_ =	sdelay $0x4  }
0x2c1: {  	v0 =	vmul.f32 $8.000000000e+00, v0;
	_ =	sdelay $0x1  }
0x2c2: {  	[tilespmem:s6+$0x20] =	vst v0  }
0x2c3: {  	v0 =	vld [tilespmem:s18+$0x30];
	_ =	sdelay $0x2  }
0x2c4: {  	s19 =	sshll.u32 s31, $0x3  }
0x2c5: {  	s1 =	sadd.s32 s3, s19  }
0x2c6: {  	s14 =	smul.u32 $0x180, s1;
	v0 =	vmul.f32 $8.000000000e+00, v0;
	_ =	sdelay $0x1  }
0x2c7: {  	s24 =	simm.s32 $0xD000;
	s20 =	sadd.s32 s5, s14;
	[tilespmem:s6+$0x30] =	vst v0  }
0x2c8: {  	[hbm4b:s20+s2] =	stream.linear.scatter [tilespmem:s24], [sflag:$0x5], $0xA00, $0x38;
	[tilespmem:$0x17000] =	vst v63  }
0x2c9: {  	s31 =	simm.s32 $0xDA00;
	s23 =	sadd.s32 s14, s7  }
0x2ca: {  	[hbm4b:s23+s2] =	stream.linear.scatter [tilespmem:s31], [sflag:$0x5], $0xA00, $0x38;
	[tilespmem:$0x17000] =	vst v63  }
0x2cb: {  	s17 =	sadd.s32 s14, s8;
	s18 =	simm.s32 $0xE400  }
0x2cc: {  	[hbm4b:s17+s2] =	stream.linear.scatter [tilespmem:s18], [sflag:$0x5], $0xA00, $0x38;
	[tilespmem:$0x17000] =	vst v63  }
0x2cd: {  	s1 =	smul.u32 $0xC00, s1;
	s19 =	sadd.s32 s14, s9;
	s20 =	simm.s32 $0xEE00  }
0x2ce: {  	[hbm4b:s19+s2] =	stream.linear.scatter [tilespmem:s20], [sflag:$0x5], $0xA00, $0x38;
	[tilespmem:$0x17000] =	vst v63  }
0x2cf: {  	s1 =	sshrl.u32 s1, $0x3;
	s23 =	sadd.s32 s14, s10;
	s31 =	simm.s32 $0xF800  }
0x2d0: {  	[hbm4b:s23+s2] =	stream.linear.scatter [tilespmem:s31], [sflag:$0x5], $0xA00, $0x38;
	[tilespmem:$0x17000] =	vst v63  }
0x2d1: {  	s1 =	sadd.s32 s5, s1;
	s17 =	sadd.s32 s14, s11;
	s18 =	simm.s32 $0x10200  }
0x2d2: {  	[hbm4b:s17+s2] =	stream.linear.scatter [tilespmem:s18], [sflag:$0x5], $0xA00, $0x38;
	[tilespmem:$0x17000] =	vst v63  }
0x2d3: {  	s19 =	sadd.s32 $0x900, s1;
	s20 =	simm.s32 $0x10C00  }
0x2d4: {  	[hbm4b:s19+s2] =	stream.linear.scatter [tilespmem:s20], [sflag:$0x5], $0xA00, $0x38;
	[tilespmem:$0x17000] =	vst v63  }
0x2d5: {  	s1 =	sadd.s32 $0xA80, s1;
	s23 =	simm.s32 $0x11600  }
0x2d6: {  	[hbm4b:s1+s2] =	stream.linear.scatter [tilespmem:s23], [sflag:$0x5], $0xA00, $0x38;
	[tilespmem:$0x17000] =	vst v63  }
0x2d7: {  	s6 =	simm.s32 @!p0 $0x14;
	s14 =	simm.s32 @!p0 $0x5800;
	s1 =	sadd.s32 @!p0 $0x3C0, s0  }
0x2d8: {  	[tilespmem:s14], [sflag:$0x2] =	stream.indirect.gather @!p0 [hbm4b:s4+s6], $0x40, s1, s6, $0xb8;
	[tilespmem:$0x17000] =	vst v63  }
0x2d9: {  	s1 =	sadd.s32 @!p0 $0x3D8, s0;
	s14 =	simm.s32 @!p0 $0x5D00  }
0x2da: {  	[tilespmem:s14], [sflag:$0x2] =	stream.indirect.gather @!p0 [hbm4b:s4+s6], $0x40, s1, s6, $0xb8;
	[tilespmem:$0x17000] =	vst v63  }
0x2db: {  	s1 =	sadd.s32 @!p0 $0x3F0, s0;
	s14 =	simm.s32 @!p0 $0x6200  }
0x2dc: {  	[tilespmem:s14], [sflag:$0x2] =	stream.indirect.gather @!p0 [hbm4b:s4+s6], $0x40, s1, s6, $0xb8;
	[tilespmem:$0x17000] =	vst v63  }
0x2dd: {  	s1 =	sadd.s32 @!p0 $0x408, s0;
	s14 =	simm.s32 @!p0 $0x6700  }
0x2de: {  	[tilespmem:s14], [sflag:$0x2] =	stream.indirect.gather @!p0 [hbm4b:s4+s6], $0x40, s1, s6, $0xb8;
	[tilespmem:$0x17000] =	vst v63  }
0x2df: {  	s1 =	sadd.s32 @!p0 $0x420, s0;
	s14 =	simm.s32 @!p0 $0x6C00  }
0x2e0: {  	[tilespmem:s14], [sflag:$0x2] =	stream.indirect.gather @!p0 [hbm4b:s4+s6], $0x40, s1, s6, $0xb8;
	[tilespmem:$0x17000] =	vst v63  }
0x2e1: {  	s1 =	sadd.s32 @!p0 $0x438, s0;
	s14 =	simm.s32 @!p0 $0x7100  }
0x2e2: {  	[tilespmem:s14], [sflag:$0x2] =	stream.indirect.gather @!p0 [hbm4b:s4+s6], $0x40, s1, s6, $0xb8;
	[tilespmem:$0x17000] =	vst v63  }
0x2e3: {  	s31 =	simm.s32 $0x0;
	s1 =	sadd.s32 @!p0 $0x450, s0;
	s14 =	simm.s32 @!p0 $0x7600  }
0x2e4: {  	[tilespmem:s14], [sflag:$0x2] =	stream.indirect.gather @!p0 [hbm4b:s4+s6], $0x40, s1, s6, $0xb8;
	[tilespmem:$0x17000] =	vst v63  }
0x2e5: {  	s0 =	sadd.s32 @!p0 $0x468, s0;
	s14 =	simm.s32 @!p0 $0x7B00;
	s1 =	smul.u32 $0xCD, s31  }
0x2e6: {  	[tilespmem:s14], [sflag:$0x2] =	stream.indirect.gather @!p0 [hbm4b:s4+s6], $0x40, s0, s6, $0xb8;
	[tilespmem:$0x17000] =	vst v63  }
0x2e7: {  	s6 =	sshrl.u32 s1, $0xA  }
0x2e8: {  	s0 =	sand.u32 $0x3F, s6  }
0x2e9: {  	_ =	swait.ge [sflag:s26], $0x2800;
	s14 =	smul.u32 $0x5, s0  }
0x2ea: {  	[sflag:s26] =	ssyncset.done $0x0;
	s15 =	smul.u32 $0x1400, s0  }
0x2eb: {  	[sflag:s26] =	ssyncadd.s32 $0xFFFFD800;
	s1 =	ssub.s32 $0x0, s14  }
0x2ec: {  	_ =	swait.ge [sflag:s28], $0x5000;
	s6 =	sshrl.u32 s15, $0x2;
	s1 =	sand.u32 $0xFF, s1  }
0x2ed: {  	[sflag:s28] =	ssyncset.done $0x0;
	s6 =	sadd.s32 $0xA800, s6;
	s17 =	sshll.u32 s1, $0x8  }
0x2ee: {  	[sflag:s28] =	ssyncadd.s32 $0xFFFFB000;
	s14 =	sadd.s32 s17, s6  }
0x2ef: {  	v0 =	vld [tilespmem:s14+$0x0];
	_ =	sdelay $0x1  }
0x2f0: {  	s0 =	smul.u32 $0x2800, s0;
	_ =	sdelay $0x1  }
0x2f1: {  	s0 =	sshrl.u32 s0, $0x2  }
0x2f2: {  	s0 =	sadd.s32 $0xD000, s0;
	s18 =	sshll.u32 s1, $0x9;
	v0 =	vmul.f32 $8.000000000e+00, v0  }
0x2f3: {  	s15 =	sadd.s32 s18, s0  }
0x2f4: {  	[tilespmem:s15+$0x5000] =	vst v0  }
0x2f5: {  	v0 =	vld [tilespmem:s14+$0x10];
	_ =	sdelay $0x4  }
0x2f6: {  	v0 =	vmul.f32 $8.000000000e+00, v0;
	_ =	sdelay $0x1  }
0x2f7: {  	[tilespmem:s15+$0x5010] =	vst v0  }
0x2f8: {  	v0 =	vld [tilespmem:s14+$0x20];
	_ =	sdelay $0x4  }
0x2f9: {  	v0 =	vmul.f32 $8.000000000e+00, v0;
	_ =	sdelay $0x1  }
0x2fa: {  	[tilespmem:s15+$0x5020] =	vst v0  }
0x2fb: {  	v0 =	vld [tilespmem:s14+$0x30];
	_ =	sdelay $0x3  }
0x2fc: {  	s19 =	sshll.u32 s1, $0x2  }
0x2fd: {  	s20 =	sor.u32 $0x1, s19;
	v0 =	vmul.f32 $8.000000000e+00, v0  }
0x2fe: {  	s23 =	sshll.u32 s20, $0x6  }
0x2ff: {  	s31 =	sadd.s32 s23, s6;
	[tilespmem:s15+$0x5030] =	vst v0  }
0x300: {  	v0 =	vld [tilespmem:s31+$0x0];
	_ =	sdelay $0x4  }
0x301: {  	s17 =	sshll.u32 s20, $0x7;
	v0 =	vmul.f32 $8.000000000e+00, v0  }
0x302: {  	s17 =	sadd.s32 s17, s0  }
0x303: {  	[tilespmem:s17+$0x5000] =	vst v0  }
0x304: {  	v0 =	vld [tilespmem:s31+$0x10];
	_ =	sdelay $0x4  }
0x305: {  	v0 =	vmul.f32 $8.000000000e+00, v0;
	_ =	sdelay $0x1  }
0x306: {  	[tilespmem:s17+$0x5010] =	vst v0  }
0x307: {  	v0 =	vld [tilespmem:s31+$0x20];
	_ =	sdelay $0x4  }
0x308: {  	v0 =	vmul.f32 $8.000000000e+00, v0;
	_ =	sdelay $0x1  }
0x309: {  	[tilespmem:s17+$0x5020] =	vst v0  }
0x30a: {  	v0 =	vld [tilespmem:s31+$0x30];
	_ =	sdelay $0x4  }
0x30b: {  	s14 =	sor.u32 $0x2, s19;
	v0 =	vmul.f32 $8.000000000e+00, v0  }
0x30c: {  	s18 =	sshll.u32 s14, $0x6  }
0x30d: {  	s15 =	sadd.s32 s18, s6;
	[tilespmem:s17+$0x5030] =	vst v0  }
0x30e: {  	v0 =	vld [tilespmem:s15+$0x0];
	_ =	sdelay $0x4  }
0x30f: {  	s14 =	sshll.u32 s14, $0x7;
	v0 =	vmul.f32 $8.000000000e+00, v0  }
0x310: {  	s14 =	sadd.s32 s14, s0  }
0x311: {  	[tilespmem:s14+$0x5000] =	vst v0  }
0x312: {  	v0 =	vld [tilespmem:s15+$0x10];
	_ =	sdelay $0x4  }
0x313: {  	v0 =	vmul.f32 $8.000000000e+00, v0;
	_ =	sdelay $0x1  }
0x314: {  	[tilespmem:s14+$0x5010] =	vst v0  }
0x315: {  	v0 =	vld [tilespmem:s15+$0x20];
	_ =	sdelay $0x4  }
0x316: {  	v0 =	vmul.f32 $8.000000000e+00, v0;
	_ =	sdelay $0x1  }
0x317: {  	[tilespmem:s14+$0x5020] =	vst v0  }
0x318: {  	v0 =	vld [tilespmem:s15+$0x30];
	_ =	sdelay $0x4  }
0x319: {  	s1 =	sshllo.u32 s1, $0x2;
	v0 =	vmul.f32 $8.000000000e+00, v0  }
0x31a: {  	s19 =	sshll.u32 s1, $0x6  }
0x31b: {  	s6 =	sadd.s32 s19, s6;
	[tilespmem:s14+$0x5030] =	vst v0  }
0x31c: {  	v0 =	vld [tilespmem:s6+$0x0];
	_ =	sdelay $0x4  }
0x31d: {  	s1 =	sshll.u32 s1, $0x7;
	v0 =	vmul.f32 $8.000000000e+00, v0  }
0x31e: {  	s1 =	sadd.s32 s1, s0  }
0x31f: {  	[tilespmem:s1+$0x5000] =	vst v0  }
0x320: {  	v0 =	vld [tilespmem:s6+$0x10];
	_ =	sdelay $0x4  }
0x321: {  	v0 =	vmul.f32 $8.000000000e+00, v0;
	_ =	sdelay $0x1  }
0x322: {  	[tilespmem:s1+$0x5010] =	vst v0  }
0x323: {  	v0 =	vld [tilespmem:s6+$0x20];
	_ =	sdelay $0x4  }
0x324: {  	s20 =	simm.s32 $0x1;
	v0 =	vmul.f32 $8.000000000e+00, v0  }
0x325: {  	s0 =	smul.u32 $0xCD, s20  }
0x326: {  	[tilespmem:s1+$0x5020] =	vst v0  }
0x327: {  	s0 =	sshrl.u32 s0, $0xA;
	v0 =	vld [tilespmem:s6+$0x30]  }
0x328: {  	s0 =	sand.u32 $0x3F, s0  }
0x329: {  	s23 =	smul.u32 $0x5, s0  }
0x32a: {  	s31 =	smul.u32 $0x1400, s0  }
0x32b: {  	s18 =	simm.s32 $0x2;
	s6 =	ssub.s32 $0x1, s23  }
0x32c: {  	s17 =	smul.u32 $0x2800, s0;
	s14 =	sshrl.u32 s31, $0x2;
	s0 =	sand.u32 $0xFF, s6;
	v0 =	vmul.f32 $8.000000000e+00, v0  }
.LBB2_9:
0x32d: {  	s15 =	sadd.s32 $0xA800, s14  }
0x32e: {  	s19 =	sshll.u32 s0, $0x8;
	[tilespmem:s1+$0x5030] =	vst v0;
	s14 =	smov.u32 s18;
	s6 =	sadd.s32 $0x1, s18  }
0x32f: {  	p0 =	sne.s32 s18, $0x27;
	s18 =	sadd.s32 s19, s15  }
0x330: {  	v0 =	vld [tilespmem:s18+$0x0];
	_ =	sdelay $0x3  }
0x331: {  	s1 =	sshrl.u32 s17, $0x2  }
0x332: {  	s17 =	sshll.u32 s0, $0x9;
	s1 =	sadd.s32 $0xD000, s1;
	v0 =	vmul.f32 $8.000000000e+00, v0  }
0x333: {  	s17 =	sadd.s32 s17, s1  }
0x334: {  	[tilespmem:s17+$0x5000] =	vst v0  }
0x335: {  	v0 =	vld [tilespmem:s18+$0x10];
	_ =	sdelay $0x4  }
0x336: {  	v0 =	vmul.f32 $8.000000000e+00, v0;
	_ =	sdelay $0x1  }
0x337: {  	[tilespmem:s17+$0x5010] =	vst v0  }
0x338: {  	v0 =	vld [tilespmem:s18+$0x20];
	_ =	sdelay $0x4  }
0x339: {  	v0 =	vmul.f32 $8.000000000e+00, v0;
	_ =	sdelay $0x1  }
0x33a: {  	[tilespmem:s17+$0x5020] =	vst v0  }
0x33b: {  	v0 =	vld [tilespmem:s18+$0x30];
	_ =	sdelay $0x3  }
0x33c: {  	s18 =	sshll.u32 s0, $0x2  }
0x33d: {  	s19 =	sor.u32 $0x1, s18;
	s18 =	sor.u32 $0x2, s18;
	v0 =	vmul.f32 $8.000000000e+00, v0  }
0x33e: {  	s20 =	sshll.u32 s19, $0x6;
	s23 =	sshll.u32 s18, $0x6;
	s18 =	sshll.u32 s18, $0x7  }
0x33f: {  	[tilespmem:s17+$0x5030] =	vst v0;
	s17 =	sadd.s32 s20, s15  }
0x340: {  	v0 =	vld [tilespmem:s17+$0x0];
	_ =	sdelay $0x4  }
0x341: {  	s19 =	sshll.u32 s19, $0x7;
	v0 =	vmul.f32 $8.000000000e+00, v0  }
0x342: {  	s19 =	sadd.s32 s19, s1  }
0x343: {  	[tilespmem:s19+$0x5000] =	vst v0  }
0x344: {  	v0 =	vld [tilespmem:s17+$0x10];
	_ =	sdelay $0x4  }
0x345: {  	v0 =	vmul.f32 $8.000000000e+00, v0;
	_ =	sdelay $0x1  }
0x346: {  	[tilespmem:s19+$0x5010] =	vst v0  }
0x347: {  	v0 =	vld [tilespmem:s17+$0x20];
	_ =	sdelay $0x4  }
0x348: {  	v0 =	vmul.f32 $8.000000000e+00, v0;
	_ =	sdelay $0x1  }
0x349: {  	[tilespmem:s19+$0x5020] =	vst v0  }
0x34a: {  	v0 =	vld [tilespmem:s17+$0x30];
	_ =	sdelay $0x4  }
0x34b: {  	v0 =	vmul.f32 $8.000000000e+00, v0;
	_ =	sdelay $0x1  }
0x34c: {  	s17 =	sadd.s32 s23, s15;
	[tilespmem:s19+$0x5030] =	vst v0  }
0x34d: {  	v0 =	vld [tilespmem:s17+$0x0];
	_ =	sdelay $0x4  }
0x34e: {  	v0 =	vmul.f32 $8.000000000e+00, v0  }
0x34f: {  	s18 =	sadd.s32 s18, s1  }
0x350: {  	[tilespmem:s18+$0x5000] =	vst v0  }
0x351: {  	v0 =	vld [tilespmem:s17+$0x10];
	_ =	sdelay $0x4  }
0x352: {  	v0 =	vmul.f32 $8.000000000e+00, v0;
	_ =	sdelay $0x1  }
0x353: {  	[tilespmem:s18+$0x5010] =	vst v0  }
0x354: {  	v0 =	vld [tilespmem:s17+$0x20];
	_ =	sdelay $0x4  }
0x355: {  	v0 =	vmul.f32 $8.000000000e+00, v0;
	_ =	sdelay $0x1  }
0x356: {  	[tilespmem:s18+$0x5020] =	vst v0  }
0x357: {  	v0 =	vld [tilespmem:s17+$0x30];
	_ =	sdelay $0x4  }
0x358: {  	s0 =	sshllo.u32 s0, $0x2;
	v0 =	vmul.f32 $8.000000000e+00, v0  }
0x359: {  	s17 =	sshll.u32 s0, $0x6;
	s0 =	sshll.u32 s0, $0x7  }
0x35a: {  	s15 =	sadd.s32 s17, s15;
	[tilespmem:s18+$0x5030] =	vst v0  }
0x35b: {  	v0 =	vld [tilespmem:s15+$0x0];
	_ =	sdelay $0x4  }
0x35c: {  	v0 =	vmul.f32 $8.000000000e+00, v0  }
0x35d: {  	s1 =	sadd.s32 s0, s1  }
0x35e: {  	[tilespmem:s1+$0x5000] =	vst v0  }
0x35f: {  	v0 =	vld [tilespmem:s15+$0x10];
	_ =	sdelay $0x4  }
0x360: {  	v0 =	vmul.f32 $8.000000000e+00, v0;
	_ =	sdelay $0x1  }
0x361: {  	[tilespmem:s1+$0x5010] =	vst v0  }
0x362: {  	v0 =	vld [tilespmem:s15+$0x20];
	_ =	sdelay $0x4  }
0x363: {  	v0 =	vmul.f32 $8.000000000e+00, v0;
	_ =	sdelay $0x1  }
0x364: {  	s0 =	smul.u32 $0xCD, s14;
	[tilespmem:s1+$0x5020] =	vst v0  }
0x365: {  	v0 =	vld [tilespmem:s15+$0x30]  }
0x366: {  	s0 =	sshrl.u32 s0, $0xA  }
.Ltmp3:
0x367: {  	s0 =	sand.u32 $0x3F, s0;
	(pc) =	sbr.rel @p0 .LBB2_9-.Ltmp3, $4  }
0x368: {  	s15 =	smul.u32 $0x5, s0  }
0x369: {  	s18 =	smul.u32 $0x1400, s0  }
0x36a: {  	s17 =	smul.u32 $0x2800, s0;
	s14 =	ssub.s32 s14, s15;
	v0 =	vmul.f32 $8.000000000e+00, v0  }
0x36b: {  	s0 =	sand.u32 $0xFF, s14;
	s14 =	sshrl.u32 s18, $0x2;
	s18 =	smov.u32 s6  }
0x36c: {  	s6 =	sadd.s32 $0xA800, s14;
	s18 =	sshll.u32 s0, $0x8  }
0x36d: {  	[tilespmem:s1+$0x5030] =	vst v0;
	s19 =	sadd.s32 s18, s6  }
0x36e: {  	v0 =	vld [tilespmem:s19+$0x0];
	_ =	sdelay $0x3  }
0x36f: {  	s20 =	sshrl.u32 s17, $0x2  }
0x370: {  	s15 =	sshll.u32 s0, $0x9;
	s14 =	sadd.s32 $0xD000, s20;
	v0 =	vmul.f32 $8.000000000e+00, v0  }
0x371: {  	s15 =	sadd.s32 s15, s14  }
0x372: {  	[tilespmem:s15+$0x5000] =	vst v0  }
0x373: {  	v0 =	vld [tilespmem:s19+$0x10];
	_ =	sdelay $0x4  }
0x374: {  	v0 =	vmul.f32 $8.000000000e+00, v0;
	_ =	sdelay $0x1  }
0x375: {  	[tilespmem:s15+$0x5010] =	vst v0  }
0x376: {  	v0 =	vld [tilespmem:s19+$0x20];
	_ =	sdelay $0x4  }
0x377: {  	v0 =	vmul.f32 $8.000000000e+00, v0;
	_ =	sdelay $0x1  }
0x378: {  	[tilespmem:s15+$0x5020] =	vst v0  }
0x379: {  	v0 =	vld [tilespmem:s19+$0x30];
	_ =	sdelay $0x3  }
0x37a: {  	s23 =	sshll.u32 s0, $0x2  }
0x37b: {  	s31 =	sor.u32 $0x1, s23;
	v0 =	vmul.f32 $8.000000000e+00, v0  }
0x37c: {  	s18 =	sshll.u32 s31, $0x6  }
0x37d: {  	s19 =	sadd.s32 s18, s6;
	[tilespmem:s15+$0x5030] =	vst v0  }
0x37e: {  	v0 =	vld [tilespmem:s19+$0x0];
	_ =	sdelay $0x4  }
0x37f: {  	s17 =	sshll.u32 s31, $0x7;
	v0 =	vmul.f32 $8.000000000e+00, v0  }
0x380: {  	s17 =	sadd.s32 s17, s14  }
0x381: {  	[tilespmem:s17+$0x5000] =	vst v0  }
0x382: {  	v0 =	vld [tilespmem:s19+$0x10];
	_ =	sdelay $0x4  }
0x383: {  	v0 =	vmul.f32 $8.000000000e+00, v0;
	_ =	sdelay $0x1  }
0x384: {  	[tilespmem:s17+$0x5010] =	vst v0  }
0x385: {  	v0 =	vld [tilespmem:s19+$0x20];
	_ =	sdelay $0x4  }
0x386: {  	v0 =	vmul.f32 $8.000000000e+00, v0;
	_ =	sdelay $0x1  }
0x387: {  	[tilespmem:s17+$0x5020] =	vst v0  }
0x388: {  	v0 =	vld [tilespmem:s19+$0x30];
	_ =	sdelay $0x4  }
0x389: {  	s1 =	sor.u32 $0x2, s23;
	v0 =	vmul.f32 $8.000000000e+00, v0  }
0x38a: {  	s20 =	sshll.u32 s1, $0x6  }
0x38b: {  	s15 =	sadd.s32 s20, s6;
	[tilespmem:s17+$0x5030] =	vst v0  }
0x38c: {  	v0 =	vld [tilespmem:s15+$0x0];
	_ =	sdelay $0x4  }
0x38d: {  	s1 =	sshll.u32 s1, $0x7;
	v0 =	vmul.f32 $8.000000000e+00, v0  }
0x38e: {  	s1 =	sadd.s32 s1, s14  }
0x38f: {  	[tilespmem:s1+$0x5000] =	vst v0  }
0x390: {  	v0 =	vld [tilespmem:s15+$0x10];
	_ =	sdelay $0x4  }
0x391: {  	v0 =	vmul.f32 $8.000000000e+00, v0;
	_ =	sdelay $0x1  }
0x392: {  	[tilespmem:s1+$0x5010] =	vst v0  }
0x393: {  	v0 =	vld [tilespmem:s15+$0x20];
	_ =	sdelay $0x4  }
0x394: {  	v0 =	vmul.f32 $8.000000000e+00, v0;
	_ =	sdelay $0x1  }
0x395: {  	[tilespmem:s1+$0x5020] =	vst v0  }
0x396: {  	v0 =	vld [tilespmem:s15+$0x30];
	_ =	sdelay $0x4  }
0x397: {  	s23 =	sshllo.u32 s0, $0x2;
	v0 =	vmul.f32 $8.000000000e+00, v0  }
0x398: {  	s31 =	sshll.u32 s23, $0x6  }
0x399: {  	s15 =	sadd.s32 s31, s6;
	[tilespmem:s1+$0x5030] =	vst v0  }
0x39a: {  	v0 =	vld [tilespmem:s15+$0x0];
	_ =	sdelay $0x4  }
0x39b: {  	s0 =	sshll.u32 s23, $0x7;
	v0 =	vmul.f32 $8.000000000e+00, v0  }
0x39c: {  	s0 =	sadd.s32 s0, s14  }
0x39d: {  	[tilespmem:s0+$0x5000] =	vst v0  }
0x39e: {  	v0 =	vld [tilespmem:s15+$0x10];
	_ =	sdelay $0x4  }
0x39f: {  	v0 =	vmul.f32 $8.000000000e+00, v0;
	_ =	sdelay $0x1  }
0x3a0: {  	[tilespmem:s0+$0x5010] =	vst v0  }
0x3a1: {  	v0 =	vld [tilespmem:s15+$0x20];
	_ =	sdelay $0x4  }
0x3a2: {  	v0 =	vmul.f32 $8.000000000e+00, v0;
	_ =	sdelay $0x1  }
0x3a3: {  	[tilespmem:s0+$0x5020] =	vst v0  }
0x3a4: {  	v0 =	vld [tilespmem:s15+$0x30];
	_ =	sdelay $0x2  }
0x3a5: {  	s17 =	sshll.u32 s30, $0x3  }
0x3a6: {  	s1 =	sadd.s32 s3, s17  }
0x3a7: {  	s6 =	smul.u32 $0x180, s1;
	v0 =	vmul.f32 $8.000000000e+00, v0;
	_ =	sdelay $0x1  }
0x3a8: {  	s19 =	simm.s32 $0x12000;
	s1 =	smul.u32 $0xC00, s1;
	s18 =	sadd.s32 s5, s6;
	[tilespmem:s0+$0x5030] =	vst v0  }
0x3a9: {  	[hbm4b:s18+s2] =	stream.linear.scatter [tilespmem:s19], [sflag:$0x6], $0xA00, $0x38;
	[tilespmem:$0x17000] =	vst v63  }
0x3aa: {  	s23 =	simm.s32 $0x12A00;
	s20 =	sadd.s32 s6, s7;
	s1 =	sshrl.u32 s1, $0x3  }
0x3ab: {  	[hbm4b:s20+s2] =	stream.linear.scatter [tilespmem:s23], [sflag:$0x6], $0xA00, $0x38;
	[tilespmem:$0x17000] =	vst v63  }
0x3ac: {  	s31 =	simm.s32 $0x13400;
	s30 =	sadd.s32 s6, s8;
	s0 =	sadd.s32 s5, s1  }
0x3ad: {  	[hbm4b:s30+s2] =	stream.linear.scatter [tilespmem:s31], [sflag:$0x6], $0xA00, $0x38;
	[tilespmem:$0x17000] =	vst v63  }
0x3ae: {  	s15 =	simm.s32 $0x13E00;
	s14 =	sadd.s32 $0x480, s0  }
0x3af: {  	[hbm4b:s14+s2] =	stream.linear.scatter [tilespmem:s15], [sflag:$0x6], $0xA00, $0x38;
	[tilespmem:$0x17000] =	vst v63  }
0x3b0: {  	s29 =	sadd.s32 $0x1, s29;
	s17 =	sadd.s32 $0x600, s0;
	s18 =	simm.s32 $0x14800  }
0x3b1: {  	[hbm4b:s17+s2] =	stream.linear.scatter [tilespmem:s18], [sflag:$0x6], $0xA00, $0x38;
	[tilespmem:$0x17000] =	vst v63  }
0x3b2: {  	p0 =	sne.s32 s29, $0x10;
	s0 =	sadd.s32 $0x780, s0;
	s19 =	simm.s32 $0x15200  }
0x3b3: {  	[hbm4b:s0+s2] =	stream.linear.scatter [tilespmem:s19], [sflag:$0x6], $0xA00, $0x38;
	[tilespmem:$0x17000] =	vst v63  }
.Ltmp4:
0x3b4: {  	_ = 	snop;
	(pc) =	sbr.rel @p0 .LBB2_2-.Ltmp4, $4  }
0x3b5: {  	s20 =	sadd.s32 s6, s12;
	s23 =	simm.s32 $0x15C00  }
0x3b6: {  	[hbm4b:s20+s2] =	stream.linear.scatter [tilespmem:s23], [sflag:$0x6], $0xA00, $0x38;
	[tilespmem:$0x17000] =	vst v63  }
0x3b7: {  	s30 =	sadd.s32 s6, s13;
	s31 =	simm.s32 $0x16600  }
0x3b8: {  	[hbm4b:s30+s2] =	stream.linear.scatter [tilespmem:s31], [sflag:$0x6], $0xA00, $0x38;
	[tilespmem:$0x17000] =	vst v63  }
0x3b9: {  	_ =	swait.ge [sflag:s25], $0x5000  }
0x3ba: {  	[sflag:s25] =	ssyncset.done $0x0  }
0x3bb: {  	[sflag:s25] =	ssyncadd.s32 $0xFFFFB000  }
0x3bc: {  	_ =	swait.ge [sflag:s28], $0x5000  }
0x3bd: {  	s1 =	rddreg [dreg:$0x5]  }
0x3be: {  	s0 =	rddreg [dreg:$0x4];
	s1 =	sadd.s32 $0x1, s1  }
0x3bf: {  	p0 =	sne.s32 s1, s0  }
.Ltmp5:
0x3c0: {  	_ = 	snop;
	(pc) =	sbr.rel @p0 .LBB2_1-.Ltmp5, $3  }
0x3c1: {  	_ =	sdelay $0x1  }
0x3c2: {  	[sflag:s28] =	ssyncset.done $0x0  }
0x3c3: {  	[sflag:s28] =	ssyncadd.s32 $0xFFFFB000  }
0x3c4: {  	_ =	sfence.sel $0x180000  }
0x3c5: {  	[bflag:$0x0] =	sbarrier.arrive $0xFFFF  }
0x3c6: {  	_ =	strace $0x90000047  }
0x3c7: {  	s0 =	stileid.u32;
	[bflag:$0x2] =	sbarrier.arrive $0xFFFF  }
0x3c8: {  	p0 =	sne.s32 s0, $0x0;
	s0 =	rddreg [dreg:$0x2]  }
0x3c9: {  	s0 =	sadd.s32 @!p0 $0x100000, s0  }
0x3ca: {  	[sflag:s0] =	ssyncadd.tile.s32 @!p0 $0x1;
	_ =	shalt  }
.Lfunc_end2:
_tile_overlayer_lowered:
.L_overlay_start_2:
0x3cb: {  	(tag) =	ssettag $0x2  }
0x3cc: {  	s0 =	rddreg [dreg:$0x0];
	s2 =	stileid.u32  }
0x3cd: {  	s1 =	rddreg [dreg:$0x1];
	p0 =	sne.s32 s2, $0x0  }
0x3ce: {  	s3 =	rddreg [dreg:$0x2];
	[bflag:$0x3] =	sbarrier.arrive $0xFFFF;
	s2 =	simm.s32 @!p0 $0x1C07  }
0x3cf: {  	[timem:s3], [sflag:s2] =	dma.local @!p0 [hbm:s0], s1  }
0x3d0: {  	s0 =	simm.s32 @!p0 $0x7  }
0x3d1: {  	_ =	swait.ge @!p0 [sflag:s0], s1  }
0x3d2: {  	s1 =	ssub.s32 @!p0 $0x0, s1;
	[sflag:s0] =	ssyncset.done @!p0 $0x0  }
0x3d3: {  	[sflag:s0] =	ssyncadd.s32 @!p0 s1  }
0x3d4: {  	[bflag:$0x3] =	sbarrier.arrive $0xFFFF  }
0x3d5: {  	_ =	shalt  }

// kernel: sparse-core-data-format-call.cloned.1.call-start
scs
called_computation_lowered:
.L_overlay_start_0:
0x0: {  	s2 =	sld [smem:$0x3FD9]  }
0x1: {  	s3 =	sld [smem:$0x3FFE];
	_ =	sdelay $0x1  }
0x2: {  	s1 =	srdreg.scid  }
0x3: {  	s0 =	sand.u32 $0x1, s1  }
0x4: {  	s18 =	sshll.u32 s0, $0xA;
	s2 =	sadd.s32 s3, s2  }
0x5: {  	s2 =	sadd.s32 s2, s18  }
0x6: {  	[smem:$0x3FC6] =	sst s2  }
0x7: {  	_ = 	snop  }
0x8: {  	s2 =	sld [smem:$0x3FD0];
	(tm) =	ssettm $0x1  }
0x9: {  	s19 =	sld [smem:$0x3FFB];
	_ =	sdelay $0x3  }
0xa: {  	_ =	strace s19  }
0xb: {  	s3 =	sld [smem:$0x3FFC];
	_ =	sdelay $0x3  }
0xc: {  	_ =	strace s3  }
0xd: {  	s3 =	sld [smem:$0x3FFD];
	_ =	sdelay $0x3  }
0xe: {  	_ =	strace s3  }
0xf: {  	_ =	strace $0x8FFFFFFF  }
0x10: {  	s20 =	sld [smem:$0x3FDB];
	_ =	sdelay $0x1  }
0x11: {  	s4 =	simm.s32 $_scs_section_size  }
0x12: {  	s5 =	simm.s32 $_size__tile_overlayer_lowered;
	s6 =	simm.s32 $_tile_overlayer_lowered  }
0x13: {  	s23 =	simm.s32 $0x1BFF;
	s22 =	sshll.u32 s6, $0x1;
	s3 =	sadd.s32 s4, s20  }
0x14: {  	s7 =	simm.s32 $0x0;
	s21 =	sshll.u32 s5, $0x1;
	s5 =	sadd.s32 s22, s3  }
0x15: {  	[timem:s7], [sflag:s23] =	dma.local [hbm:s5], s21  }
0x16: {  	_ =	swait.ge [sflag:s23], s21  }
0x17: {  	s4 =	ssub.s32 $0x0, s21;
	[sflag:s23] =	ssyncset.done $0x0  }
0x18: {  	[sflag:s23] =	ssyncadd.s32 s4;
	_ =	sdelay $0x1  }
0x19: {  	s24 =	simm.s32 $0x1B8B  }
0x1a: {  	_ =	swait.ge [sflag:s24], $0x1  }
0x1b: {  	[sflag:s24] =	ssyncset.done $0x0  }
0x1c: {  	s26 =	simm.s32 $0x1B8E;
	s25 =	sld [smem:$0x3FFE];
	[sflag:s24] =	ssyncadd.s32 $0xFFFFFFFF  }
0x1d: {  	s27 =	simm.s32 $execute0_lowered;
	[smem:$0x3FD2] =	sst s26  }
0x1e: {  	s5 =	sshll.u32 s27, $0x1;
	_ =	strace $0x80000049;
	[dreg:$0x1] =	wrdreg $0xFFFFFFFF  }
0x1f: {  	s28 =	simm.s32 $_size_execute0_lowered;
	s3 =	sadd.s32 s3, s5;
	[dreg:$0x0] =	wrdreg $0x0  }
0x20: {  	s5 =	sshll.u32 s28, $0x1;
	[dreg:$0x2] =	wrdreg s3  }
0x21: {  	[dreg:$0x3] =	wrdreg s5  }
0x22: {  	[dreg:$0x4] =	wrdreg $0xC0  }
0x23: {  	_ =	task [dreg:s7], $0x5FFFF  }
0x24: {  	[dreg:$0x1] =	wrdreg $0xFFFFFFFF  }
0x25: {  	[dreg:$0x0] =	wrdreg $0x60  }
0x26: {  	[dreg:$0x2] =	wrdreg s25  }
0x27: {  	[dreg:$0x3] =	wrdreg s2  }
0x28: {  	[dreg:$0x4] =	wrdreg $0x9  }
0x29: {  	_ =	task.clear_ibuf [dreg:s7], $0x5FFFF;
	_ =	strace $0x90000049  }
0x2a: {  	s29 =	simm.s32 $0x9;
	_ =	strace $0x8000004B  }
0x2b: {  	_ =	swait.ge [sflag:s29], $0x1  }
0x2c: {  	[sflag:s29] =	ssyncadd.s32 $0xFFFFFFFF  }
0x2d: {  	_ =	strace $0x9000004B  }
0x2e: {  	_ =	sfence  }
0x2f: {  	s30 =	sld [smem:$0x0];
	_ =	sdelay $0x2  }
0x30: {  	s31 =	sshll.u32 s1, $0xD;
	s1 =	sshrl.u32 s1, $0x2  }
0x31: {  	s3 =	sand.u32 $0x4000, s31;
	s1 =	sadd.s32 s1, s30  }
0x32: {  	s0 =	sor.u32 s3, s0;
	s1 =	sshll.u32 s1, $0x11  }
0x33: {  	s0 =	sor.u32 s1, s0  }
0x34: {  	s0 =	sadd.s32 $0x8F2B, s0  }
0x35: {  	[sflag:s0] =	ssyncadd.remote.s32 $0x1  }
0x36: {  	_ =	sfence.sel $0xFFFF  }
0x37: {  	[dreg:$0x0] =	wrdreg $0xFFFFFFFF;
	(pc) =	sbr.abs _section_cstart, $3  }
0x38: {  	[dreg:$0x1] =	wrdreg $0xFFFFFFFF  }
0x39: {  	_ =	task.clear_ibuf [dreg:s7], $0x2FFFF;
	_ =	strace $0x9FFFFFFF  }
0x3a: {  	(tm) =	ssettm $0x7FFFFFFF  }
0x3b: {  	_ =	shalt  }
tec
execute0_lowered:
.L_overlay_start_1:
0x0: {  	(tag) =	ssettag $0x1  }
0x1: {  	s0 =	srdreg.scid  }
0x2: {  	s1 =	sshll.u32 s0, $0x4  }
0x3: {  	s0 =	stileid.u32;
	s1 =	sand.u32 $0x10, s1  }
0x4: {  	s1 =	sor.u32 s0, s1  }
0x5: {  	s6 =	rddreg [dreg:$0x0];
	s4 =	simm.s32 $0x1;
	s2 =	sshll.u32 s1, $0x7  }
0x6: {  	s7 =	simm.s32 $0x2;
	s12 =	simm.s32 $0x0;
	s1 =	ssub.s32 $0x4000, s2  }
0x7: {  	s8 =	simm.s32 $0x20000;
	s13 =	simm.s32 $0x0;
	s3 =	sand.u32 $0xF80, s1  }
0x8: {  	s9 =	simm.s32 $0x0;
	s5 =	sshrl.u32 s1, $0xC;
	p0 =	sne.s32 s3, $0x0  }
.Ltmp0:
0x9: {  	s1 =	rddreg [dreg:$0x2];
	s4 =	simm.s32 @!p0 $0x0;
	(pc) =	sbr.rel .LBB1_1-.Ltmp0, $4  }
0xa: {  	s11 =	simm.s32 $0x0;
	s3 =	rddreg [dreg:$0x1];
	s5 =	sadd.s32 s4, s5  }
0xb: {  	_ =	strace $0x8000004A;
	s4 =	simm.s32 $0x1;
	s5 =	smul.u32 $0x14, s5  }
0xc: {  	s6 =	sadd.s32 $0xA00, s6;
	s10 =	smov.u32 s2;
	[sflag:s4] =	ssyncpa.u1 $0x0  }
0xd: {  	p0 =	por $0x0, $0x0;
	[sflag:s7] =	ssyncpa.u1 $0x0;
	s7 =	sor.u32 $0x1, s5  }
.LBB1_4:
0xe: {  	s16 =	sshll.u32 s13, $0x3;
	s17 =	sand.u32 $0x78, s13  }
0xf: {  	s30 =	sand.u32 $0x1F800, s13;
	s12 =	sshll.u32 s12, $0x11;
	s16 =	sand.u32 $0x3C00, s16  }
0x10: {  	[tilespmem:s15+$0x810 ss:$0x81] =	vst.msk $0xffff, v2;
	s31 =	sand.u32 $0x7, s13;
	s16 =	sor.u32 s17, s16;
	s17 =	sadd.s32 s3, s30  }
0x11: {  	[tilespmem:s15+$0x1020 ss:$0x81] =	vst.msk $0xffff, v0;
	s13 =	sshll.u32 s31, $0x12;
	s12 =	sadd.s32 s12, s17;
	s16 =	sshrl.u32 s16, $0x3  }
0x12: {  	[tilespmem:s15+$0x0 ss:$0x81] =	vst.msk $0xffff, v1;
	s13 =	sor.u32 $0x400, s13;
	s12 =	sadd.s32 s16, s12  }
0x13: {  	[hbm4b:s12+s13] =	stream.strided.scatter [tilespmem:s14], [sflag:$0x2], $0x2000, s8, s13, $0x20;
	[tilespmem:$0x8080] =	vst v63  }
.LBB1_5:
0x14: {  	s14 =	sadd.s32 $0x1, s9  }
0x15: {  	s12 =	sadd.s32 $0x1000, s10;
	s16 =	smov.u32 s10;
	p2 =	sgt.s32 s14, $0x13  }
0x16: {  	s16 =	smov.u32 @p2 s12  }
0x17: {  	s14 =	simm.s32 @p2 $0x0;
	p2 =	sgt.s32 s16, $0x3FFF  }
0x18: {  	s16 =	smov.u32 @p2 s2;
	p2 =	sne.s32 s11, s7  }
.Ltmp1:
0x19: {  	p1 =	slt.u32 s11, $0x2;
	(pc) =	sbr.rel @!p2 .LBB1_6-.Ltmp1, $4  }
0x1a: {  	s15 =	simm.s32 @!p1 $0x2  }
0x1b: {  	s13 =	smov.u32 s10;
	p0 =	por !p0, !p0;
	_ =	swait.ge @!p1 [sflag:s15], $0x2000  }
0x1c: {  	s12 =	smov.u32 s9;
	[sflag:s15] =	ssyncset.done @!p1 $0x0;
	s9 =	smov.u32 s14  }
0x1d: {  	s11 =	sadd.s32 $0x1, s11;
	[sflag:s15] =	ssyncadd.s32 @!p1 $0xFFFFE000;
	s10 =	smov.u32 s16  }
.LBB1_1:
0x1e: {  	p1 =	sge.u32 s11, s5  }
0x1f: {  	s14 =	sand.u32 @!p1 $0x1FFFFFF, s9  }
0x20: {  	s15 =	smulhi.u32 @!p1 $0xAAAAAAB, s14;
	_ =	sdelay $0x1  }
0x21: {  	s15 =	smul.u32 @!p1 $0x18, s15  }
0x22: {  	s16 =	sxor.u32 @!p1 $0xFFFFFFFF, s11;
	s17 =	smul.u32 @!p1 $0x180, s10  }
0x23: {  	s31 =	sadd.s32 $0xFFFFFFFF, s11;
	s16 =	sshll.u32 @!p1 s16, $0xD;
	s14 =	ssub.s32 @!p1 s14, s15  }
0x24: {  	s15 =	sand.u32 @!p1 $0x2000, s16;
	s16 =	sadd.s32 @!p1 s6, s17;
	s14 =	sshll.u32 @!p1 s14, $0x4  }
0x25: {  	s17 =	simm.s32 @!p1 $0xC00;
	s14 =	sadd.s32 @!p1 s14, s16;
	s16 =	simm.s32 @!p1 $0x40  }
0x26: {  	[tilespmem:s15], [sflag:$0x1] =	stream.strided.gather @!p1 [hbm4b:s14+s16], $0x2000, s17, s16, $0x38;
	[tilespmem:$0x8080] =	vst v63  }
0x27: {  	p1 =	sge.u32 s31, s5  }
.Ltmp2:
0x28: {  	_ = 	snop;
	(pc) =	sbr.rel @p1 .LBB1_5-.Ltmp2, $1  }
0x29: {  	_ =	sdelay $0x3  }
0x2a: {  	s14 =	simm.s32 $0x1  }
0x2b: {  	_ =	swait.ge [sflag:s4], $0x2000;
	s14 =	simm.s32 @!p0 $0x0  }
0x2c: {  	[sflag:s4] =	ssyncset.done $0x0;
	s15 =	sshll.u32 s14, $0xD  }
0x2d: {  	[sflag:s4] =	ssyncadd.s32 $0xFFFFE000;
	s18 =	sor.u32 $0x20, s15  }
0x2e: {  	s14 =	smul.u32 $0x8100, s14;
	v3 =	vld [tilespmem:s18+$0x10]  }
0x2f: {  	s30 =	sand.u32 $0x1, s11;
	v2 =	vld [tilespmem:s18+$0xFFFFFFF0]  }
0x30: {  	s15 =	smul.u32 $0x8100, s30;
	s14 =	sshrl.u32 s14, $0x2;
	v0 =	vld [tilespmem:s18+$0x0]  }
0x31: {  	v1 =	vld [tilespmem:s18+$0xFFFFFFE0];
	s16 =	sor.u32 $0x4000, s14  }
0x32: {  	s31 =	sshrl.u32 s15, $0x2;
	s15 =	sadd.s32 $0x0, s16  }
0x33: {  	s17 =	simm.s32 $0x4;
	s18 =	sadd.s32 $0x40, s18;
	s14 =	sor.u32 $0x4000, s31;
	[tilespmem:s15+$0x1830 ss:$0x81] =	vst.msk $0xffff, v3  }
.LBB1_3:
0x34: {  	v3 =	vld [tilespmem:s18+$0x10];
	p1 =	sne.s32 s17, $0x1FC;
	[tilespmem:s15+$0x810 ss:$0x81] =	vst.msk $0xffff, v2;
	s19 =	smov.u32 s17;
	s17 =	sadd.s32 $0x4, s17  }
.Ltmp3:
0x35: {  	v2 =	vld [tilespmem:s18+$0xFFFFFFF0];
	[tilespmem:s15+$0x1020 ss:$0x81] =	vst.msk $0xffff, v0;
	(pc) =	sbr.rel @p1 .LBB1_3-.Ltmp3, $4  }
0x36: {  	v0 =	vld [tilespmem:s18+$0x0];
	[tilespmem:s15+$0x0 ss:$0x81] =	vst.msk $0xffff, v1  }
0x37: {  	s15 =	sshra.s32 s19, $0x2;
	v1 =	vld [tilespmem:s18+$0xFFFFFFE0]  }
0x38: {  	s15 =	sadd.s32 s15, s16  }
0x39: {  	s18 =	sadd.s32 $0x40, s18;
	[tilespmem:s15+$0x1830 ss:$0x81] =	vst.msk $0xffff, v3  }
.Ltmp4:
0x3a: {  	_ = 	snop;
	(pc) =	sbr.rel .LBB1_4-.Ltmp4, $1  }
0x3b: {  	_ =	sdelay $0x3  }
.LBB1_6:
0x3c: {  	_ =	sfence.sel $0x180000  }
0x3d: {  	s2 =	simm.s32 $0x1;
	[bflag:$0x0] =	sbarrier.arrive $0xFFFF  }
0x3e: {  	s31 =	simm.s32 $0x2;
	[sflag:s2] =	ssyncpa.u1 $0x1  }
0x3f: {  	[sflag:s31] =	ssyncpa.u1 $0x1  }
0x40: {  	p0 =	sne.s32 s0, $0x0;
	_ =	strace $0x9000004A  }
0x41: {  	s0 =	sadd.s32 @!p0 $0x100000, s1;
	[bflag:$0x2] =	sbarrier.arrive $0xFFFF  }
0x42: {  	[sflag:s0] =	ssyncadd.tile.s32 @!p0 $0x1;
	_ =	shalt  }
.Lfunc_end1:
_tile_overlayer_lowered:
.L_overlay_start_2:
0x43: {  	(tag) =	ssettag $0x2  }
0x44: {  	s0 =	rddreg [dreg:$0x0];
	s2 =	stileid.u32  }
0x45: {  	s1 =	rddreg [dreg:$0x1];
	p0 =	sne.s32 s2, $0x0  }
0x46: {  	s3 =	rddreg [dreg:$0x2];
	[bflag:$0x3] =	sbarrier.arrive $0xFFFF;
	s2 =	simm.s32 @!p0 $0x1C01  }
0x47: {  	[timem:s3], [sflag:s2] =	dma.local @!p0 [hbm:s0], s1  }
0x48: {  	s0 =	simm.s32 @!p0 $0x1  }
0x49: {  	_ =	swait.ge @!p0 [sflag:s0], s1  }
0x4a: {  	s1 =	ssub.s32 @!p0 $0x0, s1;
	[sflag:s0] =	ssyncset.done @!p0 $0x0  }
0x4b: {  	[sflag:s0] =	ssyncadd.s32 @!p0 s1  }
0x4c: {  	[bflag:$0x3] =	sbarrier.arrive $0xFFFF  }
0x4d: {  	_ =	shalt  }

</sc_bundles>
